<compile_context>
chip_gen: v7x
topology: tpu7x:2x2x1
jax: 0.10.2.dev20260603
libtpu: 0.0.44.dev20260713+nightly
codegen_flags: <defaults>
</compile_context>

<pallas_src>
import functools

import jax
import jax.numpy as jnp
from jax import lax
from jax.experimental import pallas as pl
from jax.experimental.pallas import tpu as pltpu
from jax.experimental.pallas import tpu_sc as plsc

N = 10000
D = 128
E = 320000
NC = 2
NS = 16
NW = NC * NS
EPW = E // NW
C = 80
CH = EPW // C
NB = 4
NP = 10240
RPS = NP // NS

_MESH = plsc.VectorSubcoreMesh(core_axis_name="c", subcore_axis_name="s")


@functools.partial(
    pl.kernel,
    out_type=jax.ShapeDtypeStruct((NC, NP), jnp.float32),
    mesh=_MESH,
    scratch_types=[
        pltpu.VMEM((CH, C), jnp.int32),
        pltpu.VMEM((C,), jnp.float32),
        pltpu.VMEM((RPS,), jnp.float32),
        pltpu.VMEM_SHARED((NP,), jnp.float32),
    ],
)
def _deg_sc(dst_hbm, out_hbm, dst_v, ones_v, z_v, acc_sh):
    cid = lax.axis_index("c")
    sid = lax.axis_index("s")
    wid = sid * NC + cid
    one16 = jnp.ones((16,), jnp.float32)
    zero16 = jnp.zeros((16,), jnp.float32)
    for k in range(C // 16):
        ones_v[pl.ds(k * 16, 16)] = one16

    def _zb(i, carry):
        z_v[pl.ds(i * 16, 16)] = zero16
        return carry

    lax.fori_loop(0, RPS // 16, _zb, 0)
    pltpu.sync_copy(z_v, acc_sh.at[pl.ds(sid * RPS, RPS)])
    pltpu.sync_copy(dst_hbm.at[wid], dst_v)
    plsc.subcore_barrier()

    def _body(j, carry):
        pltpu.sync_copy(ones_v, acc_sh.at[dst_v.at[j]], add=True)
        return carry

    lax.fori_loop(0, CH, _body, 0)
    plsc.subcore_barrier()
    pltpu.sync_copy(acc_sh.at[pl.ds(sid * RPS, RPS)],
                    out_hbm.at[cid, pl.ds(sid * RPS, RPS)])


@functools.partial(
    pl.kernel,
    out_type=jax.ShapeDtypeStruct((NC, NP, D), jnp.float32),
    mesh=_MESH,
    scratch_types=[
        pltpu.VMEM((NB, C), jnp.int32),
        pltpu.VMEM((NB, C), jnp.int32),
        pltpu.VMEM((NB, C, D), jnp.float32),
        pltpu.VMEM_SHARED((NP, D), jnp.float32),
        [pltpu.SemaphoreType.DMA] * NB,
        [pltpu.SemaphoreType.DMA] * NB,
        [pltpu.SemaphoreType.DMA] * NB,
        [pltpu.SemaphoreType.DMA] * NB,
    ],
)
def _scat_sc(g_hbm, src_hbm, dst_hbm, out_hbm, sidx, didx, rows,
             acc_sh, gsem, ssem, csem, dsem):
    cid = lax.axis_index("c")
    sid = lax.axis_index("s")
    wid = sid * NC + cid
    zero16 = jnp.zeros((16,), jnp.float32)

    def _zrow(i, carry):
        for k in range(D // 16):
            rows[0, i, pl.ds(k * 16, 16)] = zero16
        return carry

    lax.fori_loop(0, C, _zrow, 0)
    for t in range(RPS // C):
        pltpu.sync_copy(rows.at[0], acc_sh.at[pl.ds(sid * RPS + t * C, C)])
    plsc.subcore_barrier()

    def _cissue(j, b):
        pltpu.async_copy(src_hbm.at[wid, j], sidx.at[b], csem[b])

    def _cwait(b):
        pltpu.make_async_copy(src_hbm.at[0, 0], sidx.at[b], csem[b]).wait()

    def _gissue(b):
        pltpu.async_copy(g_hbm.at[sidx.at[b]], rows.at[b], gsem[b])

    def _gwait(b):
        pltpu.make_async_copy(g_hbm.at[sidx.at[b]], rows.at[b],
                              gsem[b]).wait()

    def _dissue(j, b):
        pltpu.async_copy(dst_hbm.at[wid, j], didx.at[b], dsem[b])

    def _dwait(b):
        pltpu.make_async_copy(dst_hbm.at[0, 0], didx.at[b], dsem[b]).wait()

    def _sissue(b):
        pltpu.async_copy(rows.at[b], acc_sh.at[didx.at[b]], ssem[b],
                         add=True)

    def _swait(b):
        pltpu.make_async_copy(rows.at[b], acc_sh.at[didx.at[b]],
                              ssem[b]).wait()

    for b in range(NB):
        _dissue(b, b)
        _cissue(b, b)
    for b in range(NB):
        _cwait(b)
        _gissue(b)

    def _body(t, carry):
        j = NB * t
        for b in range(NB):
            _gwait(b)
            _dwait(b)
            _sissue(b)
        for b in range(NB):
            jn = lax.rem(j + b + NB, CH)
            _swait(b)
            _dissue(jn, b)
            _cissue(jn, b)
        for b in range(NB):
            _cwait(b)
            _gissue(b)
        return carry

    lax.fori_loop(0, CH // NB, _body, 0)
    for b in range(CH % NB):
        _gwait(b)
        _dwait(b)
        _sissue(b)
    for b in range(CH % NB):
        _swait(b)
    for b in range(CH % NB, NB):
        _gwait(b)
        _dwait(b)
    plsc.subcore_barrier()
    pltpu.sync_copy(acc_sh.at[pl.ds(sid * RPS, RPS)],
                    out_hbm.at[cid, pl.ds(sid * RPS, RPS)])


R = 2000
GRID = N // R


def _dis_from(degT_ref):
    d = degT_ref[:, 0:1] + degT_ref[:, 1:2] + 1.0
    return lax.rsqrt(d)


def _lin_in_body(x_ref, degT_ref, w_ref, g_ref):
    dis = _dis_from(degT_ref)
    h = jnp.dot(x_ref[...], w_ref[...], preferred_element_type=jnp.float32)
    g_ref[...] = dis * h


_lin_in = pl.pallas_call(
    _lin_in_body,
    grid=(GRID,),
    in_specs=[
        pl.BlockSpec((R, D), lambda i: (i, 0)),
        pl.BlockSpec((R, 2), lambda i: (i, 0)),
        pl.BlockSpec((D, D), lambda i: (0, 0)),
    ],
    out_specs=pl.BlockSpec((R, D), lambda i: (i, 0)),
    out_shape=jax.ShapeDtypeStruct((N, D), jnp.float32),
)


def _mid_body(acc_ref, g1_ref, degT_ref, b1_ref, w_ref, g2_ref):
    dis = _dis_from(degT_ref)
    agg = acc_ref[0] + acc_ref[1] + g1_ref[...]
    h1 = jnp.maximum(dis * agg + b1_ref[...], 0.0)
    h2 = jnp.dot(h1, w_ref[...], preferred_element_type=jnp.float32)
    g2_ref[...] = dis * h2


_mid = pl.pallas_call(
    _mid_body,
    grid=(GRID,),
    in_specs=[
        pl.BlockSpec((NC, R, D), lambda i: (0, i, 0)),
        pl.BlockSpec((R, D), lambda i: (i, 0)),
        pl.BlockSpec((R, 2), lambda i: (i, 0)),
        pl.BlockSpec((1, D), lambda i: (0, 0)),
        pl.BlockSpec((D, D), lambda i: (0, 0)),
    ],
    out_specs=pl.BlockSpec((R, D), lambda i: (i, 0)),
    out_shape=jax.ShapeDtypeStruct((N, D), jnp.float32),
)


def _fin_body(acc_ref, g2_ref, degT_ref, b2_ref, out_ref):
    dis = _dis_from(degT_ref)
    agg = acc_ref[0] + acc_ref[1] + g2_ref[...]
    out_ref[...] = dis * agg + b2_ref[...]


_fin = pl.pallas_call(
    _fin_body,
    grid=(GRID,),
    in_specs=[
        pl.BlockSpec((NC, R, D), lambda i: (0, i, 0)),
        pl.BlockSpec((R, D), lambda i: (i, 0)),
        pl.BlockSpec((R, 2), lambda i: (i, 0)),
        pl.BlockSpec((1, D), lambda i: (0, 0)),
    ],
    out_specs=pl.BlockSpec((R, D), lambda i: (i, 0)),
    out_shape=jax.ShapeDtypeStruct((N, D), jnp.float32),
)


def kernel(x, edge_index, W1, b1, W2, b2):
    src3 = edge_index[0].reshape(NW, CH, C)
    dst3 = edge_index[1].reshape(NW, CH, C)
    degp = _deg_sc(dst3)
    degT = degp.T
    g1 = _lin_in(x, degT, W1)
    acc1 = _scat_sc(g1, src3, dst3)
    g2 = _mid(acc1, g1, degT, b1.reshape(1, D), W2)
    acc2 = _scat_sc(g2, src3, dst3)
    out = _fin(acc2, g2, degT, b2.reshape(1, D))
    return out

# --- scband reference (transcript-rebuilt; emitter-appended) ---
"""Pipeline reference for scband-gcn-29351806501501 (READ-ONLY COPY).

The authoritative reference and input builder live on the scoring server;
editing this copy changes nothing except your own understanding.
"""

import jax, jax.numpy as jnp
import numpy as np

N = 10000
E = 320000
D_IN = 128
D_HID = 128
D_OUT = 128


def setup_inputs(seed: int = 0) -> dict:
    key = jax.random.key(seed)
    k1, k2, k3, k4 = jax.random.split(key, 4)
    x = jax.random.normal(k1, (N, D_IN), dtype=jnp.float32)
    edge_index = jax.random.randint(k2, (2, E), 0, N, dtype=jnp.int32)
    W1 = jax.random.normal(k3, (D_IN, D_HID), dtype=jnp.float32) * 0.05
    b1 = jnp.zeros((D_HID,), dtype=jnp.float32)
    W2 = jax.random.normal(k4, (D_HID, D_OUT), dtype=jnp.float32) * 0.05
    b2 = jnp.zeros((D_OUT,), dtype=jnp.float32)
    return {"x": x, "edge_index": edge_index, "W1": W1, "b1": b1, "W2": W2, "b2": b2}


def gcn_conv(x, edge_index, W, b):
    # linear transform first (PyG GCNConv order)
    h = x @ W
    n = x.shape[0]
    src = edge_index[0]
    dst = edge_index[1]
    # add self loops
    loop = jnp.arange(n, dtype=src.dtype)
    src = jnp.concatenate([src, loop])
    dst = jnp.concatenate([dst, loop])
    ew = jnp.ones(src.shape[0], dtype=h.dtype)
    # symmetric gcn_norm: deg computed over dst (col)
    deg = jax.ops.segment_sum(ew, dst, num_segments=n)
    deg_inv_sqrt = jnp.where(deg > 0, jax.lax.rsqrt(jnp.maximum(deg, 1e-12)), 0.0)
    norm = deg_inv_sqrt[src] * ew * deg_inv_sqrt[dst]
    # gather messages from src, scale, scatter-add into dst
    msg = h[src] * norm[:, None]
    out = jax.ops.segment_sum(msg, dst, num_segments=n)
    return out + b


def reference(x, edge_index, W1, b1, W2, b2):
    # layer 1
    h = gcn_conv(x, edge_index, W1, b1)
    # inner activation (F.relu); dropout is identity in eval mode
    h = jax.nn.relu(h)
    # layer 2 (last layer: no act/norm/dropout)
    out = gcn_conv(h, edge_index, W2, b2)
    return out

if __name__ == "__main__":
    import jax
    _d = setup_inputs()
    print(jax.jit(kernel)(*tuple(_d.values())))

</pallas_src>

<mosaic_0001>
#map = affine_map<(d0, d1) -> (0, 0, 0)>
#map1 = affine_map<(d0, d1) -> (0, 0)>
module attributes {stable_mosaic.version = 14 : i64} {
  func.func @_deg_sc(%arg0: i32, %arg1: i32, %arg2: memref<32x125x80xi32, #tpu.memory_space<hbm>>, %arg3: memref<2x10240xf32, #tpu.memory_space<hbm>>, %arg4: memref<125x80xi32, #tpu.memory_space<vmem>>, %arg5: memref<80xf32, #tpu.memory_space<vmem>>, %arg6: memref<640xf32, #tpu.memory_space<vmem>>, %arg7: memref<10240xf32, #tpu.memory_space<vmem_shared>>) attributes {dimension_semantics = [#tpu.dimension_semantics<core_parallel>, #tpu.dimension_semantics<subcore_parallel>], iteration_bounds = array<i64: 2, 16>, scalar_prefetch = 0 : i64, scratch_operands = 4 : i64, tpu.core_type = #tpu.core_type<sc_vector_subcore>, window_params = [{transform_indices = #map}, {transform_indices = #map1}]} {
    %mul3A = arith.constant 2 : i32
    %mul3A_0 = arith.muli %arg1, %mul3A : i32
    %add3A = arith.addi %mul3A_0, %arg0 : i32
    %broadcast_in_dim3A = arith.constant 1.000000e+00 : f32
    %broadcast_in_dim3A_1 = vector.broadcast %broadcast_in_dim3A : f32 to vector<16xf32>
    %broadcast_in_dim3A_2 = arith.constant 0.000000e+00 : f32
    %broadcast_in_dim3A_3 = vector.broadcast %broadcast_in_dim3A_2 : f32 to vector<16xf32>
    %swap3A = arith.constant 0 : index
    %swap3A_4 = tpu.vector_load %arg5[%swap3A] {strides = array<i32>} : memref<80xf32, #tpu.memory_space<vmem>>, vector<16xf32>,
    %swap3A_5 = vector.shape_cast %swap3A_4 : vector<16xf32> to vector<16xf32>
    %swap3A_6 = vector.shape_cast %broadcast_in_dim3A_1 : vector<16xf32> to vector<16xf32>
    tpu.vector_store %arg5[%swap3A], %swap3A_6 {strides = array<i32>} : memref<80xf32, #tpu.memory_space<vmem>>, vector<16xf32>,
    %swap3A_7 = arith.constant 16 : index
    %swap3A_8 = tpu.vector_load %arg5[%swap3A_7] {strides = array<i32>} : memref<80xf32, #tpu.memory_space<vmem>>, vector<16xf32>,
    %swap3A_9 = vector.shape_cast %swap3A_8 : vector<16xf32> to vector<16xf32>
    %swap3A_10 = vector.shape_cast %broadcast_in_dim3A_1 : vector<16xf32> to vector<16xf32>
    tpu.vector_store %arg5[%swap3A_7], %swap3A_10 {strides = array<i32>} : memref<80xf32, #tpu.memory_space<vmem>>, vector<16xf32>,
    %swap3A_11 = arith.constant 32 : index
    %swap3A_12 = tpu.vector_load %arg5[%swap3A_11] {strides = array<i32>} : memref<80xf32, #tpu.memory_space<vmem>>, vector<16xf32>,
    %swap3A_13 = vector.shape_cast %swap3A_12 : vector<16xf32> to vector<16xf32>
    %swap3A_14 = vector.shape_cast %broadcast_in_dim3A_1 : vector<16xf32> to vector<16xf32>
    tpu.vector_store %arg5[%swap3A_11], %swap3A_14 {strides = array<i32>} : memref<80xf32, #tpu.memory_space<vmem>>, vector<16xf32>,
    %swap3A_15 = arith.constant 48 : index
    %swap3A_16 = tpu.vector_load %arg5[%swap3A_15] {strides = array<i32>} : memref<80xf32, #tpu.memory_space<vmem>>, vector<16xf32>,
    %swap3A_17 = vector.shape_cast %swap3A_16 : vector<16xf32> to vector<16xf32>
    %swap3A_18 = vector.shape_cast %broadcast_in_dim3A_1 : vector<16xf32> to vector<16xf32>
    tpu.vector_store %arg5[%swap3A_15], %swap3A_18 {strides = array<i32>} : memref<80xf32, #tpu.memory_space<vmem>>, vector<16xf32>,
    %swap3A_19 = arith.constant 64 : index
    %swap3A_20 = tpu.vector_load %arg5[%swap3A_19] {strides = array<i32>} : memref<80xf32, #tpu.memory_space<vmem>>, vector<16xf32>,
    %swap3A_21 = vector.shape_cast %swap3A_20 : vector<16xf32> to vector<16xf32>
    %swap3A_22 = vector.shape_cast %broadcast_in_dim3A_1 : vector<16xf32> to vector<16xf32>
    tpu.vector_store %arg5[%swap3A_19], %swap3A_22 {strides = array<i32>} : memref<80xf32, #tpu.memory_space<vmem>>, vector<16xf32>,
    %scan3A = arith.constant 0 : i32
    %scan3A_23 = arith.constant 0 : i32
    %scan3A_24 = arith.constant 40 : i32
    %scan3A_25 = arith.addi %scan3A_23, %scan3A_24 : i32
    %scan3A_26 = arith.constant 1 : i32
    scf.for %scan3A_41 = %scan3A_23 to %scan3A_25 step %scan3A_26  : i32 {
      %mul3A_42 = arith.constant 16 : i32
      %mul3A_43 = arith.muli %scan3A_41, %mul3A_42 : i32
      %swap3A_44 = arith.index_cast %mul3A_43 : i32 to index
      %swap3A_45 = tpu.vector_load %arg6[%swap3A_44] {strides = array<i32>} : memref<640xf32, #tpu.memory_space<vmem>>, vector<16xf32>,
      %swap3A_46 = vector.shape_cast %swap3A_45 : vector<16xf32> to vector<16xf32>
      %swap3A_47 = vector.shape_cast %broadcast_in_dim3A_3 : vector<16xf32> to vector<16xf32>
      tpu.vector_store %arg6[%swap3A_44], %swap3A_47 {strides = array<i32>} : memref<640xf32, #tpu.memory_space<vmem>>, vector<16xf32>,
    }
    %scan3A_27 = arith.constant 40 : i32
    %mul3A_28 = arith.constant 640 : i32
    %mul3A_29 = arith.muli %arg1, %mul3A_28 : i32
    "tpu.region"() ({
      %run_scoped3A = tpu.sem_alloc : memref<!tpu.dma_semaphore, #tpu.memory_space<semaphore_mem>>
      %dma_start3A = tpu.memref_slice %arg7[%mul3A_29] : memref<10240xf32, #tpu.memory_space<vmem_shared>> -> memref<640xf32, #tpu.memory_space<vmem_shared>>
      %dma_start3A_41 = tpu.memref_slice %arg7[%mul3A_29] : memref<10240xf32, #tpu.memory_space<vmem_shared>> -> memref<640xf32, #tpu.memory_space<vmem_shared>>
      tpu.enqueue_dma source(%arg6 : memref<640xf32, #tpu.memory_space<vmem>>) target(%dma_start3A_41 : memref<640xf32, #tpu.memory_space<vmem_shared>>) target_semaphore(%run_scoped3A : memref<!tpu.dma_semaphore, #tpu.memory_space<semaphore_mem>>)
      %dma_wait3A = tpu.memref_slice %arg7[%mul3A_29] : memref<10240xf32, #tpu.memory_space<vmem_shared>> -> memref<640xf32, #tpu.memory_space<vmem_shared>>
      %dma_wait3A_42 = tpu.memref_slice %arg7[%mul3A_29] : memref<10240xf32, #tpu.memory_space<vmem_shared>> -> memref<640xf32, #tpu.memory_space<vmem_shared>>
      tpu.wait_dma2 semaphore(%run_scoped3A : memref<!tpu.dma_semaphore, #tpu.memory_space<semaphore_mem>>) src(%arg6 : memref<640xf32, #tpu.memory_space<vmem>>) dst(%dma_wait3A_42 : memref<640xf32, #tpu.memory_space<vmem_shared>>)
      tpu.yield
    }) : () -> ()
    "tpu.region"() ({
      %run_scoped3A = tpu.sem_alloc : memref<!tpu.dma_semaphore, #tpu.memory_space<semaphore_mem>>
      %dma_start3A = arith.constant 0 : i32
      %dma_start3A_41 = arith.constant 0 : i32
      %dma_start3A_42 = tpu.memref_slice %arg2[%add3A, %dma_start3A, %dma_start3A_41] : memref<32x125x80xi32, #tpu.memory_space<hbm>> -> memref<1x125x80xi32, #tpu.memory_space<hbm>>
      %dma_start3A_43 = tpu.memref_squeeze %dma_start3A_42 : memref<1x125x80xi32, #tpu.memory_space<hbm>> -> memref<125x80xi32, #tpu.memory_space<hbm>>
      %dma_start3A_44 = arith.constant 0 : i32
      %dma_start3A_45 = arith.constant 0 : i32
      %dma_start3A_46 = tpu.memref_slice %arg2[%add3A, %dma_start3A_44, %dma_start3A_45] : memref<32x125x80xi32, #tpu.memory_space<hbm>> -> memref<1x125x80xi32, #tpu.memory_space<hbm>>
      %dma_start3A_47 = tpu.memref_squeeze %dma_start3A_46 : memref<1x125x80xi32, #tpu.memory_space<hbm>> -> memref<125x80xi32, #tpu.memory_space<hbm>>
      tpu.enqueue_dma source(%dma_start3A_47 : memref<125x80xi32, #tpu.memory_space<hbm>>) target(%arg4 : memref<125x80xi32, #tpu.memory_space<vmem>>) target_semaphore(%run_scoped3A : memref<!tpu.dma_semaphore, #tpu.memory_space<semaphore_mem>>)
      %dma_wait3A = arith.constant 0 : i32
      %dma_wait3A_48 = arith.constant 0 : i32
      %dma_wait3A_49 = tpu.memref_slice %arg2[%add3A, %dma_wait3A, %dma_wait3A_48] : memref<32x125x80xi32, #tpu.memory_space<hbm>> -> memref<1x125x80xi32, #tpu.memory_space<hbm>>
      %dma_wait3A_50 = tpu.memref_squeeze %dma_wait3A_49 : memref<1x125x80xi32, #tpu.memory_space<hbm>> -> memref<125x80xi32, #tpu.memory_space<hbm>>
      %dma_wait3A_51 = arith.constant 0 : i32
      %dma_wait3A_52 = arith.constant 0 : i32
      %dma_wait3A_53 = tpu.memref_slice %arg2[%add3A, %dma_wait3A_51, %dma_wait3A_52] : memref<32x125x80xi32, #tpu.memory_space<hbm>> -> memref<1x125x80xi32, #tpu.memory_space<hbm>>
      %dma_wait3A_54 = tpu.memref_squeeze %dma_wait3A_53 : memref<1x125x80xi32, #tpu.memory_space<hbm>> -> memref<125x80xi32, #tpu.memory_space<hbm>>
      tpu.wait_dma2 semaphore(%run_scoped3A : memref<!tpu.dma_semaphore, #tpu.memory_space<semaphore_mem>>) src(%dma_wait3A_54 : memref<125x80xi32, #tpu.memory_space<hbm>>) dst(%arg4 : memref<125x80xi32, #tpu.memory_space<vmem>>)
      tpu.yield
    }) : () -> ()
    %barrier3A = arith.constant 0 : index
    tpu.barrier barrier_id(%barrier3A)
    %scan3A_30 = arith.constant 0 : i32
    %scan3A_31 = arith.constant 0 : i32
    %scan3A_32 = arith.constant 125 : i32
    %scan3A_33 = arith.addi %scan3A_31, %scan3A_32 : i32
    %scan3A_34 = arith.constant 1 : i32
    scf.for %scan3A_41 = %scan3A_31 to %scan3A_33 step %scan3A_34  : i32 {
      "tpu.region"() ({
        %run_scoped3A = tpu.sem_alloc : memref<!tpu.dma_semaphore, #tpu.memory_space<semaphore_mem>>
        %dma_start3A = arith.constant 0 : i32
        %dma_start3A_42 = tpu.memref_slice %arg4[%scan3A_41, %dma_start3A] : memref<125x80xi32, #tpu.memory_space<vmem>> -> memref<1x80xi32, #tpu.memory_space<vmem>>
        %dma_start3A_43 = tpu.memref_squeeze %dma_start3A_42 : memref<1x80xi32, #tpu.memory_space<vmem>> -> memref<80xi32, #tpu.memory_space<vmem>>
        %dma_start3A_44 = arith.constant 0 : i32
        %dma_start3A_45 = tpu.memref_slice %arg7[%dma_start3A_44] : memref<10240xf32, #tpu.memory_space<vmem_shared>> -> memref<10240xf32, #tpu.memory_space<vmem_shared>>
        tpu.enqueue_indirect_dma source(%arg5 : memref<80xf32, #tpu.memory_space<vmem>>) target(%dma_start3A_45 : memref<10240xf32, #tpu.memory_space<vmem_shared>>) offsets(%dma_start3A_43 : memref<80xi32, #tpu.memory_space<vmem>>) semaphore(%run_scoped3A : memref<!tpu.dma_semaphore, #tpu.memory_space<semaphore_mem>>) {add = true}
        %dma_wait3A = arith.constant 0 : i32
        %dma_wait3A_46 = tpu.memref_slice %arg4[%scan3A_41, %dma_wait3A] : memref<125x80xi32, #tpu.memory_space<vmem>> -> memref<1x80xi32, #tpu.memory_space<vmem>>
        %dma_wait3A_47 = tpu.memref_squeeze %dma_wait3A_46 : memref<1x80xi32, #tpu.memory_space<vmem>> -> memref<80xi32, #tpu.memory_space<vmem>>
        %dma_wait3A_48 = arith.constant 0 : i32
        %dma_wait3A_49 = tpu.memref_slice %arg7[%dma_wait3A_48] : memref<10240xf32, #tpu.memory_space<vmem_shared>> -> memref<10240xf32, #tpu.memory_space<vmem_shared>>
        tpu.wait_indirect_dma semaphore(%run_scoped3A : memref<!tpu.dma_semaphore, #tpu.memory_space<semaphore_mem>>) src(%arg5 : memref<80xf32, #tpu.memory_space<vmem>>) dst(%dma_wait3A_49 : memref<10240xf32, #tpu.memory_space<vmem_shared>>)
        tpu.yield
      }) : () -> ()
    }
    %scan3A_35 = arith.constant 125 : i32
    %barrier3A_36 = arith.constant 0 : index
    tpu.barrier barrier_id(%barrier3A_36)
    %mul3A_37 = arith.constant 640 : i32
    %mul3A_38 = arith.muli %arg1, %mul3A_37 : i32
    %mul3A_39 = arith.constant 640 : i32
    %mul3A_40 = arith.muli %arg1, %mul3A_39 : i32
    "tpu.region"() ({
      %run_scoped3A = tpu.sem_alloc : memref<!tpu.dma_semaphore, #tpu.memory_space<semaphore_mem>>
      %dma_start3A = tpu.memref_slice %arg3[%arg0, %mul3A_40] : memref<2x10240xf32, #tpu.memory_space<hbm>> -> memref<1x640xf32, #tpu.memory_space<hbm>>
      %dma_start3A_41 = tpu.memref_squeeze %dma_start3A : memref<1x640xf32, #tpu.memory_space<hbm>> -> memref<640xf32, #tpu.memory_space<hbm>>
      %dma_start3A_42 = tpu.memref_slice %arg7[%mul3A_38] : memref<10240xf32, #tpu.memory_space<vmem_shared>> -> memref<640xf32, #tpu.memory_space<vmem_shared>>
      tpu.enqueue_dma source(%dma_start3A_42 : memref<640xf32, #tpu.memory_space<vmem_shared>>) target(%dma_start3A_41 : memref<640xf32, #tpu.memory_space<hbm>>) target_semaphore(%run_scoped3A : memref<!tpu.dma_semaphore, #tpu.memory_space<semaphore_mem>>)
      %dma_wait3A = tpu.memref_slice %arg3[%arg0, %mul3A_40] : memref<2x10240xf32, #tpu.memory_space<hbm>> -> memref<1x640xf32, #tpu.memory_space<hbm>>
      %dma_wait3A_43 = tpu.memref_squeeze %dma_wait3A : memref<1x640xf32, #tpu.memory_space<hbm>> -> memref<640xf32, #tpu.memory_space<hbm>>
      %dma_wait3A_44 = tpu.memref_slice %arg7[%mul3A_38] : memref<10240xf32, #tpu.memory_space<vmem_shared>> -> memref<640xf32, #tpu.memory_space<vmem_shared>>
      tpu.wait_dma2 semaphore(%run_scoped3A : memref<!tpu.dma_semaphore, #tpu.memory_space<semaphore_mem>>) src(%dma_wait3A_44 : memref<640xf32, #tpu.memory_space<vmem_shared>>) dst(%dma_wait3A_43 : memref<640xf32, #tpu.memory_space<hbm>>)
      tpu.yield
    }) : () -> ()
    return
  }
}

#map = affine_map<(d0, d1) -> (0, 0)>
#map1 = affine_map<(d0, d1) -> (0, 0, 0)>
module attributes {stable_mosaic.version = 14 : i64} {
  func.func @_scat_sc(%arg0: i32, %arg1: i32, %arg2: memref<10000x128xf32, #tpu.memory_space<hbm>>, %arg3: memref<32x125x80xi32, #tpu.memory_space<hbm>>, %arg4: memref<32x125x80xi32, #tpu.memory_space<hbm>>, %arg5: memref<2x10240x128xf32, #tpu.memory_space<hbm>>, %arg6: memref<4x80xi32, #tpu.memory_space<vmem>>, %arg7: memref<4x80xi32, #tpu.memory_space<vmem>>, %arg8: memref<4x80x128xf32, #tpu.memory_space<vmem>>, %arg9: memref<10240x128xf32, #tpu.memory_space<vmem_shared>>, %arg10: memref<!tpu.dma_semaphore, #tpu.memory_space<semaphore_mem>>, %arg11: memref<!tpu.dma_semaphore, #tpu.memory_space<semaphore_mem>>, %arg12: memref<!tpu.dma_semaphore, #tpu.memory_space<semaphore_mem>>, %arg13: memref<!tpu.dma_semaphore, #tpu.memory_space<semaphore_mem>>, %arg14: memref<!tpu.dma_semaphore, #tpu.memory_space<semaphore_mem>>, %arg15: memref<!tpu.dma_semaphore, #tpu.memory_space<semaphore_mem>>, %arg16: memref<!tpu.dma_semaphore, #tpu.memory_space<semaphore_mem>>, %arg17: memref<!tpu.dma_semaphore, #tpu.memory_space<semaphore_mem>>, %arg18: memref<!tpu.dma_semaphore, #tpu.memory_space<semaphore_mem>>, %arg19: memref<!tpu.dma_semaphore, #tpu.memory_space<semaphore_mem>>, %arg20: memref<!tpu.dma_semaphore, #tpu.memory_space<semaphore_mem>>, %arg21: memref<!tpu.dma_semaphore, #tpu.memory_space<semaphore_mem>>, %arg22: memref<!tpu.dma_semaphore, #tpu.memory_space<semaphore_mem>>, %arg23: memref<!tpu.dma_semaphore, #tpu.memory_space<semaphore_mem>>, %arg24: memref<!tpu.dma_semaphore, #tpu.memory_space<semaphore_mem>>, %arg25: memref<!tpu.dma_semaphore, #tpu.memory_space<semaphore_mem>>) attributes {dimension_semantics = [#tpu.dimension_semantics<core_parallel>, #tpu.dimension_semantics<subcore_parallel>], iteration_bounds = array<i64: 2, 16>, scalar_prefetch = 0 : i64, scratch_operands = 20 : i64, tpu.core_type = #tpu.core_type<sc_vector_subcore>, window_params = [{transform_indices = #map}, {transform_indices = #map1}, {transform_indices = #map1}, {transform_indices = #map1}]} {
    %mul3A = arith.constant 2 : i32
    %mul3A_0 = arith.muli %arg1, %mul3A : i32
    %add3A = arith.addi %mul3A_0, %arg0 : i32
    %broadcast_in_dim3A = arith.constant 0.000000e+00 : f32
    %broadcast_in_dim3A_1 = vector.broadcast %broadcast_in_dim3A : f32 to vector<16xf32>
    %scan3A = arith.constant 0 : i32
    %scan3A_2 = arith.constant 0 : i32
    %scan3A_3 = arith.constant 80 : i32
    %scan3A_4 = arith.addi %scan3A_2, %scan3A_3 : i32
    %scan3A_5 = arith.constant 1 : i32
    scf.for %scan3A_407 = %scan3A_2 to %scan3A_4 step %scan3A_5  : i32 {
      %swap3A = arith.constant 0 : i32
      %swap3A_408 = arith.index_cast %swap3A : i32 to index
      %swap3A_409 = arith.index_cast %scan3A_407 : i32 to index
      %swap3A_410 = arith.constant 0 : index
      %swap3A_411 = tpu.vector_load %arg8[%swap3A_408, %swap3A_409, %swap3A_410] {strides = array<i32>} : memref<4x80x128xf32, #tpu.memory_space<vmem>>, vector<1x1x16xf32>,
      %swap3A_412 = vector.shape_cast %swap3A_411 : vector<1x1x16xf32> to vector<16xf32>
      %swap3A_413 = vector.shape_cast %broadcast_in_dim3A_1 : vector<16xf32> to vector<1x1x16xf32>
      tpu.vector_store %arg8[%swap3A_408, %swap3A_409, %swap3A_410], %swap3A_413 {strides = array<i32>} : memref<4x80x128xf32, #tpu.memory_space<vmem>>, vector<1x1x16xf32>,
      %swap3A_414 = arith.constant 0 : i32
      %swap3A_415 = arith.index_cast %swap3A_414 : i32 to index
      %swap3A_416 = arith.index_cast %scan3A_407 : i32 to index
      %swap3A_417 = arith.constant 16 : index
      %swap3A_418 = tpu.vector_load %arg8[%swap3A_415, %swap3A_416, %swap3A_417] {strides = array<i32>} : memref<4x80x128xf32, #tpu.memory_space<vmem>>, vector<1x1x16xf32>,
      %swap3A_419 = vector.shape_cast %swap3A_418 : vector<1x1x16xf32> to vector<16xf32>
      %swap3A_420 = vector.shape_cast %broadcast_in_dim3A_1 : vector<16xf32> to vector<1x1x16xf32>
      tpu.vector_store %arg8[%swap3A_415, %swap3A_416, %swap3A_417], %swap3A_420 {strides = array<i32>} : memref<4x80x128xf32, #tpu.memory_space<vmem>>, vector<1x1x16xf32>,
      %swap3A_421 = arith.constant 0 : i32
      %swap3A_422 = arith.index_cast %swap3A_421 : i32 to index
      %swap3A_423 = arith.index_cast %scan3A_407 : i32 to index
      %swap3A_424 = arith.constant 32 : index
      %swap3A_425 = tpu.vector_load %arg8[%swap3A_422, %swap3A_423, %swap3A_424] {strides = array<i32>} : memref<4x80x128xf32, #tpu.memory_space<vmem>>, vector<1x1x16xf32>,
      %swap3A_426 = vector.shape_cast %swap3A_425 : vector<1x1x16xf32> to vector<16xf32>
      %swap3A_427 = vector.shape_cast %broadcast_in_dim3A_1 : vector<16xf32> to vector<1x1x16xf32>
      tpu.vector_store %arg8[%swap3A_422, %swap3A_423, %swap3A_424], %swap3A_427 {strides = array<i32>} : memref<4x80x128xf32, #tpu.memory_space<vmem>>, vector<1x1x16xf32>,
      %swap3A_428 = arith.constant 0 : i32
      %swap3A_429 = arith.index_cast %swap3A_428 : i32 to index
      %swap3A_430 = arith.index_cast %scan3A_407 : i32 to index
      %swap3A_431 = arith.constant 48 : index
      %swap3A_432 = tpu.vector_load %arg8[%swap3A_429, %swap3A_430, %swap3A_431] {strides = array<i32>} : memref<4x80x128xf32, #tpu.memory_space<vmem>>, vector<1x1x16xf32>,
      %swap3A_433 = vector.shape_cast %swap3A_432 : vector<1x1x16xf32> to vector<16xf32>
      %swap3A_434 = vector.shape_cast %broadcast_in_dim3A_1 : vector<16xf32> to vector<1x1x16xf32>
      tpu.vector_store %arg8[%swap3A_429, %swap3A_430, %swap3A_431], %swap3A_434 {strides = array<i32>} : memref<4x80x128xf32, #tpu.memory_space<vmem>>, vector<1x1x16xf32>,
      %swap3A_435 = arith.constant 0 : i32
      %swap3A_436 = arith.index_cast %swap3A_435 : i32 to index
      %swap3A_437 = arith.index_cast %scan3A_407 : i32 to index
      %swap3A_438 = arith.constant 64 : index
      %swap3A_439 = tpu.vector_load %arg8[%swap3A_436, %swap3A_437, %swap3A_438] {strides = array<i32>} : memref<4x80x128xf32, #tpu.memory_space<vmem>>, vector<1x1x16xf32>,
      %swap3A_440 = vector.shape_cast %swap3A_439 : vector<1x1x16xf32> to vector<16xf32>
      %swap3A_441 = vector.shape_cast %broadcast_in_dim3A_1 : vector<16xf32> to vector<1x1x16xf32>
      tpu.vector_store %arg8[%swap3A_436, %swap3A_437, %swap3A_438], %swap3A_441 {strides = array<i32>} : memref<4x80x128xf32, #tpu.memory_space<vmem>>, vector<1x1x16xf32>,
      %swap3A_442 = arith.constant 0 : i32
      %swap3A_443 = arith.index_cast %swap3A_442 : i32 to index
      %swap3A_444 = arith.index_cast %scan3A_407 : i32 to index
      %swap3A_445 = arith.constant 80 : index
      %swap3A_446 = tpu.vector_load %arg8[%swap3A_443, %swap3A_444, %swap3A_445] {strides = array<i32>} : memref<4x80x128xf32, #tpu.memory_space<vmem>>, vector<1x1x16xf32>,
      %swap3A_447 = vector.shape_cast %swap3A_446 : vector<1x1x16xf32> to vector<16xf32>
      %swap3A_448 = vector.shape_cast %broadcast_in_dim3A_1 : vector<16xf32> to vector<1x1x16xf32>
      tpu.vector_store %arg8[%swap3A_443, %swap3A_444, %swap3A_445], %swap3A_448 {strides = array<i32>} : memref<4x80x128xf32, #tpu.memory_space<vmem>>, vector<1x1x16xf32>,
      %swap3A_449 = arith.constant 0 : i32
      %swap3A_450 = arith.index_cast %swap3A_449 : i32 to index
      %swap3A_451 = arith.index_cast %scan3A_407 : i32 to index
      %swap3A_452 = arith.constant 96 : index
      %swap3A_453 = tpu.vector_load %arg8[%swap3A_450, %swap3A_451, %swap3A_452] {strides = array<i32>} : memref<4x80x128xf32, #tpu.memory_space<vmem>>, vector<1x1x16xf32>,
      %swap3A_454 = vector.shape_cast %swap3A_453 : vector<1x1x16xf32> to vector<16xf32>
      %swap3A_455 = vector.shape_cast %broadcast_in_dim3A_1 : vector<16xf32> to vector<1x1x16xf32>
      tpu.vector_store %arg8[%swap3A_450, %swap3A_451, %swap3A_452], %swap3A_455 {strides = array<i32>} : memref<4x80x128xf32, #tpu.memory_space<vmem>>, vector<1x1x16xf32>,
      %swap3A_456 = arith.constant 0 : i32
      %swap3A_457 = arith.index_cast %swap3A_456 : i32 to index
      %swap3A_458 = arith.index_cast %scan3A_407 : i32 to index
      %swap3A_459 = arith.constant 112 : index
      %swap3A_460 = tpu.vector_load %arg8[%swap3A_457, %swap3A_458, %swap3A_459] {strides = array<i32>} : memref<4x80x128xf32, #tpu.memory_space<vmem>>, vector<1x1x16xf32>,
      %swap3A_461 = vector.shape_cast %swap3A_460 : vector<1x1x16xf32> to vector<16xf32>
      %swap3A_462 = vector.shape_cast %broadcast_in_dim3A_1 : vector<16xf32> to vector<1x1x16xf32>
      tpu.vector_store %arg8[%swap3A_457, %swap3A_458, %swap3A_459], %swap3A_462 {strides = array<i32>} : memref<4x80x128xf32, #tpu.memory_space<vmem>>, vector<1x1x16xf32>,
    }
    %scan3A_6 = arith.constant 80 : i32
    %mul3A_7 = arith.constant 640 : i32
    %mul3A_8 = arith.muli %arg1, %mul3A_7 : i32
    %add3A_9 = arith.constant 0 : i32
    %add3A_10 = arith.addi %mul3A_8, %add3A_9 : i32
    %run_scoped3A = arith.constant 0 : i32
    "tpu.region"() ({
      %run_scoped3A_407 = tpu.sem_alloc : memref<!tpu.dma_semaphore, #tpu.memory_space<semaphore_mem>>
      %dma_start3A_408 = arith.constant 0 : i32
      %dma_start3A_409 = arith.constant 0 : i32
      %dma_start3A_410 = tpu.memref_slice %arg8[%run_scoped3A, %dma_start3A_408, %dma_start3A_409] : memref<4x80x128xf32, #tpu.memory_space<vmem>> -> memref<1x80x128xf32, #tpu.memory_space<vmem>>
      %dma_start3A_411 = tpu.memref_squeeze %dma_start3A_410 : memref<1x80x128xf32, #tpu.memory_space<vmem>> -> memref<80x128xf32, #tpu.memory_space<vmem>>
      %dma_start3A_412 = arith.constant 0 : i32
      %dma_start3A_413 = tpu.memref_slice %arg9[%add3A_10, %dma_start3A_412] : memref<10240x128xf32, #tpu.memory_space<vmem_shared>> -> memref<80x128xf32, #tpu.memory_space<vmem_shared>>
      %dma_start3A_414 = arith.constant 0 : i32
      %dma_start3A_415 = tpu.memref_slice %arg9[%add3A_10, %dma_start3A_414] : memref<10240x128xf32, #tpu.memory_space<vmem_shared>> -> memref<80x128xf32, #tpu.memory_space<vmem_shared>>
      %dma_start3A_416 = arith.constant 0 : i32
      %dma_start3A_417 = arith.constant 0 : i32
      %dma_start3A_418 = tpu.memref_slice %arg8[%run_scoped3A, %dma_start3A_416, %dma_start3A_417] : memref<4x80x128xf32, #tpu.memory_space<vmem>> -> memref<1x80x128xf32, #tpu.memory_space<vmem>>
      %dma_start3A_419 = tpu.memref_squeeze %dma_start3A_418 : memref<1x80x128xf32, #tpu.memory_space<vmem>> -> memref<80x128xf32, #tpu.memory_space<vmem>>
      tpu.enqueue_dma source(%dma_start3A_419 : memref<80x128xf32, #tpu.memory_space<vmem>>) target(%dma_start3A_415 : memref<80x128xf32, #tpu.memory_space<vmem_shared>>) target_semaphore(%run_scoped3A_407 : memref<!tpu.dma_semaphore, #tpu.memory_space<semaphore_mem>>)
      %dma_wait3A_420 = arith.constant 0 : i32
      %dma_wait3A_421 = arith.constant 0 : i32
      %dma_wait3A_422 = tpu.memref_slice %arg8[%run_scoped3A, %dma_wait3A_420, %dma_wait3A_421] : memref<4x80x128xf32, #tpu.memory_space<vmem>> -> memref<1x80x128xf32, #tpu.memory_space<vmem>>
      %dma_wait3A_423 = tpu.memref_squeeze %dma_wait3A_422 : memref<1x80x128xf32, #tpu.memory_space<vmem>> -> memref<80x128xf32, #tpu.memory_space<vmem>>
      %dma_wait3A_424 = arith.constant 0 : i32
      %dma_wait3A_425 = tpu.memref_slice %arg9[%add3A_10, %dma_wait3A_424] : memref<10240x128xf32, #tpu.memory_space<vmem_shared>> -> memref<80x128xf32, #tpu.memory_space<vmem_shared>>
      %dma_wait3A_426 = arith.constant 0 : i32
      %dma_wait3A_427 = tpu.memref_slice %arg9[%add3A_10, %dma_wait3A_426] : memref<10240x128xf32, #tpu.memory_space<vmem_shared>> -> memref<80x128xf32, #tpu.memory_space<vmem_shared>>
      %dma_wait3A_428 = arith.constant 0 : i32
      %dma_wait3A_429 = arith.constant 0 : i32
      %dma_wait3A_430 = tpu.memref_slice %arg8[%run_scoped3A, %dma_wait3A_428, %dma_wait3A_429] : memref<4x80x128xf32, #tpu.memory_space<vmem>> -> memref<1x80x128xf32, #tpu.memory_space<vmem>>
      %dma_wait3A_431 = tpu.memref_squeeze %dma_wait3A_430 : memref<1x80x128xf32, #tpu.memory_space<vmem>> -> memref<80x128xf32, #tpu.memory_space<vmem>>
      tpu.wait_dma2 semaphore(%run_scoped3A_407 : memref<!tpu.dma_semaphore, #tpu.memory_space<semaphore_mem>>) src(%dma_wait3A_431 : memref<80x128xf32, #tpu.memory_space<vmem>>) dst(%dma_wait3A_427 : memref<80x128xf32, #tpu.memory_space<vmem_shared>>)
      tpu.yield
    }) : () -> ()
    %mul3A_11 = arith.constant 640 : i32
    %mul3A_12 = arith.muli %arg1, %mul3A_11 : i32
    %add3A_13 = arith.constant 80 : i32
    %add3A_14 = arith.addi %mul3A_12, %add3A_13 : i32
    %run_scoped3A_15 = arith.constant 0 : i32
    "tpu.region"() ({
      %run_scoped3A_407 = tpu.sem_alloc : memref<!tpu.dma_semaphore, #tpu.memory_space<semaphore_mem>>
      %dma_start3A_408 = arith.constant 0 : i32
      %dma_start3A_409 = arith.constant 0 : i32
      %dma_start3A_410 = tpu.memref_slice %arg8[%run_scoped3A_15, %dma_start3A_408, %dma_start3A_409] : memref<4x80x128xf32, #tpu.memory_space<vmem>> -> memref<1x80x128xf32, #tpu.memory_space<vmem>>
      %dma_start3A_411 = tpu.memref_squeeze %dma_start3A_410 : memref<1x80x128xf32, #tpu.memory_space<vmem>> -> memref<80x128xf32, #tpu.memory_space<vmem>>
      %dma_start3A_412 = arith.constant 0 : i32
      %dma_start3A_413 = tpu.memref_slice %arg9[%add3A_14, %dma_start3A_412] : memref<10240x128xf32, #tpu.memory_space<vmem_shared>> -> memref<80x128xf32, #tpu.memory_space<vmem_shared>>
      %dma_start3A_414 = arith.constant 0 : i32
      %dma_start3A_415 = tpu.memref_slice %arg9[%add3A_14, %dma_start3A_414] : memref<10240x128xf32, #tpu.memory_space<vmem_shared>> -> memref<80x128xf32, #tpu.memory_space<vmem_shared>>
      %dma_start3A_416 = arith.constant 0 : i32
      %dma_start3A_417 = arith.constant 0 : i32
      %dma_start3A_418 = tpu.memref_slice %arg8[%run_scoped3A_15, %dma_start3A_416, %dma_start3A_417] : memref<4x80x128xf32, #tpu.memory_space<vmem>> -> memref<1x80x128xf32, #tpu.memory_space<vmem>>
      %dma_start3A_419 = tpu.memref_squeeze %dma_start3A_418 : memref<1x80x128xf32, #tpu.memory_space<vmem>> -> memref<80x128xf32, #tpu.memory_space<vmem>>
      tpu.enqueue_dma source(%dma_start3A_419 : memref<80x128xf32, #tpu.memory_space<vmem>>) target(%dma_start3A_415 : memref<80x128xf32, #tpu.memory_space<vmem_shared>>) target_semaphore(%run_scoped3A_407 : memref<!tpu.dma_semaphore, #tpu.memory_space<semaphore_mem>>)
      %dma_wait3A_420 = arith.constant 0 : i32
      %dma_wait3A_421 = arith.constant 0 : i32
      %dma_wait3A_422 = tpu.memref_slice %arg8[%run_scoped3A_15, %dma_wait3A_420, %dma_wait3A_421] : memref<4x80x128xf32, #tpu.memory_space<vmem>> -> memref<1x80x128xf32, #tpu.memory_space<vmem>>
      %dma_wait3A_423 = tpu.memref_squeeze %dma_wait3A_422 : memref<1x80x128xf32, #tpu.memory_space<vmem>> -> memref<80x128xf32, #tpu.memory_space<vmem>>
      %dma_wait3A_424 = arith.constant 0 : i32
      %dma_wait3A_425 = tpu.memref_slice %arg9[%add3A_14, %dma_wait3A_424] : memref<10240x128xf32, #tpu.memory_space<vmem_shared>> -> memref<80x128xf32, #tpu.memory_space<vmem_shared>>
      %dma_wait3A_426 = arith.constant 0 : i32
      %dma_wait3A_427 = tpu.memref_slice %arg9[%add3A_14, %dma_wait3A_426] : memref<10240x128xf32, #tpu.memory_space<vmem_shared>> -> memref<80x128xf32, #tpu.memory_space<vmem_shared>>
      %dma_wait3A_428 = arith.constant 0 : i32
      %dma_wait3A_429 = arith.constant 0 : i32
      %dma_wait3A_430 = tpu.memref_slice %arg8[%run_scoped3A_15, %dma_wait3A_428, %dma_wait3A_429] : memref<4x80x128xf32, #tpu.memory_space<vmem>> -> memref<1x80x128xf32, #tpu.memory_space<vmem>>
      %dma_wait3A_431 = tpu.memref_squeeze %dma_wait3A_430 : memref<1x80x128xf32, #tpu.memory_space<vmem>> -> memref<80x128xf32, #tpu.memory_space<vmem>>
      tpu.wait_dma2 semaphore(%run_scoped3A_407 : memref<!tpu.dma_semaphore, #tpu.memory_space<semaphore_mem>>) src(%dma_wait3A_431 : memref<80x128xf32, #tpu.memory_space<vmem>>) dst(%dma_wait3A_427 : memref<80x128xf32, #tpu.memory_space<vmem_shared>>)
      tpu.yield
    }) : () -> ()
    %mul3A_16 = arith.constant 640 : i32
    %mul3A_17 = arith.muli %arg1, %mul3A_16 : i32
    %add3A_18 = arith.constant 160 : i32
    %add3A_19 = arith.addi %mul3A_17, %add3A_18 : i32
    %run_scoped3A_20 = arith.constant 0 : i32
    "tpu.region"() ({
      %run_scoped3A_407 = tpu.sem_alloc : memref<!tpu.dma_semaphore, #tpu.memory_space<semaphore_mem>>
      %dma_start3A_408 = arith.constant 0 : i32
      %dma_start3A_409 = arith.constant 0 : i32
      %dma_start3A_410 = tpu.memref_slice %arg8[%run_scoped3A_20, %dma_start3A_408, %dma_start3A_409] : memref<4x80x128xf32, #tpu.memory_space<vmem>> -> memref<1x80x128xf32, #tpu.memory_space<vmem>>
      %dma_start3A_411 = tpu.memref_squeeze %dma_start3A_410 : memref<1x80x128xf32, #tpu.memory_space<vmem>> -> memref<80x128xf32, #tpu.memory_space<vmem>>
      %dma_start3A_412 = arith.constant 0 : i32
      %dma_start3A_413 = tpu.memref_slice %arg9[%add3A_19, %dma_start3A_412] : memref<10240x128xf32, #tpu.memory_space<vmem_shared>> -> memref<80x128xf32, #tpu.memory_space<vmem_shared>>
      %dma_start3A_414 = arith.constant 0 : i32
      %dma_start3A_415 = tpu.memref_slice %arg9[%add3A_19, %dma_start3A_414] : memref<10240x128xf32, #tpu.memory_space<vmem_shared>> -> memref<80x128xf32, #tpu.memory_space<vmem_shared>>
      %dma_start3A_416 = arith.constant 0 : i32
      %dma_start3A_417 = arith.constant 0 : i32
      %dma_start3A_418 = tpu.memref_slice %arg8[%run_scoped3A_20, %dma_start3A_416, %dma_start3A_417] : memref<4x80x128xf32, #tpu.memory_space<vmem>> -> memref<1x80x128xf32, #tpu.memory_space<vmem>>
      %dma_start3A_419 = tpu.memref_squeeze %dma_start3A_418 : memref<1x80x128xf32, #tpu.memory_space<vmem>> -> memref<80x128xf32, #tpu.memory_space<vmem>>
      tpu.enqueue_dma source(%dma_start3A_419 : memref<80x128xf32, #tpu.memory_space<vmem>>) target(%dma_start3A_415 : memref<80x128xf32, #tpu.memory_space<vmem_shared>>) target_semaphore(%run_scoped3A_407 : memref<!tpu.dma_semaphore, #tpu.memory_space<semaphore_mem>>)
      %dma_wait3A_420 = arith.constant 0 : i32
      %dma_wait3A_421 = arith.constant 0 : i32
      %dma_wait3A_422 = tpu.memref_slice %arg8[%run_scoped3A_20, %dma_wait3A_420, %dma_wait3A_421] : memref<4x80x128xf32, #tpu.memory_space<vmem>> -> memref<1x80x128xf32, #tpu.memory_space<vmem>>
      %dma_wait3A_423 = tpu.memref_squeeze %dma_wait3A_422 : memref<1x80x128xf32, #tpu.memory_space<vmem>> -> memref<80x128xf32, #tpu.memory_space<vmem>>
      %dma_wait3A_424 = arith.constant 0 : i32
      %dma_wait3A_425 = tpu.memref_slice %arg9[%add3A_19, %dma_wait3A_424] : memref<10240x128xf32, #tpu.memory_space<vmem_shared>> -> memref<80x128xf32, #tpu.memory_space<vmem_shared>>
      %dma_wait3A_426 = arith.constant 0 : i32
      %dma_wait3A_427 = tpu.memref_slice %arg9[%add3A_19, %dma_wait3A_426] : memref<10240x128xf32, #tpu.memory_space<vmem_shared>> -> memref<80x128xf32, #tpu.memory_space<vmem_shared>>
      %dma_wait3A_428 = arith.constant 0 : i32
      %dma_wait3A_429 = arith.constant 0 : i32
      %dma_wait3A_430 = tpu.memref_slice %arg8[%run_scoped3A_20, %dma_wait3A_428, %dma_wait3A_429] : memref<4x80x128xf32, #tpu.memory_space<vmem>> -> memref<1x80x128xf32, #tpu.memory_space<vmem>>
      %dma_wait3A_431 = tpu.memref_squeeze %dma_wait3A_430 : memref<1x80x128xf32, #tpu.memory_space<vmem>> -> memref<80x128xf32, #tpu.memory_space<vmem>>
      tpu.wait_dma2 semaphore(%run_scoped3A_407 : memref<!tpu.dma_semaphore, #tpu.memory_space<semaphore_mem>>) src(%dma_wait3A_431 : memref<80x128xf32, #tpu.memory_space<vmem>>) dst(%dma_wait3A_427 : memref<80x128xf32, #tpu.memory_space<vmem_shared>>)
      tpu.yield
    }) : () -> ()
    %mul3A_21 = arith.constant 640 : i32
    %mul3A_22 = arith.muli %arg1, %mul3A_21 : i32
    %add3A_23 = arith.constant 240 : i32
    %add3A_24 = arith.addi %mul3A_22, %add3A_23 : i32
    %run_scoped3A_25 = arith.constant 0 : i32
    "tpu.region"() ({
      %run_scoped3A_407 = tpu.sem_alloc : memref<!tpu.dma_semaphore, #tpu.memory_space<semaphore_mem>>
      %dma_start3A_408 = arith.constant 0 : i32
      %dma_start3A_409 = arith.constant 0 : i32
      %dma_start3A_410 = tpu.memref_slice %arg8[%run_scoped3A_25, %dma_start3A_408, %dma_start3A_409] : memref<4x80x128xf32, #tpu.memory_space<vmem>> -> memref<1x80x128xf32, #tpu.memory_space<vmem>>
      %dma_start3A_411 = tpu.memref_squeeze %dma_start3A_410 : memref<1x80x128xf32, #tpu.memory_space<vmem>> -> memref<80x128xf32, #tpu.memory_space<vmem>>
      %dma_start3A_412 = arith.constant 0 : i32
      %dma_start3A_413 = tpu.memref_slice %arg9[%add3A_24, %dma_start3A_412] : memref<10240x128xf32, #tpu.memory_space<vmem_shared>> -> memref<80x128xf32, #tpu.memory_space<vmem_shared>>
      %dma_start3A_414 = arith.constant 0 : i32
      %dma_start3A_415 = tpu.memref_slice %arg9[%add3A_24, %dma_start3A_414] : memref<10240x128xf32, #tpu.memory_space<vmem_shared>> -> memref<80x128xf32, #tpu.memory_space<vmem_shared>>
      %dma_start3A_416 = arith.constant 0 : i32
      %dma_start3A_417 = arith.constant 0 : i32
      %dma_start3A_418 = tpu.memref_slice %arg8[%run_scoped3A_25, %dma_start3A_416, %dma_start3A_417] : memref<4x80x128xf32, #tpu.memory_space<vmem>> -> memref<1x80x128xf32, #tpu.memory_space<vmem>>
      %dma_start3A_419 = tpu.memref_squeeze %dma_start3A_418 : memref<1x80x128xf32, #tpu.memory_space<vmem>> -> memref<80x128xf32, #tpu.memory_space<vmem>>
      tpu.enqueue_dma source(%dma_start3A_419 : memref<80x128xf32, #tpu.memory_space<vmem>>) target(%dma_start3A_415 : memref<80x128xf32, #tpu.memory_space<vmem_shared>>) target_semaphore(%run_scoped3A_407 : memref<!tpu.dma_semaphore, #tpu.memory_space<semaphore_mem>>)
      %dma_wait3A_420 = arith.constant 0 : i32
      %dma_wait3A_421 = arith.constant 0 : i32
      %dma_wait3A_422 = tpu.memref_slice %arg8[%run_scoped3A_25, %dma_wait3A_420, %dma_wait3A_421] : memref<4x80x128xf32, #tpu.memory_space<vmem>> -> memref<1x80x128xf32, #tpu.memory_space<vmem>>
      %dma_wait3A_423 = tpu.memref_squeeze %dma_wait3A_422 : memref<1x80x128xf32, #tpu.memory_space<vmem>> -> memref<80x128xf32, #tpu.memory_space<vmem>>
      %dma_wait3A_424 = arith.constant 0 : i32
      %dma_wait3A_425 = tpu.memref_slice %arg9[%add3A_24, %dma_wait3A_424] : memref<10240x128xf32, #tpu.memory_space<vmem_shared>> -> memref<80x128xf32, #tpu.memory_space<vmem_shared>>
      %dma_wait3A_426 = arith.constant 0 : i32
      %dma_wait3A_427 = tpu.memref_slice %arg9[%add3A_24, %dma_wait3A_426] : memref<10240x128xf32, #tpu.memory_space<vmem_shared>> -> memref<80x128xf32, #tpu.memory_space<vmem_shared>>
      %dma_wait3A_428 = arith.constant 0 : i32
      %dma_wait3A_429 = arith.constant 0 : i32
      %dma_wait3A_430 = tpu.memref_slice %arg8[%run_scoped3A_25, %dma_wait3A_428, %dma_wait3A_429] : memref<4x80x128xf32, #tpu.memory_space<vmem>> -> memref<1x80x128xf32, #tpu.memory_space<vmem>>
      %dma_wait3A_431 = tpu.memref_squeeze %dma_wait3A_430 : memref<1x80x128xf32, #tpu.memory_space<vmem>> -> memref<80x128xf32, #tpu.memory_space<vmem>>
      tpu.wait_dma2 semaphore(%run_scoped3A_407 : memref<!tpu.dma_semaphore, #tpu.memory_space<semaphore_mem>>) src(%dma_wait3A_431 : memref<80x128xf32, #tpu.memory_space<vmem>>) dst(%dma_wait3A_427 : memref<80x128xf32, #tpu.memory_space<vmem_shared>>)
      tpu.yield
    }) : () -> ()
    %mul3A_26 = arith.constant 640 : i32
    %mul3A_27 = arith.muli %arg1, %mul3A_26 : i32
    %add3A_28 = arith.constant 320 : i32
    %add3A_29 = arith.addi %mul3A_27, %add3A_28 : i32
    %run_scoped3A_30 = arith.constant 0 : i32
    "tpu.region"() ({
      %run_scoped3A_407 = tpu.sem_alloc : memref<!tpu.dma_semaphore, #tpu.memory_space<semaphore_mem>>
      %dma_start3A_408 = arith.constant 0 : i32
      %dma_start3A_409 = arith.constant 0 : i32
      %dma_start3A_410 = tpu.memref_slice %arg8[%run_scoped3A_30, %dma_start3A_408, %dma_start3A_409] : memref<4x80x128xf32, #tpu.memory_space<vmem>> -> memref<1x80x128xf32, #tpu.memory_space<vmem>>
      %dma_start3A_411 = tpu.memref_squeeze %dma_start3A_410 : memref<1x80x128xf32, #tpu.memory_space<vmem>> -> memref<80x128xf32, #tpu.memory_space<vmem>>
      %dma_start3A_412 = arith.constant 0 : i32
      %dma_start3A_413 = tpu.memref_slice %arg9[%add3A_29, %dma_start3A_412] : memref<10240x128xf32, #tpu.memory_space<vmem_shared>> -> memref<80x128xf32, #tpu.memory_space<vmem_shared>>
      %dma_start3A_414 = arith.constant 0 : i32
      %dma_start3A_415 = tpu.memref_slice %arg9[%add3A_29, %dma_start3A_414] : memref<10240x128xf32, #tpu.memory_space<vmem_shared>> -> memref<80x128xf32, #tpu.memory_space<vmem_shared>>
      %dma_start3A_416 = arith.constant 0 : i32
      %dma_start3A_417 = arith.constant 0 : i32
      %dma_start3A_418 = tpu.memref_slice %arg8[%run_scoped3A_30, %dma_start3A_416, %dma_start3A_417] : memref<4x80x128xf32, #tpu.memory_space<vmem>> -> memref<1x80x128xf32, #tpu.memory_space<vmem>>
      %dma_start3A_419 = tpu.memref_squeeze %dma_start3A_418 : memref<1x80x128xf32, #tpu.memory_space<vmem>> -> memref<80x128xf32, #tpu.memory_space<vmem>>
      tpu.enqueue_dma source(%dma_start3A_419 : memref<80x128xf32, #tpu.memory_space<vmem>>) target(%dma_start3A_415 : memref<80x128xf32, #tpu.memory_space<vmem_shared>>) target_semaphore(%run_scoped3A_407 : memref<!tpu.dma_semaphore, #tpu.memory_space<semaphore_mem>>)
      %dma_wait3A_420 = arith.constant 0 : i32
      %dma_wait3A_421 = arith.constant 0 : i32
      %dma_wait3A_422 = tpu.memref_slice %arg8[%run_scoped3A_30, %dma_wait3A_420, %dma_wait3A_421] : memref<4x80x128xf32, #tpu.memory_space<vmem>> -> memref<1x80x128xf32, #tpu.memory_space<vmem>>
      %dma_wait3A_423 = tpu.memref_squeeze %dma_wait3A_422 : memref<1x80x128xf32, #tpu.memory_space<vmem>> -> memref<80x128xf32, #tpu.memory_space<vmem>>
      %dma_wait3A_424 = arith.constant 0 : i32
      %dma_wait3A_425 = tpu.memref_slice %arg9[%add3A_29, %dma_wait3A_424] : memref<10240x128xf32, #tpu.memory_space<vmem_shared>> -> memref<80x128xf32, #tpu.memory_space<vmem_shared>>
      %dma_wait3A_426 = arith.constant 0 : i32
      %dma_wait3A_427 = tpu.memref_slice %arg9[%add3A_29, %dma_wait3A_426] : memref<10240x128xf32, #tpu.memory_space<vmem_shared>> -> memref<80x128xf32, #tpu.memory_space<vmem_shared>>
      %dma_wait3A_428 = arith.constant 0 : i32
      %dma_wait3A_429 = arith.constant 0 : i32
      %dma_wait3A_430 = tpu.memref_slice %arg8[%run_scoped3A_30, %dma_wait3A_428, %dma_wait3A_429] : memref<4x80x128xf32, #tpu.memory_space<vmem>> -> memref<1x80x128xf32, #tpu.memory_space<vmem>>
      %dma_wait3A_431 = tpu.memref_squeeze %dma_wait3A_430 : memref<1x80x128xf32, #tpu.memory_space<vmem>> -> memref<80x128xf32, #tpu.memory_space<vmem>>
      tpu.wait_dma2 semaphore(%run_scoped3A_407 : memref<!tpu.dma_semaphore, #tpu.memory_space<semaphore_mem>>) src(%dma_wait3A_431 : memref<80x128xf32, #tpu.memory_space<vmem>>) dst(%dma_wait3A_427 : memref<80x128xf32, #tpu.memory_space<vmem_shared>>)
      tpu.yield
    }) : () -> ()
    %mul3A_31 = arith.constant 640 : i32
    %mul3A_32 = arith.muli %arg1, %mul3A_31 : i32
    %add3A_33 = arith.constant 400 : i32
    %add3A_34 = arith.addi %mul3A_32, %add3A_33 : i32
    %run_scoped3A_35 = arith.constant 0 : i32
    "tpu.region"() ({
      %run_scoped3A_407 = tpu.sem_alloc : memref<!tpu.dma_semaphore, #tpu.memory_space<semaphore_mem>>
      %dma_start3A_408 = arith.constant 0 : i32
      %dma_start3A_409 = arith.constant 0 : i32
      %dma_start3A_410 = tpu.memref_slice %arg8[%run_scoped3A_35, %dma_start3A_408, %dma_start3A_409] : memref<4x80x128xf32, #tpu.memory_space<vmem>> -> memref<1x80x128xf32, #tpu.memory_space<vmem>>
      %dma_start3A_411 = tpu.memref_squeeze %dma_start3A_410 : memref<1x80x128xf32, #tpu.memory_space<vmem>> -> memref<80x128xf32, #tpu.memory_space<vmem>>
      %dma_start3A_412 = arith.constant 0 : i32
      %dma_start3A_413 = tpu.memref_slice %arg9[%add3A_34, %dma_start3A_412] : memref<10240x128xf32, #tpu.memory_space<vmem_shared>> -> memref<80x128xf32, #tpu.memory_space<vmem_shared>>
      %dma_start3A_414 = arith.constant 0 : i32
      %dma_start3A_415 = tpu.memref_slice %arg9[%add3A_34, %dma_start3A_414] : memref<10240x128xf32, #tpu.memory_space<vmem_shared>> -> memref<80x128xf32, #tpu.memory_space<vmem_shared>>
      %dma_start3A_416 = arith.constant 0 : i32
      %dma_start3A_417 = arith.constant 0 : i32
      %dma_start3A_418 = tpu.memref_slice %arg8[%run_scoped3A_35, %dma_start3A_416, %dma_start3A_417] : memref<4x80x128xf32, #tpu.memory_space<vmem>> -> memref<1x80x128xf32, #tpu.memory_space<vmem>>
      %dma_start3A_419 = tpu.memref_squeeze %dma_start3A_418 : memref<1x80x128xf32, #tpu.memory_space<vmem>> -> memref<80x128xf32, #tpu.memory_space<vmem>>
      tpu.enqueue_dma source(%dma_start3A_419 : memref<80x128xf32, #tpu.memory_space<vmem>>) target(%dma_start3A_415 : memref<80x128xf32, #tpu.memory_space<vmem_shared>>) target_semaphore(%run_scoped3A_407 : memref<!tpu.dma_semaphore, #tpu.memory_space<semaphore_mem>>)
      %dma_wait3A_420 = arith.constant 0 : i32
      %dma_wait3A_421 = arith.constant 0 : i32
      %dma_wait3A_422 = tpu.memref_slice %arg8[%run_scoped3A_35, %dma_wait3A_420, %dma_wait3A_421] : memref<4x80x128xf32, #tpu.memory_space<vmem>> -> memref<1x80x128xf32, #tpu.memory_space<vmem>>
      %dma_wait3A_423 = tpu.memref_squeeze %dma_wait3A_422 : memref<1x80x128xf32, #tpu.memory_space<vmem>> -> memref<80x128xf32, #tpu.memory_space<vmem>>
      %dma_wait3A_424 = arith.constant 0 : i32
      %dma_wait3A_425 = tpu.memref_slice %arg9[%add3A_34, %dma_wait3A_424] : memref<10240x128xf32, #tpu.memory_space<vmem_shared>> -> memref<80x128xf32, #tpu.memory_space<vmem_shared>>
      %dma_wait3A_426 = arith.constant 0 : i32
      %dma_wait3A_427 = tpu.memref_slice %arg9[%add3A_34, %dma_wait3A_426] : memref<10240x128xf32, #tpu.memory_space<vmem_shared>> -> memref<80x128xf32, #tpu.memory_space<vmem_shared>>
      %dma_wait3A_428 = arith.constant 0 : i32
      %dma_wait3A_429 = arith.constant 0 : i32
      %dma_wait3A_430 = tpu.memref_slice %arg8[%run_scoped3A_35, %dma_wait3A_428, %dma_wait3A_429] : memref<4x80x128xf32, #tpu.memory_space<vmem>> -> memref<1x80x128xf32, #tpu.memory_space<vmem>>
      %dma_wait3A_431 = tpu.memref_squeeze %dma_wait3A_430 : memref<1x80x128xf32, #tpu.memory_space<vmem>> -> memref<80x128xf32, #tpu.memory_space<vmem>>
      tpu.wait_dma2 semaphore(%run_scoped3A_407 : memref<!tpu.dma_semaphore, #tpu.memory_space<semaphore_mem>>) src(%dma_wait3A_431 : memref<80x128xf32, #tpu.memory_space<vmem>>) dst(%dma_wait3A_427 : memref<80x128xf32, #tpu.memory_space<vmem_shared>>)
      tpu.yield
    }) : () -> ()
    %mul3A_36 = arith.constant 640 : i32
    %mul3A_37 = arith.muli %arg1, %mul3A_36 : i32
    %add3A_38 = arith.constant 480 : i32
    %add3A_39 = arith.addi %mul3A_37, %add3A_38 : i32
    %run_scoped3A_40 = arith.constant 0 : i32
    "tpu.region"() ({
      %run_scoped3A_407 = tpu.sem_alloc : memref<!tpu.dma_semaphore, #tpu.memory_space<semaphore_mem>>
      %dma_start3A_408 = arith.constant 0 : i32
      %dma_start3A_409 = arith.constant 0 : i32
      %dma_start3A_410 = tpu.memref_slice %arg8[%run_scoped3A_40, %dma_start3A_408, %dma_start3A_409] : memref<4x80x128xf32, #tpu.memory_space<vmem>> -> memref<1x80x128xf32, #tpu.memory_space<vmem>>
      %dma_start3A_411 = tpu.memref_squeeze %dma_start3A_410 : memref<1x80x128xf32, #tpu.memory_space<vmem>> -> memref<80x128xf32, #tpu.memory_space<vmem>>
      %dma_start3A_412 = arith.constant 0 : i32
      %dma_start3A_413 = tpu.memref_slice %arg9[%add3A_39, %dma_start3A_412] : memref<10240x128xf32, #tpu.memory_space<vmem_shared>> -> memref<80x128xf32, #tpu.memory_space<vmem_shared>>
      %dma_start3A_414 = arith.constant 0 : i32
      %dma_start3A_415 = tpu.memref_slice %arg9[%add3A_39, %dma_start3A_414] : memref<10240x128xf32, #tpu.memory_space<vmem_shared>> -> memref<80x128xf32, #tpu.memory_space<vmem_shared>>
      %dma_start3A_416 = arith.constant 0 : i32
      %dma_start3A_417 = arith.constant 0 : i32
      %dma_start3A_418 = tpu.memref_slice %arg8[%run_scoped3A_40, %dma_start3A_416, %dma_start3A_417] : memref<4x80x128xf32, #tpu.memory_space<vmem>> -> memref<1x80x128xf32, #tpu.memory_space<vmem>>
      %dma_start3A_419 = tpu.memref_squeeze %dma_start3A_418 : memref<1x80x128xf32, #tpu.memory_space<vmem>> -> memref<80x128xf32, #tpu.memory_space<vmem>>
      tpu.enqueue_dma source(%dma_start3A_419 : memref<80x128xf32, #tpu.memory_space<vmem>>) target(%dma_start3A_415 : memref<80x128xf32, #tpu.memory_space<vmem_shared>>) target_semaphore(%run_scoped3A_407 : memref<!tpu.dma_semaphore, #tpu.memory_space<semaphore_mem>>)
      %dma_wait3A_420 = arith.constant 0 : i32
      %dma_wait3A_421 = arith.constant 0 : i32
      %dma_wait3A_422 = tpu.memref_slice %arg8[%run_scoped3A_40, %dma_wait3A_420, %dma_wait3A_421] : memref<4x80x128xf32, #tpu.memory_space<vmem>> -> memref<1x80x128xf32, #tpu.memory_space<vmem>>
      %dma_wait3A_423 = tpu.memref_squeeze %dma_wait3A_422 : memref<1x80x128xf32, #tpu.memory_space<vmem>> -> memref<80x128xf32, #tpu.memory_space<vmem>>
      %dma_wait3A_424 = arith.constant 0 : i32
      %dma_wait3A_425 = tpu.memref_slice %arg9[%add3A_39, %dma_wait3A_424] : memref<10240x128xf32, #tpu.memory_space<vmem_shared>> -> memref<80x128xf32, #tpu.memory_space<vmem_shared>>
      %dma_wait3A_426 = arith.constant 0 : i32
      %dma_wait3A_427 = tpu.memref_slice %arg9[%add3A_39, %dma_wait3A_426] : memref<10240x128xf32, #tpu.memory_space<vmem_shared>> -> memref<80x128xf32, #tpu.memory_space<vmem_shared>>
      %dma_wait3A_428 = arith.constant 0 : i32
      %dma_wait3A_429 = arith.constant 0 : i32
      %dma_wait3A_430 = tpu.memref_slice %arg8[%run_scoped3A_40, %dma_wait3A_428, %dma_wait3A_429] : memref<4x80x128xf32, #tpu.memory_space<vmem>> -> memref<1x80x128xf32, #tpu.memory_space<vmem>>
      %dma_wait3A_431 = tpu.memref_squeeze %dma_wait3A_430 : memref<1x80x128xf32, #tpu.memory_space<vmem>> -> memref<80x128xf32, #tpu.memory_space<vmem>>
      tpu.wait_dma2 semaphore(%run_scoped3A_407 : memref<!tpu.dma_semaphore, #tpu.memory_space<semaphore_mem>>) src(%dma_wait3A_431 : memref<80x128xf32, #tpu.memory_space<vmem>>) dst(%dma_wait3A_427 : memref<80x128xf32, #tpu.memory_space<vmem_shared>>)
      tpu.yield
    }) : () -> ()
    %mul3A_41 = arith.constant 640 : i32
    %mul3A_42 = arith.muli %arg1, %mul3A_41 : i32
    %add3A_43 = arith.constant 560 : i32
    %add3A_44 = arith.addi %mul3A_42, %add3A_43 : i32
    %run_scoped3A_45 = arith.constant 0 : i32
    "tpu.region"() ({
      %run_scoped3A_407 = tpu.sem_alloc : memref<!tpu.dma_semaphore, #tpu.memory_space<semaphore_mem>>
      %dma_start3A_408 = arith.constant 0 : i32
      %dma_start3A_409 = arith.constant 0 : i32
      %dma_start3A_410 = tpu.memref_slice %arg8[%run_scoped3A_45, %dma_start3A_408, %dma_start3A_409] : memref<4x80x128xf32, #tpu.memory_space<vmem>> -> memref<1x80x128xf32, #tpu.memory_space<vmem>>
      %dma_start3A_411 = tpu.memref_squeeze %dma_start3A_410 : memref<1x80x128xf32, #tpu.memory_space<vmem>> -> memref<80x128xf32, #tpu.memory_space<vmem>>
      %dma_start3A_412 = arith.constant 0 : i32
      %dma_start3A_413 = tpu.memref_slice %arg9[%add3A_44, %dma_start3A_412] : memref<10240x128xf32, #tpu.memory_space<vmem_shared>> -> memref<80x128xf32, #tpu.memory_space<vmem_shared>>
      %dma_start3A_414 = arith.constant 0 : i32
      %dma_start3A_415 = tpu.memref_slice %arg9[%add3A_44, %dma_start3A_414] : memref<10240x128xf32, #tpu.memory_space<vmem_shared>> -> memref<80x128xf32, #tpu.memory_space<vmem_shared>>
      %dma_start3A_416 = arith.constant 0 : i32
      %dma_start3A_417 = arith.constant 0 : i32
      %dma_start3A_418 = tpu.memref_slice %arg8[%run_scoped3A_45, %dma_start3A_416, %dma_start3A_417] : memref<4x80x128xf32, #tpu.memory_space<vmem>> -> memref<1x80x128xf32, #tpu.memory_space<vmem>>
      %dma_start3A_419 = tpu.memref_squeeze %dma_start3A_418 : memref<1x80x128xf32, #tpu.memory_space<vmem>> -> memref<80x128xf32, #tpu.memory_space<vmem>>
      tpu.enqueue_dma source(%dma_start3A_419 : memref<80x128xf32, #tpu.memory_space<vmem>>) target(%dma_start3A_415 : memref<80x128xf32, #tpu.memory_space<vmem_shared>>) target_semaphore(%run_scoped3A_407 : memref<!tpu.dma_semaphore, #tpu.memory_space<semaphore_mem>>)
      %dma_wait3A_420 = arith.constant 0 : i32
      %dma_wait3A_421 = arith.constant 0 : i32
      %dma_wait3A_422 = tpu.memref_slice %arg8[%run_scoped3A_45, %dma_wait3A_420, %dma_wait3A_421] : memref<4x80x128xf32, #tpu.memory_space<vmem>> -> memref<1x80x128xf32, #tpu.memory_space<vmem>>
      %dma_wait3A_423 = tpu.memref_squeeze %dma_wait3A_422 : memref<1x80x128xf32, #tpu.memory_space<vmem>> -> memref<80x128xf32, #tpu.memory_space<vmem>>
      %dma_wait3A_424 = arith.constant 0 : i32
      %dma_wait3A_425 = tpu.memref_slice %arg9[%add3A_44, %dma_wait3A_424] : memref<10240x128xf32, #tpu.memory_space<vmem_shared>> -> memref<80x128xf32, #tpu.memory_space<vmem_shared>>
      %dma_wait3A_426 = arith.constant 0 : i32
      %dma_wait3A_427 = tpu.memref_slice %arg9[%add3A_44, %dma_wait3A_426] : memref<10240x128xf32, #tpu.memory_space<vmem_shared>> -> memref<80x128xf32, #tpu.memory_space<vmem_shared>>
      %dma_wait3A_428 = arith.constant 0 : i32
      %dma_wait3A_429 = arith.constant 0 : i32
      %dma_wait3A_430 = tpu.memref_slice %arg8[%run_scoped3A_45, %dma_wait3A_428, %dma_wait3A_429] : memref<4x80x128xf32, #tpu.memory_space<vmem>> -> memref<1x80x128xf32, #tpu.memory_space<vmem>>
      %dma_wait3A_431 = tpu.memref_squeeze %dma_wait3A_430 : memref<1x80x128xf32, #tpu.memory_space<vmem>> -> memref<80x128xf32, #tpu.memory_space<vmem>>
      tpu.wait_dma2 semaphore(%run_scoped3A_407 : memref<!tpu.dma_semaphore, #tpu.memory_space<semaphore_mem>>) src(%dma_wait3A_431 : memref<80x128xf32, #tpu.memory_space<vmem>>) dst(%dma_wait3A_427 : memref<80x128xf32, #tpu.memory_space<vmem_shared>>)
      tpu.yield
    }) : () -> ()
    %barrier3A = arith.constant 0 : index
    tpu.barrier barrier_id(%barrier3A)
    %dma_start3A = arith.constant 0 : i32
    %dma_start3A_46 = arith.constant 0 : i32
    %dma_start3A_47 = arith.constant 0 : i32
    %dma_start3A_48 = tpu.memref_slice %arg7[%dma_start3A_46, %dma_start3A_47] : memref<4x80xi32, #tpu.memory_space<vmem>> -> memref<1x80xi32, #tpu.memory_space<vmem>>
    %dma_start3A_49 = tpu.memref_squeeze %dma_start3A_48 : memref<1x80xi32, #tpu.memory_space<vmem>> -> memref<80xi32, #tpu.memory_space<vmem>>
    %dma_start3A_50 = arith.constant 0 : i32
    %dma_start3A_51 = tpu.memref_slice %arg4[%add3A, %dma_start3A, %dma_start3A_50] : memref<32x125x80xi32, #tpu.memory_space<hbm>> -> memref<1x1x80xi32, #tpu.memory_space<hbm>>
    %dma_start3A_52 = tpu.memref_squeeze %dma_start3A_51 : memref<1x1x80xi32, #tpu.memory_space<hbm>> -> memref<80xi32, #tpu.memory_space<hbm>>
    %dma_start3A_53 = arith.constant 0 : i32
    %dma_start3A_54 = tpu.memref_slice %arg7[%dma_start3A_46, %dma_start3A_53] : memref<4x80xi32, #tpu.memory_space<vmem>> -> memref<1x80xi32, #tpu.memory_space<vmem>>
    %dma_start3A_55 = tpu.memref_squeeze %dma_start3A_54 : memref<1x80xi32, #tpu.memory_space<vmem>> -> memref<80xi32, #tpu.memory_space<vmem>>
    %dma_start3A_56 = arith.constant 0 : i32
    %dma_start3A_57 = tpu.memref_slice %arg4[%add3A, %dma_start3A, %dma_start3A_56] : memref<32x125x80xi32, #tpu.memory_space<hbm>> -> memref<1x1x80xi32, #tpu.memory_space<hbm>>
    %dma_start3A_58 = tpu.memref_squeeze %dma_start3A_57 : memref<1x1x80xi32, #tpu.memory_space<hbm>> -> memref<80xi32, #tpu.memory_space<hbm>>
    tpu.enqueue_dma source(%dma_start3A_58 : memref<80xi32, #tpu.memory_space<hbm>>) target(%dma_start3A_55 : memref<80xi32, #tpu.memory_space<vmem>>) target_semaphore(%arg22 : memref<!tpu.dma_semaphore, #tpu.memory_space<semaphore_mem>>)
    %dma_start3A_59 = arith.constant 0 : i32
    %dma_start3A_60 = arith.constant 0 : i32
    %dma_start3A_61 = arith.constant 0 : i32
    %dma_start3A_62 = tpu.memref_slice %arg6[%dma_start3A_60, %dma_start3A_61] : memref<4x80xi32, #tpu.memory_space<vmem>> -> memref<1x80xi32, #tpu.memory_space<vmem>>
    %dma_start3A_63 = tpu.memref_squeeze %dma_start3A_62 : memref<1x80xi32, #tpu.memory_space<vmem>> -> memref<80xi32, #tpu.memory_space<vmem>>
    %dma_start3A_64 = arith.constant 0 : i32
    %dma_start3A_65 = tpu.memref_slice %arg3[%add3A, %dma_start3A_59, %dma_start3A_64] : memref<32x125x80xi32, #tpu.memory_space<hbm>> -> memref<1x1x80xi32, #tpu.memory_space<hbm>>
    %dma_start3A_66 = tpu.memref_squeeze %dma_start3A_65 : memref<1x1x80xi32, #tpu.memory_space<hbm>> -> memref<80xi32, #tpu.memory_space<hbm>>
    %dma_start3A_67 = arith.constant 0 : i32
    %dma_start3A_68 = tpu.memref_slice %arg6[%dma_start3A_60, %dma_start3A_67] : memref<4x80xi32, #tpu.memory_space<vmem>> -> memref<1x80xi32, #tpu.memory_space<vmem>>
    %dma_start3A_69 = tpu.memref_squeeze %dma_start3A_68 : memref<1x80xi32, #tpu.memory_space<vmem>> -> memref<80xi32, #tpu.memory_space<vmem>>
    %dma_start3A_70 = arith.constant 0 : i32
    %dma_start3A_71 = tpu.memref_slice %arg3[%add3A, %dma_start3A_59, %dma_start3A_70] : memref<32x125x80xi32, #tpu.memory_space<hbm>> -> memref<1x1x80xi32, #tpu.memory_space<hbm>>
    %dma_start3A_72 = tpu.memref_squeeze %dma_start3A_71 : memref<1x1x80xi32, #tpu.memory_space<hbm>> -> memref<80xi32, #tpu.memory_space<hbm>>
    tpu.enqueue_dma source(%dma_start3A_72 : memref<80xi32, #tpu.memory_space<hbm>>) target(%dma_start3A_69 : memref<80xi32, #tpu.memory_space<vmem>>) target_semaphore(%arg18 : memref<!tpu.dma_semaphore, #tpu.memory_space<semaphore_mem>>)
    %dma_start3A_73 = arith.constant 1 : i32
    %dma_start3A_74 = arith.constant 1 : i32
    %dma_start3A_75 = arith.constant 0 : i32
    %dma_start3A_76 = tpu.memref_slice %arg7[%dma_start3A_74, %dma_start3A_75] : memref<4x80xi32, #tpu.memory_space<vmem>> -> memref<1x80xi32, #tpu.memory_space<vmem>>
    %dma_start3A_77 = tpu.memref_squeeze %dma_start3A_76 : memref<1x80xi32, #tpu.memory_space<vmem>> -> memref<80xi32, #tpu.memory_space<vmem>>
    %dma_start3A_78 = arith.constant 0 : i32
    %dma_start3A_79 = tpu.memref_slice %arg4[%add3A, %dma_start3A_73, %dma_start3A_78] : memref<32x125x80xi32, #tpu.memory_space<hbm>> -> memref<1x1x80xi32, #tpu.memory_space<hbm>>
    %dma_start3A_80 = tpu.memref_squeeze %dma_start3A_79 : memref<1x1x80xi32, #tpu.memory_space<hbm>> -> memref<80xi32, #tpu.memory_space<hbm>>
    %dma_start3A_81 = arith.constant 0 : i32
    %dma_start3A_82 = tpu.memref_slice %arg7[%dma_start3A_74, %dma_start3A_81] : memref<4x80xi32, #tpu.memory_space<vmem>> -> memref<1x80xi32, #tpu.memory_space<vmem>>
    %dma_start3A_83 = tpu.memref_squeeze %dma_start3A_82 : memref<1x80xi32, #tpu.memory_space<vmem>> -> memref<80xi32, #tpu.memory_space<vmem>>
    %dma_start3A_84 = arith.constant 0 : i32
    %dma_start3A_85 = tpu.memref_slice %arg4[%add3A, %dma_start3A_73, %dma_start3A_84] : memref<32x125x80xi32, #tpu.memory_space<hbm>> -> memref<1x1x80xi32, #tpu.memory_space<hbm>>
    %dma_start3A_86 = tpu.memref_squeeze %dma_start3A_85 : memref<1x1x80xi32, #tpu.memory_space<hbm>> -> memref<80xi32, #tpu.memory_space<hbm>>
    tpu.enqueue_dma source(%dma_start3A_86 : memref<80xi32, #tpu.memory_space<hbm>>) target(%dma_start3A_83 : memref<80xi32, #tpu.memory_space<vmem>>) target_semaphore(%arg23 : memref<!tpu.dma_semaphore, #tpu.memory_space<semaphore_mem>>)
    %dma_start3A_87 = arith.constant 1 : i32
    %dma_start3A_88 = arith.constant 1 : i32
    %dma_start3A_89 = arith.constant 0 : i32
    %dma_start3A_90 = tpu.memref_slice %arg6[%dma_start3A_88, %dma_start3A_89] : memref<4x80xi32, #tpu.memory_space<vmem>> -> memref<1x80xi32, #tpu.memory_space<vmem>>
    %dma_start3A_91 = tpu.memref_squeeze %dma_start3A_90 : memref<1x80xi32, #tpu.memory_space<vmem>> -> memref<80xi32, #tpu.memory_space<vmem>>
    %dma_start3A_92 = arith.constant 0 : i32
    %dma_start3A_93 = tpu.memref_slice %arg3[%add3A, %dma_start3A_87, %dma_start3A_92] : memref<32x125x80xi32, #tpu.memory_space<hbm>> -> memref<1x1x80xi32, #tpu.memory_space<hbm>>
    %dma_start3A_94 = tpu.memref_squeeze %dma_start3A_93 : memref<1x1x80xi32, #tpu.memory_space<hbm>> -> memref<80xi32, #tpu.memory_space<hbm>>
    %dma_start3A_95 = arith.constant 0 : i32
    %dma_start3A_96 = tpu.memref_slice %arg6[%dma_start3A_88, %dma_start3A_95] : memref<4x80xi32, #tpu.memory_space<vmem>> -> memref<1x80xi32, #tpu.memory_space<vmem>>
    %dma_start3A_97 = tpu.memref_squeeze %dma_start3A_96 : memref<1x80xi32, #tpu.memory_space<vmem>> -> memref<80xi32, #tpu.memory_space<vmem>>
    %dma_start3A_98 = arith.constant 0 : i32
    %dma_start3A_99 = tpu.memref_slice %arg3[%add3A, %dma_start3A_87, %dma_start3A_98] : memref<32x125x80xi32, #tpu.memory_space<hbm>> -> memref<1x1x80xi32, #tpu.memory_space<hbm>>
    %dma_start3A_100 = tpu.memref_squeeze %dma_start3A_99 : memref<1x1x80xi32, #tpu.memory_space<hbm>> -> memref<80xi32, #tpu.memory_space<hbm>>
    tpu.enqueue_dma source(%dma_start3A_100 : memref<80xi32, #tpu.memory_space<hbm>>) target(%dma_start3A_97 : memref<80xi32, #tpu.memory_space<vmem>>) target_semaphore(%arg19 : memref<!tpu.dma_semaphore, #tpu.memory_space<semaphore_mem>>)
    %dma_start3A_101 = arith.constant 2 : i32
    %dma_start3A_102 = arith.constant 2 : i32
    %dma_start3A_103 = arith.constant 0 : i32
    %dma_start3A_104 = tpu.memref_slice %arg7[%dma_start3A_102, %dma_start3A_103] : memref<4x80xi32, #tpu.memory_space<vmem>> -> memref<1x80xi32, #tpu.memory_space<vmem>>
    %dma_start3A_105 = tpu.memref_squeeze %dma_start3A_104 : memref<1x80xi32, #tpu.memory_space<vmem>> -> memref<80xi32, #tpu.memory_space<vmem>>
    %dma_start3A_106 = arith.constant 0 : i32
    %dma_start3A_107 = tpu.memref_slice %arg4[%add3A, %dma_start3A_101, %dma_start3A_106] : memref<32x125x80xi32, #tpu.memory_space<hbm>> -> memref<1x1x80xi32, #tpu.memory_space<hbm>>
    %dma_start3A_108 = tpu.memref_squeeze %dma_start3A_107 : memref<1x1x80xi32, #tpu.memory_space<hbm>> -> memref<80xi32, #tpu.memory_space<hbm>>
    %dma_start3A_109 = arith.constant 0 : i32
    %dma_start3A_110 = tpu.memref_slice %arg7[%dma_start3A_102, %dma_start3A_109] : memref<4x80xi32, #tpu.memory_space<vmem>> -> memref<1x80xi32, #tpu.memory_space<vmem>>
    %dma_start3A_111 = tpu.memref_squeeze %dma_start3A_110 : memref<1x80xi32, #tpu.memory_space<vmem>> -> memref<80xi32, #tpu.memory_space<vmem>>
    %dma_start3A_112 = arith.constant 0 : i32
    %dma_start3A_113 = tpu.memref_slice %arg4[%add3A, %dma_start3A_101, %dma_start3A_112] : memref<32x125x80xi32, #tpu.memory_space<hbm>> -> memref<1x1x80xi32, #tpu.memory_space<hbm>>
    %dma_start3A_114 = tpu.memref_squeeze %dma_start3A_113 : memref<1x1x80xi32, #tpu.memory_space<hbm>> -> memref<80xi32, #tpu.memory_space<hbm>>
    tpu.enqueue_dma source(%dma_start3A_114 : memref<80xi32, #tpu.memory_space<hbm>>) target(%dma_start3A_111 : memref<80xi32, #tpu.memory_space<vmem>>) target_semaphore(%arg24 : memref<!tpu.dma_semaphore, #tpu.memory_space<semaphore_mem>>)
    %dma_start3A_115 = arith.constant 2 : i32
    %dma_start3A_116 = arith.constant 2 : i32
    %dma_start3A_117 = arith.constant 0 : i32
    %dma_start3A_118 = tpu.memref_slice %arg6[%dma_start3A_116, %dma_start3A_117] : memref<4x80xi32, #tpu.memory_space<vmem>> -> memref<1x80xi32, #tpu.memory_space<vmem>>
    %dma_start3A_119 = tpu.memref_squeeze %dma_start3A_118 : memref<1x80xi32, #tpu.memory_space<vmem>> -> memref<80xi32, #tpu.memory_space<vmem>>
    %dma_start3A_120 = arith.constant 0 : i32
    %dma_start3A_121 = tpu.memref_slice %arg3[%add3A, %dma_start3A_115, %dma_start3A_120] : memref<32x125x80xi32, #tpu.memory_space<hbm>> -> memref<1x1x80xi32, #tpu.memory_space<hbm>>
    %dma_start3A_122 = tpu.memref_squeeze %dma_start3A_121 : memref<1x1x80xi32, #tpu.memory_space<hbm>> -> memref<80xi32, #tpu.memory_space<hbm>>
    %dma_start3A_123 = arith.constant 0 : i32
    %dma_start3A_124 = tpu.memref_slice %arg6[%dma_start3A_116, %dma_start3A_123] : memref<4x80xi32, #tpu.memory_space<vmem>> -> memref<1x80xi32, #tpu.memory_space<vmem>>
    %dma_start3A_125 = tpu.memref_squeeze %dma_start3A_124 : memref<1x80xi32, #tpu.memory_space<vmem>> -> memref<80xi32, #tpu.memory_space<vmem>>
    %dma_start3A_126 = arith.constant 0 : i32
    %dma_start3A_127 = tpu.memref_slice %arg3[%add3A, %dma_start3A_115, %dma_start3A_126] : memref<32x125x80xi32, #tpu.memory_space<hbm>> -> memref<1x1x80xi32, #tpu.memory_space<hbm>>
    %dma_start3A_128 = tpu.memref_squeeze %dma_start3A_127 : memref<1x1x80xi32, #tpu.memory_space<hbm>> -> memref<80xi32, #tpu.memory_space<hbm>>
    tpu.enqueue_dma source(%dma_start3A_128 : memref<80xi32, #tpu.memory_space<hbm>>) target(%dma_start3A_125 : memref<80xi32, #tpu.memory_space<vmem>>) target_semaphore(%arg20 : memref<!tpu.dma_semaphore, #tpu.memory_space<semaphore_mem>>)
    %dma_start3A_129 = arith.constant 3 : i32
    %dma_start3A_130 = arith.constant 3 : i32
    %dma_start3A_131 = arith.constant 0 : i32
    %dma_start3A_132 = tpu.memref_slice %arg7[%dma_start3A_130, %dma_start3A_131] : memref<4x80xi32, #tpu.memory_space<vmem>> -> memref<1x80xi32, #tpu.memory_space<vmem>>
    %dma_start3A_133 = tpu.memref_squeeze %dma_start3A_132 : memref<1x80xi32, #tpu.memory_space<vmem>> -> memref<80xi32, #tpu.memory_space<vmem>>
    %dma_start3A_134 = arith.constant 0 : i32
    %dma_start3A_135 = tpu.memref_slice %arg4[%add3A, %dma_start3A_129, %dma_start3A_134] : memref<32x125x80xi32, #tpu.memory_space<hbm>> -> memref<1x1x80xi32, #tpu.memory_space<hbm>>
    %dma_start3A_136 = tpu.memref_squeeze %dma_start3A_135 : memref<1x1x80xi32, #tpu.memory_space<hbm>> -> memref<80xi32, #tpu.memory_space<hbm>>
    %dma_start3A_137 = arith.constant 0 : i32
    %dma_start3A_138 = tpu.memref_slice %arg7[%dma_start3A_130, %dma_start3A_137] : memref<4x80xi32, #tpu.memory_space<vmem>> -> memref<1x80xi32, #tpu.memory_space<vmem>>
    %dma_start3A_139 = tpu.memref_squeeze %dma_start3A_138 : memref<1x80xi32, #tpu.memory_space<vmem>> -> memref<80xi32, #tpu.memory_space<vmem>>
    %dma_start3A_140 = arith.constant 0 : i32
    %dma_start3A_141 = tpu.memref_slice %arg4[%add3A, %dma_start3A_129, %dma_start3A_140] : memref<32x125x80xi32, #tpu.memory_space<hbm>> -> memref<1x1x80xi32, #tpu.memory_space<hbm>>
    %dma_start3A_142 = tpu.memref_squeeze %dma_start3A_141 : memref<1x1x80xi32, #tpu.memory_space<hbm>> -> memref<80xi32, #tpu.memory_space<hbm>>
    tpu.enqueue_dma source(%dma_start3A_142 : memref<80xi32, #tpu.memory_space<hbm>>) target(%dma_start3A_139 : memref<80xi32, #tpu.memory_space<vmem>>) target_semaphore(%arg25 : memref<!tpu.dma_semaphore, #tpu.memory_space<semaphore_mem>>)
    %dma_start3A_143 = arith.constant 3 : i32
    %dma_start3A_144 = arith.constant 3 : i32
    %dma_start3A_145 = arith.constant 0 : i32
    %dma_start3A_146 = tpu.memref_slice %arg6[%dma_start3A_144, %dma_start3A_145] : memref<4x80xi32, #tpu.memory_space<vmem>> -> memref<1x80xi32, #tpu.memory_space<vmem>>
    %dma_start3A_147 = tpu.memref_squeeze %dma_start3A_146 : memref<1x80xi32, #tpu.memory_space<vmem>> -> memref<80xi32, #tpu.memory_space<vmem>>
    %dma_start3A_148 = arith.constant 0 : i32
    %dma_start3A_149 = tpu.memref_slice %arg3[%add3A, %dma_start3A_143, %dma_start3A_148] : memref<32x125x80xi32, #tpu.memory_space<hbm>> -> memref<1x1x80xi32, #tpu.memory_space<hbm>>
    %dma_start3A_150 = tpu.memref_squeeze %dma_start3A_149 : memref<1x1x80xi32, #tpu.memory_space<hbm>> -> memref<80xi32, #tpu.memory_space<hbm>>
    %dma_start3A_151 = arith.constant 0 : i32
    %dma_start3A_152 = tpu.memref_slice %arg6[%dma_start3A_144, %dma_start3A_151] : memref<4x80xi32, #tpu.memory_space<vmem>> -> memref<1x80xi32, #tpu.memory_space<vmem>>
    %dma_start3A_153 = tpu.memref_squeeze %dma_start3A_152 : memref<1x80xi32, #tpu.memory_space<vmem>> -> memref<80xi32, #tpu.memory_space<vmem>>
    %dma_start3A_154 = arith.constant 0 : i32
    %dma_start3A_155 = tpu.memref_slice %arg3[%add3A, %dma_start3A_143, %dma_start3A_154] : memref<32x125x80xi32, #tpu.memory_space<hbm>> -> memref<1x1x80xi32, #tpu.memory_space<hbm>>
    %dma_start3A_156 = tpu.memref_squeeze %dma_start3A_155 : memref<1x1x80xi32, #tpu.memory_space<hbm>> -> memref<80xi32, #tpu.memory_space<hbm>>
    tpu.enqueue_dma source(%dma_start3A_156 : memref<80xi32, #tpu.memory_space<hbm>>) target(%dma_start3A_153 : memref<80xi32, #tpu.memory_space<vmem>>) target_semaphore(%arg21 : memref<!tpu.dma_semaphore, #tpu.memory_space<semaphore_mem>>)
    %dma_wait3A = arith.constant 0 : i32
    %dma_wait3A_157 = arith.constant 0 : i32
    %dma_wait3A_158 = arith.constant 0 : i32
    %dma_wait3A_159 = arith.constant 0 : i32
    %dma_wait3A_160 = tpu.memref_slice %arg6[%dma_wait3A_158, %dma_wait3A_159] : memref<4x80xi32, #tpu.memory_space<vmem>> -> memref<1x80xi32, #tpu.memory_space<vmem>>
    %dma_wait3A_161 = tpu.memref_squeeze %dma_wait3A_160 : memref<1x80xi32, #tpu.memory_space<vmem>> -> memref<80xi32, #tpu.memory_space<vmem>>
    %dma_wait3A_162 = arith.constant 0 : i32
    %dma_wait3A_163 = tpu.memref_slice %arg3[%dma_wait3A, %dma_wait3A_157, %dma_wait3A_162] : memref<32x125x80xi32, #tpu.memory_space<hbm>> -> memref<1x1x80xi32, #tpu.memory_space<hbm>>
    %dma_wait3A_164 = tpu.memref_squeeze %dma_wait3A_163 : memref<1x1x80xi32, #tpu.memory_space<hbm>> -> memref<80xi32, #tpu.memory_space<hbm>>
    %dma_wait3A_165 = arith.constant 0 : i32
    %dma_wait3A_166 = tpu.memref_slice %arg6[%dma_wait3A_158, %dma_wait3A_165] : memref<4x80xi32, #tpu.memory_space<vmem>> -> memref<1x80xi32, #tpu.memory_space<vmem>>
    %dma_wait3A_167 = tpu.memref_squeeze %dma_wait3A_166 : memref<1x80xi32, #tpu.memory_space<vmem>> -> memref<80xi32, #tpu.memory_space<vmem>>
    %dma_wait3A_168 = arith.constant 0 : i32
    %dma_wait3A_169 = tpu.memref_slice %arg3[%dma_wait3A, %dma_wait3A_157, %dma_wait3A_168] : memref<32x125x80xi32, #tpu.memory_space<hbm>> -> memref<1x1x80xi32, #tpu.memory_space<hbm>>
    %dma_wait3A_170 = tpu.memref_squeeze %dma_wait3A_169 : memref<1x1x80xi32, #tpu.memory_space<hbm>> -> memref<80xi32, #tpu.memory_space<hbm>>
    tpu.wait_dma2 semaphore(%arg18 : memref<!tpu.dma_semaphore, #tpu.memory_space<semaphore_mem>>) src(%dma_wait3A_170 : memref<80xi32, #tpu.memory_space<hbm>>) dst(%dma_wait3A_167 : memref<80xi32, #tpu.memory_space<vmem>>)
    %dma_start3A_171 = arith.constant 0 : i32
    %dma_start3A_172 = arith.constant 0 : i32
    %dma_start3A_173 = arith.constant 0 : i32
    %dma_start3A_174 = arith.constant 0 : i32
    %dma_start3A_175 = tpu.memref_slice %arg8[%dma_start3A_172, %dma_start3A_173, %dma_start3A_174] : memref<4x80x128xf32, #tpu.memory_space<vmem>> -> memref<1x80x128xf32, #tpu.memory_space<vmem>>
    %dma_start3A_176 = tpu.memref_squeeze %dma_start3A_175 : memref<1x80x128xf32, #tpu.memory_space<vmem>> -> memref<80x128xf32, #tpu.memory_space<vmem>>
    %dma_start3A_177 = arith.constant 0 : i32
    %dma_start3A_178 = tpu.memref_slice %arg6[%dma_start3A_171, %dma_start3A_177] : memref<4x80xi32, #tpu.memory_space<vmem>> -> memref<1x80xi32, #tpu.memory_space<vmem>>
    %dma_start3A_179 = tpu.memref_squeeze %dma_start3A_178 : memref<1x80xi32, #tpu.memory_space<vmem>> -> memref<80xi32, #tpu.memory_space<vmem>>
    %dma_start3A_180 = arith.constant 0 : i32
    %dma_start3A_181 = arith.constant 0 : i32
    %dma_start3A_182 = tpu.memref_slice %arg2[%dma_start3A_180, %dma_start3A_181] : memref<10000x128xf32, #tpu.memory_space<hbm>> -> memref<10000x128xf32, #tpu.memory_space<hbm>>
    tpu.enqueue_indirect_dma source(%dma_start3A_182 : memref<10000x128xf32, #tpu.memory_space<hbm>>) target(%dma_start3A_176 : memref<80x128xf32, #tpu.memory_space<vmem>>) offsets(%dma_start3A_179 : memref<80xi32, #tpu.memory_space<vmem>>) semaphore(%arg10 : memref<!tpu.dma_semaphore, #tpu.memory_space<semaphore_mem>>)
    %dma_wait3A_183 = arith.constant 0 : i32
    %dma_wait3A_184 = arith.constant 0 : i32
    %dma_wait3A_185 = arith.constant 1 : i32
    %dma_wait3A_186 = arith.constant 0 : i32
    %dma_wait3A_187 = tpu.memref_slice %arg6[%dma_wait3A_185, %dma_wait3A_186] : memref<4x80xi32, #tpu.memory_space<vmem>> -> memref<1x80xi32, #tpu.memory_space<vmem>>
    %dma_wait3A_188 = tpu.memref_squeeze %dma_wait3A_187 : memref<1x80xi32, #tpu.memory_space<vmem>> -> memref<80xi32, #tpu.memory_space<vmem>>
    %dma_wait3A_189 = arith.constant 0 : i32
    %dma_wait3A_190 = tpu.memref_slice %arg3[%dma_wait3A_183, %dma_wait3A_184, %dma_wait3A_189] : memref<32x125x80xi32, #tpu.memory_space<hbm>> -> memref<1x1x80xi32, #tpu.memory_space<hbm>>
    %dma_wait3A_191 = tpu.memref_squeeze %dma_wait3A_190 : memref<1x1x80xi32, #tpu.memory_space<hbm>> -> memref<80xi32, #tpu.memory_space<hbm>>
    %dma_wait3A_192 = arith.constant 0 : i32
    %dma_wait3A_193 = tpu.memref_slice %arg6[%dma_wait3A_185, %dma_wait3A_192] : memref<4x80xi32, #tpu.memory_space<vmem>> -> memref<1x80xi32, #tpu.memory_space<vmem>>
    %dma_wait3A_194 = tpu.memref_squeeze %dma_wait3A_193 : memref<1x80xi32, #tpu.memory_space<vmem>> -> memref<80xi32, #tpu.memory_space<vmem>>
    %dma_wait3A_195 = arith.constant 0 : i32
    %dma_wait3A_196 = tpu.memref_slice %arg3[%dma_wait3A_183, %dma_wait3A_184, %dma_wait3A_195] : memref<32x125x80xi32, #tpu.memory_space<hbm>> -> memref<1x1x80xi32, #tpu.memory_space<hbm>>
    %dma_wait3A_197 = tpu.memref_squeeze %dma_wait3A_196 : memref<1x1x80xi32, #tpu.memory_space<hbm>> -> memref<80xi32, #tpu.memory_space<hbm>>
    tpu.wait_dma2 semaphore(%arg19 : memref<!tpu.dma_semaphore, #tpu.memory_space<semaphore_mem>>) src(%dma_wait3A_197 : memref<80xi32, #tpu.memory_space<hbm>>) dst(%dma_wait3A_194 : memref<80xi32, #tpu.memory_space<vmem>>)
    %dma_start3A_198 = arith.constant 1 : i32
    %dma_start3A_199 = arith.constant 1 : i32
    %dma_start3A_200 = arith.constant 0 : i32
    %dma_start3A_201 = arith.constant 0 : i32
    %dma_start3A_202 = tpu.memref_slice %arg8[%dma_start3A_199, %dma_start3A_200, %dma_start3A_201] : memref<4x80x128xf32, #tpu.memory_space<vmem>> -> memref<1x80x128xf32, #tpu.memory_space<vmem>>
    %dma_start3A_203 = tpu.memref_squeeze %dma_start3A_202 : memref<1x80x128xf32, #tpu.memory_space<vmem>> -> memref<80x128xf32, #tpu.memory_space<vmem>>
    %dma_start3A_204 = arith.constant 0 : i32
    %dma_start3A_205 = tpu.memref_slice %arg6[%dma_start3A_198, %dma_start3A_204] : memref<4x80xi32, #tpu.memory_space<vmem>> -> memref<1x80xi32, #tpu.memory_space<vmem>>
    %dma_start3A_206 = tpu.memref_squeeze %dma_start3A_205 : memref<1x80xi32, #tpu.memory_space<vmem>> -> memref<80xi32, #tpu.memory_space<vmem>>
    %dma_start3A_207 = arith.constant 0 : i32
    %dma_start3A_208 = arith.constant 0 : i32
    %dma_start3A_209 = tpu.memref_slice %arg2[%dma_start3A_207, %dma_start3A_208] : memref<10000x128xf32, #tpu.memory_space<hbm>> -> memref<10000x128xf32, #tpu.memory_space<hbm>>
    tpu.enqueue_indirect_dma source(%dma_start3A_209 : memref<10000x128xf32, #tpu.memory_space<hbm>>) target(%dma_start3A_203 : memref<80x128xf32, #tpu.memory_space<vmem>>) offsets(%dma_start3A_206 : memref<80xi32, #tpu.memory_space<vmem>>) semaphore(%arg11 : memref<!tpu.dma_semaphore, #tpu.memory_space<semaphore_mem>>)
    %dma_wait3A_210 = arith.constant 0 : i32
    %dma_wait3A_211 = arith.constant 0 : i32
    %dma_wait3A_212 = arith.constant 2 : i32
    %dma_wait3A_213 = arith.constant 0 : i32
    %dma_wait3A_214 = tpu.memref_slice %arg6[%dma_wait3A_212, %dma_wait3A_213] : memref<4x80xi32, #tpu.memory_space<vmem>> -> memref<1x80xi32, #tpu.memory_space<vmem>>
    %dma_wait3A_215 = tpu.memref_squeeze %dma_wait3A_214 : memref<1x80xi32, #tpu.memory_space<vmem>> -> memref<80xi32, #tpu.memory_space<vmem>>
    %dma_wait3A_216 = arith.constant 0 : i32
    %dma_wait3A_217 = tpu.memref_slice %arg3[%dma_wait3A_210, %dma_wait3A_211, %dma_wait3A_216] : memref<32x125x80xi32, #tpu.memory_space<hbm>> -> memref<1x1x80xi32, #tpu.memory_space<hbm>>
    %dma_wait3A_218 = tpu.memref_squeeze %dma_wait3A_217 : memref<1x1x80xi32, #tpu.memory_space<hbm>> -> memref<80xi32, #tpu.memory_space<hbm>>
    %dma_wait3A_219 = arith.constant 0 : i32
    %dma_wait3A_220 = tpu.memref_slice %arg6[%dma_wait3A_212, %dma_wait3A_219] : memref<4x80xi32, #tpu.memory_space<vmem>> -> memref<1x80xi32, #tpu.memory_space<vmem>>
    %dma_wait3A_221 = tpu.memref_squeeze %dma_wait3A_220 : memref<1x80xi32, #tpu.memory_space<vmem>> -> memref<80xi32, #tpu.memory_space<vmem>>
    %dma_wait3A_222 = arith.constant 0 : i32
    %dma_wait3A_223 = tpu.memref_slice %arg3[%dma_wait3A_210, %dma_wait3A_211, %dma_wait3A_222] : memref<32x125x80xi32, #tpu.memory_space<hbm>> -> memref<1x1x80xi32, #tpu.memory_space<hbm>>
    %dma_wait3A_224 = tpu.memref_squeeze %dma_wait3A_223 : memref<1x1x80xi32, #tpu.memory_space<hbm>> -> memref<80xi32, #tpu.memory_space<hbm>>
    tpu.wait_dma2 semaphore(%arg20 : memref<!tpu.dma_semaphore, #tpu.memory_space<semaphore_mem>>) src(%dma_wait3A_224 : memref<80xi32, #tpu.memory_space<hbm>>) dst(%dma_wait3A_221 : memref<80xi32, #tpu.memory_space<vmem>>)
    %dma_start3A_225 = arith.constant 2 : i32
    %dma_start3A_226 = arith.constant 2 : i32
    %dma_start3A_227 = arith.constant 0 : i32
    %dma_start3A_228 = arith.constant 0 : i32
    %dma_start3A_229 = tpu.memref_slice %arg8[%dma_start3A_226, %dma_start3A_227, %dma_start3A_228] : memref<4x80x128xf32, #tpu.memory_space<vmem>> -> memref<1x80x128xf32, #tpu.memory_space<vmem>>
    %dma_start3A_230 = tpu.memref_squeeze %dma_start3A_229 : memref<1x80x128xf32, #tpu.memory_space<vmem>> -> memref<80x128xf32, #tpu.memory_space<vmem>>
    %dma_start3A_231 = arith.constant 0 : i32
    %dma_start3A_232 = tpu.memref_slice %arg6[%dma_start3A_225, %dma_start3A_231] : memref<4x80xi32, #tpu.memory_space<vmem>> -> memref<1x80xi32, #tpu.memory_space<vmem>>
    %dma_start3A_233 = tpu.memref_squeeze %dma_start3A_232 : memref<1x80xi32, #tpu.memory_space<vmem>> -> memref<80xi32, #tpu.memory_space<vmem>>
    %dma_start3A_234 = arith.constant 0 : i32
    %dma_start3A_235 = arith.constant 0 : i32
    %dma_start3A_236 = tpu.memref_slice %arg2[%dma_start3A_234, %dma_start3A_235] : memref<10000x128xf32, #tpu.memory_space<hbm>> -> memref<10000x128xf32, #tpu.memory_space<hbm>>
    tpu.enqueue_indirect_dma source(%dma_start3A_236 : memref<10000x128xf32, #tpu.memory_space<hbm>>) target(%dma_start3A_230 : memref<80x128xf32, #tpu.memory_space<vmem>>) offsets(%dma_start3A_233 : memref<80xi32, #tpu.memory_space<vmem>>) semaphore(%arg12 : memref<!tpu.dma_semaphore, #tpu.memory_space<semaphore_mem>>)
    %dma_wait3A_237 = arith.constant 0 : i32
    %dma_wait3A_238 = arith.constant 0 : i32
    %dma_wait3A_239 = arith.constant 3 : i32
    %dma_wait3A_240 = arith.constant 0 : i32
    %dma_wait3A_241 = tpu.memref_slice %arg6[%dma_wait3A_239, %dma_wait3A_240] : memref<4x80xi32, #tpu.memory_space<vmem>> -> memref<1x80xi32, #tpu.memory_space<vmem>>
    %dma_wait3A_242 = tpu.memref_squeeze %dma_wait3A_241 : memref<1x80xi32, #tpu.memory_space<vmem>> -> memref<80xi32, #tpu.memory_space<vmem>>
    %dma_wait3A_243 = arith.constant 0 : i32
    %dma_wait3A_244 = tpu.memref_slice %arg3[%dma_wait3A_237, %dma_wait3A_238, %dma_wait3A_243] : memref<32x125x80xi32, #tpu.memory_space<hbm>> -> memref<1x1x80xi32, #tpu.memory_space<hbm>>
    %dma_wait3A_245 = tpu.memref_squeeze %dma_wait3A_244 : memref<1x1x80xi32, #tpu.memory_space<hbm>> -> memref<80xi32, #tpu.memory_space<hbm>>
    %dma_wait3A_246 = arith.constant 0 : i32
    %dma_wait3A_247 = tpu.memref_slice %arg6[%dma_wait3A_239, %dma_wait3A_246] : memref<4x80xi32, #tpu.memory_space<vmem>> -> memref<1x80xi32, #tpu.memory_space<vmem>>
    %dma_wait3A_248 = tpu.memref_squeeze %dma_wait3A_247 : memref<1x80xi32, #tpu.memory_space<vmem>> -> memref<80xi32, #tpu.memory_space<vmem>>
    %dma_wait3A_249 = arith.constant 0 : i32
    %dma_wait3A_250 = tpu.memref_slice %arg3[%dma_wait3A_237, %dma_wait3A_238, %dma_wait3A_249] : memref<32x125x80xi32, #tpu.memory_space<hbm>> -> memref<1x1x80xi32, #tpu.memory_space<hbm>>
    %dma_wait3A_251 = tpu.memref_squeeze %dma_wait3A_250 : memref<1x1x80xi32, #tpu.memory_space<hbm>> -> memref<80xi32, #tpu.memory_space<hbm>>
    tpu.wait_dma2 semaphore(%arg21 : memref<!tpu.dma_semaphore, #tpu.memory_space<semaphore_mem>>) src(%dma_wait3A_251 : memref<80xi32, #tpu.memory_space<hbm>>) dst(%dma_wait3A_248 : memref<80xi32, #tpu.memory_space<vmem>>)
    %dma_start3A_252 = arith.constant 3 : i32
    %dma_start3A_253 = arith.constant 3 : i32
    %dma_start3A_254 = arith.constant 0 : i32
    %dma_start3A_255 = arith.constant 0 : i32
    %dma_start3A_256 = tpu.memref_slice %arg8[%dma_start3A_253, %dma_start3A_254, %dma_start3A_255] : memref<4x80x128xf32, #tpu.memory_space<vmem>> -> memref<1x80x128xf32, #tpu.memory_space<vmem>>
    %dma_start3A_257 = tpu.memref_squeeze %dma_start3A_256 : memref<1x80x128xf32, #tpu.memory_space<vmem>> -> memref<80x128xf32, #tpu.memory_space<vmem>>
    %dma_start3A_258 = arith.constant 0 : i32
    %dma_start3A_259 = tpu.memref_slice %arg6[%dma_start3A_252, %dma_start3A_258] : memref<4x80xi32, #tpu.memory_space<vmem>> -> memref<1x80xi32, #tpu.memory_space<vmem>>
    %dma_start3A_260 = tpu.memref_squeeze %dma_start3A_259 : memref<1x80xi32, #tpu.memory_space<vmem>> -> memref<80xi32, #tpu.memory_space<vmem>>
    %dma_start3A_261 = arith.constant 0 : i32
    %dma_start3A_262 = arith.constant 0 : i32
    %dma_start3A_263 = tpu.memref_slice %arg2[%dma_start3A_261, %dma_start3A_262] : memref<10000x128xf32, #tpu.memory_space<hbm>> -> memref<10000x128xf32, #tpu.memory_space<hbm>>
    tpu.enqueue_indirect_dma source(%dma_start3A_263 : memref<10000x128xf32, #tpu.memory_space<hbm>>) target(%dma_start3A_257 : memref<80x128xf32, #tpu.memory_space<vmem>>) offsets(%dma_start3A_260 : memref<80xi32, #tpu.memory_space<vmem>>) semaphore(%arg13 : memref<!tpu.dma_semaphore, #tpu.memory_space<semaphore_mem>>)
    %scan3A_264 = arith.constant 0 : i32
    %scan3A_265 = arith.constant 0 : i32
    %scan3A_266 = arith.constant 31 : i32
    %scan3A_267 = arith.addi %scan3A_265, %scan3A_266 : i32
    %scan3A_268 = arith.constant 1 : i32
    scf.for %scan3A_407 = %scan3A_265 to %scan3A_267 step %scan3A_268  : i32 {
      %mul3A_408 = arith.constant 4 : i32
      %mul3A_409 = arith.muli %mul3A_408, %scan3A_407 : i32
      %dma_wait3A_410 = arith.constant 0 : i32
      %dma_wait3A_411 = arith.constant 0 : i32
      %dma_wait3A_412 = arith.constant 0 : i32
      %dma_wait3A_413 = arith.constant 0 : i32
      %dma_wait3A_414 = tpu.memref_slice %arg8[%dma_wait3A_411, %dma_wait3A_412, %dma_wait3A_413] : memref<4x80x128xf32, #tpu.memory_space<vmem>> -> memref<1x80x128xf32, #tpu.memory_space<vmem>>
      %dma_wait3A_415 = tpu.memref_squeeze %dma_wait3A_414 : memref<1x80x128xf32, #tpu.memory_space<vmem>> -> memref<80x128xf32, #tpu.memory_space<vmem>>
      %dma_wait3A_416 = arith.constant 0 : i32
      %dma_wait3A_417 = tpu.memref_slice %arg6[%dma_wait3A_410, %dma_wait3A_416] : memref<4x80xi32, #tpu.memory_space<vmem>> -> memref<1x80xi32, #tpu.memory_space<vmem>>
      %dma_wait3A_418 = tpu.memref_squeeze %dma_wait3A_417 : memref<1x80xi32, #tpu.memory_space<vmem>> -> memref<80xi32, #tpu.memory_space<vmem>>
      %dma_wait3A_419 = arith.constant 0 : i32
      %dma_wait3A_420 = arith.constant 0 : i32
      %dma_wait3A_421 = tpu.memref_slice %arg2[%dma_wait3A_419, %dma_wait3A_420] : memref<10000x128xf32, #tpu.memory_space<hbm>> -> memref<10000x128xf32, #tpu.memory_space<hbm>>
      tpu.wait_indirect_dma semaphore(%arg10 : memref<!tpu.dma_semaphore, #tpu.memory_space<semaphore_mem>>) src(%dma_wait3A_421 : memref<10000x128xf32, #tpu.memory_space<hbm>>) dst(%dma_wait3A_415 : memref<80x128xf32, #tpu.memory_space<vmem>>)
      %dma_wait3A_422 = arith.constant 0 : i32
      %dma_wait3A_423 = arith.constant 0 : i32
      %dma_wait3A_424 = arith.constant 0 : i32
      %dma_wait3A_425 = arith.constant 0 : i32
      %dma_wait3A_426 = tpu.memref_slice %arg7[%dma_wait3A_424, %dma_wait3A_425] : memref<4x80xi32, #tpu.memory_space<vmem>> -> memref<1x80xi32, #tpu.memory_space<vmem>>
      %dma_wait3A_427 = tpu.memref_squeeze %dma_wait3A_426 : memref<1x80xi32, #tpu.memory_space<vmem>> -> memref<80xi32, #tpu.memory_space<vmem>>
      %dma_wait3A_428 = arith.constant 0 : i32
      %dma_wait3A_429 = tpu.memref_slice %arg4[%dma_wait3A_422, %dma_wait3A_423, %dma_wait3A_428] : memref<32x125x80xi32, #tpu.memory_space<hbm>> -> memref<1x1x80xi32, #tpu.memory_space<hbm>>
      %dma_wait3A_430 = tpu.memref_squeeze %dma_wait3A_429 : memref<1x1x80xi32, #tpu.memory_space<hbm>> -> memref<80xi32, #tpu.memory_space<hbm>>
      %dma_wait3A_431 = arith.constant 0 : i32
      %dma_wait3A_432 = tpu.memref_slice %arg7[%dma_wait3A_424, %dma_wait3A_431] : memref<4x80xi32, #tpu.memory_space<vmem>> -> memref<1x80xi32, #tpu.memory_space<vmem>>
      %dma_wait3A_433 = tpu.memref_squeeze %dma_wait3A_432 : memref<1x80xi32, #tpu.memory_space<vmem>> -> memref<80xi32, #tpu.memory_space<vmem>>
      %dma_wait3A_434 = arith.constant 0 : i32
      %dma_wait3A_435 = tpu.memref_slice %arg4[%dma_wait3A_422, %dma_wait3A_423, %dma_wait3A_434] : memref<32x125x80xi32, #tpu.memory_space<hbm>> -> memref<1x1x80xi32, #tpu.memory_space<hbm>>
      %dma_wait3A_436 = tpu.memref_squeeze %dma_wait3A_435 : memref<1x1x80xi32, #tpu.memory_space<hbm>> -> memref<80xi32, #tpu.memory_space<hbm>>
      tpu.wait_dma2 semaphore(%arg22 : memref<!tpu.dma_semaphore, #tpu.memory_space<semaphore_mem>>) src(%dma_wait3A_436 : memref<80xi32, #tpu.memory_space<hbm>>) dst(%dma_wait3A_433 : memref<80xi32, #tpu.memory_space<vmem>>)
      %dma_start3A_437 = arith.constant 0 : i32
      %dma_start3A_438 = arith.constant 0 : i32
      %dma_start3A_439 = arith.constant 0 : i32
      %dma_start3A_440 = arith.constant 0 : i32
      %dma_start3A_441 = tpu.memref_slice %arg8[%dma_start3A_437, %dma_start3A_439, %dma_start3A_440] : memref<4x80x128xf32, #tpu.memory_space<vmem>> -> memref<1x80x128xf32, #tpu.memory_space<vmem>>
      %dma_start3A_442 = tpu.memref_squeeze %dma_start3A_441 : memref<1x80x128xf32, #tpu.memory_space<vmem>> -> memref<80x128xf32, #tpu.memory_space<vmem>>
      %dma_start3A_443 = arith.constant 0 : i32
      %dma_start3A_444 = tpu.memref_slice %arg7[%dma_start3A_438, %dma_start3A_443] : memref<4x80xi32, #tpu.memory_space<vmem>> -> memref<1x80xi32, #tpu.memory_space<vmem>>
      %dma_start3A_445 = tpu.memref_squeeze %dma_start3A_444 : memref<1x80xi32, #tpu.memory_space<vmem>> -> memref<80xi32, #tpu.memory_space<vmem>>
      %dma_start3A_446 = arith.constant 0 : i32
      %dma_start3A_447 = arith.constant 0 : i32
      %dma_start3A_448 = tpu.memref_slice %arg9[%dma_start3A_446, %dma_start3A_447] : memref<10240x128xf32, #tpu.memory_space<vmem_shared>> -> memref<10240x128xf32, #tpu.memory_space<vmem_shared>>
      tpu.enqueue_indirect_dma source(%dma_start3A_442 : memref<80x128xf32, #tpu.memory_space<vmem>>) target(%dma_start3A_448 : memref<10240x128xf32, #tpu.memory_space<vmem_shared>>) offsets(%dma_start3A_445 : memref<80xi32, #tpu.memory_space<vmem>>) semaphore(%arg14 : memref<!tpu.dma_semaphore, #tpu.memory_space<semaphore_mem>>) {add = true}
      %dma_wait3A_449 = arith.constant 1 : i32
      %dma_wait3A_450 = arith.constant 1 : i32
      %dma_wait3A_451 = arith.constant 0 : i32
      %dma_wait3A_452 = arith.constant 0 : i32
      %dma_wait3A_453 = tpu.memref_slice %arg8[%dma_wait3A_450, %dma_wait3A_451, %dma_wait3A_452] : memref<4x80x128xf32, #tpu.memory_space<vmem>> -> memref<1x80x128xf32, #tpu.memory_space<vmem>>
      %dma_wait3A_454 = tpu.memref_squeeze %dma_wait3A_453 : memref<1x80x128xf32, #tpu.memory_space<vmem>> -> memref<80x128xf32, #tpu.memory_space<vmem>>
      %dma_wait3A_455 = arith.constant 0 : i32
      %dma_wait3A_456 = tpu.memref_slice %arg6[%dma_wait3A_449, %dma_wait3A_455] : memref<4x80xi32, #tpu.memory_space<vmem>> -> memref<1x80xi32, #tpu.memory_space<vmem>>
      %dma_wait3A_457 = tpu.memref_squeeze %dma_wait3A_456 : memref<1x80xi32, #tpu.memory_space<vmem>> -> memref<80xi32, #tpu.memory_space<vmem>>
      %dma_wait3A_458 = arith.constant 0 : i32
      %dma_wait3A_459 = arith.constant 0 : i32
      %dma_wait3A_460 = tpu.memref_slice %arg2[%dma_wait3A_458, %dma_wait3A_459] : memref<10000x128xf32, #tpu.memory_space<hbm>> -> memref<10000x128xf32, #tpu.memory_space<hbm>>
      tpu.wait_indirect_dma semaphore(%arg11 : memref<!tpu.dma_semaphore, #tpu.memory_space<semaphore_mem>>) src(%dma_wait3A_460 : memref<10000x128xf32, #tpu.memory_space<hbm>>) dst(%dma_wait3A_454 : memref<80x128xf32, #tpu.memory_space<vmem>>)
      %dma_wait3A_461 = arith.constant 0 : i32
      %dma_wait3A_462 = arith.constant 0 : i32
      %dma_wait3A_463 = arith.constant 1 : i32
      %dma_wait3A_464 = arith.constant 0 : i32
      %dma_wait3A_465 = tpu.memref_slice %arg7[%dma_wait3A_463, %dma_wait3A_464] : memref<4x80xi32, #tpu.memory_space<vmem>> -> memref<1x80xi32, #tpu.memory_space<vmem>>
      %dma_wait3A_466 = tpu.memref_squeeze %dma_wait3A_465 : memref<1x80xi32, #tpu.memory_space<vmem>> -> memref<80xi32, #tpu.memory_space<vmem>>
      %dma_wait3A_467 = arith.constant 0 : i32
      %dma_wait3A_468 = tpu.memref_slice %arg4[%dma_wait3A_461, %dma_wait3A_462, %dma_wait3A_467] : memref<32x125x80xi32, #tpu.memory_space<hbm>> -> memref<1x1x80xi32, #tpu.memory_space<hbm>>
      %dma_wait3A_469 = tpu.memref_squeeze %dma_wait3A_468 : memref<1x1x80xi32, #tpu.memory_space<hbm>> -> memref<80xi32, #tpu.memory_space<hbm>>
      %dma_wait3A_470 = arith.constant 0 : i32
      %dma_wait3A_471 = tpu.memref_slice %arg7[%dma_wait3A_463, %dma_wait3A_470] : memref<4x80xi32, #tpu.memory_space<vmem>> -> memref<1x80xi32, #tpu.memory_space<vmem>>
      %dma_wait3A_472 = tpu.memref_squeeze %dma_wait3A_471 : memref<1x80xi32, #tpu.memory_space<vmem>> -> memref<80xi32, #tpu.memory_space<vmem>>
      %dma_wait3A_473 = arith.constant 0 : i32
      %dma_wait3A_474 = tpu.memref_slice %arg4[%dma_wait3A_461, %dma_wait3A_462, %dma_wait3A_473] : memref<32x125x80xi32, #tpu.memory_space<hbm>> -> memref<1x1x80xi32, #tpu.memory_space<hbm>>
      %dma_wait3A_475 = tpu.memref_squeeze %dma_wait3A_474 : memref<1x1x80xi32, #tpu.memory_space<hbm>> -> memref<80xi32, #tpu.memory_space<hbm>>
      tpu.wait_dma2 semaphore(%arg23 : memref<!tpu.dma_semaphore, #tpu.memory_space<semaphore_mem>>) src(%dma_wait3A_475 : memref<80xi32, #tpu.memory_space<hbm>>) dst(%dma_wait3A_472 : memref<80xi32, #tpu.memory_space<vmem>>)
      %dma_start3A_476 = arith.constant 1 : i32
      %dma_start3A_477 = arith.constant 1 : i32
      %dma_start3A_478 = arith.constant 0 : i32
      %dma_start3A_479 = arith.constant 0 : i32
      %dma_start3A_480 = tpu.memref_slice %arg8[%dma_start3A_476, %dma_start3A_478, %dma_start3A_479] : memref<4x80x128xf32, #tpu.memory_space<vmem>> -> memref<1x80x128xf32, #tpu.memory_space<vmem>>
      %dma_start3A_481 = tpu.memref_squeeze %dma_start3A_480 : memref<1x80x128xf32, #tpu.memory_space<vmem>> -> memref<80x128xf32, #tpu.memory_space<vmem>>
      %dma_start3A_482 = arith.constant 0 : i32
      %dma_start3A_483 = tpu.memref_slice %arg7[%dma_start3A_477, %dma_start3A_482] : memref<4x80xi32, #tpu.memory_space<vmem>> -> memref<1x80xi32, #tpu.memory_space<vmem>>
      %dma_start3A_484 = tpu.memref_squeeze %dma_start3A_483 : memref<1x80xi32, #tpu.memory_space<vmem>> -> memref<80xi32, #tpu.memory_space<vmem>>
      %dma_start3A_485 = arith.constant 0 : i32
      %dma_start3A_486 = arith.constant 0 : i32
      %dma_start3A_487 = tpu.memref_slice %arg9[%dma_start3A_485, %dma_start3A_486] : memref<10240x128xf32, #tpu.memory_space<vmem_shared>> -> memref<10240x128xf32, #tpu.memory_space<vmem_shared>>
      tpu.enqueue_indirect_dma source(%dma_start3A_481 : memref<80x128xf32, #tpu.memory_space<vmem>>) target(%dma_start3A_487 : memref<10240x128xf32, #tpu.memory_space<vmem_shared>>) offsets(%dma_start3A_484 : memref<80xi32, #tpu.memory_space<vmem>>) semaphore(%arg15 : memref<!tpu.dma_semaphore, #tpu.memory_space<semaphore_mem>>) {add = true}
      %dma_wait3A_488 = arith.constant 2 : i32
      %dma_wait3A_489 = arith.constant 2 : i32
      %dma_wait3A_490 = arith.constant 0 : i32
      %dma_wait3A_491 = arith.constant 0 : i32
      %dma_wait3A_492 = tpu.memref_slice %arg8[%dma_wait3A_489, %dma_wait3A_490, %dma_wait3A_491] : memref<4x80x128xf32, #tpu.memory_space<vmem>> -> memref<1x80x128xf32, #tpu.memory_space<vmem>>
      %dma_wait3A_493 = tpu.memref_squeeze %dma_wait3A_492 : memref<1x80x128xf32, #tpu.memory_space<vmem>> -> memref<80x128xf32, #tpu.memory_space<vmem>>
      %dma_wait3A_494 = arith.constant 0 : i32
      %dma_wait3A_495 = tpu.memref_slice %arg6[%dma_wait3A_488, %dma_wait3A_494] : memref<4x80xi32, #tpu.memory_space<vmem>> -> memref<1x80xi32, #tpu.memory_space<vmem>>
      %dma_wait3A_496 = tpu.memref_squeeze %dma_wait3A_495 : memref<1x80xi32, #tpu.memory_space<vmem>> -> memref<80xi32, #tpu.memory_space<vmem>>
      %dma_wait3A_497 = arith.constant 0 : i32
      %dma_wait3A_498 = arith.constant 0 : i32
      %dma_wait3A_499 = tpu.memref_slice %arg2[%dma_wait3A_497, %dma_wait3A_498] : memref<10000x128xf32, #tpu.memory_space<hbm>> -> memref<10000x128xf32, #tpu.memory_space<hbm>>
      tpu.wait_indirect_dma semaphore(%arg12 : memref<!tpu.dma_semaphore, #tpu.memory_space<semaphore_mem>>) src(%dma_wait3A_499 : memref<10000x128xf32, #tpu.memory_space<hbm>>) dst(%dma_wait3A_493 : memref<80x128xf32, #tpu.memory_space<vmem>>)
      %dma_wait3A_500 = arith.constant 0 : i32
      %dma_wait3A_501 = arith.constant 0 : i32
      %dma_wait3A_502 = arith.constant 2 : i32
      %dma_wait3A_503 = arith.constant 0 : i32
      %dma_wait3A_504 = tpu.memref_slice %arg7[%dma_wait3A_502, %dma_wait3A_503] : memref<4x80xi32, #tpu.memory_space<vmem>> -> memref<1x80xi32, #tpu.memory_space<vmem>>
      %dma_wait3A_505 = tpu.memref_squeeze %dma_wait3A_504 : memref<1x80xi32, #tpu.memory_space<vmem>> -> memref<80xi32, #tpu.memory_space<vmem>>
      %dma_wait3A_506 = arith.constant 0 : i32
      %dma_wait3A_507 = tpu.memref_slice %arg4[%dma_wait3A_500, %dma_wait3A_501, %dma_wait3A_506] : memref<32x125x80xi32, #tpu.memory_space<hbm>> -> memref<1x1x80xi32, #tpu.memory_space<hbm>>
      %dma_wait3A_508 = tpu.memref_squeeze %dma_wait3A_507 : memref<1x1x80xi32, #tpu.memory_space<hbm>> -> memref<80xi32, #tpu.memory_space<hbm>>
      %dma_wait3A_509 = arith.constant 0 : i32
      %dma_wait3A_510 = tpu.memref_slice %arg7[%dma_wait3A_502, %dma_wait3A_509] : memref<4x80xi32, #tpu.memory_space<vmem>> -> memref<1x80xi32, #tpu.memory_space<vmem>>
      %dma_wait3A_511 = tpu.memref_squeeze %dma_wait3A_510 : memref<1x80xi32, #tpu.memory_space<vmem>> -> memref<80xi32, #tpu.memory_space<vmem>>
      %dma_wait3A_512 = arith.constant 0 : i32
      %dma_wait3A_513 = tpu.memref_slice %arg4[%dma_wait3A_500, %dma_wait3A_501, %dma_wait3A_512] : memref<32x125x80xi32, #tpu.memory_space<hbm>> -> memref<1x1x80xi32, #tpu.memory_space<hbm>>
      %dma_wait3A_514 = tpu.memref_squeeze %dma_wait3A_513 : memref<1x1x80xi32, #tpu.memory_space<hbm>> -> memref<80xi32, #tpu.memory_space<hbm>>
      tpu.wait_dma2 semaphore(%arg24 : memref<!tpu.dma_semaphore, #tpu.memory_space<semaphore_mem>>) src(%dma_wait3A_514 : memref<80xi32, #tpu.memory_space<hbm>>) dst(%dma_wait3A_511 : memref<80xi32, #tpu.memory_space<vmem>>)
      %dma_start3A_515 = arith.constant 2 : i32
      %dma_start3A_516 = arith.constant 2 : i32
      %dma_start3A_517 = arith.constant 0 : i32
      %dma_start3A_518 = arith.constant 0 : i32
      %dma_start3A_519 = tpu.memref_slice %arg8[%dma_start3A_515, %dma_start3A_517, %dma_start3A_518] : memref<4x80x128xf32, #tpu.memory_space<vmem>> -> memref<1x80x128xf32, #tpu.memory_space<vmem>>
      %dma_start3A_520 = tpu.memref_squeeze %dma_start3A_519 : memref<1x80x128xf32, #tpu.memory_space<vmem>> -> memref<80x128xf32, #tpu.memory_space<vmem>>
      %dma_start3A_521 = arith.constant 0 : i32
      %dma_start3A_522 = tpu.memref_slice %arg7[%dma_start3A_516, %dma_start3A_521] : memref<4x80xi32, #tpu.memory_space<vmem>> -> memref<1x80xi32, #tpu.memory_space<vmem>>
      %dma_start3A_523 = tpu.memref_squeeze %dma_start3A_522 : memref<1x80xi32, #tpu.memory_space<vmem>> -> memref<80xi32, #tpu.memory_space<vmem>>
      %dma_start3A_524 = arith.constant 0 : i32
      %dma_start3A_525 = arith.constant 0 : i32
      %dma_start3A_526 = tpu.memref_slice %arg9[%dma_start3A_524, %dma_start3A_525] : memref<10240x128xf32, #tpu.memory_space<vmem_shared>> -> memref<10240x128xf32, #tpu.memory_space<vmem_shared>>
      tpu.enqueue_indirect_dma source(%dma_start3A_520 : memref<80x128xf32, #tpu.memory_space<vmem>>) target(%dma_start3A_526 : memref<10240x128xf32, #tpu.memory_space<vmem_shared>>) offsets(%dma_start3A_523 : memref<80xi32, #tpu.memory_space<vmem>>) semaphore(%arg16 : memref<!tpu.dma_semaphore, #tpu.memory_space<semaphore_mem>>) {add = true}
      %dma_wait3A_527 = arith.constant 3 : i32
      %dma_wait3A_528 = arith.constant 3 : i32
      %dma_wait3A_529 = arith.constant 0 : i32
      %dma_wait3A_530 = arith.constant 0 : i32
      %dma_wait3A_531 = tpu.memref_slice %arg8[%dma_wait3A_528, %dma_wait3A_529, %dma_wait3A_530] : memref<4x80x128xf32, #tpu.memory_space<vmem>> -> memref<1x80x128xf32, #tpu.memory_space<vmem>>
      %dma_wait3A_532 = tpu.memref_squeeze %dma_wait3A_531 : memref<1x80x128xf32, #tpu.memory_space<vmem>> -> memref<80x128xf32, #tpu.memory_space<vmem>>
      %dma_wait3A_533 = arith.constant 0 : i32
      %dma_wait3A_534 = tpu.memref_slice %arg6[%dma_wait3A_527, %dma_wait3A_533] : memref<4x80xi32, #tpu.memory_space<vmem>> -> memref<1x80xi32, #tpu.memory_space<vmem>>
      %dma_wait3A_535 = tpu.memref_squeeze %dma_wait3A_534 : memref<1x80xi32, #tpu.memory_space<vmem>> -> memref<80xi32, #tpu.memory_space<vmem>>
      %dma_wait3A_536 = arith.constant 0 : i32
      %dma_wait3A_537 = arith.constant 0 : i32
      %dma_wait3A_538 = tpu.memref_slice %arg2[%dma_wait3A_536, %dma_wait3A_537] : memref<10000x128xf32, #tpu.memory_space<hbm>> -> memref<10000x128xf32, #tpu.memory_space<hbm>>
      tpu.wait_indirect_dma semaphore(%arg13 : memref<!tpu.dma_semaphore, #tpu.memory_space<semaphore_mem>>) src(%dma_wait3A_538 : memref<10000x128xf32, #tpu.memory_space<hbm>>) dst(%dma_wait3A_532 : memref<80x128xf32, #tpu.memory_space<vmem>>)
      %dma_wait3A_539 = arith.constant 0 : i32
      %dma_wait3A_540 = arith.constant 0 : i32
      %dma_wait3A_541 = arith.constant 3 : i32
      %dma_wait3A_542 = arith.constant 0 : i32
      %dma_wait3A_543 = tpu.memref_slice %arg7[%dma_wait3A_541, %dma_wait3A_542] : memref<4x80xi32, #tpu.memory_space<vmem>> -> memref<1x80xi32, #tpu.memory_space<vmem>>
      %dma_wait3A_544 = tpu.memref_squeeze %dma_wait3A_543 : memref<1x80xi32, #tpu.memory_space<vmem>> -> memref<80xi32, #tpu.memory_space<vmem>>
      %dma_wait3A_545 = arith.constant 0 : i32
      %dma_wait3A_546 = tpu.memref_slice %arg4[%dma_wait3A_539, %dma_wait3A_540, %dma_wait3A_545] : memref<32x125x80xi32, #tpu.memory_space<hbm>> -> memref<1x1x80xi32, #tpu.memory_space<hbm>>
      %dma_wait3A_547 = tpu.memref_squeeze %dma_wait3A_546 : memref<1x1x80xi32, #tpu.memory_space<hbm>> -> memref<80xi32, #tpu.memory_space<hbm>>
      %dma_wait3A_548 = arith.constant 0 : i32
      %dma_wait3A_549 = tpu.memref_slice %arg7[%dma_wait3A_541, %dma_wait3A_548] : memref<4x80xi32, #tpu.memory_space<vmem>> -> memref<1x80xi32, #tpu.memory_space<vmem>>
      %dma_wait3A_550 = tpu.memref_squeeze %dma_wait3A_549 : memref<1x80xi32, #tpu.memory_space<vmem>> -> memref<80xi32, #tpu.memory_space<vmem>>
      %dma_wait3A_551 = arith.constant 0 : i32
      %dma_wait3A_552 = tpu.memref_slice %arg4[%dma_wait3A_539, %dma_wait3A_540, %dma_wait3A_551] : memref<32x125x80xi32, #tpu.memory_space<hbm>> -> memref<1x1x80xi32, #tpu.memory_space<hbm>>
      %dma_wait3A_553 = tpu.memref_squeeze %dma_wait3A_552 : memref<1x1x80xi32, #tpu.memory_space<hbm>> -> memref<80xi32, #tpu.memory_space<hbm>>
      tpu.wait_dma2 semaphore(%arg25 : memref<!tpu.dma_semaphore, #tpu.memory_space<semaphore_mem>>) src(%dma_wait3A_553 : memref<80xi32, #tpu.memory_space<hbm>>) dst(%dma_wait3A_550 : memref<80xi32, #tpu.memory_space<vmem>>)
      %dma_start3A_554 = arith.constant 3 : i32
      %dma_start3A_555 = arith.constant 3 : i32
      %dma_start3A_556 = arith.constant 0 : i32
      %dma_start3A_557 = arith.constant 0 : i32
      %dma_start3A_558 = tpu.memref_slice %arg8[%dma_start3A_554, %dma_start3A_556, %dma_start3A_557] : memref<4x80x128xf32, #tpu.memory_space<vmem>> -> memref<1x80x128xf32, #tpu.memory_space<vmem>>
      %dma_start3A_559 = tpu.memref_squeeze %dma_start3A_558 : memref<1x80x128xf32, #tpu.memory_space<vmem>> -> memref<80x128xf32, #tpu.memory_space<vmem>>
      %dma_start3A_560 = arith.constant 0 : i32
      %dma_start3A_561 = tpu.memref_slice %arg7[%dma_start3A_555, %dma_start3A_560] : memref<4x80xi32, #tpu.memory_space<vmem>> -> memref<1x80xi32, #tpu.memory_space<vmem>>
      %dma_start3A_562 = tpu.memref_squeeze %dma_start3A_561 : memref<1x80xi32, #tpu.memory_space<vmem>> -> memref<80xi32, #tpu.memory_space<vmem>>
      %dma_start3A_563 = arith.constant 0 : i32
      %dma_start3A_564 = arith.constant 0 : i32
      %dma_start3A_565 = tpu.memref_slice %arg9[%dma_start3A_563, %dma_start3A_564] : memref<10240x128xf32, #tpu.memory_space<vmem_shared>> -> memref<10240x128xf32, #tpu.memory_space<vmem_shared>>
      tpu.enqueue_indirect_dma source(%dma_start3A_559 : memref<80x128xf32, #tpu.memory_space<vmem>>) target(%dma_start3A_565 : memref<10240x128xf32, #tpu.memory_space<vmem_shared>>) offsets(%dma_start3A_562 : memref<80xi32, #tpu.memory_space<vmem>>) semaphore(%arg17 : memref<!tpu.dma_semaphore, #tpu.memory_space<semaphore_mem>>) {add = true}
      %add3A_566 = arith.constant 0 : i32
      %add3A_567 = arith.addi %mul3A_409, %add3A_566 : i32
      %add3A_568 = arith.constant 4 : i32
      %add3A_569 = arith.addi %add3A_567, %add3A_568 : i32
      %rem3A = arith.constant 125 : i32
      %rem3A_570 = arith.remsi %add3A_569, %rem3A : i32
      %dma_wait3A_571 = arith.constant 0 : i32
      %dma_wait3A_572 = arith.constant 0 : i32
      %dma_wait3A_573 = arith.constant 0 : i32
      %dma_wait3A_574 = arith.constant 0 : i32
      %dma_wait3A_575 = tpu.memref_slice %arg8[%dma_wait3A_571, %dma_wait3A_573, %dma_wait3A_574] : memref<4x80x128xf32, #tpu.memory_space<vmem>> -> memref<1x80x128xf32, #tpu.memory_space<vmem>>
      %dma_wait3A_576 = tpu.memref_squeeze %dma_wait3A_575 : memref<1x80x128xf32, #tpu.memory_space<vmem>> -> memref<80x128xf32, #tpu.memory_space<vmem>>
      %dma_wait3A_577 = arith.constant 0 : i32
      %dma_wait3A_578 = tpu.memref_slice %arg7[%dma_wait3A_572, %dma_wait3A_577] : memref<4x80xi32, #tpu.memory_space<vmem>> -> memref<1x80xi32, #tpu.memory_space<vmem>>
      %dma_wait3A_579 = tpu.memref_squeeze %dma_wait3A_578 : memref<1x80xi32, #tpu.memory_space<vmem>> -> memref<80xi32, #tpu.memory_space<vmem>>
      %dma_wait3A_580 = arith.constant 0 : i32
      %dma_wait3A_581 = arith.constant 0 : i32
      %dma_wait3A_582 = tpu.memref_slice %arg9[%dma_wait3A_580, %dma_wait3A_581] : memref<10240x128xf32, #tpu.memory_space<vmem_shared>> -> memref<10240x128xf32, #tpu.memory_space<vmem_shared>>
      tpu.wait_indirect_dma semaphore(%arg14 : memref<!tpu.dma_semaphore, #tpu.memory_space<semaphore_mem>>) src(%dma_wait3A_576 : memref<80x128xf32, #tpu.memory_space<vmem>>) dst(%dma_wait3A_582 : memref<10240x128xf32, #tpu.memory_space<vmem_shared>>)
      %dma_start3A_583 = arith.constant 0 : i32
      %dma_start3A_584 = arith.constant 0 : i32
      %dma_start3A_585 = tpu.memref_slice %arg7[%dma_start3A_583, %dma_start3A_584] : memref<4x80xi32, #tpu.memory_space<vmem>> -> memref<1x80xi32, #tpu.memory_space<vmem>>
      %dma_start3A_586 = tpu.memref_squeeze %dma_start3A_585 : memref<1x80xi32, #tpu.memory_space<vmem>> -> memref<80xi32, #tpu.memory_space<vmem>>
      %dma_start3A_587 = arith.constant 0 : i32
      %dma_start3A_588 = tpu.memref_slice %arg4[%add3A, %rem3A_570, %dma_start3A_587] : memref<32x125x80xi32, #tpu.memory_space<hbm>> -> memref<1x1x80xi32, #tpu.memory_space<hbm>>
      %dma_start3A_589 = tpu.memref_squeeze %dma_start3A_588 : memref<1x1x80xi32, #tpu.memory_space<hbm>> -> memref<80xi32, #tpu.memory_space<hbm>>
      %dma_start3A_590 = arith.constant 0 : i32
      %dma_start3A_591 = tpu.memref_slice %arg7[%dma_start3A_583, %dma_start3A_590] : memref<4x80xi32, #tpu.memory_space<vmem>> -> memref<1x80xi32, #tpu.memory_space<vmem>>
      %dma_start3A_592 = tpu.memref_squeeze %dma_start3A_591 : memref<1x80xi32, #tpu.memory_space<vmem>> -> memref<80xi32, #tpu.memory_space<vmem>>
      %dma_start3A_593 = arith.constant 0 : i32
      %dma_start3A_594 = tpu.memref_slice %arg4[%add3A, %rem3A_570, %dma_start3A_593] : memref<32x125x80xi32, #tpu.memory_space<hbm>> -> memref<1x1x80xi32, #tpu.memory_space<hbm>>
      %dma_start3A_595 = tpu.memref_squeeze %dma_start3A_594 : memref<1x1x80xi32, #tpu.memory_space<hbm>> -> memref<80xi32, #tpu.memory_space<hbm>>
      tpu.enqueue_dma source(%dma_start3A_595 : memref<80xi32, #tpu.memory_space<hbm>>) target(%dma_start3A_592 : memref<80xi32, #tpu.memory_space<vmem>>) target_semaphore(%arg22 : memref<!tpu.dma_semaphore, #tpu.memory_space<semaphore_mem>>)
      %dma_start3A_596 = arith.constant 0 : i32
      %dma_start3A_597 = arith.constant 0 : i32
      %dma_start3A_598 = tpu.memref_slice %arg6[%dma_start3A_596, %dma_start3A_597] : memref<4x80xi32, #tpu.memory_space<vmem>> -> memref<1x80xi32, #tpu.memory_space<vmem>>
      %dma_start3A_599 = tpu.memref_squeeze %dma_start3A_598 : memref<1x80xi32, #tpu.memory_space<vmem>> -> memref<80xi32, #tpu.memory_space<vmem>>
      %dma_start3A_600 = arith.constant 0 : i32
      %dma_start3A_601 = tpu.memref_slice %arg3[%add3A, %rem3A_570, %dma_start3A_600] : memref<32x125x80xi32, #tpu.memory_space<hbm>> -> memref<1x1x80xi32, #tpu.memory_space<hbm>>
      %dma_start3A_602 = tpu.memref_squeeze %dma_start3A_601 : memref<1x1x80xi32, #tpu.memory_space<hbm>> -> memref<80xi32, #tpu.memory_space<hbm>>
      %dma_start3A_603 = arith.constant 0 : i32
      %dma_start3A_604 = tpu.memref_slice %arg6[%dma_start3A_596, %dma_start3A_603] : memref<4x80xi32, #tpu.memory_space<vmem>> -> memref<1x80xi32, #tpu.memory_space<vmem>>
      %dma_start3A_605 = tpu.memref_squeeze %dma_start3A_604 : memref<1x80xi32, #tpu.memory_space<vmem>> -> memref<80xi32, #tpu.memory_space<vmem>>
      %dma_start3A_606 = arith.constant 0 : i32
      %dma_start3A_607 = tpu.memref_slice %arg3[%add3A, %rem3A_570, %dma_start3A_606] : memref<32x125x80xi32, #tpu.memory_space<hbm>> -> memref<1x1x80xi32, #tpu.memory_space<hbm>>
      %dma_start3A_608 = tpu.memref_squeeze %dma_start3A_607 : memref<1x1x80xi32, #tpu.memory_space<hbm>> -> memref<80xi32, #tpu.memory_space<hbm>>
      tpu.enqueue_dma source(%dma_start3A_608 : memref<80xi32, #tpu.memory_space<hbm>>) target(%dma_start3A_605 : memref<80xi32, #tpu.memory_space<vmem>>) target_semaphore(%arg18 : memref<!tpu.dma_semaphore, #tpu.memory_space<semaphore_mem>>)
      %add3A_609 = arith.constant 1 : i32
      %add3A_610 = arith.addi %mul3A_409, %add3A_609 : i32
      %add3A_611 = arith.constant 4 : i32
      %add3A_612 = arith.addi %add3A_610, %add3A_611 : i32
      %rem3A_613 = arith.constant 125 : i32
      %rem3A_614 = arith.remsi %add3A_612, %rem3A_613 : i32
      %dma_wait3A_615 = arith.constant 1 : i32
      %dma_wait3A_616 = arith.constant 1 : i32
      %dma_wait3A_617 = arith.constant 0 : i32
      %dma_wait3A_618 = arith.constant 0 : i32
      %dma_wait3A_619 = tpu.memref_slice %arg8[%dma_wait3A_615, %dma_wait3A_617, %dma_wait3A_618] : memref<4x80x128xf32, #tpu.memory_space<vmem>> -> memref<1x80x128xf32, #tpu.memory_space<vmem>>
      %dma_wait3A_620 = tpu.memref_squeeze %dma_wait3A_619 : memref<1x80x128xf32, #tpu.memory_space<vmem>> -> memref<80x128xf32, #tpu.memory_space<vmem>>
      %dma_wait3A_621 = arith.constant 0 : i32
      %dma_wait3A_622 = tpu.memref_slice %arg7[%dma_wait3A_616, %dma_wait3A_621] : memref<4x80xi32, #tpu.memory_space<vmem>> -> memref<1x80xi32, #tpu.memory_space<vmem>>
      %dma_wait3A_623 = tpu.memref_squeeze %dma_wait3A_622 : memref<1x80xi32, #tpu.memory_space<vmem>> -> memref<80xi32, #tpu.memory_space<vmem>>
      %dma_wait3A_624 = arith.constant 0 : i32
      %dma_wait3A_625 = arith.constant 0 : i32
      %dma_wait3A_626 = tpu.memref_slice %arg9[%dma_wait3A_624, %dma_wait3A_625] : memref<10240x128xf32, #tpu.memory_space<vmem_shared>> -> memref<10240x128xf32, #tpu.memory_space<vmem_shared>>
      tpu.wait_indirect_dma semaphore(%arg15 : memref<!tpu.dma_semaphore, #tpu.memory_space<semaphore_mem>>) src(%dma_wait3A_620 : memref<80x128xf32, #tpu.memory_space<vmem>>) dst(%dma_wait3A_626 : memref<10240x128xf32, #tpu.memory_space<vmem_shared>>)
      %dma_start3A_627 = arith.constant 1 : i32
      %dma_start3A_628 = arith.constant 0 : i32
      %dma_start3A_629 = tpu.memref_slice %arg7[%dma_start3A_627, %dma_start3A_628] : memref<4x80xi32, #tpu.memory_space<vmem>> -> memref<1x80xi32, #tpu.memory_space<vmem>>
      %dma_start3A_630 = tpu.memref_squeeze %dma_start3A_629 : memref<1x80xi32, #tpu.memory_space<vmem>> -> memref<80xi32, #tpu.memory_space<vmem>>
      %dma_start3A_631 = arith.constant 0 : i32
      %dma_start3A_632 = tpu.memref_slice %arg4[%add3A, %rem3A_614, %dma_start3A_631] : memref<32x125x80xi32, #tpu.memory_space<hbm>> -> memref<1x1x80xi32, #tpu.memory_space<hbm>>
      %dma_start3A_633 = tpu.memref_squeeze %dma_start3A_632 : memref<1x1x80xi32, #tpu.memory_space<hbm>> -> memref<80xi32, #tpu.memory_space<hbm>>
      %dma_start3A_634 = arith.constant 0 : i32
      %dma_start3A_635 = tpu.memref_slice %arg7[%dma_start3A_627, %dma_start3A_634] : memref<4x80xi32, #tpu.memory_space<vmem>> -> memref<1x80xi32, #tpu.memory_space<vmem>>
      %dma_start3A_636 = tpu.memref_squeeze %dma_start3A_635 : memref<1x80xi32, #tpu.memory_space<vmem>> -> memref<80xi32, #tpu.memory_space<vmem>>
      %dma_start3A_637 = arith.constant 0 : i32
      %dma_start3A_638 = tpu.memref_slice %arg4[%add3A, %rem3A_614, %dma_start3A_637] : memref<32x125x80xi32, #tpu.memory_space<hbm>> -> memref<1x1x80xi32, #tpu.memory_space<hbm>>
      %dma_start3A_639 = tpu.memref_squeeze %dma_start3A_638 : memref<1x1x80xi32, #tpu.memory_space<hbm>> -> memref<80xi32, #tpu.memory_space<hbm>>
      tpu.enqueue_dma source(%dma_start3A_639 : memref<80xi32, #tpu.memory_space<hbm>>) target(%dma_start3A_636 : memref<80xi32, #tpu.memory_space<vmem>>) target_semaphore(%arg23 : memref<!tpu.dma_semaphore, #tpu.memory_space<semaphore_mem>>)
      %dma_start3A_640 = arith.constant 1 : i32
      %dma_start3A_641 = arith.constant 0 : i32
      %dma_start3A_642 = tpu.memref_slice %arg6[%dma_start3A_640, %dma_start3A_641] : memref<4x80xi32, #tpu.memory_space<vmem>> -> memref<1x80xi32, #tpu.memory_space<vmem>>
      %dma_start3A_643 = tpu.memref_squeeze %dma_start3A_642 : memref<1x80xi32, #tpu.memory_space<vmem>> -> memref<80xi32, #tpu.memory_space<vmem>>
      %dma_start3A_644 = arith.constant 0 : i32
      %dma_start3A_645 = tpu.memref_slice %arg3[%add3A, %rem3A_614, %dma_start3A_644] : memref<32x125x80xi32, #tpu.memory_space<hbm>> -> memref<1x1x80xi32, #tpu.memory_space<hbm>>
      %dma_start3A_646 = tpu.memref_squeeze %dma_start3A_645 : memref<1x1x80xi32, #tpu.memory_space<hbm>> -> memref<80xi32, #tpu.memory_space<hbm>>
      %dma_start3A_647 = arith.constant 0 : i32
      %dma_start3A_648 = tpu.memref_slice %arg6[%dma_start3A_640, %dma_start3A_647] : memref<4x80xi32, #tpu.memory_space<vmem>> -> memref<1x80xi32, #tpu.memory_space<vmem>>
      %dma_start3A_649 = tpu.memref_squeeze %dma_start3A_648 : memref<1x80xi32, #tpu.memory_space<vmem>> -> memref<80xi32, #tpu.memory_space<vmem>>
      %dma_start3A_650 = arith.constant 0 : i32
      %dma_start3A_651 = tpu.memref_slice %arg3[%add3A, %rem3A_614, %dma_start3A_650] : memref<32x125x80xi32, #tpu.memory_space<hbm>> -> memref<1x1x80xi32, #tpu.memory_space<hbm>>
      %dma_start3A_652 = tpu.memref_squeeze %dma_start3A_651 : memref<1x1x80xi32, #tpu.memory_space<hbm>> -> memref<80xi32, #tpu.memory_space<hbm>>
      tpu.enqueue_dma source(%dma_start3A_652 : memref<80xi32, #tpu.memory_space<hbm>>) target(%dma_start3A_649 : memref<80xi32, #tpu.memory_space<vmem>>) target_semaphore(%arg19 : memref<!tpu.dma_semaphore, #tpu.memory_space<semaphore_mem>>)
      %add3A_653 = arith.constant 2 : i32
      %add3A_654 = arith.addi %mul3A_409, %add3A_653 : i32
      %add3A_655 = arith.constant 4 : i32
      %add3A_656 = arith.addi %add3A_654, %add3A_655 : i32
      %rem3A_657 = arith.constant 125 : i32
      %rem3A_658 = arith.remsi %add3A_656, %rem3A_657 : i32
      %dma_wait3A_659 = arith.constant 2 : i32
      %dma_wait3A_660 = arith.constant 2 : i32
      %dma_wait3A_661 = arith.constant 0 : i32
      %dma_wait3A_662 = arith.constant 0 : i32
      %dma_wait3A_663 = tpu.memref_slice %arg8[%dma_wait3A_659, %dma_wait3A_661, %dma_wait3A_662] : memref<4x80x128xf32, #tpu.memory_space<vmem>> -> memref<1x80x128xf32, #tpu.memory_space<vmem>>
      %dma_wait3A_664 = tpu.memref_squeeze %dma_wait3A_663 : memref<1x80x128xf32, #tpu.memory_space<vmem>> -> memref<80x128xf32, #tpu.memory_space<vmem>>
      %dma_wait3A_665 = arith.constant 0 : i32
      %dma_wait3A_666 = tpu.memref_slice %arg7[%dma_wait3A_660, %dma_wait3A_665] : memref<4x80xi32, #tpu.memory_space<vmem>> -> memref<1x80xi32, #tpu.memory_space<vmem>>
      %dma_wait3A_667 = tpu.memref_squeeze %dma_wait3A_666 : memref<1x80xi32, #tpu.memory_space<vmem>> -> memref<80xi32, #tpu.memory_space<vmem>>
      %dma_wait3A_668 = arith.constant 0 : i32
      %dma_wait3A_669 = arith.constant 0 : i32
      %dma_wait3A_670 = tpu.memref_slice %arg9[%dma_wait3A_668, %dma_wait3A_669] : memref<10240x128xf32, #tpu.memory_space<vmem_shared>> -> memref<10240x128xf32, #tpu.memory_space<vmem_shared>>
      tpu.wait_indirect_dma semaphore(%arg16 : memref<!tpu.dma_semaphore, #tpu.memory_space<semaphore_mem>>) src(%dma_wait3A_664 : memref<80x128xf32, #tpu.memory_space<vmem>>) dst(%dma_wait3A_670 : memref<10240x128xf32, #tpu.memory_space<vmem_shared>>)
      %dma_start3A_671 = arith.constant 2 : i32
      %dma_start3A_672 = arith.constant 0 : i32
      %dma_start3A_673 = tpu.memref_slice %arg7[%dma_start3A_671, %dma_start3A_672] : memref<4x80xi32, #tpu.memory_space<vmem>> -> memref<1x80xi32, #tpu.memory_space<vmem>>
      %dma_start3A_674 = tpu.memref_squeeze %dma_start3A_673 : memref<1x80xi32, #tpu.memory_space<vmem>> -> memref<80xi32, #tpu.memory_space<vmem>>
      %dma_start3A_675 = arith.constant 0 : i32
      %dma_start3A_676 = tpu.memref_slice %arg4[%add3A, %rem3A_658, %dma_start3A_675] : memref<32x125x80xi32, #tpu.memory_space<hbm>> -> memref<1x1x80xi32, #tpu.memory_space<hbm>>
      %dma_start3A_677 = tpu.memref_squeeze %dma_start3A_676 : memref<1x1x80xi32, #tpu.memory_space<hbm>> -> memref<80xi32, #tpu.memory_space<hbm>>
      %dma_start3A_678 = arith.constant 0 : i32
      %dma_start3A_679 = tpu.memref_slice %arg7[%dma_start3A_671, %dma_start3A_678] : memref<4x80xi32, #tpu.memory_space<vmem>> -> memref<1x80xi32, #tpu.memory_space<vmem>>
      %dma_start3A_680 = tpu.memref_squeeze %dma_start3A_679 : memref<1x80xi32, #tpu.memory_space<vmem>> -> memref<80xi32, #tpu.memory_space<vmem>>
      %dma_start3A_681 = arith.constant 0 : i32
      %dma_start3A_682 = tpu.memref_slice %arg4[%add3A, %rem3A_658, %dma_start3A_681] : memref<32x125x80xi32, #tpu.memory_space<hbm>> -> memref<1x1x80xi32, #tpu.memory_space<hbm>>
      %dma_start3A_683 = tpu.memref_squeeze %dma_start3A_682 : memref<1x1x80xi32, #tpu.memory_space<hbm>> -> memref<80xi32, #tpu.memory_space<hbm>>
      tpu.enqueue_dma source(%dma_start3A_683 : memref<80xi32, #tpu.memory_space<hbm>>) target(%dma_start3A_680 : memref<80xi32, #tpu.memory_space<vmem>>) target_semaphore(%arg24 : memref<!tpu.dma_semaphore, #tpu.memory_space<semaphore_mem>>)
      %dma_start3A_684 = arith.constant 2 : i32
      %dma_start3A_685 = arith.constant 0 : i32
      %dma_start3A_686 = tpu.memref_slice %arg6[%dma_start3A_684, %dma_start3A_685] : memref<4x80xi32, #tpu.memory_space<vmem>> -> memref<1x80xi32, #tpu.memory_space<vmem>>
      %dma_start3A_687 = tpu.memref_squeeze %dma_start3A_686 : memref<1x80xi32, #tpu.memory_space<vmem>> -> memref<80xi32, #tpu.memory_space<vmem>>
      %dma_start3A_688 = arith.constant 0 : i32
      %dma_start3A_689 = tpu.memref_slice %arg3[%add3A, %rem3A_658, %dma_start3A_688] : memref<32x125x80xi32, #tpu.memory_space<hbm>> -> memref<1x1x80xi32, #tpu.memory_space<hbm>>
      %dma_start3A_690 = tpu.memref_squeeze %dma_start3A_689 : memref<1x1x80xi32, #tpu.memory_space<hbm>> -> memref<80xi32, #tpu.memory_space<hbm>>
      %dma_start3A_691 = arith.constant 0 : i32
      %dma_start3A_692 = tpu.memref_slice %arg6[%dma_start3A_684, %dma_start3A_691] : memref<4x80xi32, #tpu.memory_space<vmem>> -> memref<1x80xi32, #tpu.memory_space<vmem>>
      %dma_start3A_693 = tpu.memref_squeeze %dma_start3A_692 : memref<1x80xi32, #tpu.memory_space<vmem>> -> memref<80xi32, #tpu.memory_space<vmem>>
      %dma_start3A_694 = arith.constant 0 : i32
      %dma_start3A_695 = tpu.memref_slice %arg3[%add3A, %rem3A_658, %dma_start3A_694] : memref<32x125x80xi32, #tpu.memory_space<hbm>> -> memref<1x1x80xi32, #tpu.memory_space<hbm>>
      %dma_start3A_696 = tpu.memref_squeeze %dma_start3A_695 : memref<1x1x80xi32, #tpu.memory_space<hbm>> -> memref<80xi32, #tpu.memory_space<hbm>>
      tpu.enqueue_dma source(%dma_start3A_696 : memref<80xi32, #tpu.memory_space<hbm>>) target(%dma_start3A_693 : memref<80xi32, #tpu.memory_space<vmem>>) target_semaphore(%arg20 : memref<!tpu.dma_semaphore, #tpu.memory_space<semaphore_mem>>)
      %add3A_697 = arith.constant 3 : i32
      %add3A_698 = arith.addi %mul3A_409, %add3A_697 : i32
      %add3A_699 = arith.constant 4 : i32
      %add3A_700 = arith.addi %add3A_698, %add3A_699 : i32
      %rem3A_701 = arith.constant 125 : i32
      %rem3A_702 = arith.remsi %add3A_700, %rem3A_701 : i32
      %dma_wait3A_703 = arith.constant 3 : i32
      %dma_wait3A_704 = arith.constant 3 : i32
      %dma_wait3A_705 = arith.constant 0 : i32
      %dma_wait3A_706 = arith.constant 0 : i32
      %dma_wait3A_707 = tpu.memref_slice %arg8[%dma_wait3A_703, %dma_wait3A_705, %dma_wait3A_706] : memref<4x80x128xf32, #tpu.memory_space<vmem>> -> memref<1x80x128xf32, #tpu.memory_space<vmem>>
      %dma_wait3A_708 = tpu.memref_squeeze %dma_wait3A_707 : memref<1x80x128xf32, #tpu.memory_space<vmem>> -> memref<80x128xf32, #tpu.memory_space<vmem>>
      %dma_wait3A_709 = arith.constant 0 : i32
      %dma_wait3A_710 = tpu.memref_slice %arg7[%dma_wait3A_704, %dma_wait3A_709] : memref<4x80xi32, #tpu.memory_space<vmem>> -> memref<1x80xi32, #tpu.memory_space<vmem>>
      %dma_wait3A_711 = tpu.memref_squeeze %dma_wait3A_710 : memref<1x80xi32, #tpu.memory_space<vmem>> -> memref<80xi32, #tpu.memory_space<vmem>>
      %dma_wait3A_712 = arith.constant 0 : i32
      %dma_wait3A_713 = arith.constant 0 : i32
      %dma_wait3A_714 = tpu.memref_slice %arg9[%dma_wait3A_712, %dma_wait3A_713] : memref<10240x128xf32, #tpu.memory_space<vmem_shared>> -> memref<10240x128xf32, #tpu.memory_space<vmem_shared>>
      tpu.wait_indirect_dma semaphore(%arg17 : memref<!tpu.dma_semaphore, #tpu.memory_space<semaphore_mem>>) src(%dma_wait3A_708 : memref<80x128xf32, #tpu.memory_space<vmem>>) dst(%dma_wait3A_714 : memref<10240x128xf32, #tpu.memory_space<vmem_shared>>)
      %dma_start3A_715 = arith.constant 3 : i32
      %dma_start3A_716 = arith.constant 0 : i32
      %dma_start3A_717 = tpu.memref_slice %arg7[%dma_start3A_715, %dma_start3A_716] : memref<4x80xi32, #tpu.memory_space<vmem>> -> memref<1x80xi32, #tpu.memory_space<vmem>>
      %dma_start3A_718 = tpu.memref_squeeze %dma_start3A_717 : memref<1x80xi32, #tpu.memory_space<vmem>> -> memref<80xi32, #tpu.memory_space<vmem>>
      %dma_start3A_719 = arith.constant 0 : i32
      %dma_start3A_720 = tpu.memref_slice %arg4[%add3A, %rem3A_702, %dma_start3A_719] : memref<32x125x80xi32, #tpu.memory_space<hbm>> -> memref<1x1x80xi32, #tpu.memory_space<hbm>>
      %dma_start3A_721 = tpu.memref_squeeze %dma_start3A_720 : memref<1x1x80xi32, #tpu.memory_space<hbm>> -> memref<80xi32, #tpu.memory_space<hbm>>
      %dma_start3A_722 = arith.constant 0 : i32
      %dma_start3A_723 = tpu.memref_slice %arg7[%dma_start3A_715, %dma_start3A_722] : memref<4x80xi32, #tpu.memory_space<vmem>> -> memref<1x80xi32, #tpu.memory_space<vmem>>
      %dma_start3A_724 = tpu.memref_squeeze %dma_start3A_723 : memref<1x80xi32, #tpu.memory_space<vmem>> -> memref<80xi32, #tpu.memory_space<vmem>>
      %dma_start3A_725 = arith.constant 0 : i32
      %dma_start3A_726 = tpu.memref_slice %arg4[%add3A, %rem3A_702, %dma_start3A_725] : memref<32x125x80xi32, #tpu.memory_space<hbm>> -> memref<1x1x80xi32, #tpu.memory_space<hbm>>
      %dma_start3A_727 = tpu.memref_squeeze %dma_start3A_726 : memref<1x1x80xi32, #tpu.memory_space<hbm>> -> memref<80xi32, #tpu.memory_space<hbm>>
      tpu.enqueue_dma source(%dma_start3A_727 : memref<80xi32, #tpu.memory_space<hbm>>) target(%dma_start3A_724 : memref<80xi32, #tpu.memory_space<vmem>>) target_semaphore(%arg25 : memref<!tpu.dma_semaphore, #tpu.memory_space<semaphore_mem>>)
      %dma_start3A_728 = arith.constant 3 : i32
      %dma_start3A_729 = arith.constant 0 : i32
      %dma_start3A_730 = tpu.memref_slice %arg6[%dma_start3A_728, %dma_start3A_729] : memref<4x80xi32, #tpu.memory_space<vmem>> -> memref<1x80xi32, #tpu.memory_space<vmem>>
      %dma_start3A_731 = tpu.memref_squeeze %dma_start3A_730 : memref<1x80xi32, #tpu.memory_space<vmem>> -> memref<80xi32, #tpu.memory_space<vmem>>
      %dma_start3A_732 = arith.constant 0 : i32
      %dma_start3A_733 = tpu.memref_slice %arg3[%add3A, %rem3A_702, %dma_start3A_732] : memref<32x125x80xi32, #tpu.memory_space<hbm>> -> memref<1x1x80xi32, #tpu.memory_space<hbm>>
      %dma_start3A_734 = tpu.memref_squeeze %dma_start3A_733 : memref<1x1x80xi32, #tpu.memory_space<hbm>> -> memref<80xi32, #tpu.memory_space<hbm>>
      %dma_start3A_735 = arith.constant 0 : i32
      %dma_start3A_736 = tpu.memref_slice %arg6[%dma_start3A_728, %dma_start3A_735] : memref<4x80xi32, #tpu.memory_space<vmem>> -> memref<1x80xi32, #tpu.memory_space<vmem>>
      %dma_start3A_737 = tpu.memref_squeeze %dma_start3A_736 : memref<1x80xi32, #tpu.memory_space<vmem>> -> memref<80xi32, #tpu.memory_space<vmem>>
      %dma_start3A_738 = arith.constant 0 : i32
      %dma_start3A_739 = tpu.memref_slice %arg3[%add3A, %rem3A_702, %dma_start3A_738] : memref<32x125x80xi32, #tpu.memory_space<hbm>> -> memref<1x1x80xi32, #tpu.memory_space<hbm>>
      %dma_start3A_740 = tpu.memref_squeeze %dma_start3A_739 : memref<1x1x80xi32, #tpu.memory_space<hbm>> -> memref<80xi32, #tpu.memory_space<hbm>>
      tpu.enqueue_dma source(%dma_start3A_740 : memref<80xi32, #tpu.memory_space<hbm>>) target(%dma_start3A_737 : memref<80xi32, #tpu.memory_space<vmem>>) target_semaphore(%arg21 : memref<!tpu.dma_semaphore, #tpu.memory_space<semaphore_mem>>)
      %dma_wait3A_741 = arith.constant 0 : i32
      %dma_wait3A_742 = arith.constant 0 : i32
      %dma_wait3A_743 = arith.constant 0 : i32
      %dma_wait3A_744 = arith.constant 0 : i32
      %dma_wait3A_745 = tpu.memref_slice %arg6[%dma_wait3A_743, %dma_wait3A_744] : memref<4x80xi32, #tpu.memory_space<vmem>> -> memref<1x80xi32, #tpu.memory_space<vmem>>
      %dma_wait3A_746 = tpu.memref_squeeze %dma_wait3A_745 : memref<1x80xi32, #tpu.memory_space<vmem>> -> memref<80xi32, #tpu.memory_space<vmem>>
      %dma_wait3A_747 = arith.constant 0 : i32
      %dma_wait3A_748 = tpu.memref_slice %arg3[%dma_wait3A_741, %dma_wait3A_742, %dma_wait3A_747] : memref<32x125x80xi32, #tpu.memory_space<hbm>> -> memref<1x1x80xi32, #tpu.memory_space<hbm>>
      %dma_wait3A_749 = tpu.memref_squeeze %dma_wait3A_748 : memref<1x1x80xi32, #tpu.memory_space<hbm>> -> memref<80xi32, #tpu.memory_space<hbm>>
      %dma_wait3A_750 = arith.constant 0 : i32
      %dma_wait3A_751 = tpu.memref_slice %arg6[%dma_wait3A_743, %dma_wait3A_750] : memref<4x80xi32, #tpu.memory_space<vmem>> -> memref<1x80xi32, #tpu.memory_space<vmem>>
      %dma_wait3A_752 = tpu.memref_squeeze %dma_wait3A_751 : memref<1x80xi32, #tpu.memory_space<vmem>> -> memref<80xi32, #tpu.memory_space<vmem>>
      %dma_wait3A_753 = arith.constant 0 : i32
      %dma_wait3A_754 = tpu.memref_slice %arg3[%dma_wait3A_741, %dma_wait3A_742, %dma_wait3A_753] : memref<32x125x80xi32, #tpu.memory_space<hbm>> -> memref<1x1x80xi32, #tpu.memory_space<hbm>>
      %dma_wait3A_755 = tpu.memref_squeeze %dma_wait3A_754 : memref<1x1x80xi32, #tpu.memory_space<hbm>> -> memref<80xi32, #tpu.memory_space<hbm>>
      tpu.wait_dma2 semaphore(%arg18 : memref<!tpu.dma_semaphore, #tpu.memory_space<semaphore_mem>>) src(%dma_wait3A_755 : memref<80xi32, #tpu.memory_space<hbm>>) dst(%dma_wait3A_752 : memref<80xi32, #tpu.memory_space<vmem>>)
      %dma_start3A_756 = arith.constant 0 : i32
      %dma_start3A_757 = arith.constant 0 : i32
      %dma_start3A_758 = arith.constant 0 : i32
      %dma_start3A_759 = arith.constant 0 : i32
      %dma_start3A_760 = tpu.memref_slice %arg8[%dma_start3A_757, %dma_start3A_758, %dma_start3A_759] : memref<4x80x128xf32, #tpu.memory_space<vmem>> -> memref<1x80x128xf32, #tpu.memory_space<vmem>>
      %dma_start3A_761 = tpu.memref_squeeze %dma_start3A_760 : memref<1x80x128xf32, #tpu.memory_space<vmem>> -> memref<80x128xf32, #tpu.memory_space<vmem>>
      %dma_start3A_762 = arith.constant 0 : i32
      %dma_start3A_763 = tpu.memref_slice %arg6[%dma_start3A_756, %dma_start3A_762] : memref<4x80xi32, #tpu.memory_space<vmem>> -> memref<1x80xi32, #tpu.memory_space<vmem>>
      %dma_start3A_764 = tpu.memref_squeeze %dma_start3A_763 : memref<1x80xi32, #tpu.memory_space<vmem>> -> memref<80xi32, #tpu.memory_space<vmem>>
      %dma_start3A_765 = arith.constant 0 : i32
      %dma_start3A_766 = arith.constant 0 : i32
      %dma_start3A_767 = tpu.memref_slice %arg2[%dma_start3A_765, %dma_start3A_766] : memref<10000x128xf32, #tpu.memory_space<hbm>> -> memref<10000x128xf32, #tpu.memory_space<hbm>>
      tpu.enqueue_indirect_dma source(%dma_start3A_767 : memref<10000x128xf32, #tpu.memory_space<hbm>>) target(%dma_start3A_761 : memref<80x128xf32, #tpu.memory_space<vmem>>) offsets(%dma_start3A_764 : memref<80xi32, #tpu.memory_space<vmem>>) semaphore(%arg10 : memref<!tpu.dma_semaphore, #tpu.memory_space<semaphore_mem>>)
      %dma_wait3A_768 = arith.constant 0 : i32
      %dma_wait3A_769 = arith.constant 0 : i32
      %dma_wait3A_770 = arith.constant 1 : i32
      %dma_wait3A_771 = arith.constant 0 : i32
      %dma_wait3A_772 = tpu.memref_slice %arg6[%dma_wait3A_770, %dma_wait3A_771] : memref<4x80xi32, #tpu.memory_space<vmem>> -> memref<1x80xi32, #tpu.memory_space<vmem>>
      %dma_wait3A_773 = tpu.memref_squeeze %dma_wait3A_772 : memref<1x80xi32, #tpu.memory_space<vmem>> -> memref<80xi32, #tpu.memory_space<vmem>>
      %dma_wait3A_774 = arith.constant 0 : i32
      %dma_wait3A_775 = tpu.memref_slice %arg3[%dma_wait3A_768, %dma_wait3A_769, %dma_wait3A_774] : memref<32x125x80xi32, #tpu.memory_space<hbm>> -> memref<1x1x80xi32, #tpu.memory_space<hbm>>
      %dma_wait3A_776 = tpu.memref_squeeze %dma_wait3A_775 : memref<1x1x80xi32, #tpu.memory_space<hbm>> -> memref<80xi32, #tpu.memory_space<hbm>>
      %dma_wait3A_777 = arith.constant 0 : i32
      %dma_wait3A_778 = tpu.memref_slice %arg6[%dma_wait3A_770, %dma_wait3A_777] : memref<4x80xi32, #tpu.memory_space<vmem>> -> memref<1x80xi32, #tpu.memory_space<vmem>>
      %dma_wait3A_779 = tpu.memref_squeeze %dma_wait3A_778 : memref<1x80xi32, #tpu.memory_space<vmem>> -> memref<80xi32, #tpu.memory_space<vmem>>
      %dma_wait3A_780 = arith.constant 0 : i32
      %dma_wait3A_781 = tpu.memref_slice %arg3[%dma_wait3A_768, %dma_wait3A_769, %dma_wait3A_780] : memref<32x125x80xi32, #tpu.memory_space<hbm>> -> memref<1x1x80xi32, #tpu.memory_space<hbm>>
      %dma_wait3A_782 = tpu.memref_squeeze %dma_wait3A_781 : memref<1x1x80xi32, #tpu.memory_space<hbm>> -> memref<80xi32, #tpu.memory_space<hbm>>
      tpu.wait_dma2 semaphore(%arg19 : memref<!tpu.dma_semaphore, #tpu.memory_space<semaphore_mem>>) src(%dma_wait3A_782 : memref<80xi32, #tpu.memory_space<hbm>>) dst(%dma_wait3A_779 : memref<80xi32, #tpu.memory_space<vmem>>)
      %dma_start3A_783 = arith.constant 1 : i32
      %dma_start3A_784 = arith.constant 1 : i32
      %dma_start3A_785 = arith.constant 0 : i32
      %dma_start3A_786 = arith.constant 0 : i32
      %dma_start3A_787 = tpu.memref_slice %arg8[%dma_start3A_784, %dma_start3A_785, %dma_start3A_786] : memref<4x80x128xf32, #tpu.memory_space<vmem>> -> memref<1x80x128xf32, #tpu.memory_space<vmem>>
      %dma_start3A_788 = tpu.memref_squeeze %dma_start3A_787 : memref<1x80x128xf32, #tpu.memory_space<vmem>> -> memref<80x128xf32, #tpu.memory_space<vmem>>
      %dma_start3A_789 = arith.constant 0 : i32
      %dma_start3A_790 = tpu.memref_slice %arg6[%dma_start3A_783, %dma_start3A_789] : memref<4x80xi32, #tpu.memory_space<vmem>> -> memref<1x80xi32, #tpu.memory_space<vmem>>
      %dma_start3A_791 = tpu.memref_squeeze %dma_start3A_790 : memref<1x80xi32, #tpu.memory_space<vmem>> -> memref<80xi32, #tpu.memory_space<vmem>>
      %dma_start3A_792 = arith.constant 0 : i32
      %dma_start3A_793 = arith.constant 0 : i32
      %dma_start3A_794 = tpu.memref_slice %arg2[%dma_start3A_792, %dma_start3A_793] : memref<10000x128xf32, #tpu.memory_space<hbm>> -> memref<10000x128xf32, #tpu.memory_space<hbm>>
      tpu.enqueue_indirect_dma source(%dma_start3A_794 : memref<10000x128xf32, #tpu.memory_space<hbm>>) target(%dma_start3A_788 : memref<80x128xf32, #tpu.memory_space<vmem>>) offsets(%dma_start3A_791 : memref<80xi32, #tpu.memory_space<vmem>>) semaphore(%arg11 : memref<!tpu.dma_semaphore, #tpu.memory_space<semaphore_mem>>)
      %dma_wait3A_795 = arith.constant 0 : i32
      %dma_wait3A_796 = arith.constant 0 : i32
      %dma_wait3A_797 = arith.constant 2 : i32
      %dma_wait3A_798 = arith.constant 0 : i32
      %dma_wait3A_799 = tpu.memref_slice %arg6[%dma_wait3A_797, %dma_wait3A_798] : memref<4x80xi32, #tpu.memory_space<vmem>> -> memref<1x80xi32, #tpu.memory_space<vmem>>
      %dma_wait3A_800 = tpu.memref_squeeze %dma_wait3A_799 : memref<1x80xi32, #tpu.memory_space<vmem>> -> memref<80xi32, #tpu.memory_space<vmem>>
      %dma_wait3A_801 = arith.constant 0 : i32
      %dma_wait3A_802 = tpu.memref_slice %arg3[%dma_wait3A_795, %dma_wait3A_796, %dma_wait3A_801] : memref<32x125x80xi32, #tpu.memory_space<hbm>> -> memref<1x1x80xi32, #tpu.memory_space<hbm>>
      %dma_wait3A_803 = tpu.memref_squeeze %dma_wait3A_802 : memref<1x1x80xi32, #tpu.memory_space<hbm>> -> memref<80xi32, #tpu.memory_space<hbm>>
      %dma_wait3A_804 = arith.constant 0 : i32
      %dma_wait3A_805 = tpu.memref_slice %arg6[%dma_wait3A_797, %dma_wait3A_804] : memref<4x80xi32, #tpu.memory_space<vmem>> -> memref<1x80xi32, #tpu.memory_space<vmem>>
      %dma_wait3A_806 = tpu.memref_squeeze %dma_wait3A_805 : memref<1x80xi32, #tpu.memory_space<vmem>> -> memref<80xi32, #tpu.memory_space<vmem>>
      %dma_wait3A_807 = arith.constant 0 : i32
      %dma_wait3A_808 = tpu.memref_slice %arg3[%dma_wait3A_795, %dma_wait3A_796, %dma_wait3A_807] : memref<32x125x80xi32, #tpu.memory_space<hbm>> -> memref<1x1x80xi32, #tpu.memory_space<hbm>>
      %dma_wait3A_809 = tpu.memref_squeeze %dma_wait3A_808 : memref<1x1x80xi32, #tpu.memory_space<hbm>> -> memref<80xi32, #tpu.memory_space<hbm>>
      tpu.wait_dma2 semaphore(%arg20 : memref<!tpu.dma_semaphore, #tpu.memory_space<semaphore_mem>>) src(%dma_wait3A_809 : memref<80xi32, #tpu.memory_space<hbm>>) dst(%dma_wait3A_806 : memref<80xi32, #tpu.memory_space<vmem>>)
      %dma_start3A_810 = arith.constant 2 : i32
      %dma_start3A_811 = arith.constant 2 : i32
      %dma_start3A_812 = arith.constant 0 : i32
      %dma_start3A_813 = arith.constant 0 : i32
      %dma_start3A_814 = tpu.memref_slice %arg8[%dma_start3A_811, %dma_start3A_812, %dma_start3A_813] : memref<4x80x128xf32, #tpu.memory_space<vmem>> -> memref<1x80x128xf32, #tpu.memory_space<vmem>>
      %dma_start3A_815 = tpu.memref_squeeze %dma_start3A_814 : memref<1x80x128xf32, #tpu.memory_space<vmem>> -> memref<80x128xf32, #tpu.memory_space<vmem>>
      %dma_start3A_816 = arith.constant 0 : i32
      %dma_start3A_817 = tpu.memref_slice %arg6[%dma_start3A_810, %dma_start3A_816] : memref<4x80xi32, #tpu.memory_space<vmem>> -> memref<1x80xi32, #tpu.memory_space<vmem>>
      %dma_start3A_818 = tpu.memref_squeeze %dma_start3A_817 : memref<1x80xi32, #tpu.memory_space<vmem>> -> memref<80xi32, #tpu.memory_space<vmem>>
      %dma_start3A_819 = arith.constant 0 : i32
      %dma_start3A_820 = arith.constant 0 : i32
      %dma_start3A_821 = tpu.memref_slice %arg2[%dma_start3A_819, %dma_start3A_820] : memref<10000x128xf32, #tpu.memory_space<hbm>> -> memref<10000x128xf32, #tpu.memory_space<hbm>>
      tpu.enqueue_indirect_dma source(%dma_start3A_821 : memref<10000x128xf32, #tpu.memory_space<hbm>>) target(%dma_start3A_815 : memref<80x128xf32, #tpu.memory_space<vmem>>) offsets(%dma_start3A_818 : memref<80xi32, #tpu.memory_space<vmem>>) semaphore(%arg12 : memref<!tpu.dma_semaphore, #tpu.memory_space<semaphore_mem>>)
      %dma_wait3A_822 = arith.constant 0 : i32
      %dma_wait3A_823 = arith.constant 0 : i32
      %dma_wait3A_824 = arith.constant 3 : i32
      %dma_wait3A_825 = arith.constant 0 : i32
      %dma_wait3A_826 = tpu.memref_slice %arg6[%dma_wait3A_824, %dma_wait3A_825] : memref<4x80xi32, #tpu.memory_space<vmem>> -> memref<1x80xi32, #tpu.memory_space<vmem>>
      %dma_wait3A_827 = tpu.memref_squeeze %dma_wait3A_826 : memref<1x80xi32, #tpu.memory_space<vmem>> -> memref<80xi32, #tpu.memory_space<vmem>>
      %dma_wait3A_828 = arith.constant 0 : i32
      %dma_wait3A_829 = tpu.memref_slice %arg3[%dma_wait3A_822, %dma_wait3A_823, %dma_wait3A_828] : memref<32x125x80xi32, #tpu.memory_space<hbm>> -> memref<1x1x80xi32, #tpu.memory_space<hbm>>
      %dma_wait3A_830 = tpu.memref_squeeze %dma_wait3A_829 : memref<1x1x80xi32, #tpu.memory_space<hbm>> -> memref<80xi32, #tpu.memory_space<hbm>>
      %dma_wait3A_831 = arith.constant 0 : i32
      %dma_wait3A_832 = tpu.memref_slice %arg6[%dma_wait3A_824, %dma_wait3A_831] : memref<4x80xi32, #tpu.memory_space<vmem>> -> memref<1x80xi32, #tpu.memory_space<vmem>>
      %dma_wait3A_833 = tpu.memref_squeeze %dma_wait3A_832 : memref<1x80xi32, #tpu.memory_space<vmem>> -> memref<80xi32, #tpu.memory_space<vmem>>
      %dma_wait3A_834 = arith.constant 0 : i32
      %dma_wait3A_835 = tpu.memref_slice %arg3[%dma_wait3A_822, %dma_wait3A_823, %dma_wait3A_834] : memref<32x125x80xi32, #tpu.memory_space<hbm>> -> memref<1x1x80xi32, #tpu.memory_space<hbm>>
      %dma_wait3A_836 = tpu.memref_squeeze %dma_wait3A_835 : memref<1x1x80xi32, #tpu.memory_space<hbm>> -> memref<80xi32, #tpu.memory_space<hbm>>
      tpu.wait_dma2 semaphore(%arg21 : memref<!tpu.dma_semaphore, #tpu.memory_space<semaphore_mem>>) src(%dma_wait3A_836 : memref<80xi32, #tpu.memory_space<hbm>>) dst(%dma_wait3A_833 : memref<80xi32, #tpu.memory_space<vmem>>)
      %dma_start3A_837 = arith.constant 3 : i32
      %dma_start3A_838 = arith.constant 3 : i32
      %dma_start3A_839 = arith.constant 0 : i32
      %dma_start3A_840 = arith.constant 0 : i32
      %dma_start3A_841 = tpu.memref_slice %arg8[%dma_start3A_838, %dma_start3A_839, %dma_start3A_840] : memref<4x80x128xf32, #tpu.memory_space<vmem>> -> memref<1x80x128xf32, #tpu.memory_space<vmem>>
      %dma_start3A_842 = tpu.memref_squeeze %dma_start3A_841 : memref<1x80x128xf32, #tpu.memory_space<vmem>> -> memref<80x128xf32, #tpu.memory_space<vmem>>
      %dma_start3A_843 = arith.constant 0 : i32
      %dma_start3A_844 = tpu.memref_slice %arg6[%dma_start3A_837, %dma_start3A_843] : memref<4x80xi32, #tpu.memory_space<vmem>> -> memref<1x80xi32, #tpu.memory_space<vmem>>
      %dma_start3A_845 = tpu.memref_squeeze %dma_start3A_844 : memref<1x80xi32, #tpu.memory_space<vmem>> -> memref<80xi32, #tpu.memory_space<vmem>>
      %dma_start3A_846 = arith.constant 0 : i32
      %dma_start3A_847 = arith.constant 0 : i32
      %dma_start3A_848 = tpu.memref_slice %arg2[%dma_start3A_846, %dma_start3A_847] : memref<10000x128xf32, #tpu.memory_space<hbm>> -> memref<10000x128xf32, #tpu.memory_space<hbm>>
      tpu.enqueue_indirect_dma source(%dma_start3A_848 : memref<10000x128xf32, #tpu.memory_space<hbm>>) target(%dma_start3A_842 : memref<80x128xf32, #tpu.memory_space<vmem>>) offsets(%dma_start3A_845 : memref<80xi32, #tpu.memory_space<vmem>>) semaphore(%arg13 : memref<!tpu.dma_semaphore, #tpu.memory_space<semaphore_mem>>)
    }
    %scan3A_269 = arith.constant 31 : i32
    %dma_wait3A_270 = arith.constant 0 : i32
    %dma_wait3A_271 = arith.constant 0 : i32
    %dma_wait3A_272 = arith.constant 0 : i32
    %dma_wait3A_273 = arith.constant 0 : i32
    %dma_wait3A_274 = tpu.memref_slice %arg8[%dma_wait3A_271, %dma_wait3A_272, %dma_wait3A_273] : memref<4x80x128xf32, #tpu.memory_space<vmem>> -> memref<1x80x128xf32, #tpu.memory_space<vmem>>
    %dma_wait3A_275 = tpu.memref_squeeze %dma_wait3A_274 : memref<1x80x128xf32, #tpu.memory_space<vmem>> -> memref<80x128xf32, #tpu.memory_space<vmem>>
    %dma_wait3A_276 = arith.constant 0 : i32
    %dma_wait3A_277 = tpu.memref_slice %arg6[%dma_wait3A_270, %dma_wait3A_276] : memref<4x80xi32, #tpu.memory_space<vmem>> -> memref<1x80xi32, #tpu.memory_space<vmem>>
    %dma_wait3A_278 = tpu.memref_squeeze %dma_wait3A_277 : memref<1x80xi32, #tpu.memory_space<vmem>> -> memref<80xi32, #tpu.memory_space<vmem>>
    %dma_wait3A_279 = arith.constant 0 : i32
    %dma_wait3A_280 = arith.constant 0 : i32
    %dma_wait3A_281 = tpu.memref_slice %arg2[%dma_wait3A_279, %dma_wait3A_280] : memref<10000x128xf32, #tpu.memory_space<hbm>> -> memref<10000x128xf32, #tpu.memory_space<hbm>>
    tpu.wait_indirect_dma semaphore(%arg10 : memref<!tpu.dma_semaphore, #tpu.memory_space<semaphore_mem>>) src(%dma_wait3A_281 : memref<10000x128xf32, #tpu.memory_space<hbm>>) dst(%dma_wait3A_275 : memref<80x128xf32, #tpu.memory_space<vmem>>)
    %dma_wait3A_282 = arith.constant 0 : i32
    %dma_wait3A_283 = arith.constant 0 : i32
    %dma_wait3A_284 = arith.constant 0 : i32
    %dma_wait3A_285 = arith.constant 0 : i32
    %dma_wait3A_286 = tpu.memref_slice %arg7[%dma_wait3A_284, %dma_wait3A_285] : memref<4x80xi32, #tpu.memory_space<vmem>> -> memref<1x80xi32, #tpu.memory_space<vmem>>
    %dma_wait3A_287 = tpu.memref_squeeze %dma_wait3A_286 : memref<1x80xi32, #tpu.memory_space<vmem>> -> memref<80xi32, #tpu.memory_space<vmem>>
    %dma_wait3A_288 = arith.constant 0 : i32
    %dma_wait3A_289 = tpu.memref_slice %arg4[%dma_wait3A_282, %dma_wait3A_283, %dma_wait3A_288] : memref<32x125x80xi32, #tpu.memory_space<hbm>> -> memref<1x1x80xi32, #tpu.memory_space<hbm>>
    %dma_wait3A_290 = tpu.memref_squeeze %dma_wait3A_289 : memref<1x1x80xi32, #tpu.memory_space<hbm>> -> memref<80xi32, #tpu.memory_space<hbm>>
    %dma_wait3A_291 = arith.constant 0 : i32
    %dma_wait3A_292 = tpu.memref_slice %arg7[%dma_wait3A_284, %dma_wait3A_291] : memref<4x80xi32, #tpu.memory_space<vmem>> -> memref<1x80xi32, #tpu.memory_space<vmem>>
    %dma_wait3A_293 = tpu.memref_squeeze %dma_wait3A_292 : memref<1x80xi32, #tpu.memory_space<vmem>> -> memref<80xi32, #tpu.memory_space<vmem>>
    %dma_wait3A_294 = arith.constant 0 : i32
    %dma_wait3A_295 = tpu.memref_slice %arg4[%dma_wait3A_282, %dma_wait3A_283, %dma_wait3A_294] : memref<32x125x80xi32, #tpu.memory_space<hbm>> -> memref<1x1x80xi32, #tpu.memory_space<hbm>>
    %dma_wait3A_296 = tpu.memref_squeeze %dma_wait3A_295 : memref<1x1x80xi32, #tpu.memory_space<hbm>> -> memref<80xi32, #tpu.memory_space<hbm>>
    tpu.wait_dma2 semaphore(%arg22 : memref<!tpu.dma_semaphore, #tpu.memory_space<semaphore_mem>>) src(%dma_wait3A_296 : memref<80xi32, #tpu.memory_space<hbm>>) dst(%dma_wait3A_293 : memref<80xi32, #tpu.memory_space<vmem>>)
    %dma_start3A_297 = arith.constant 0 : i32
    %dma_start3A_298 = arith.constant 0 : i32
    %dma_start3A_299 = arith.constant 0 : i32
    %dma_start3A_300 = arith.constant 0 : i32
    %dma_start3A_301 = tpu.memref_slice %arg8[%dma_start3A_297, %dma_start3A_299, %dma_start3A_300] : memref<4x80x128xf32, #tpu.memory_space<vmem>> -> memref<1x80x128xf32, #tpu.memory_space<vmem>>
    %dma_start3A_302 = tpu.memref_squeeze %dma_start3A_301 : memref<1x80x128xf32, #tpu.memory_space<vmem>> -> memref<80x128xf32, #tpu.memory_space<vmem>>
    %dma_start3A_303 = arith.constant 0 : i32
    %dma_start3A_304 = tpu.memref_slice %arg7[%dma_start3A_298, %dma_start3A_303] : memref<4x80xi32, #tpu.memory_space<vmem>> -> memref<1x80xi32, #tpu.memory_space<vmem>>
    %dma_start3A_305 = tpu.memref_squeeze %dma_start3A_304 : memref<1x80xi32, #tpu.memory_space<vmem>> -> memref<80xi32, #tpu.memory_space<vmem>>
    %dma_start3A_306 = arith.constant 0 : i32
    %dma_start3A_307 = arith.constant 0 : i32
    %dma_start3A_308 = tpu.memref_slice %arg9[%dma_start3A_306, %dma_start3A_307] : memref<10240x128xf32, #tpu.memory_space<vmem_shared>> -> memref<10240x128xf32, #tpu.memory_space<vmem_shared>>
    tpu.enqueue_indirect_dma source(%dma_start3A_302 : memref<80x128xf32, #tpu.memory_space<vmem>>) target(%dma_start3A_308 : memref<10240x128xf32, #tpu.memory_space<vmem_shared>>) offsets(%dma_start3A_305 : memref<80xi32, #tpu.memory_space<vmem>>) semaphore(%arg14 : memref<!tpu.dma_semaphore, #tpu.memory_space<semaphore_mem>>) {add = true}
    %dma_wait3A_309 = arith.constant 0 : i32
    %dma_wait3A_310 = arith.constant 0 : i32
    %dma_wait3A_311 = arith.constant 0 : i32
    %dma_wait3A_312 = arith.constant 0 : i32
    %dma_wait3A_313 = tpu.memref_slice %arg8[%dma_wait3A_309, %dma_wait3A_311, %dma_wait3A_312] : memref<4x80x128xf32, #tpu.memory_space<vmem>> -> memref<1x80x128xf32, #tpu.memory_space<vmem>>
    %dma_wait3A_314 = tpu.memref_squeeze %dma_wait3A_313 : memref<1x80x128xf32, #tpu.memory_space<vmem>> -> memref<80x128xf32, #tpu.memory_space<vmem>>
    %dma_wait3A_315 = arith.constant 0 : i32
    %dma_wait3A_316 = tpu.memref_slice %arg7[%dma_wait3A_310, %dma_wait3A_315] : memref<4x80xi32, #tpu.memory_space<vmem>> -> memref<1x80xi32, #tpu.memory_space<vmem>>
    %dma_wait3A_317 = tpu.memref_squeeze %dma_wait3A_316 : memref<1x80xi32, #tpu.memory_space<vmem>> -> memref<80xi32, #tpu.memory_space<vmem>>
    %dma_wait3A_318 = arith.constant 0 : i32
    %dma_wait3A_319 = arith.constant 0 : i32
    %dma_wait3A_320 = tpu.memref_slice %arg9[%dma_wait3A_318, %dma_wait3A_319] : memref<10240x128xf32, #tpu.memory_space<vmem_shared>> -> memref<10240x128xf32, #tpu.memory_space<vmem_shared>>
    tpu.wait_indirect_dma semaphore(%arg14 : memref<!tpu.dma_semaphore, #tpu.memory_space<semaphore_mem>>) src(%dma_wait3A_314 : memref<80x128xf32, #tpu.memory_space<vmem>>) dst(%dma_wait3A_320 : memref<10240x128xf32, #tpu.memory_space<vmem_shared>>)
    %dma_wait3A_321 = arith.constant 1 : i32
    %dma_wait3A_322 = arith.constant 1 : i32
    %dma_wait3A_323 = arith.constant 0 : i32
    %dma_wait3A_324 = arith.constant 0 : i32
    %dma_wait3A_325 = tpu.memref_slice %arg8[%dma_wait3A_322, %dma_wait3A_323, %dma_wait3A_324] : memref<4x80x128xf32, #tpu.memory_space<vmem>> -> memref<1x80x128xf32, #tpu.memory_space<vmem>>
    %dma_wait3A_326 = tpu.memref_squeeze %dma_wait3A_325 : memref<1x80x128xf32, #tpu.memory_space<vmem>> -> memref<80x128xf32, #tpu.memory_space<vmem>>
    %dma_wait3A_327 = arith.constant 0 : i32
    %dma_wait3A_328 = tpu.memref_slice %arg6[%dma_wait3A_321, %dma_wait3A_327] : memref<4x80xi32, #tpu.memory_space<vmem>> -> memref<1x80xi32, #tpu.memory_space<vmem>>
    %dma_wait3A_329 = tpu.memref_squeeze %dma_wait3A_328 : memref<1x80xi32, #tpu.memory_space<vmem>> -> memref<80xi32, #tpu.memory_space<vmem>>
    %dma_wait3A_330 = arith.constant 0 : i32
    %dma_wait3A_331 = arith.constant 0 : i32
    %dma_wait3A_332 = tpu.memref_slice %arg2[%dma_wait3A_330, %dma_wait3A_331] : memref<10000x128xf32, #tpu.memory_space<hbm>> -> memref<10000x128xf32, #tpu.memory_space<hbm>>
    tpu.wait_indirect_dma semaphore(%arg11 : memref<!tpu.dma_semaphore, #tpu.memory_space<semaphore_mem>>) src(%dma_wait3A_332 : memref<10000x128xf32, #tpu.memory_space<hbm>>) dst(%dma_wait3A_326 : memref<80x128xf32, #tpu.memory_space<vmem>>)
    %dma_wait3A_333 = arith.constant 0 : i32
    %dma_wait3A_334 = arith.constant 0 : i32
    %dma_wait3A_335 = arith.constant 1 : i32
    %dma_wait3A_336 = arith.constant 0 : i32
    %dma_wait3A_337 = tpu.memref_slice %arg7[%dma_wait3A_335, %dma_wait3A_336] : memref<4x80xi32, #tpu.memory_space<vmem>> -> memref<1x80xi32, #tpu.memory_space<vmem>>
    %dma_wait3A_338 = tpu.memref_squeeze %dma_wait3A_337 : memref<1x80xi32, #tpu.memory_space<vmem>> -> memref<80xi32, #tpu.memory_space<vmem>>
    %dma_wait3A_339 = arith.constant 0 : i32
    %dma_wait3A_340 = tpu.memref_slice %arg4[%dma_wait3A_333, %dma_wait3A_334, %dma_wait3A_339] : memref<32x125x80xi32, #tpu.memory_space<hbm>> -> memref<1x1x80xi32, #tpu.memory_space<hbm>>
    %dma_wait3A_341 = tpu.memref_squeeze %dma_wait3A_340 : memref<1x1x80xi32, #tpu.memory_space<hbm>> -> memref<80xi32, #tpu.memory_space<hbm>>
    %dma_wait3A_342 = arith.constant 0 : i32
    %dma_wait3A_343 = tpu.memref_slice %arg7[%dma_wait3A_335, %dma_wait3A_342] : memref<4x80xi32, #tpu.memory_space<vmem>> -> memref<1x80xi32, #tpu.memory_space<vmem>>
    %dma_wait3A_344 = tpu.memref_squeeze %dma_wait3A_343 : memref<1x80xi32, #tpu.memory_space<vmem>> -> memref<80xi32, #tpu.memory_space<vmem>>
    %dma_wait3A_345 = arith.constant 0 : i32
    %dma_wait3A_346 = tpu.memref_slice %arg4[%dma_wait3A_333, %dma_wait3A_334, %dma_wait3A_345] : memref<32x125x80xi32, #tpu.memory_space<hbm>> -> memref<1x1x80xi32, #tpu.memory_space<hbm>>
    %dma_wait3A_347 = tpu.memref_squeeze %dma_wait3A_346 : memref<1x1x80xi32, #tpu.memory_space<hbm>> -> memref<80xi32, #tpu.memory_space<hbm>>
    tpu.wait_dma2 semaphore(%arg23 : memref<!tpu.dma_semaphore, #tpu.memory_space<semaphore_mem>>) src(%dma_wait3A_347 : memref<80xi32, #tpu.memory_space<hbm>>) dst(%dma_wait3A_344 : memref<80xi32, #tpu.memory_space<vmem>>)
    %dma_wait3A_348 = arith.constant 2 : i32
    %dma_wait3A_349 = arith.constant 2 : i32
    %dma_wait3A_350 = arith.constant 0 : i32
    %dma_wait3A_351 = arith.constant 0 : i32
    %dma_wait3A_352 = tpu.memref_slice %arg8[%dma_wait3A_349, %dma_wait3A_350, %dma_wait3A_351] : memref<4x80x128xf32, #tpu.memory_space<vmem>> -> memref<1x80x128xf32, #tpu.memory_space<vmem>>
    %dma_wait3A_353 = tpu.memref_squeeze %dma_wait3A_352 : memref<1x80x128xf32, #tpu.memory_space<vmem>> -> memref<80x128xf32, #tpu.memory_space<vmem>>
    %dma_wait3A_354 = arith.constant 0 : i32
    %dma_wait3A_355 = tpu.memref_slice %arg6[%dma_wait3A_348, %dma_wait3A_354] : memref<4x80xi32, #tpu.memory_space<vmem>> -> memref<1x80xi32, #tpu.memory_space<vmem>>
    %dma_wait3A_356 = tpu.memref_squeeze %dma_wait3A_355 : memref<1x80xi32, #tpu.memory_space<vmem>> -> memref<80xi32, #tpu.memory_space<vmem>>
    %dma_wait3A_357 = arith.constant 0 : i32
    %dma_wait3A_358 = arith.constant 0 : i32
    %dma_wait3A_359 = tpu.memref_slice %arg2[%dma_wait3A_357, %dma_wait3A_358] : memref<10000x128xf32, #tpu.memory_space<hbm>> -> memref<10000x128xf32, #tpu.memory_space<hbm>>
    tpu.wait_indirect_dma semaphore(%arg12 : memref<!tpu.dma_semaphore, #tpu.memory_space<semaphore_mem>>) src(%dma_wait3A_359 : memref<10000x128xf32, #tpu.memory_space<hbm>>) dst(%dma_wait3A_353 : memref<80x128xf32, #tpu.memory_space<vmem>>)
    %dma_wait3A_360 = arith.constant 0 : i32
    %dma_wait3A_361 = arith.constant 0 : i32
    %dma_wait3A_362 = arith.constant 2 : i32
    %dma_wait3A_363 = arith.constant 0 : i32
    %dma_wait3A_364 = tpu.memref_slice %arg7[%dma_wait3A_362, %dma_wait3A_363] : memref<4x80xi32, #tpu.memory_space<vmem>> -> memref<1x80xi32, #tpu.memory_space<vmem>>
    %dma_wait3A_365 = tpu.memref_squeeze %dma_wait3A_364 : memref<1x80xi32, #tpu.memory_space<vmem>> -> memref<80xi32, #tpu.memory_space<vmem>>
    %dma_wait3A_366 = arith.constant 0 : i32
    %dma_wait3A_367 = tpu.memref_slice %arg4[%dma_wait3A_360, %dma_wait3A_361, %dma_wait3A_366] : memref<32x125x80xi32, #tpu.memory_space<hbm>> -> memref<1x1x80xi32, #tpu.memory_space<hbm>>
    %dma_wait3A_368 = tpu.memref_squeeze %dma_wait3A_367 : memref<1x1x80xi32, #tpu.memory_space<hbm>> -> memref<80xi32, #tpu.memory_space<hbm>>
    %dma_wait3A_369 = arith.constant 0 : i32
    %dma_wait3A_370 = tpu.memref_slice %arg7[%dma_wait3A_362, %dma_wait3A_369] : memref<4x80xi32, #tpu.memory_space<vmem>> -> memref<1x80xi32, #tpu.memory_space<vmem>>
    %dma_wait3A_371 = tpu.memref_squeeze %dma_wait3A_370 : memref<1x80xi32, #tpu.memory_space<vmem>> -> memref<80xi32, #tpu.memory_space<vmem>>
    %dma_wait3A_372 = arith.constant 0 : i32
    %dma_wait3A_373 = tpu.memref_slice %arg4[%dma_wait3A_360, %dma_wait3A_361, %dma_wait3A_372] : memref<32x125x80xi32, #tpu.memory_space<hbm>> -> memref<1x1x80xi32, #tpu.memory_space<hbm>>
    %dma_wait3A_374 = tpu.memref_squeeze %dma_wait3A_373 : memref<1x1x80xi32, #tpu.memory_space<hbm>> -> memref<80xi32, #tpu.memory_space<hbm>>
    tpu.wait_dma2 semaphore(%arg24 : memref<!tpu.dma_semaphore, #tpu.memory_space<semaphore_mem>>) src(%dma_wait3A_374 : memref<80xi32, #tpu.memory_space<hbm>>) dst(%dma_wait3A_371 : memref<80xi32, #tpu.memory_space<vmem>>)
    %dma_wait3A_375 = arith.constant 3 : i32
    %dma_wait3A_376 = arith.constant 3 : i32
    %dma_wait3A_377 = arith.constant 0 : i32
    %dma_wait3A_378 = arith.constant 0 : i32
    %dma_wait3A_379 = tpu.memref_slice %arg8[%dma_wait3A_376, %dma_wait3A_377, %dma_wait3A_378] : memref<4x80x128xf32, #tpu.memory_space<vmem>> -> memref<1x80x128xf32, #tpu.memory_space<vmem>>
    %dma_wait3A_380 = tpu.memref_squeeze %dma_wait3A_379 : memref<1x80x128xf32, #tpu.memory_space<vmem>> -> memref<80x128xf32, #tpu.memory_space<vmem>>
    %dma_wait3A_381 = arith.constant 0 : i32
    %dma_wait3A_382 = tpu.memref_slice %arg6[%dma_wait3A_375, %dma_wait3A_381] : memref<4x80xi32, #tpu.memory_space<vmem>> -> memref<1x80xi32, #tpu.memory_space<vmem>>
    %dma_wait3A_383 = tpu.memref_squeeze %dma_wait3A_382 : memref<1x80xi32, #tpu.memory_space<vmem>> -> memref<80xi32, #tpu.memory_space<vmem>>
    %dma_wait3A_384 = arith.constant 0 : i32
    %dma_wait3A_385 = arith.constant 0 : i32
    %dma_wait3A_386 = tpu.memref_slice %arg2[%dma_wait3A_384, %dma_wait3A_385] : memref<10000x128xf32, #tpu.memory_space<hbm>> -> memref<10000x128xf32, #tpu.memory_space<hbm>>
    tpu.wait_indirect_dma semaphore(%arg13 : memref<!tpu.dma_semaphore, #tpu.memory_space<semaphore_mem>>) src(%dma_wait3A_386 : memref<10000x128xf32, #tpu.memory_space<hbm>>) dst(%dma_wait3A_380 : memref<80x128xf32, #tpu.memory_space<vmem>>)
    %dma_wait3A_387 = arith.constant 0 : i32
    %dma_wait3A_388 = arith.constant 0 : i32
    %dma_wait3A_389 = arith.constant 3 : i32
    %dma_wait3A_390 = arith.constant 0 : i32
    %dma_wait3A_391 = tpu.memref_slice %arg7[%dma_wait3A_389, %dma_wait3A_390] : memref<4x80xi32, #tpu.memory_space<vmem>> -> memref<1x80xi32, #tpu.memory_space<vmem>>
    %dma_wait3A_392 = tpu.memref_squeeze %dma_wait3A_391 : memref<1x80xi32, #tpu.memory_space<vmem>> -> memref<80xi32, #tpu.memory_space<vmem>>
    %dma_wait3A_393 = arith.constant 0 : i32
    %dma_wait3A_394 = tpu.memref_slice %arg4[%dma_wait3A_387, %dma_wait3A_388, %dma_wait3A_393] : memref<32x125x80xi32, #tpu.memory_space<hbm>> -> memref<1x1x80xi32, #tpu.memory_space<hbm>>
    %dma_wait3A_395 = tpu.memref_squeeze %dma_wait3A_394 : memref<1x1x80xi32, #tpu.memory_space<hbm>> -> memref<80xi32, #tpu.memory_space<hbm>>
    %dma_wait3A_396 = arith.constant 0 : i32
    %dma_wait3A_397 = tpu.memref_slice %arg7[%dma_wait3A_389, %dma_wait3A_396] : memref<4x80xi32, #tpu.memory_space<vmem>> -> memref<1x80xi32, #tpu.memory_space<vmem>>
    %dma_wait3A_398 = tpu.memref_squeeze %dma_wait3A_397 : memref<1x80xi32, #tpu.memory_space<vmem>> -> memref<80xi32, #tpu.memory_space<vmem>>
    %dma_wait3A_399 = arith.constant 0 : i32
    %dma_wait3A_400 = tpu.memref_slice %arg4[%dma_wait3A_387, %dma_wait3A_388, %dma_wait3A_399] : memref<32x125x80xi32, #tpu.memory_space<hbm>> -> memref<1x1x80xi32, #tpu.memory_space<hbm>>
    %dma_wait3A_401 = tpu.memref_squeeze %dma_wait3A_400 : memref<1x1x80xi32, #tpu.memory_space<hbm>> -> memref<80xi32, #tpu.memory_space<hbm>>
    tpu.wait_dma2 semaphore(%arg25 : memref<!tpu.dma_semaphore, #tpu.memory_space<semaphore_mem>>) src(%dma_wait3A_401 : memref<80xi32, #tpu.memory_space<hbm>>) dst(%dma_wait3A_398 : memref<80xi32, #tpu.memory_space<vmem>>)
    %barrier3A_402 = arith.constant 0 : index
    tpu.barrier barrier_id(%barrier3A_402)
    %mul3A_403 = arith.constant 640 : i32
    %mul3A_404 = arith.muli %arg1, %mul3A_403 : i32
    %mul3A_405 = arith.constant 640 : i32
    %mul3A_406 = arith.muli %arg1, %mul3A_405 : i32
    "tpu.region"() ({
      %run_scoped3A_407 = tpu.sem_alloc : memref<!tpu.dma_semaphore, #tpu.memory_space<semaphore_mem>>
      %dma_start3A_408 = arith.constant 0 : i32
      %dma_start3A_409 = tpu.memref_slice %arg5[%arg0, %mul3A_406, %dma_start3A_408] : memref<2x10240x128xf32, #tpu.memory_space<hbm>> -> memref<1x640x128xf32, #tpu.memory_space<hbm>>
      %dma_start3A_410 = tpu.memref_squeeze %dma_start3A_409 : memref<1x640x128xf32, #tpu.memory_space<hbm>> -> memref<640x128xf32, #tpu.memory_space<hbm>>
      %dma_start3A_411 = arith.constant 0 : i32
      %dma_start3A_412 = tpu.memref_slice %arg9[%mul3A_404, %dma_start3A_411] : memref<10240x128xf32, #tpu.memory_space<vmem_shared>> -> memref<640x128xf32, #tpu.memory_space<vmem_shared>>
      tpu.enqueue_dma source(%dma_start3A_412 : memref<640x128xf32, #tpu.memory_space<vmem_shared>>) target(%dma_start3A_410 : memref<640x128xf32, #tpu.memory_space<hbm>>) target_semaphore(%run_scoped3A_407 : memref<!tpu.dma_semaphore, #tpu.memory_space<semaphore_mem>>)
      %dma_wait3A_413 = arith.constant 0 : i32
      %dma_wait3A_414 = tpu.memref_slice %arg5[%arg0, %mul3A_406, %dma_wait3A_413] : memref<2x10240x128xf32, #tpu.memory_space<hbm>> -> memref<1x640x128xf32, #tpu.memory_space<hbm>>
      %dma_wait3A_415 = tpu.memref_squeeze %dma_wait3A_414 : memref<1x640x128xf32, #tpu.memory_space<hbm>> -> memref<640x128xf32, #tpu.memory_space<hbm>>
      %dma_wait3A_416 = arith.constant 0 : i32
      %dma_wait3A_417 = tpu.memref_slice %arg9[%mul3A_404, %dma_wait3A_416] : memref<10240x128xf32, #tpu.memory_space<vmem_shared>> -> memref<640x128xf32, #tpu.memory_space<vmem_shared>>
      tpu.wait_dma2 semaphore(%run_scoped3A_407 : memref<!tpu.dma_semaphore, #tpu.memory_space<semaphore_mem>>) src(%dma_wait3A_417 : memref<640x128xf32, #tpu.memory_space<vmem_shared>>) dst(%dma_wait3A_415 : memref<640x128xf32, #tpu.memory_space<hbm>>)
      tpu.yield
    }) : () -> ()
    return
  }
}

#map = affine_map<(d0, d1) -> (0, 0)>
#map1 = affine_map<(d0, d1) -> (0, 0, 0)>
module attributes {stable_mosaic.version = 14 : i64} {
  func.func @_scat_sc(%arg0: i32, %arg1: i32, %arg2: memref<10000x128xf32, #tpu.memory_space<hbm>>, %arg3: memref<32x125x80xi32, #tpu.memory_space<hbm>>, %arg4: memref<32x125x80xi32, #tpu.memory_space<hbm>>, %arg5: memref<2x10240x128xf32, #tpu.memory_space<hbm>>, %arg6: memref<4x80xi32, #tpu.memory_space<vmem>>, %arg7: memref<4x80xi32, #tpu.memory_space<vmem>>, %arg8: memref<4x80x128xf32, #tpu.memory_space<vmem>>, %arg9: memref<10240x128xf32, #tpu.memory_space<vmem_shared>>, %arg10: memref<!tpu.dma_semaphore, #tpu.memory_space<semaphore_mem>>, %arg11: memref<!tpu.dma_semaphore, #tpu.memory_space<semaphore_mem>>, %arg12: memref<!tpu.dma_semaphore, #tpu.memory_space<semaphore_mem>>, %arg13: memref<!tpu.dma_semaphore, #tpu.memory_space<semaphore_mem>>, %arg14: memref<!tpu.dma_semaphore, #tpu.memory_space<semaphore_mem>>, %arg15: memref<!tpu.dma_semaphore, #tpu.memory_space<semaphore_mem>>, %arg16: memref<!tpu.dma_semaphore, #tpu.memory_space<semaphore_mem>>, %arg17: memref<!tpu.dma_semaphore, #tpu.memory_space<semaphore_mem>>, %arg18: memref<!tpu.dma_semaphore, #tpu.memory_space<semaphore_mem>>, %arg19: memref<!tpu.dma_semaphore, #tpu.memory_space<semaphore_mem>>, %arg20: memref<!tpu.dma_semaphore, #tpu.memory_space<semaphore_mem>>, %arg21: memref<!tpu.dma_semaphore, #tpu.memory_space<semaphore_mem>>, %arg22: memref<!tpu.dma_semaphore, #tpu.memory_space<semaphore_mem>>, %arg23: memref<!tpu.dma_semaphore, #tpu.memory_space<semaphore_mem>>, %arg24: memref<!tpu.dma_semaphore, #tpu.memory_space<semaphore_mem>>, %arg25: memref<!tpu.dma_semaphore, #tpu.memory_space<semaphore_mem>>) attributes {dimension_semantics = [#tpu.dimension_semantics<core_parallel>, #tpu.dimension_semantics<subcore_parallel>], iteration_bounds = array<i64: 2, 16>, scalar_prefetch = 0 : i64, scratch_operands = 20 : i64, tpu.core_type = #tpu.core_type<sc_vector_subcore>, window_params = [{transform_indices = #map}, {transform_indices = #map1}, {transform_indices = #map1}, {transform_indices = #map1}]} {
    %mul3A = arith.constant 2 : i32
    %mul3A_0 = arith.muli %arg1, %mul3A : i32
    %add3A = arith.addi %mul3A_0, %arg0 : i32
    %broadcast_in_dim3A = arith.constant 0.000000e+00 : f32
    %broadcast_in_dim3A_1 = vector.broadcast %broadcast_in_dim3A : f32 to vector<16xf32>
    %scan3A = arith.constant 0 : i32
    %scan3A_2 = arith.constant 0 : i32
    %scan3A_3 = arith.constant 80 : i32
    %scan3A_4 = arith.addi %scan3A_2, %scan3A_3 : i32
    %scan3A_5 = arith.constant 1 : i32
    scf.for %scan3A_407 = %scan3A_2 to %scan3A_4 step %scan3A_5  : i32 {
      %swap3A = arith.constant 0 : i32
      %swap3A_408 = arith.index_cast %swap3A : i32 to index
      %swap3A_409 = arith.index_cast %scan3A_407 : i32 to index
      %swap3A_410 = arith.constant 0 : index
      %swap3A_411 = tpu.vector_load %arg8[%swap3A_408, %swap3A_409, %swap3A_410] {strides = array<i32>} : memref<4x80x128xf32, #tpu.memory_space<vmem>>, vector<1x1x16xf32>,
      %swap3A_412 = vector.shape_cast %swap3A_411 : vector<1x1x16xf32> to vector<16xf32>
      %swap3A_413 = vector.shape_cast %broadcast_in_dim3A_1 : vector<16xf32> to vector<1x1x16xf32>
      tpu.vector_store %arg8[%swap3A_408, %swap3A_409, %swap3A_410], %swap3A_413 {strides = array<i32>} : memref<4x80x128xf32, #tpu.memory_space<vmem>>, vector<1x1x16xf32>,
      %swap3A_414 = arith.constant 0 : i32
      %swap3A_415 = arith.index_cast %swap3A_414 : i32 to index
      %swap3A_416 = arith.index_cast %scan3A_407 : i32 to index
      %swap3A_417 = arith.constant 16 : index
      %swap3A_418 = tpu.vector_load %arg8[%swap3A_415, %swap3A_416, %swap3A_417] {strides = array<i32>} : memref<4x80x128xf32, #tpu.memory_space<vmem>>, vector<1x1x16xf32>,
      %swap3A_419 = vector.shape_cast %swap3A_418 : vector<1x1x16xf32> to vector<16xf32>
      %swap3A_420 = vector.shape_cast %broadcast_in_dim3A_1 : vector<16xf32> to vector<1x1x16xf32>
      tpu.vector_store %arg8[%swap3A_415, %swap3A_416, %swap3A_417], %swap3A_420 {strides = array<i32>} : memref<4x80x128xf32, #tpu.memory_space<vmem>>, vector<1x1x16xf32>,
      %swap3A_421 = arith.constant 0 : i32
      %swap3A_422 = arith.index_cast %swap3A_421 : i32 to index
      %swap3A_423 = arith.index_cast %scan3A_407 : i32 to index
      %swap3A_424 = arith.constant 32 : index
      %swap3A_425 = tpu.vector_load %arg8[%swap3A_422, %swap3A_423, %swap3A_424] {strides = array<i32>} : memref<4x80x128xf32, #tpu.memory_space<vmem>>, vector<1x1x16xf32>,
      %swap3A_426 = vector.shape_cast %swap3A_425 : vector<1x1x16xf32> to vector<16xf32>
      %swap3A_427 = vector.shape_cast %broadcast_in_dim3A_1 : vector<16xf32> to vector<1x1x16xf32>
      tpu.vector_store %arg8[%swap3A_422, %swap3A_423, %swap3A_424], %swap3A_427 {strides = array<i32>} : memref<4x80x128xf32, #tpu.memory_space<vmem>>, vector<1x1x16xf32>,
      %swap3A_428 = arith.constant 0 : i32
      %swap3A_429 = arith.index_cast %swap3A_428 : i32 to index
      %swap3A_430 = arith.index_cast %scan3A_407 : i32 to index
      %swap3A_431 = arith.constant 48 : index
      %swap3A_432 = tpu.vector_load %arg8[%swap3A_429, %swap3A_430, %swap3A_431] {strides = array<i32>} : memref<4x80x128xf32, #tpu.memory_space<vmem>>, vector<1x1x16xf32>,
      %swap3A_433 = vector.shape_cast %swap3A_432 : vector<1x1x16xf32> to vector<16xf32>
      %swap3A_434 = vector.shape_cast %broadcast_in_dim3A_1 : vector<16xf32> to vector<1x1x16xf32>
      tpu.vector_store %arg8[%swap3A_429, %swap3A_430, %swap3A_431], %swap3A_434 {strides = array<i32>} : memref<4x80x128xf32, #tpu.memory_space<vmem>>, vector<1x1x16xf32>,
      %swap3A_435 = arith.constant 0 : i32
      %swap3A_436 = arith.index_cast %swap3A_435 : i32 to index
      %swap3A_437 = arith.index_cast %scan3A_407 : i32 to index
      %swap3A_438 = arith.constant 64 : index
      %swap3A_439 = tpu.vector_load %arg8[%swap3A_436, %swap3A_437, %swap3A_438] {strides = array<i32>} : memref<4x80x128xf32, #tpu.memory_space<vmem>>, vector<1x1x16xf32>,
      %swap3A_440 = vector.shape_cast %swap3A_439 : vector<1x1x16xf32> to vector<16xf32>
      %swap3A_441 = vector.shape_cast %broadcast_in_dim3A_1 : vector<16xf32> to vector<1x1x16xf32>
      tpu.vector_store %arg8[%swap3A_436, %swap3A_437, %swap3A_438], %swap3A_441 {strides = array<i32>} : memref<4x80x128xf32, #tpu.memory_space<vmem>>, vector<1x1x16xf32>,
      %swap3A_442 = arith.constant 0 : i32
      %swap3A_443 = arith.index_cast %swap3A_442 : i32 to index
      %swap3A_444 = arith.index_cast %scan3A_407 : i32 to index
      %swap3A_445 = arith.constant 80 : index
      %swap3A_446 = tpu.vector_load %arg8[%swap3A_443, %swap3A_444, %swap3A_445] {strides = array<i32>} : memref<4x80x128xf32, #tpu.memory_space<vmem>>, vector<1x1x16xf32>,
      %swap3A_447 = vector.shape_cast %swap3A_446 : vector<1x1x16xf32> to vector<16xf32>
      %swap3A_448 = vector.shape_cast %broadcast_in_dim3A_1 : vector<16xf32> to vector<1x1x16xf32>
      tpu.vector_store %arg8[%swap3A_443, %swap3A_444, %swap3A_445], %swap3A_448 {strides = array<i32>} : memref<4x80x128xf32, #tpu.memory_space<vmem>>, vector<1x1x16xf32>,
      %swap3A_449 = arith.constant 0 : i32
      %swap3A_450 = arith.index_cast %swap3A_449 : i32 to index
      %swap3A_451 = arith.index_cast %scan3A_407 : i32 to index
      %swap3A_452 = arith.constant 96 : index
      %swap3A_453 = tpu.vector_load %arg8[%swap3A_450, %swap3A_451, %swap3A_452] {strides = array<i32>} : memref<4x80x128xf32, #tpu.memory_space<vmem>>, vector<1x1x16xf32>,
      %swap3A_454 = vector.shape_cast %swap3A_453 : vector<1x1x16xf32> to vector<16xf32>
      %swap3A_455 = vector.shape_cast %broadcast_in_dim3A_1 : vector<16xf32> to vector<1x1x16xf32>
      tpu.vector_store %arg8[%swap3A_450, %swap3A_451, %swap3A_452], %swap3A_455 {strides = array<i32>} : memref<4x80x128xf32, #tpu.memory_space<vmem>>, vector<1x1x16xf32>,
      %swap3A_456 = arith.constant 0 : i32
      %swap3A_457 = arith.index_cast %swap3A_456 : i32 to index
      %swap3A_458 = arith.index_cast %scan3A_407 : i32 to index
      %swap3A_459 = arith.constant 112 : index
      %swap3A_460 = tpu.vector_load %arg8[%swap3A_457, %swap3A_458, %swap3A_459] {strides = array<i32>} : memref<4x80x128xf32, #tpu.memory_space<vmem>>, vector<1x1x16xf32>,
      %swap3A_461 = vector.shape_cast %swap3A_460 : vector<1x1x16xf32> to vector<16xf32>
      %swap3A_462 = vector.shape_cast %broadcast_in_dim3A_1 : vector<16xf32> to vector<1x1x16xf32>
      tpu.vector_store %arg8[%swap3A_457, %swap3A_458, %swap3A_459], %swap3A_462 {strides = array<i32>} : memref<4x80x128xf32, #tpu.memory_space<vmem>>, vector<1x1x16xf32>,
    }
    %scan3A_6 = arith.constant 80 : i32
    %mul3A_7 = arith.constant 640 : i32
    %mul3A_8 = arith.muli %arg1, %mul3A_7 : i32
    %add3A_9 = arith.constant 0 : i32
    %add3A_10 = arith.addi %mul3A_8, %add3A_9 : i32
    %run_scoped3A = arith.constant 0 : i32
    "tpu.region"() ({
      %run_scoped3A_407 = tpu.sem_alloc : memref<!tpu.dma_semaphore, #tpu.memory_space<semaphore_mem>>
      %dma_start3A_408 = arith.constant 0 : i32
      %dma_start3A_409 = arith.constant 0 : i32
      %dma_start3A_410 = tpu.memref_slice %arg8[%run_scoped3A, %dma_start3A_408, %dma_start3A_409] : memref<4x80x128xf32, #tpu.memory_space<vmem>> -> memref<1x80x128xf32, #tpu.memory_space<vmem>>
      %dma_start3A_411 = tpu.memref_squeeze %dma_start3A_410 : memref<1x80x128xf32, #tpu.memory_space<vmem>> -> memref<80x128xf32, #tpu.memory_space<vmem>>
      %dma_start3A_412 = arith.constant 0 : i32
      %dma_start3A_413 = tpu.memref_slice %arg9[%add3A_10, %dma_start3A_412] : memref<10240x128xf32, #tpu.memory_space<vmem_shared>> -> memref<80x128xf32, #tpu.memory_space<vmem_shared>>
      %dma_start3A_414 = arith.constant 0 : i32
      %dma_start3A_415 = tpu.memref_slice %arg9[%add3A_10, %dma_start3A_414] : memref<10240x128xf32, #tpu.memory_space<vmem_shared>> -> memref<80x128xf32, #tpu.memory_space<vmem_shared>>
      %dma_start3A_416 = arith.constant 0 : i32
      %dma_start3A_417 = arith.constant 0 : i32
      %dma_start3A_418 = tpu.memref_slice %arg8[%run_scoped3A, %dma_start3A_416, %dma_start3A_417] : memref<4x80x128xf32, #tpu.memory_space<vmem>> -> memref<1x80x128xf32, #tpu.memory_space<vmem>>
      %dma_start3A_419 = tpu.memref_squeeze %dma_start3A_418 : memref<1x80x128xf32, #tpu.memory_space<vmem>> -> memref<80x128xf32, #tpu.memory_space<vmem>>
      tpu.enqueue_dma source(%dma_start3A_419 : memref<80x128xf32, #tpu.memory_space<vmem>>) target(%dma_start3A_415 : memref<80x128xf32, #tpu.memory_space<vmem_shared>>) target_semaphore(%run_scoped3A_407 : memref<!tpu.dma_semaphore, #tpu.memory_space<semaphore_mem>>)
      %dma_wait3A_420 = arith.constant 0 : i32
      %dma_wait3A_421 = arith.constant 0 : i32
      %dma_wait3A_422 = tpu.memref_slice %arg8[%run_scoped3A, %dma_wait3A_420, %dma_wait3A_421] : memref<4x80x128xf32, #tpu.memory_space<vmem>> -> memref<1x80x128xf32, #tpu.memory_space<vmem>>
      %dma_wait3A_423 = tpu.memref_squeeze %dma_wait3A_422 : memref<1x80x128xf32, #tpu.memory_space<vmem>> -> memref<80x128xf32, #tpu.memory_space<vmem>>
      %dma_wait3A_424 = arith.constant 0 : i32
      %dma_wait3A_425 = tpu.memref_slice %arg9[%add3A_10, %dma_wait3A_424] : memref<10240x128xf32, #tpu.memory_space<vmem_shared>> -> memref<80x128xf32, #tpu.memory_space<vmem_shared>>
      %dma_wait3A_426 = arith.constant 0 : i32
      %dma_wait3A_427 = tpu.memref_slice %arg9[%add3A_10, %dma_wait3A_426] : memref<10240x128xf32, #tpu.memory_space<vmem_shared>> -> memref<80x128xf32, #tpu.memory_space<vmem_shared>>
      %dma_wait3A_428 = arith.constant 0 : i32
      %dma_wait3A_429 = arith.constant 0 : i32
      %dma_wait3A_430 = tpu.memref_slice %arg8[%run_scoped3A, %dma_wait3A_428, %dma_wait3A_429] : memref<4x80x128xf32, #tpu.memory_space<vmem>> -> memref<1x80x128xf32, #tpu.memory_space<vmem>>
      %dma_wait3A_431 = tpu.memref_squeeze %dma_wait3A_430 : memref<1x80x128xf32, #tpu.memory_space<vmem>> -> memref<80x128xf32, #tpu.memory_space<vmem>>
      tpu.wait_dma2 semaphore(%run_scoped3A_407 : memref<!tpu.dma_semaphore, #tpu.memory_space<semaphore_mem>>) src(%dma_wait3A_431 : memref<80x128xf32, #tpu.memory_space<vmem>>) dst(%dma_wait3A_427 : memref<80x128xf32, #tpu.memory_space<vmem_shared>>)
      tpu.yield
    }) : () -> ()
    %mul3A_11 = arith.constant 640 : i32
    %mul3A_12 = arith.muli %arg1, %mul3A_11 : i32
    %add3A_13 = arith.constant 80 : i32
    %add3A_14 = arith.addi %mul3A_12, %add3A_13 : i32
    %run_scoped3A_15 = arith.constant 0 : i32
    "tpu.region"() ({
      %run_scoped3A_407 = tpu.sem_alloc : memref<!tpu.dma_semaphore, #tpu.memory_space<semaphore_mem>>
      %dma_start3A_408 = arith.constant 0 : i32
      %dma_start3A_409 = arith.constant 0 : i32
      %dma_start3A_410 = tpu.memref_slice %arg8[%run_scoped3A_15, %dma_start3A_408, %dma_start3A_409] : memref<4x80x128xf32, #tpu.memory_space<vmem>> -> memref<1x80x128xf32, #tpu.memory_space<vmem>>
      %dma_start3A_411 = tpu.memref_squeeze %dma_start3A_410 : memref<1x80x128xf32, #tpu.memory_space<vmem>> -> memref<80x128xf32, #tpu.memory_space<vmem>>
      %dma_start3A_412 = arith.constant 0 : i32
      %dma_start3A_413 = tpu.memref_slice %arg9[%add3A_14, %dma_start3A_412] : memref<10240x128xf32, #tpu.memory_space<vmem_shared>> -> memref<80x128xf32, #tpu.memory_space<vmem_shared>>
      %dma_start3A_414 = arith.constant 0 : i32
      %dma_start3A_415 = tpu.memref_slice %arg9[%add3A_14, %dma_start3A_414] : memref<10240x128xf32, #tpu.memory_space<vmem_shared>> -> memref<80x128xf32, #tpu.memory_space<vmem_shared>>
      %dma_start3A_416 = arith.constant 0 : i32
      %dma_start3A_417 = arith.constant 0 : i32
      %dma_start3A_418 = tpu.memref_slice %arg8[%run_scoped3A_15, %dma_start3A_416, %dma_start3A_417] : memref<4x80x128xf32, #tpu.memory_space<vmem>> -> memref<1x80x128xf32, #tpu.memory_space<vmem>>
      %dma_start3A_419 = tpu.memref_squeeze %dma_start3A_418 : memref<1x80x128xf32, #tpu.memory_space<vmem>> -> memref<80x128xf32, #tpu.memory_space<vmem>>
      tpu.enqueue_dma source(%dma_start3A_419 : memref<80x128xf32, #tpu.memory_space<vmem>>) target(%dma_start3A_415 : memref<80x128xf32, #tpu.memory_space<vmem_shared>>) target_semaphore(%run_scoped3A_407 : memref<!tpu.dma_semaphore, #tpu.memory_space<semaphore_mem>>)
      %dma_wait3A_420 = arith.constant 0 : i32
      %dma_wait3A_421 = arith.constant 0 : i32
      %dma_wait3A_422 = tpu.memref_slice %arg8[%run_scoped3A_15, %dma_wait3A_420, %dma_wait3A_421] : memref<4x80x128xf32, #tpu.memory_space<vmem>> -> memref<1x80x128xf32, #tpu.memory_space<vmem>>
      %dma_wait3A_423 = tpu.memref_squeeze %dma_wait3A_422 : memref<1x80x128xf32, #tpu.memory_space<vmem>> -> memref<80x128xf32, #tpu.memory_space<vmem>>
      %dma_wait3A_424 = arith.constant 0 : i32
      %dma_wait3A_425 = tpu.memref_slice %arg9[%add3A_14, %dma_wait3A_424] : memref<10240x128xf32, #tpu.memory_space<vmem_shared>> -> memref<80x128xf32, #tpu.memory_space<vmem_shared>>
      %dma_wait3A_426 = arith.constant 0 : i32
      %dma_wait3A_427 = tpu.memref_slice %arg9[%add3A_14, %dma_wait3A_426] : memref<10240x128xf32, #tpu.memory_space<vmem_shared>> -> memref<80x128xf32, #tpu.memory_space<vmem_shared>>
      %dma_wait3A_428 = arith.constant 0 : i32
      %dma_wait3A_429 = arith.constant 0 : i32
      %dma_wait3A_430 = tpu.memref_slice %arg8[%run_scoped3A_15, %dma_wait3A_428, %dma_wait3A_429] : memref<4x80x128xf32, #tpu.memory_space<vmem>> -> memref<1x80x128xf32, #tpu.memory_space<vmem>>
      %dma_wait3A_431 = tpu.memref_squeeze %dma_wait3A_430 : memref<1x80x128xf32, #tpu.memory_space<vmem>> -> memref<80x128xf32, #tpu.memory_space<vmem>>
      tpu.wait_dma2 semaphore(%run_scoped3A_407 : memref<!tpu.dma_semaphore, #tpu.memory_space<semaphore_mem>>) src(%dma_wait3A_431 : memref<80x128xf32, #tpu.memory_space<vmem>>) dst(%dma_wait3A_427 : memref<80x128xf32, #tpu.memory_space<vmem_shared>>)
      tpu.yield
    }) : () -> ()
    %mul3A_16 = arith.constant 640 : i32
    %mul3A_17 = arith.muli %arg1, %mul3A_16 : i32
    %add3A_18 = arith.constant 160 : i32
    %add3A_19 = arith.addi %mul3A_17, %add3A_18 : i32
    %run_scoped3A_20 = arith.constant 0 : i32
    "tpu.region"() ({
      %run_scoped3A_407 = tpu.sem_alloc : memref<!tpu.dma_semaphore, #tpu.memory_space<semaphore_mem>>
      %dma_start3A_408 = arith.constant 0 : i32
      %dma_start3A_409 = arith.constant 0 : i32
      %dma_start3A_410 = tpu.memref_slice %arg8[%run_scoped3A_20, %dma_start3A_408, %dma_start3A_409] : memref<4x80x128xf32, #tpu.memory_space<vmem>> -> memref<1x80x128xf32, #tpu.memory_space<vmem>>
      %dma_start3A_411 = tpu.memref_squeeze %dma_start3A_410 : memref<1x80x128xf32, #tpu.memory_space<vmem>> -> memref<80x128xf32, #tpu.memory_space<vmem>>
      %dma_start3A_412 = arith.constant 0 : i32
      %dma_start3A_413 = tpu.memref_slice %arg9[%add3A_19, %dma_start3A_412] : memref<10240x128xf32, #tpu.memory_space<vmem_shared>> -> memref<80x128xf32, #tpu.memory_space<vmem_shared>>
      %dma_start3A_414 = arith.constant 0 : i32
      %dma_start3A_415 = tpu.memref_slice %arg9[%add3A_19, %dma_start3A_414] : memref<10240x128xf32, #tpu.memory_space<vmem_shared>> -> memref<80x128xf32, #tpu.memory_space<vmem_shared>>
      %dma_start3A_416 = arith.constant 0 : i32
      %dma_start3A_417 = arith.constant 0 : i32
      %dma_start3A_418 = tpu.memref_slice %arg8[%run_scoped3A_20, %dma_start3A_416, %dma_start3A_417] : memref<4x80x128xf32, #tpu.memory_space<vmem>> -> memref<1x80x128xf32, #tpu.memory_space<vmem>>
      %dma_start3A_419 = tpu.memref_squeeze %dma_start3A_418 : memref<1x80x128xf32, #tpu.memory_space<vmem>> -> memref<80x128xf32, #tpu.memory_space<vmem>>
      tpu.enqueue_dma source(%dma_start3A_419 : memref<80x128xf32, #tpu.memory_space<vmem>>) target(%dma_start3A_415 : memref<80x128xf32, #tpu.memory_space<vmem_shared>>) target_semaphore(%run_scoped3A_407 : memref<!tpu.dma_semaphore, #tpu.memory_space<semaphore_mem>>)
      %dma_wait3A_420 = arith.constant 0 : i32
      %dma_wait3A_421 = arith.constant 0 : i32
      %dma_wait3A_422 = tpu.memref_slice %arg8[%run_scoped3A_20, %dma_wait3A_420, %dma_wait3A_421] : memref<4x80x128xf32, #tpu.memory_space<vmem>> -> memref<1x80x128xf32, #tpu.memory_space<vmem>>
      %dma_wait3A_423 = tpu.memref_squeeze %dma_wait3A_422 : memref<1x80x128xf32, #tpu.memory_space<vmem>> -> memref<80x128xf32, #tpu.memory_space<vmem>>
      %dma_wait3A_424 = arith.constant 0 : i32
      %dma_wait3A_425 = tpu.memref_slice %arg9[%add3A_19, %dma_wait3A_424] : memref<10240x128xf32, #tpu.memory_space<vmem_shared>> -> memref<80x128xf32, #tpu.memory_space<vmem_shared>>
      %dma_wait3A_426 = arith.constant 0 : i32
      %dma_wait3A_427 = tpu.memref_slice %arg9[%add3A_19, %dma_wait3A_426] : memref<10240x128xf32, #tpu.memory_space<vmem_shared>> -> memref<80x128xf32, #tpu.memory_space<vmem_shared>>
      %dma_wait3A_428 = arith.constant 0 : i32
      %dma_wait3A_429 = arith.constant 0 : i32
      %dma_wait3A_430 = tpu.memref_slice %arg8[%run_scoped3A_20, %dma_wait3A_428, %dma_wait3A_429] : memref<4x80x128xf32, #tpu.memory_space<vmem>> -> memref<1x80x128xf32, #tpu.memory_space<vmem>>
      %dma_wait3A_431 = tpu.memref_squeeze %dma_wait3A_430 : memref<1x80x128xf32, #tpu.memory_space<vmem>> -> memref<80x128xf32, #tpu.memory_space<vmem>>
      tpu.wait_dma2 semaphore(%run_scoped3A_407 : memref<!tpu.dma_semaphore, #tpu.memory_space<semaphore_mem>>) src(%dma_wait3A_431 : memref<80x128xf32, #tpu.memory_space<vmem>>) dst(%dma_wait3A_427 : memref<80x128xf32, #tpu.memory_space<vmem_shared>>)
      tpu.yield
    }) : () -> ()
    %mul3A_21 = arith.constant 640 : i32
    %mul3A_22 = arith.muli %arg1, %mul3A_21 : i32
    %add3A_23 = arith.constant 240 : i32
    %add3A_24 = arith.addi %mul3A_22, %add3A_23 : i32
    %run_scoped3A_25 = arith.constant 0 : i32
    "tpu.region"() ({
      %run_scoped3A_407 = tpu.sem_alloc : memref<!tpu.dma_semaphore, #tpu.memory_space<semaphore_mem>>
      %dma_start3A_408 = arith.constant 0 : i32
      %dma_start3A_409 = arith.constant 0 : i32
      %dma_start3A_410 = tpu.memref_slice %arg8[%run_scoped3A_25, %dma_start3A_408, %dma_start3A_409] : memref<4x80x128xf32, #tpu.memory_space<vmem>> -> memref<1x80x128xf32, #tpu.memory_space<vmem>>
      %dma_start3A_411 = tpu.memref_squeeze %dma_start3A_410 : memref<1x80x128xf32, #tpu.memory_space<vmem>> -> memref<80x128xf32, #tpu.memory_space<vmem>>
      %dma_start3A_412 = arith.constant 0 : i32
      %dma_start3A_413 = tpu.memref_slice %arg9[%add3A_24, %dma_start3A_412] : memref<10240x128xf32, #tpu.memory_space<vmem_shared>> -> memref<80x128xf32, #tpu.memory_space<vmem_shared>>
      %dma_start3A_414 = arith.constant 0 : i32
      %dma_start3A_415 = tpu.memref_slice %arg9[%add3A_24, %dma_start3A_414] : memref<10240x128xf32, #tpu.memory_space<vmem_shared>> -> memref<80x128xf32, #tpu.memory_space<vmem_shared>>
      %dma_start3A_416 = arith.constant 0 : i32
      %dma_start3A_417 = arith.constant 0 : i32
      %dma_start3A_418 = tpu.memref_slice %arg8[%run_scoped3A_25, %dma_start3A_416, %dma_start3A_417] : memref<4x80x128xf32, #tpu.memory_space<vmem>> -> memref<1x80x128xf32, #tpu.memory_space<vmem>>
      %dma_start3A_419 = tpu.memref_squeeze %dma_start3A_418 : memref<1x80x128xf32, #tpu.memory_space<vmem>> -> memref<80x128xf32, #tpu.memory_space<vmem>>
      tpu.enqueue_dma source(%dma_start3A_419 : memref<80x128xf32, #tpu.memory_space<vmem>>) target(%dma_start3A_415 : memref<80x128xf32, #tpu.memory_space<vmem_shared>>) target_semaphore(%run_scoped3A_407 : memref<!tpu.dma_semaphore, #tpu.memory_space<semaphore_mem>>)
      %dma_wait3A_420 = arith.constant 0 : i32
      %dma_wait3A_421 = arith.constant 0 : i32
      %dma_wait3A_422 = tpu.memref_slice %arg8[%run_scoped3A_25, %dma_wait3A_420, %dma_wait3A_421] : memref<4x80x128xf32, #tpu.memory_space<vmem>> -> memref<1x80x128xf32, #tpu.memory_space<vmem>>
      %dma_wait3A_423 = tpu.memref_squeeze %dma_wait3A_422 : memref<1x80x128xf32, #tpu.memory_space<vmem>> -> memref<80x128xf32, #tpu.memory_space<vmem>>
      %dma_wait3A_424 = arith.constant 0 : i32
      %dma_wait3A_425 = tpu.memref_slice %arg9[%add3A_24, %dma_wait3A_424] : memref<10240x128xf32, #tpu.memory_space<vmem_shared>> -> memref<80x128xf32, #tpu.memory_space<vmem_shared>>
      %dma_wait3A_426 = arith.constant 0 : i32
      %dma_wait3A_427 = tpu.memref_slice %arg9[%add3A_24, %dma_wait3A_426] : memref<10240x128xf32, #tpu.memory_space<vmem_shared>> -> memref<80x128xf32, #tpu.memory_space<vmem_shared>>
      %dma_wait3A_428 = arith.constant 0 : i32
      %dma_wait3A_429 = arith.constant 0 : i32
      %dma_wait3A_430 = tpu.memref_slice %arg8[%run_scoped3A_25, %dma_wait3A_428, %dma_wait3A_429] : memref<4x80x128xf32, #tpu.memory_space<vmem>> -> memref<1x80x128xf32, #tpu.memory_space<vmem>>
      %dma_wait3A_431 = tpu.memref_squeeze %dma_wait3A_430 : memref<1x80x128xf32, #tpu.memory_space<vmem>> -> memref<80x128xf32, #tpu.memory_space<vmem>>
      tpu.wait_dma2 semaphore(%run_scoped3A_407 : memref<!tpu.dma_semaphore, #tpu.memory_space<semaphore_mem>>) src(%dma_wait3A_431 : memref<80x128xf32, #tpu.memory_space<vmem>>) dst(%dma_wait3A_427 : memref<80x128xf32, #tpu.memory_space<vmem_shared>>)
      tpu.yield
    }) : () -> ()
    %mul3A_26 = arith.constant 640 : i32
    %mul3A_27 = arith.muli %arg1, %mul3A_26 : i32
    %add3A_28 = arith.constant 320 : i32
    %add3A_29 = arith.addi %mul3A_27, %add3A_28 : i32
    %run_scoped3A_30 = arith.constant 0 : i32
    "tpu.region"() ({
      %run_scoped3A_407 = tpu.sem_alloc : memref<!tpu.dma_semaphore, #tpu.memory_space<semaphore_mem>>
      %dma_start3A_408 = arith.constant 0 : i32
      %dma_start3A_409 = arith.constant 0 : i32
      %dma_start3A_410 = tpu.memref_slice %arg8[%run_scoped3A_30, %dma_start3A_408, %dma_start3A_409] : memref<4x80x128xf32, #tpu.memory_space<vmem>> -> memref<1x80x128xf32, #tpu.memory_space<vmem>>
      %dma_start3A_411 = tpu.memref_squeeze %dma_start3A_410 : memref<1x80x128xf32, #tpu.memory_space<vmem>> -> memref<80x128xf32, #tpu.memory_space<vmem>>
      %dma_start3A_412 = arith.constant 0 : i32
      %dma_start3A_413 = tpu.memref_slice %arg9[%add3A_29, %dma_start3A_412] : memref<10240x128xf32, #tpu.memory_space<vmem_shared>> -> memref<80x128xf32, #tpu.memory_space<vmem_shared>>
      %dma_start3A_414 = arith.constant 0 : i32
      %dma_start3A_415 = tpu.memref_slice %arg9[%add3A_29, %dma_start3A_414] : memref<10240x128xf32, #tpu.memory_space<vmem_shared>> -> memref<80x128xf32, #tpu.memory_space<vmem_shared>>
      %dma_start3A_416 = arith.constant 0 : i32
      %dma_start3A_417 = arith.constant 0 : i32
      %dma_start3A_418 = tpu.memref_slice %arg8[%run_scoped3A_30, %dma_start3A_416, %dma_start3A_417] : memref<4x80x128xf32, #tpu.memory_space<vmem>> -> memref<1x80x128xf32, #tpu.memory_space<vmem>>
      %dma_start3A_419 = tpu.memref_squeeze %dma_start3A_418 : memref<1x80x128xf32, #tpu.memory_space<vmem>> -> memref<80x128xf32, #tpu.memory_space<vmem>>
      tpu.enqueue_dma source(%dma_start3A_419 : memref<80x128xf32, #tpu.memory_space<vmem>>) target(%dma_start3A_415 : memref<80x128xf32, #tpu.memory_space<vmem_shared>>) target_semaphore(%run_scoped3A_407 : memref<!tpu.dma_semaphore, #tpu.memory_space<semaphore_mem>>)
      %dma_wait3A_420 = arith.constant 0 : i32
      %dma_wait3A_421 = arith.constant 0 : i32
      %dma_wait3A_422 = tpu.memref_slice %arg8[%run_scoped3A_30, %dma_wait3A_420, %dma_wait3A_421] : memref<4x80x128xf32, #tpu.memory_space<vmem>> -> memref<1x80x128xf32, #tpu.memory_space<vmem>>
      %dma_wait3A_423 = tpu.memref_squeeze %dma_wait3A_422 : memref<1x80x128xf32, #tpu.memory_space<vmem>> -> memref<80x128xf32, #tpu.memory_space<vmem>>
      %dma_wait3A_424 = arith.constant 0 : i32
      %dma_wait3A_425 = tpu.memref_slice %arg9[%add3A_29, %dma_wait3A_424] : memref<10240x128xf32, #tpu.memory_space<vmem_shared>> -> memref<80x128xf32, #tpu.memory_space<vmem_shared>>
      %dma_wait3A_426 = arith.constant 0 : i32
      %dma_wait3A_427 = tpu.memref_slice %arg9[%add3A_29, %dma_wait3A_426] : memref<10240x128xf32, #tpu.memory_space<vmem_shared>> -> memref<80x128xf32, #tpu.memory_space<vmem_shared>>
      %dma_wait3A_428 = arith.constant 0 : i32
      %dma_wait3A_429 = arith.constant 0 : i32
      %dma_wait3A_430 = tpu.memref_slice %arg8[%run_scoped3A_30, %dma_wait3A_428, %dma_wait3A_429] : memref<4x80x128xf32, #tpu.memory_space<vmem>> -> memref<1x80x128xf32, #tpu.memory_space<vmem>>
      %dma_wait3A_431 = tpu.memref_squeeze %dma_wait3A_430 : memref<1x80x128xf32, #tpu.memory_space<vmem>> -> memref<80x128xf32, #tpu.memory_space<vmem>>
      tpu.wait_dma2 semaphore(%run_scoped3A_407 : memref<!tpu.dma_semaphore, #tpu.memory_space<semaphore_mem>>) src(%dma_wait3A_431 : memref<80x128xf32, #tpu.memory_space<vmem>>) dst(%dma_wait3A_427 : memref<80x128xf32, #tpu.memory_space<vmem_shared>>)
      tpu.yield
    }) : () -> ()
    %mul3A_31 = arith.constant 640 : i32
    %mul3A_32 = arith.muli %arg1, %mul3A_31 : i32
    %add3A_33 = arith.constant 400 : i32
    %add3A_34 = arith.addi %mul3A_32, %add3A_33 : i32
    %run_scoped3A_35 = arith.constant 0 : i32
    "tpu.region"() ({
      %run_scoped3A_407 = tpu.sem_alloc : memref<!tpu.dma_semaphore, #tpu.memory_space<semaphore_mem>>
      %dma_start3A_408 = arith.constant 0 : i32
      %dma_start3A_409 = arith.constant 0 : i32
      %dma_start3A_410 = tpu.memref_slice %arg8[%run_scoped3A_35, %dma_start3A_408, %dma_start3A_409] : memref<4x80x128xf32, #tpu.memory_space<vmem>> -> memref<1x80x128xf32, #tpu.memory_space<vmem>>
      %dma_start3A_411 = tpu.memref_squeeze %dma_start3A_410 : memref<1x80x128xf32, #tpu.memory_space<vmem>> -> memref<80x128xf32, #tpu.memory_space<vmem>>
      %dma_start3A_412 = arith.constant 0 : i32
      %dma_start3A_413 = tpu.memref_slice %arg9[%add3A_34, %dma_start3A_412] : memref<10240x128xf32, #tpu.memory_space<vmem_shared>> -> memref<80x128xf32, #tpu.memory_space<vmem_shared>>
      %dma_start3A_414 = arith.constant 0 : i32
      %dma_start3A_415 = tpu.memref_slice %arg9[%add3A_34, %dma_start3A_414] : memref<10240x128xf32, #tpu.memory_space<vmem_shared>> -> memref<80x128xf32, #tpu.memory_space<vmem_shared>>
      %dma_start3A_416 = arith.constant 0 : i32
      %dma_start3A_417 = arith.constant 0 : i32
      %dma_start3A_418 = tpu.memref_slice %arg8[%run_scoped3A_35, %dma_start3A_416, %dma_start3A_417] : memref<4x80x128xf32, #tpu.memory_space<vmem>> -> memref<1x80x128xf32, #tpu.memory_space<vmem>>
      %dma_start3A_419 = tpu.memref_squeeze %dma_start3A_418 : memref<1x80x128xf32, #tpu.memory_space<vmem>> -> memref<80x128xf32, #tpu.memory_space<vmem>>
      tpu.enqueue_dma source(%dma_start3A_419 : memref<80x128xf32, #tpu.memory_space<vmem>>) target(%dma_start3A_415 : memref<80x128xf32, #tpu.memory_space<vmem_shared>>) target_semaphore(%run_scoped3A_407 : memref<!tpu.dma_semaphore, #tpu.memory_space<semaphore_mem>>)
      %dma_wait3A_420 = arith.constant 0 : i32
      %dma_wait3A_421 = arith.constant 0 : i32
      %dma_wait3A_422 = tpu.memref_slice %arg8[%run_scoped3A_35, %dma_wait3A_420, %dma_wait3A_421] : memref<4x80x128xf32, #tpu.memory_space<vmem>> -> memref<1x80x128xf32, #tpu.memory_space<vmem>>
      %dma_wait3A_423 = tpu.memref_squeeze %dma_wait3A_422 : memref<1x80x128xf32, #tpu.memory_space<vmem>> -> memref<80x128xf32, #tpu.memory_space<vmem>>
      %dma_wait3A_424 = arith.constant 0 : i32
      %dma_wait3A_425 = tpu.memref_slice %arg9[%add3A_34, %dma_wait3A_424] : memref<10240x128xf32, #tpu.memory_space<vmem_shared>> -> memref<80x128xf32, #tpu.memory_space<vmem_shared>>
      %dma_wait3A_426 = arith.constant 0 : i32
      %dma_wait3A_427 = tpu.memref_slice %arg9[%add3A_34, %dma_wait3A_426] : memref<10240x128xf32, #tpu.memory_space<vmem_shared>> -> memref<80x128xf32, #tpu.memory_space<vmem_shared>>
      %dma_wait3A_428 = arith.constant 0 : i32
      %dma_wait3A_429 = arith.constant 0 : i32
      %dma_wait3A_430 = tpu.memref_slice %arg8[%run_scoped3A_35, %dma_wait3A_428, %dma_wait3A_429] : memref<4x80x128xf32, #tpu.memory_space<vmem>> -> memref<1x80x128xf32, #tpu.memory_space<vmem>>
      %dma_wait3A_431 = tpu.memref_squeeze %dma_wait3A_430 : memref<1x80x128xf32, #tpu.memory_space<vmem>> -> memref<80x128xf32, #tpu.memory_space<vmem>>
      tpu.wait_dma2 semaphore(%run_scoped3A_407 : memref<!tpu.dma_semaphore, #tpu.memory_space<semaphore_mem>>) src(%dma_wait3A_431 : memref<80x128xf32, #tpu.memory_space<vmem>>) dst(%dma_wait3A_427 : memref<80x128xf32, #tpu.memory_space<vmem_shared>>)
      tpu.yield
    }) : () -> ()
    %mul3A_36 = arith.constant 640 : i32
    %mul3A_37 = arith.muli %arg1, %mul3A_36 : i32
    %add3A_38 = arith.constant 480 : i32
    %add3A_39 = arith.addi %mul3A_37, %add3A_38 : i32
    %run_scoped3A_40 = arith.constant 0 : i32
    "tpu.region"() ({
      %run_scoped3A_407 = tpu.sem_alloc : memref<!tpu.dma_semaphore, #tpu.memory_space<semaphore_mem>>
      %dma_start3A_408 = arith.constant 0 : i32
      %dma_start3A_409 = arith.constant 0 : i32
      %dma_start3A_410 = tpu.memref_slice %arg8[%run_scoped3A_40, %dma_start3A_408, %dma_start3A_409] : memref<4x80x128xf32, #tpu.memory_space<vmem>> -> memref<1x80x128xf32, #tpu.memory_space<vmem>>
      %dma_start3A_411 = tpu.memref_squeeze %dma_start3A_410 : memref<1x80x128xf32, #tpu.memory_space<vmem>> -> memref<80x128xf32, #tpu.memory_space<vmem>>
      %dma_start3A_412 = arith.constant 0 : i32
      %dma_start3A_413 = tpu.memref_slice %arg9[%add3A_39, %dma_start3A_412] : memref<10240x128xf32, #tpu.memory_space<vmem_shared>> -> memref<80x128xf32, #tpu.memory_space<vmem_shared>>
      %dma_start3A_414 = arith.constant 0 : i32
      %dma_start3A_415 = tpu.memref_slice %arg9[%add3A_39, %dma_start3A_414] : memref<10240x128xf32, #tpu.memory_space<vmem_shared>> -> memref<80x128xf32, #tpu.memory_space<vmem_shared>>
      %dma_start3A_416 = arith.constant 0 : i32
      %dma_start3A_417 = arith.constant 0 : i32
      %dma_start3A_418 = tpu.memref_slice %arg8[%run_scoped3A_40, %dma_start3A_416, %dma_start3A_417] : memref<4x80x128xf32, #tpu.memory_space<vmem>> -> memref<1x80x128xf32, #tpu.memory_space<vmem>>
      %dma_start3A_419 = tpu.memref_squeeze %dma_start3A_418 : memref<1x80x128xf32, #tpu.memory_space<vmem>> -> memref<80x128xf32, #tpu.memory_space<vmem>>
      tpu.enqueue_dma source(%dma_start3A_419 : memref<80x128xf32, #tpu.memory_space<vmem>>) target(%dma_start3A_415 : memref<80x128xf32, #tpu.memory_space<vmem_shared>>) target_semaphore(%run_scoped3A_407 : memref<!tpu.dma_semaphore, #tpu.memory_space<semaphore_mem>>)
      %dma_wait3A_420 = arith.constant 0 : i32
      %dma_wait3A_421 = arith.constant 0 : i32
      %dma_wait3A_422 = tpu.memref_slice %arg8[%run_scoped3A_40, %dma_wait3A_420, %dma_wait3A_421] : memref<4x80x128xf32, #tpu.memory_space<vmem>> -> memref<1x80x128xf32, #tpu.memory_space<vmem>>
      %dma_wait3A_423 = tpu.memref_squeeze %dma_wait3A_422 : memref<1x80x128xf32, #tpu.memory_space<vmem>> -> memref<80x128xf32, #tpu.memory_space<vmem>>
      %dma_wait3A_424 = arith.constant 0 : i32
      %dma_wait3A_425 = tpu.memref_slice %arg9[%add3A_39, %dma_wait3A_424] : memref<10240x128xf32, #tpu.memory_space<vmem_shared>> -> memref<80x128xf32, #tpu.memory_space<vmem_shared>>
      %dma_wait3A_426 = arith.constant 0 : i32
      %dma_wait3A_427 = tpu.memref_slice %arg9[%add3A_39, %dma_wait3A_426] : memref<10240x128xf32, #tpu.memory_space<vmem_shared>> -> memref<80x128xf32, #tpu.memory_space<vmem_shared>>
      %dma_wait3A_428 = arith.constant 0 : i32
      %dma_wait3A_429 = arith.constant 0 : i32
      %dma_wait3A_430 = tpu.memref_slice %arg8[%run_scoped3A_40, %dma_wait3A_428, %dma_wait3A_429] : memref<4x80x128xf32, #tpu.memory_space<vmem>> -> memref<1x80x128xf32, #tpu.memory_space<vmem>>
      %dma_wait3A_431 = tpu.memref_squeeze %dma_wait3A_430 : memref<1x80x128xf32, #tpu.memory_space<vmem>> -> memref<80x128xf32, #tpu.memory_space<vmem>>
      tpu.wait_dma2 semaphore(%run_scoped3A_407 : memref<!tpu.dma_semaphore, #tpu.memory_space<semaphore_mem>>) src(%dma_wait3A_431 : memref<80x128xf32, #tpu.memory_space<vmem>>) dst(%dma_wait3A_427 : memref<80x128xf32, #tpu.memory_space<vmem_shared>>)
      tpu.yield
    }) : () -> ()
    %mul3A_41 = arith.constant 640 : i32
    %mul3A_42 = arith.muli %arg1, %mul3A_41 : i32
    %add3A_43 = arith.constant 560 : i32
    %add3A_44 = arith.addi %mul3A_42, %add3A_43 : i32
    %run_scoped3A_45 = arith.constant 0 : i32
    "tpu.region"() ({
      %run_scoped3A_407 = tpu.sem_alloc : memref<!tpu.dma_semaphore, #tpu.memory_space<semaphore_mem>>
      %dma_start3A_408 = arith.constant 0 : i32
      %dma_start3A_409 = arith.constant 0 : i32
      %dma_start3A_410 = tpu.memref_slice %arg8[%run_scoped3A_45, %dma_start3A_408, %dma_start3A_409] : memref<4x80x128xf32, #tpu.memory_space<vmem>> -> memref<1x80x128xf32, #tpu.memory_space<vmem>>
      %dma_start3A_411 = tpu.memref_squeeze %dma_start3A_410 : memref<1x80x128xf32, #tpu.memory_space<vmem>> -> memref<80x128xf32, #tpu.memory_space<vmem>>
      %dma_start3A_412 = arith.constant 0 : i32
      %dma_start3A_413 = tpu.memref_slice %arg9[%add3A_44, %dma_start3A_412] : memref<10240x128xf32, #tpu.memory_space<vmem_shared>> -> memref<80x128xf32, #tpu.memory_space<vmem_shared>>
      %dma_start3A_414 = arith.constant 0 : i32
      %dma_start3A_415 = tpu.memref_slice %arg9[%add3A_44, %dma_start3A_414] : memref<10240x128xf32, #tpu.memory_space<vmem_shared>> -> memref<80x128xf32, #tpu.memory_space<vmem_shared>>
      %dma_start3A_416 = arith.constant 0 : i32
      %dma_start3A_417 = arith.constant 0 : i32
      %dma_start3A_418 = tpu.memref_slice %arg8[%run_scoped3A_45, %dma_start3A_416, %dma_start3A_417] : memref<4x80x128xf32, #tpu.memory_space<vmem>> -> memref<1x80x128xf32, #tpu.memory_space<vmem>>
      %dma_start3A_419 = tpu.memref_squeeze %dma_start3A_418 : memref<1x80x128xf32, #tpu.memory_space<vmem>> -> memref<80x128xf32, #tpu.memory_space<vmem>>
      tpu.enqueue_dma source(%dma_start3A_419 : memref<80x128xf32, #tpu.memory_space<vmem>>) target(%dma_start3A_415 : memref<80x128xf32, #tpu.memory_space<vmem_shared>>) target_semaphore(%run_scoped3A_407 : memref<!tpu.dma_semaphore, #tpu.memory_space<semaphore_mem>>)
      %dma_wait3A_420 = arith.constant 0 : i32
      %dma_wait3A_421 = arith.constant 0 : i32
      %dma_wait3A_422 = tpu.memref_slice %arg8[%run_scoped3A_45, %dma_wait3A_420, %dma_wait3A_421] : memref<4x80x128xf32, #tpu.memory_space<vmem>> -> memref<1x80x128xf32, #tpu.memory_space<vmem>>
      %dma_wait3A_423 = tpu.memref_squeeze %dma_wait3A_422 : memref<1x80x128xf32, #tpu.memory_space<vmem>> -> memref<80x128xf32, #tpu.memory_space<vmem>>
      %dma_wait3A_424 = arith.constant 0 : i32
      %dma_wait3A_425 = tpu.memref_slice %arg9[%add3A_44, %dma_wait3A_424] : memref<10240x128xf32, #tpu.memory_space<vmem_shared>> -> memref<80x128xf32, #tpu.memory_space<vmem_shared>>
      %dma_wait3A_426 = arith.constant 0 : i32
      %dma_wait3A_427 = tpu.memref_slice %arg9[%add3A_44, %dma_wait3A_426] : memref<10240x128xf32, #tpu.memory_space<vmem_shared>> -> memref<80x128xf32, #tpu.memory_space<vmem_shared>>
      %dma_wait3A_428 = arith.constant 0 : i32
      %dma_wait3A_429 = arith.constant 0 : i32
      %dma_wait3A_430 = tpu.memref_slice %arg8[%run_scoped3A_45, %dma_wait3A_428, %dma_wait3A_429] : memref<4x80x128xf32, #tpu.memory_space<vmem>> -> memref<1x80x128xf32, #tpu.memory_space<vmem>>
      %dma_wait3A_431 = tpu.memref_squeeze %dma_wait3A_430 : memref<1x80x128xf32, #tpu.memory_space<vmem>> -> memref<80x128xf32, #tpu.memory_space<vmem>>
      tpu.wait_dma2 semaphore(%run_scoped3A_407 : memref<!tpu.dma_semaphore, #tpu.memory_space<semaphore_mem>>) src(%dma_wait3A_431 : memref<80x128xf32, #tpu.memory_space<vmem>>) dst(%dma_wait3A_427 : memref<80x128xf32, #tpu.memory_space<vmem_shared>>)
      tpu.yield
    }) : () -> ()
    %barrier3A = arith.constant 0 : index
    tpu.barrier barrier_id(%barrier3A)
    %dma_start3A = arith.constant 0 : i32
    %dma_start3A_46 = arith.constant 0 : i32
    %dma_start3A_47 = arith.constant 0 : i32
    %dma_start3A_48 = tpu.memref_slice %arg7[%dma_start3A_46, %dma_start3A_47] : memref<4x80xi32, #tpu.memory_space<vmem>> -> memref<1x80xi32, #tpu.memory_space<vmem>>
    %dma_start3A_49 = tpu.memref_squeeze %dma_start3A_48 : memref<1x80xi32, #tpu.memory_space<vmem>> -> memref<80xi32, #tpu.memory_space<vmem>>
    %dma_start3A_50 = arith.constant 0 : i32
    %dma_start3A_51 = tpu.memref_slice %arg4[%add3A, %dma_start3A, %dma_start3A_50] : memref<32x125x80xi32, #tpu.memory_space<hbm>> -> memref<1x1x80xi32, #tpu.memory_space<hbm>>
    %dma_start3A_52 = tpu.memref_squeeze %dma_start3A_51 : memref<1x1x80xi32, #tpu.memory_space<hbm>> -> memref<80xi32, #tpu.memory_space<hbm>>
    %dma_start3A_53 = arith.constant 0 : i32
    %dma_start3A_54 = tpu.memref_slice %arg7[%dma_start3A_46, %dma_start3A_53] : memref<4x80xi32, #tpu.memory_space<vmem>> -> memref<1x80xi32, #tpu.memory_space<vmem>>
    %dma_start3A_55 = tpu.memref_squeeze %dma_start3A_54 : memref<1x80xi32, #tpu.memory_space<vmem>> -> memref<80xi32, #tpu.memory_space<vmem>>
    %dma_start3A_56 = arith.constant 0 : i32
    %dma_start3A_57 = tpu.memref_slice %arg4[%add3A, %dma_start3A, %dma_start3A_56] : memref<32x125x80xi32, #tpu.memory_space<hbm>> -> memref<1x1x80xi32, #tpu.memory_space<hbm>>
    %dma_start3A_58 = tpu.memref_squeeze %dma_start3A_57 : memref<1x1x80xi32, #tpu.memory_space<hbm>> -> memref<80xi32, #tpu.memory_space<hbm>>
    tpu.enqueue_dma source(%dma_start3A_58 : memref<80xi32, #tpu.memory_space<hbm>>) target(%dma_start3A_55 : memref<80xi32, #tpu.memory_space<vmem>>) target_semaphore(%arg22 : memref<!tpu.dma_semaphore, #tpu.memory_space<semaphore_mem>>)
    %dma_start3A_59 = arith.constant 0 : i32
    %dma_start3A_60 = arith.constant 0 : i32
    %dma_start3A_61 = arith.constant 0 : i32
    %dma_start3A_62 = tpu.memref_slice %arg6[%dma_start3A_60, %dma_start3A_61] : memref<4x80xi32, #tpu.memory_space<vmem>> -> memref<1x80xi32, #tpu.memory_space<vmem>>
    %dma_start3A_63 = tpu.memref_squeeze %dma_start3A_62 : memref<1x80xi32, #tpu.memory_space<vmem>> -> memref<80xi32, #tpu.memory_space<vmem>>
    %dma_start3A_64 = arith.constant 0 : i32
    %dma_start3A_65 = tpu.memref_slice %arg3[%add3A, %dma_start3A_59, %dma_start3A_64] : memref<32x125x80xi32, #tpu.memory_space<hbm>> -> memref<1x1x80xi32, #tpu.memory_space<hbm>>
    %dma_start3A_66 = tpu.memref_squeeze %dma_start3A_65 : memref<1x1x80xi32, #tpu.memory_space<hbm>> -> memref<80xi32, #tpu.memory_space<hbm>>
    %dma_start3A_67 = arith.constant 0 : i32
    %dma_start3A_68 = tpu.memref_slice %arg6[%dma_start3A_60, %dma_start3A_67] : memref<4x80xi32, #tpu.memory_space<vmem>> -> memref<1x80xi32, #tpu.memory_space<vmem>>
    %dma_start3A_69 = tpu.memref_squeeze %dma_start3A_68 : memref<1x80xi32, #tpu.memory_space<vmem>> -> memref<80xi32, #tpu.memory_space<vmem>>
    %dma_start3A_70 = arith.constant 0 : i32
    %dma_start3A_71 = tpu.memref_slice %arg3[%add3A, %dma_start3A_59, %dma_start3A_70] : memref<32x125x80xi32, #tpu.memory_space<hbm>> -> memref<1x1x80xi32, #tpu.memory_space<hbm>>
    %dma_start3A_72 = tpu.memref_squeeze %dma_start3A_71 : memref<1x1x80xi32, #tpu.memory_space<hbm>> -> memref<80xi32, #tpu.memory_space<hbm>>
    tpu.enqueue_dma source(%dma_start3A_72 : memref<80xi32, #tpu.memory_space<hbm>>) target(%dma_start3A_69 : memref<80xi32, #tpu.memory_space<vmem>>) target_semaphore(%arg18 : memref<!tpu.dma_semaphore, #tpu.memory_space<semaphore_mem>>)
    %dma_start3A_73 = arith.constant 1 : i32
    %dma_start3A_74 = arith.constant 1 : i32
    %dma_start3A_75 = arith.constant 0 : i32
    %dma_start3A_76 = tpu.memref_slice %arg7[%dma_start3A_74, %dma_start3A_75] : memref<4x80xi32, #tpu.memory_space<vmem>> -> memref<1x80xi32, #tpu.memory_space<vmem>>
    %dma_start3A_77 = tpu.memref_squeeze %dma_start3A_76 : memref<1x80xi32, #tpu.memory_space<vmem>> -> memref<80xi32, #tpu.memory_space<vmem>>
    %dma_start3A_78 = arith.constant 0 : i32
    %dma_start3A_79 = tpu.memref_slice %arg4[%add3A, %dma_start3A_73, %dma_start3A_78] : memref<32x125x80xi32, #tpu.memory_space<hbm>> -> memref<1x1x80xi32, #tpu.memory_space<hbm>>
    %dma_start3A_80 = tpu.memref_squeeze %dma_start3A_79 : memref<1x1x80xi32, #tpu.memory_space<hbm>> -> memref<80xi32, #tpu.memory_space<hbm>>
    %dma_start3A_81 = arith.constant 0 : i32
    %dma_start3A_82 = tpu.memref_slice %arg7[%dma_start3A_74, %dma_start3A_81] : memref<4x80xi32, #tpu.memory_space<vmem>> -> memref<1x80xi32, #tpu.memory_space<vmem>>
    %dma_start3A_83 = tpu.memref_squeeze %dma_start3A_82 : memref<1x80xi32, #tpu.memory_space<vmem>> -> memref<80xi32, #tpu.memory_space<vmem>>
    %dma_start3A_84 = arith.constant 0 : i32
    %dma_start3A_85 = tpu.memref_slice %arg4[%add3A, %dma_start3A_73, %dma_start3A_84] : memref<32x125x80xi32, #tpu.memory_space<hbm>> -> memref<1x1x80xi32, #tpu.memory_space<hbm>>
    %dma_start3A_86 = tpu.memref_squeeze %dma_start3A_85 : memref<1x1x80xi32, #tpu.memory_space<hbm>> -> memref<80xi32, #tpu.memory_space<hbm>>
    tpu.enqueue_dma source(%dma_start3A_86 : memref<80xi32, #tpu.memory_space<hbm>>) target(%dma_start3A_83 : memref<80xi32, #tpu.memory_space<vmem>>) target_semaphore(%arg23 : memref<!tpu.dma_semaphore, #tpu.memory_space<semaphore_mem>>)
    %dma_start3A_87 = arith.constant 1 : i32
    %dma_start3A_88 = arith.constant 1 : i32
    %dma_start3A_89 = arith.constant 0 : i32
    %dma_start3A_90 = tpu.memref_slice %arg6[%dma_start3A_88, %dma_start3A_89] : memref<4x80xi32, #tpu.memory_space<vmem>> -> memref<1x80xi32, #tpu.memory_space<vmem>>
    %dma_start3A_91 = tpu.memref_squeeze %dma_start3A_90 : memref<1x80xi32, #tpu.memory_space<vmem>> -> memref<80xi32, #tpu.memory_space<vmem>>
    %dma_start3A_92 = arith.constant 0 : i32
    %dma_start3A_93 = tpu.memref_slice %arg3[%add3A, %dma_start3A_87, %dma_start3A_92] : memref<32x125x80xi32, #tpu.memory_space<hbm>> -> memref<1x1x80xi32, #tpu.memory_space<hbm>>
    %dma_start3A_94 = tpu.memref_squeeze %dma_start3A_93 : memref<1x1x80xi32, #tpu.memory_space<hbm>> -> memref<80xi32, #tpu.memory_space<hbm>>
    %dma_start3A_95 = arith.constant 0 : i32
    %dma_start3A_96 = tpu.memref_slice %arg6[%dma_start3A_88, %dma_start3A_95] : memref<4x80xi32, #tpu.memory_space<vmem>> -> memref<1x80xi32, #tpu.memory_space<vmem>>
    %dma_start3A_97 = tpu.memref_squeeze %dma_start3A_96 : memref<1x80xi32, #tpu.memory_space<vmem>> -> memref<80xi32, #tpu.memory_space<vmem>>
    %dma_start3A_98 = arith.constant 0 : i32
    %dma_start3A_99 = tpu.memref_slice %arg3[%add3A, %dma_start3A_87, %dma_start3A_98] : memref<32x125x80xi32, #tpu.memory_space<hbm>> -> memref<1x1x80xi32, #tpu.memory_space<hbm>>
    %dma_start3A_100 = tpu.memref_squeeze %dma_start3A_99 : memref<1x1x80xi32, #tpu.memory_space<hbm>> -> memref<80xi32, #tpu.memory_space<hbm>>
    tpu.enqueue_dma source(%dma_start3A_100 : memref<80xi32, #tpu.memory_space<hbm>>) target(%dma_start3A_97 : memref<80xi32, #tpu.memory_space<vmem>>) target_semaphore(%arg19 : memref<!tpu.dma_semaphore, #tpu.memory_space<semaphore_mem>>)
    %dma_start3A_101 = arith.constant 2 : i32
    %dma_start3A_102 = arith.constant 2 : i32
    %dma_start3A_103 = arith.constant 0 : i32
    %dma_start3A_104 = tpu.memref_slice %arg7[%dma_start3A_102, %dma_start3A_103] : memref<4x80xi32, #tpu.memory_space<vmem>> -> memref<1x80xi32, #tpu.memory_space<vmem>>
    %dma_start3A_105 = tpu.memref_squeeze %dma_start3A_104 : memref<1x80xi32, #tpu.memory_space<vmem>> -> memref<80xi32, #tpu.memory_space<vmem>>
    %dma_start3A_106 = arith.constant 0 : i32
    %dma_start3A_107 = tpu.memref_slice %arg4[%add3A, %dma_start3A_101, %dma_start3A_106] : memref<32x125x80xi32, #tpu.memory_space<hbm>> -> memref<1x1x80xi32, #tpu.memory_space<hbm>>
    %dma_start3A_108 = tpu.memref_squeeze %dma_start3A_107 : memref<1x1x80xi32, #tpu.memory_space<hbm>> -> memref<80xi32, #tpu.memory_space<hbm>>
    %dma_start3A_109 = arith.constant 0 : i32
    %dma_start3A_110 = tpu.memref_slice %arg7[%dma_start3A_102, %dma_start3A_109] : memref<4x80xi32, #tpu.memory_space<vmem>> -> memref<1x80xi32, #tpu.memory_space<vmem>>
    %dma_start3A_111 = tpu.memref_squeeze %dma_start3A_110 : memref<1x80xi32, #tpu.memory_space<vmem>> -> memref<80xi32, #tpu.memory_space<vmem>>
    %dma_start3A_112 = arith.constant 0 : i32
    %dma_start3A_113 = tpu.memref_slice %arg4[%add3A, %dma_start3A_101, %dma_start3A_112] : memref<32x125x80xi32, #tpu.memory_space<hbm>> -> memref<1x1x80xi32, #tpu.memory_space<hbm>>
    %dma_start3A_114 = tpu.memref_squeeze %dma_start3A_113 : memref<1x1x80xi32, #tpu.memory_space<hbm>> -> memref<80xi32, #tpu.memory_space<hbm>>
    tpu.enqueue_dma source(%dma_start3A_114 : memref<80xi32, #tpu.memory_space<hbm>>) target(%dma_start3A_111 : memref<80xi32, #tpu.memory_space<vmem>>) target_semaphore(%arg24 : memref<!tpu.dma_semaphore, #tpu.memory_space<semaphore_mem>>)
    %dma_start3A_115 = arith.constant 2 : i32
    %dma_start3A_116 = arith.constant 2 : i32
    %dma_start3A_117 = arith.constant 0 : i32
    %dma_start3A_118 = tpu.memref_slice %arg6[%dma_start3A_116, %dma_start3A_117] : memref<4x80xi32, #tpu.memory_space<vmem>> -> memref<1x80xi32, #tpu.memory_space<vmem>>
    %dma_start3A_119 = tpu.memref_squeeze %dma_start3A_118 : memref<1x80xi32, #tpu.memory_space<vmem>> -> memref<80xi32, #tpu.memory_space<vmem>>
    %dma_start3A_120 = arith.constant 0 : i32
    %dma_start3A_121 = tpu.memref_slice %arg3[%add3A, %dma_start3A_115, %dma_start3A_120] : memref<32x125x80xi32, #tpu.memory_space<hbm>> -> memref<1x1x80xi32, #tpu.memory_space<hbm>>
    %dma_start3A_122 = tpu.memref_squeeze %dma_start3A_121 : memref<1x1x80xi32, #tpu.memory_space<hbm>> -> memref<80xi32, #tpu.memory_space<hbm>>
    %dma_start3A_123 = arith.constant 0 : i32
    %dma_start3A_124 = tpu.memref_slice %arg6[%dma_start3A_116, %dma_start3A_123] : memref<4x80xi32, #tpu.memory_space<vmem>> -> memref<1x80xi32, #tpu.memory_space<vmem>>
    %dma_start3A_125 = tpu.memref_squeeze %dma_start3A_124 : memref<1x80xi32, #tpu.memory_space<vmem>> -> memref<80xi32, #tpu.memory_space<vmem>>
    %dma_start3A_126 = arith.constant 0 : i32
    %dma_start3A_127 = tpu.memref_slice %arg3[%add3A, %dma_start3A_115, %dma_start3A_126] : memref<32x125x80xi32, #tpu.memory_space<hbm>> -> memref<1x1x80xi32, #tpu.memory_space<hbm>>
    %dma_start3A_128 = tpu.memref_squeeze %dma_start3A_127 : memref<1x1x80xi32, #tpu.memory_space<hbm>> -> memref<80xi32, #tpu.memory_space<hbm>>
    tpu.enqueue_dma source(%dma_start3A_128 : memref<80xi32, #tpu.memory_space<hbm>>) target(%dma_start3A_125 : memref<80xi32, #tpu.memory_space<vmem>>) target_semaphore(%arg20 : memref<!tpu.dma_semaphore, #tpu.memory_space<semaphore_mem>>)
    %dma_start3A_129 = arith.constant 3 : i32
    %dma_start3A_130 = arith.constant 3 : i32
    %dma_start3A_131 = arith.constant 0 : i32
    %dma_start3A_132 = tpu.memref_slice %arg7[%dma_start3A_130, %dma_start3A_131] : memref<4x80xi32, #tpu.memory_space<vmem>> -> memref<1x80xi32, #tpu.memory_space<vmem>>
    %dma_start3A_133 = tpu.memref_squeeze %dma_start3A_132 : memref<1x80xi32, #tpu.memory_space<vmem>> -> memref<80xi32, #tpu.memory_space<vmem>>
    %dma_start3A_134 = arith.constant 0 : i32
    %dma_start3A_135 = tpu.memref_slice %arg4[%add3A, %dma_start3A_129, %dma_start3A_134] : memref<32x125x80xi32, #tpu.memory_space<hbm>> -> memref<1x1x80xi32, #tpu.memory_space<hbm>>
    %dma_start3A_136 = tpu.memref_squeeze %dma_start3A_135 : memref<1x1x80xi32, #tpu.memory_space<hbm>> -> memref<80xi32, #tpu.memory_space<hbm>>
    %dma_start3A_137 = arith.constant 0 : i32
    %dma_start3A_138 = tpu.memref_slice %arg7[%dma_start3A_130, %dma_start3A_137] : memref<4x80xi32, #tpu.memory_space<vmem>> -> memref<1x80xi32, #tpu.memory_space<vmem>>
    %dma_start3A_139 = tpu.memref_squeeze %dma_start3A_138 : memref<1x80xi32, #tpu.memory_space<vmem>> -> memref<80xi32, #tpu.memory_space<vmem>>
    %dma_start3A_140 = arith.constant 0 : i32
    %dma_start3A_141 = tpu.memref_slice %arg4[%add3A, %dma_start3A_129, %dma_start3A_140] : memref<32x125x80xi32, #tpu.memory_space<hbm>> -> memref<1x1x80xi32, #tpu.memory_space<hbm>>
    %dma_start3A_142 = tpu.memref_squeeze %dma_start3A_141 : memref<1x1x80xi32, #tpu.memory_space<hbm>> -> memref<80xi32, #tpu.memory_space<hbm>>
    tpu.enqueue_dma source(%dma_start3A_142 : memref<80xi32, #tpu.memory_space<hbm>>) target(%dma_start3A_139 : memref<80xi32, #tpu.memory_space<vmem>>) target_semaphore(%arg25 : memref<!tpu.dma_semaphore, #tpu.memory_space<semaphore_mem>>)
    %dma_start3A_143 = arith.constant 3 : i32
    %dma_start3A_144 = arith.constant 3 : i32
    %dma_start3A_145 = arith.constant 0 : i32
    %dma_start3A_146 = tpu.memref_slice %arg6[%dma_start3A_144, %dma_start3A_145] : memref<4x80xi32, #tpu.memory_space<vmem>> -> memref<1x80xi32, #tpu.memory_space<vmem>>
    %dma_start3A_147 = tpu.memref_squeeze %dma_start3A_146 : memref<1x80xi32, #tpu.memory_space<vmem>> -> memref<80xi32, #tpu.memory_space<vmem>>
    %dma_start3A_148 = arith.constant 0 : i32
    %dma_start3A_149 = tpu.memref_slice %arg3[%add3A, %dma_start3A_143, %dma_start3A_148] : memref<32x125x80xi32, #tpu.memory_space<hbm>> -> memref<1x1x80xi32, #tpu.memory_space<hbm>>
    %dma_start3A_150 = tpu.memref_squeeze %dma_start3A_149 : memref<1x1x80xi32, #tpu.memory_space<hbm>> -> memref<80xi32, #tpu.memory_space<hbm>>
    %dma_start3A_151 = arith.constant 0 : i32
    %dma_start3A_152 = tpu.memref_slice %arg6[%dma_start3A_144, %dma_start3A_151] : memref<4x80xi32, #tpu.memory_space<vmem>> -> memref<1x80xi32, #tpu.memory_space<vmem>>
    %dma_start3A_153 = tpu.memref_squeeze %dma_start3A_152 : memref<1x80xi32, #tpu.memory_space<vmem>> -> memref<80xi32, #tpu.memory_space<vmem>>
    %dma_start3A_154 = arith.constant 0 : i32
    %dma_start3A_155 = tpu.memref_slice %arg3[%add3A, %dma_start3A_143, %dma_start3A_154] : memref<32x125x80xi32, #tpu.memory_space<hbm>> -> memref<1x1x80xi32, #tpu.memory_space<hbm>>
    %dma_start3A_156 = tpu.memref_squeeze %dma_start3A_155 : memref<1x1x80xi32, #tpu.memory_space<hbm>> -> memref<80xi32, #tpu.memory_space<hbm>>
    tpu.enqueue_dma source(%dma_start3A_156 : memref<80xi32, #tpu.memory_space<hbm>>) target(%dma_start3A_153 : memref<80xi32, #tpu.memory_space<vmem>>) target_semaphore(%arg21 : memref<!tpu.dma_semaphore, #tpu.memory_space<semaphore_mem>>)
    %dma_wait3A = arith.constant 0 : i32
    %dma_wait3A_157 = arith.constant 0 : i32
    %dma_wait3A_158 = arith.constant 0 : i32
    %dma_wait3A_159 = arith.constant 0 : i32
    %dma_wait3A_160 = tpu.memref_slice %arg6[%dma_wait3A_158, %dma_wait3A_159] : memref<4x80xi32, #tpu.memory_space<vmem>> -> memref<1x80xi32, #tpu.memory_space<vmem>>
    %dma_wait3A_161 = tpu.memref_squeeze %dma_wait3A_160 : memref<1x80xi32, #tpu.memory_space<vmem>> -> memref<80xi32, #tpu.memory_space<vmem>>
    %dma_wait3A_162 = arith.constant 0 : i32
    %dma_wait3A_163 = tpu.memref_slice %arg3[%dma_wait3A, %dma_wait3A_157, %dma_wait3A_162] : memref<32x125x80xi32, #tpu.memory_space<hbm>> -> memref<1x1x80xi32, #tpu.memory_space<hbm>>
    %dma_wait3A_164 = tpu.memref_squeeze %dma_wait3A_163 : memref<1x1x80xi32, #tpu.memory_space<hbm>> -> memref<80xi32, #tpu.memory_space<hbm>>
    %dma_wait3A_165 = arith.constant 0 : i32
    %dma_wait3A_166 = tpu.memref_slice %arg6[%dma_wait3A_158, %dma_wait3A_165] : memref<4x80xi32, #tpu.memory_space<vmem>> -> memref<1x80xi32, #tpu.memory_space<vmem>>
    %dma_wait3A_167 = tpu.memref_squeeze %dma_wait3A_166 : memref<1x80xi32, #tpu.memory_space<vmem>> -> memref<80xi32, #tpu.memory_space<vmem>>
    %dma_wait3A_168 = arith.constant 0 : i32
    %dma_wait3A_169 = tpu.memref_slice %arg3[%dma_wait3A, %dma_wait3A_157, %dma_wait3A_168] : memref<32x125x80xi32, #tpu.memory_space<hbm>> -> memref<1x1x80xi32, #tpu.memory_space<hbm>>
    %dma_wait3A_170 = tpu.memref_squeeze %dma_wait3A_169 : memref<1x1x80xi32, #tpu.memory_space<hbm>> -> memref<80xi32, #tpu.memory_space<hbm>>
    tpu.wait_dma2 semaphore(%arg18 : memref<!tpu.dma_semaphore, #tpu.memory_space<semaphore_mem>>) src(%dma_wait3A_170 : memref<80xi32, #tpu.memory_space<hbm>>) dst(%dma_wait3A_167 : memref<80xi32, #tpu.memory_space<vmem>>)
    %dma_start3A_171 = arith.constant 0 : i32
    %dma_start3A_172 = arith.constant 0 : i32
    %dma_start3A_173 = arith.constant 0 : i32
    %dma_start3A_174 = arith.constant 0 : i32
    %dma_start3A_175 = tpu.memref_slice %arg8[%dma_start3A_172, %dma_start3A_173, %dma_start3A_174] : memref<4x80x128xf32, #tpu.memory_space<vmem>> -> memref<1x80x128xf32, #tpu.memory_space<vmem>>
    %dma_start3A_176 = tpu.memref_squeeze %dma_start3A_175 : memref<1x80x128xf32, #tpu.memory_space<vmem>> -> memref<80x128xf32, #tpu.memory_space<vmem>>
    %dma_start3A_177 = arith.constant 0 : i32
    %dma_start3A_178 = tpu.memref_slice %arg6[%dma_start3A_171, %dma_start3A_177] : memref<4x80xi32, #tpu.memory_space<vmem>> -> memref<1x80xi32, #tpu.memory_space<vmem>>
    %dma_start3A_179 = tpu.memref_squeeze %dma_start3A_178 : memref<1x80xi32, #tpu.memory_space<vmem>> -> memref<80xi32, #tpu.memory_space<vmem>>
    %dma_start3A_180 = arith.constant 0 : i32
    %dma_start3A_181 = arith.constant 0 : i32
    %dma_start3A_182 = tpu.memref_slice %arg2[%dma_start3A_180, %dma_start3A_181] : memref<10000x128xf32, #tpu.memory_space<hbm>> -> memref<10000x128xf32, #tpu.memory_space<hbm>>
    tpu.enqueue_indirect_dma source(%dma_start3A_182 : memref<10000x128xf32, #tpu.memory_space<hbm>>) target(%dma_start3A_176 : memref<80x128xf32, #tpu.memory_space<vmem>>) offsets(%dma_start3A_179 : memref<80xi32, #tpu.memory_space<vmem>>) semaphore(%arg10 : memref<!tpu.dma_semaphore, #tpu.memory_space<semaphore_mem>>)
    %dma_wait3A_183 = arith.constant 0 : i32
    %dma_wait3A_184 = arith.constant 0 : i32
    %dma_wait3A_185 = arith.constant 1 : i32
    %dma_wait3A_186 = arith.constant 0 : i32
    %dma_wait3A_187 = tpu.memref_slice %arg6[%dma_wait3A_185, %dma_wait3A_186] : memref<4x80xi32, #tpu.memory_space<vmem>> -> memref<1x80xi32, #tpu.memory_space<vmem>>
    %dma_wait3A_188 = tpu.memref_squeeze %dma_wait3A_187 : memref<1x80xi32, #tpu.memory_space<vmem>> -> memref<80xi32, #tpu.memory_space<vmem>>
    %dma_wait3A_189 = arith.constant 0 : i32
    %dma_wait3A_190 = tpu.memref_slice %arg3[%dma_wait3A_183, %dma_wait3A_184, %dma_wait3A_189] : memref<32x125x80xi32, #tpu.memory_space<hbm>> -> memref<1x1x80xi32, #tpu.memory_space<hbm>>
    %dma_wait3A_191 = tpu.memref_squeeze %dma_wait3A_190 : memref<1x1x80xi32, #tpu.memory_space<hbm>> -> memref<80xi32, #tpu.memory_space<hbm>>
    %dma_wait3A_192 = arith.constant 0 : i32
    %dma_wait3A_193 = tpu.memref_slice %arg6[%dma_wait3A_185, %dma_wait3A_192] : memref<4x80xi32, #tpu.memory_space<vmem>> -> memref<1x80xi32, #tpu.memory_space<vmem>>
    %dma_wait3A_194 = tpu.memref_squeeze %dma_wait3A_193 : memref<1x80xi32, #tpu.memory_space<vmem>> -> memref<80xi32, #tpu.memory_space<vmem>>
    %dma_wait3A_195 = arith.constant 0 : i32
    %dma_wait3A_196 = tpu.memref_slice %arg3[%dma_wait3A_183, %dma_wait3A_184, %dma_wait3A_195] : memref<32x125x80xi32, #tpu.memory_space<hbm>> -> memref<1x1x80xi32, #tpu.memory_space<hbm>>
    %dma_wait3A_197 = tpu.memref_squeeze %dma_wait3A_196 : memref<1x1x80xi32, #tpu.memory_space<hbm>> -> memref<80xi32, #tpu.memory_space<hbm>>
    tpu.wait_dma2 semaphore(%arg19 : memref<!tpu.dma_semaphore, #tpu.memory_space<semaphore_mem>>) src(%dma_wait3A_197 : memref<80xi32, #tpu.memory_space<hbm>>) dst(%dma_wait3A_194 : memref<80xi32, #tpu.memory_space<vmem>>)
    %dma_start3A_198 = arith.constant 1 : i32
    %dma_start3A_199 = arith.constant 1 : i32
    %dma_start3A_200 = arith.constant 0 : i32
    %dma_start3A_201 = arith.constant 0 : i32
    %dma_start3A_202 = tpu.memref_slice %arg8[%dma_start3A_199, %dma_start3A_200, %dma_start3A_201] : memref<4x80x128xf32, #tpu.memory_space<vmem>> -> memref<1x80x128xf32, #tpu.memory_space<vmem>>
    %dma_start3A_203 = tpu.memref_squeeze %dma_start3A_202 : memref<1x80x128xf32, #tpu.memory_space<vmem>> -> memref<80x128xf32, #tpu.memory_space<vmem>>
    %dma_start3A_204 = arith.constant 0 : i32
    %dma_start3A_205 = tpu.memref_slice %arg6[%dma_start3A_198, %dma_start3A_204] : memref<4x80xi32, #tpu.memory_space<vmem>> -> memref<1x80xi32, #tpu.memory_space<vmem>>
    %dma_start3A_206 = tpu.memref_squeeze %dma_start3A_205 : memref<1x80xi32, #tpu.memory_space<vmem>> -> memref<80xi32, #tpu.memory_space<vmem>>
    %dma_start3A_207 = arith.constant 0 : i32
    %dma_start3A_208 = arith.constant 0 : i32
    %dma_start3A_209 = tpu.memref_slice %arg2[%dma_start3A_207, %dma_start3A_208] : memref<10000x128xf32, #tpu.memory_space<hbm>> -> memref<10000x128xf32, #tpu.memory_space<hbm>>
    tpu.enqueue_indirect_dma source(%dma_start3A_209 : memref<10000x128xf32, #tpu.memory_space<hbm>>) target(%dma_start3A_203 : memref<80x128xf32, #tpu.memory_space<vmem>>) offsets(%dma_start3A_206 : memref<80xi32, #tpu.memory_space<vmem>>) semaphore(%arg11 : memref<!tpu.dma_semaphore, #tpu.memory_space<semaphore_mem>>)
    %dma_wait3A_210 = arith.constant 0 : i32
    %dma_wait3A_211 = arith.constant 0 : i32
    %dma_wait3A_212 = arith.constant 2 : i32
    %dma_wait3A_213 = arith.constant 0 : i32
    %dma_wait3A_214 = tpu.memref_slice %arg6[%dma_wait3A_212, %dma_wait3A_213] : memref<4x80xi32, #tpu.memory_space<vmem>> -> memref<1x80xi32, #tpu.memory_space<vmem>>
    %dma_wait3A_215 = tpu.memref_squeeze %dma_wait3A_214 : memref<1x80xi32, #tpu.memory_space<vmem>> -> memref<80xi32, #tpu.memory_space<vmem>>
    %dma_wait3A_216 = arith.constant 0 : i32
    %dma_wait3A_217 = tpu.memref_slice %arg3[%dma_wait3A_210, %dma_wait3A_211, %dma_wait3A_216] : memref<32x125x80xi32, #tpu.memory_space<hbm>> -> memref<1x1x80xi32, #tpu.memory_space<hbm>>
    %dma_wait3A_218 = tpu.memref_squeeze %dma_wait3A_217 : memref<1x1x80xi32, #tpu.memory_space<hbm>> -> memref<80xi32, #tpu.memory_space<hbm>>
    %dma_wait3A_219 = arith.constant 0 : i32
    %dma_wait3A_220 = tpu.memref_slice %arg6[%dma_wait3A_212, %dma_wait3A_219] : memref<4x80xi32, #tpu.memory_space<vmem>> -> memref<1x80xi32, #tpu.memory_space<vmem>>
    %dma_wait3A_221 = tpu.memref_squeeze %dma_wait3A_220 : memref<1x80xi32, #tpu.memory_space<vmem>> -> memref<80xi32, #tpu.memory_space<vmem>>
    %dma_wait3A_222 = arith.constant 0 : i32
    %dma_wait3A_223 = tpu.memref_slice %arg3[%dma_wait3A_210, %dma_wait3A_211, %dma_wait3A_222] : memref<32x125x80xi32, #tpu.memory_space<hbm>> -> memref<1x1x80xi32, #tpu.memory_space<hbm>>
    %dma_wait3A_224 = tpu.memref_squeeze %dma_wait3A_223 : memref<1x1x80xi32, #tpu.memory_space<hbm>> -> memref<80xi32, #tpu.memory_space<hbm>>
    tpu.wait_dma2 semaphore(%arg20 : memref<!tpu.dma_semaphore, #tpu.memory_space<semaphore_mem>>) src(%dma_wait3A_224 : memref<80xi32, #tpu.memory_space<hbm>>) dst(%dma_wait3A_221 : memref<80xi32, #tpu.memory_space<vmem>>)
    %dma_start3A_225 = arith.constant 2 : i32
    %dma_start3A_226 = arith.constant 2 : i32
    %dma_start3A_227 = arith.constant 0 : i32
    %dma_start3A_228 = arith.constant 0 : i32
    %dma_start3A_229 = tpu.memref_slice %arg8[%dma_start3A_226, %dma_start3A_227, %dma_start3A_228] : memref<4x80x128xf32, #tpu.memory_space<vmem>> -> memref<1x80x128xf32, #tpu.memory_space<vmem>>
    %dma_start3A_230 = tpu.memref_squeeze %dma_start3A_229 : memref<1x80x128xf32, #tpu.memory_space<vmem>> -> memref<80x128xf32, #tpu.memory_space<vmem>>
    %dma_start3A_231 = arith.constant 0 : i32
    %dma_start3A_232 = tpu.memref_slice %arg6[%dma_start3A_225, %dma_start3A_231] : memref<4x80xi32, #tpu.memory_space<vmem>> -> memref<1x80xi32, #tpu.memory_space<vmem>>
    %dma_start3A_233 = tpu.memref_squeeze %dma_start3A_232 : memref<1x80xi32, #tpu.memory_space<vmem>> -> memref<80xi32, #tpu.memory_space<vmem>>
    %dma_start3A_234 = arith.constant 0 : i32
    %dma_start3A_235 = arith.constant 0 : i32
    %dma_start3A_236 = tpu.memref_slice %arg2[%dma_start3A_234, %dma_start3A_235] : memref<10000x128xf32, #tpu.memory_space<hbm>> -> memref<10000x128xf32, #tpu.memory_space<hbm>>
    tpu.enqueue_indirect_dma source(%dma_start3A_236 : memref<10000x128xf32, #tpu.memory_space<hbm>>) target(%dma_start3A_230 : memref<80x128xf32, #tpu.memory_space<vmem>>) offsets(%dma_start3A_233 : memref<80xi32, #tpu.memory_space<vmem>>) semaphore(%arg12 : memref<!tpu.dma_semaphore, #tpu.memory_space<semaphore_mem>>)
    %dma_wait3A_237 = arith.constant 0 : i32
    %dma_wait3A_238 = arith.constant 0 : i32
    %dma_wait3A_239 = arith.constant 3 : i32
    %dma_wait3A_240 = arith.constant 0 : i32
    %dma_wait3A_241 = tpu.memref_slice %arg6[%dma_wait3A_239, %dma_wait3A_240] : memref<4x80xi32, #tpu.memory_space<vmem>> -> memref<1x80xi32, #tpu.memory_space<vmem>>
    %dma_wait3A_242 = tpu.memref_squeeze %dma_wait3A_241 : memref<1x80xi32, #tpu.memory_space<vmem>> -> memref<80xi32, #tpu.memory_space<vmem>>
    %dma_wait3A_243 = arith.constant 0 : i32
    %dma_wait3A_244 = tpu.memref_slice %arg3[%dma_wait3A_237, %dma_wait3A_238, %dma_wait3A_243] : memref<32x125x80xi32, #tpu.memory_space<hbm>> -> memref<1x1x80xi32, #tpu.memory_space<hbm>>
    %dma_wait3A_245 = tpu.memref_squeeze %dma_wait3A_244 : memref<1x1x80xi32, #tpu.memory_space<hbm>> -> memref<80xi32, #tpu.memory_space<hbm>>
    %dma_wait3A_246 = arith.constant 0 : i32
    %dma_wait3A_247 = tpu.memref_slice %arg6[%dma_wait3A_239, %dma_wait3A_246] : memref<4x80xi32, #tpu.memory_space<vmem>> -> memref<1x80xi32, #tpu.memory_space<vmem>>
    %dma_wait3A_248 = tpu.memref_squeeze %dma_wait3A_247 : memref<1x80xi32, #tpu.memory_space<vmem>> -> memref<80xi32, #tpu.memory_space<vmem>>
    %dma_wait3A_249 = arith.constant 0 : i32
    %dma_wait3A_250 = tpu.memref_slice %arg3[%dma_wait3A_237, %dma_wait3A_238, %dma_wait3A_249] : memref<32x125x80xi32, #tpu.memory_space<hbm>> -> memref<1x1x80xi32, #tpu.memory_space<hbm>>
    %dma_wait3A_251 = tpu.memref_squeeze %dma_wait3A_250 : memref<1x1x80xi32, #tpu.memory_space<hbm>> -> memref<80xi32, #tpu.memory_space<hbm>>
    tpu.wait_dma2 semaphore(%arg21 : memref<!tpu.dma_semaphore, #tpu.memory_space<semaphore_mem>>) src(%dma_wait3A_251 : memref<80xi32, #tpu.memory_space<hbm>>) dst(%dma_wait3A_248 : memref<80xi32, #tpu.memory_space<vmem>>)
    %dma_start3A_252 = arith.constant 3 : i32
    %dma_start3A_253 = arith.constant 3 : i32
    %dma_start3A_254 = arith.constant 0 : i32
    %dma_start3A_255 = arith.constant 0 : i32
    %dma_start3A_256 = tpu.memref_slice %arg8[%dma_start3A_253, %dma_start3A_254, %dma_start3A_255] : memref<4x80x128xf32, #tpu.memory_space<vmem>> -> memref<1x80x128xf32, #tpu.memory_space<vmem>>
    %dma_start3A_257 = tpu.memref_squeeze %dma_start3A_256 : memref<1x80x128xf32, #tpu.memory_space<vmem>> -> memref<80x128xf32, #tpu.memory_space<vmem>>
    %dma_start3A_258 = arith.constant 0 : i32
    %dma_start3A_259 = tpu.memref_slice %arg6[%dma_start3A_252, %dma_start3A_258] : memref<4x80xi32, #tpu.memory_space<vmem>> -> memref<1x80xi32, #tpu.memory_space<vmem>>
    %dma_start3A_260 = tpu.memref_squeeze %dma_start3A_259 : memref<1x80xi32, #tpu.memory_space<vmem>> -> memref<80xi32, #tpu.memory_space<vmem>>
    %dma_start3A_261 = arith.constant 0 : i32
    %dma_start3A_262 = arith.constant 0 : i32
    %dma_start3A_263 = tpu.memref_slice %arg2[%dma_start3A_261, %dma_start3A_262] : memref<10000x128xf32, #tpu.memory_space<hbm>> -> memref<10000x128xf32, #tpu.memory_space<hbm>>
    tpu.enqueue_indirect_dma source(%dma_start3A_263 : memref<10000x128xf32, #tpu.memory_space<hbm>>) target(%dma_start3A_257 : memref<80x128xf32, #tpu.memory_space<vmem>>) offsets(%dma_start3A_260 : memref<80xi32, #tpu.memory_space<vmem>>) semaphore(%arg13 : memref<!tpu.dma_semaphore, #tpu.memory_space<semaphore_mem>>)
    %scan3A_264 = arith.constant 0 : i32
    %scan3A_265 = arith.constant 0 : i32
    %scan3A_266 = arith.constant 31 : i32
    %scan3A_267 = arith.addi %scan3A_265, %scan3A_266 : i32
    %scan3A_268 = arith.constant 1 : i32
    scf.for %scan3A_407 = %scan3A_265 to %scan3A_267 step %scan3A_268  : i32 {
      %mul3A_408 = arith.constant 4 : i32
      %mul3A_409 = arith.muli %mul3A_408, %scan3A_407 : i32
      %dma_wait3A_410 = arith.constant 0 : i32
      %dma_wait3A_411 = arith.constant 0 : i32
      %dma_wait3A_412 = arith.constant 0 : i32
      %dma_wait3A_413 = arith.constant 0 : i32
      %dma_wait3A_414 = tpu.memref_slice %arg8[%dma_wait3A_411, %dma_wait3A_412, %dma_wait3A_413] : memref<4x80x128xf32, #tpu.memory_space<vmem>> -> memref<1x80x128xf32, #tpu.memory_space<vmem>>
      %dma_wait3A_415 = tpu.memref_squeeze %dma_wait3A_414 : memref<1x80x128xf32, #tpu.memory_space<vmem>> -> memref<80x128xf32, #tpu.memory_space<vmem>>
      %dma_wait3A_416 = arith.constant 0 : i32
      %dma_wait3A_417 = tpu.memref_slice %arg6[%dma_wait3A_410, %dma_wait3A_416] : memref<4x80xi32, #tpu.memory_space<vmem>> -> memref<1x80xi32, #tpu.memory_space<vmem>>
      %dma_wait3A_418 = tpu.memref_squeeze %dma_wait3A_417 : memref<1x80xi32, #tpu.memory_space<vmem>> -> memref<80xi32, #tpu.memory_space<vmem>>
      %dma_wait3A_419 = arith.constant 0 : i32
      %dma_wait3A_420 = arith.constant 0 : i32
      %dma_wait3A_421 = tpu.memref_slice %arg2[%dma_wait3A_419, %dma_wait3A_420] : memref<10000x128xf32, #tpu.memory_space<hbm>> -> memref<10000x128xf32, #tpu.memory_space<hbm>>
      tpu.wait_indirect_dma semaphore(%arg10 : memref<!tpu.dma_semaphore, #tpu.memory_space<semaphore_mem>>) src(%dma_wait3A_421 : memref<10000x128xf32, #tpu.memory_space<hbm>>) dst(%dma_wait3A_415 : memref<80x128xf32, #tpu.memory_space<vmem>>)
      %dma_wait3A_422 = arith.constant 0 : i32
      %dma_wait3A_423 = arith.constant 0 : i32
      %dma_wait3A_424 = arith.constant 0 : i32
      %dma_wait3A_425 = arith.constant 0 : i32
      %dma_wait3A_426 = tpu.memref_slice %arg7[%dma_wait3A_424, %dma_wait3A_425] : memref<4x80xi32, #tpu.memory_space<vmem>> -> memref<1x80xi32, #tpu.memory_space<vmem>>
      %dma_wait3A_427 = tpu.memref_squeeze %dma_wait3A_426 : memref<1x80xi32, #tpu.memory_space<vmem>> -> memref<80xi32, #tpu.memory_space<vmem>>
      %dma_wait3A_428 = arith.constant 0 : i32
      %dma_wait3A_429 = tpu.memref_slice %arg4[%dma_wait3A_422, %dma_wait3A_423, %dma_wait3A_428] : memref<32x125x80xi32, #tpu.memory_space<hbm>> -> memref<1x1x80xi32, #tpu.memory_space<hbm>>
      %dma_wait3A_430 = tpu.memref_squeeze %dma_wait3A_429 : memref<1x1x80xi32, #tpu.memory_space<hbm>> -> memref<80xi32, #tpu.memory_space<hbm>>
      %dma_wait3A_431 = arith.constant 0 : i32
      %dma_wait3A_432 = tpu.memref_slice %arg7[%dma_wait3A_424, %dma_wait3A_431] : memref<4x80xi32, #tpu.memory_space<vmem>> -> memref<1x80xi32, #tpu.memory_space<vmem>>
      %dma_wait3A_433 = tpu.memref_squeeze %dma_wait3A_432 : memref<1x80xi32, #tpu.memory_space<vmem>> -> memref<80xi32, #tpu.memory_space<vmem>>
      %dma_wait3A_434 = arith.constant 0 : i32
      %dma_wait3A_435 = tpu.memref_slice %arg4[%dma_wait3A_422, %dma_wait3A_423, %dma_wait3A_434] : memref<32x125x80xi32, #tpu.memory_space<hbm>> -> memref<1x1x80xi32, #tpu.memory_space<hbm>>
      %dma_wait3A_436 = tpu.memref_squeeze %dma_wait3A_435 : memref<1x1x80xi32, #tpu.memory_space<hbm>> -> memref<80xi32, #tpu.memory_space<hbm>>
      tpu.wait_dma2 semaphore(%arg22 : memref<!tpu.dma_semaphore, #tpu.memory_space<semaphore_mem>>) src(%dma_wait3A_436 : memref<80xi32, #tpu.memory_space<hbm>>) dst(%dma_wait3A_433 : memref<80xi32, #tpu.memory_space<vmem>>)
      %dma_start3A_437 = arith.constant 0 : i32
      %dma_start3A_438 = arith.constant 0 : i32
      %dma_start3A_439 = arith.constant 0 : i32
      %dma_start3A_440 = arith.constant 0 : i32
      %dma_start3A_441 = tpu.memref_slice %arg8[%dma_start3A_437, %dma_start3A_439, %dma_start3A_440] : memref<4x80x128xf32, #tpu.memory_space<vmem>> -> memref<1x80x128xf32, #tpu.memory_space<vmem>>
      %dma_start3A_442 = tpu.memref_squeeze %dma_start3A_441 : memref<1x80x128xf32, #tpu.memory_space<vmem>> -> memref<80x128xf32, #tpu.memory_space<vmem>>
      %dma_start3A_443 = arith.constant 0 : i32
      %dma_start3A_444 = tpu.memref_slice %arg7[%dma_start3A_438, %dma_start3A_443] : memref<4x80xi32, #tpu.memory_space<vmem>> -> memref<1x80xi32, #tpu.memory_space<vmem>>
      %dma_start3A_445 = tpu.memref_squeeze %dma_start3A_444 : memref<1x80xi32, #tpu.memory_space<vmem>> -> memref<80xi32, #tpu.memory_space<vmem>>
      %dma_start3A_446 = arith.constant 0 : i32
      %dma_start3A_447 = arith.constant 0 : i32
      %dma_start3A_448 = tpu.memref_slice %arg9[%dma_start3A_446, %dma_start3A_447] : memref<10240x128xf32, #tpu.memory_space<vmem_shared>> -> memref<10240x128xf32, #tpu.memory_space<vmem_shared>>
      tpu.enqueue_indirect_dma source(%dma_start3A_442 : memref<80x128xf32, #tpu.memory_space<vmem>>) target(%dma_start3A_448 : memref<10240x128xf32, #tpu.memory_space<vmem_shared>>) offsets(%dma_start3A_445 : memref<80xi32, #tpu.memory_space<vmem>>) semaphore(%arg14 : memref<!tpu.dma_semaphore, #tpu.memory_space<semaphore_mem>>) {add = true}
      %dma_wait3A_449 = arith.constant 1 : i32
      %dma_wait3A_450 = arith.constant 1 : i32
      %dma_wait3A_451 = arith.constant 0 : i32
      %dma_wait3A_452 = arith.constant 0 : i32
      %dma_wait3A_453 = tpu.memref_slice %arg8[%dma_wait3A_450, %dma_wait3A_451, %dma_wait3A_452] : memref<4x80x128xf32, #tpu.memory_space<vmem>> -> memref<1x80x128xf32, #tpu.memory_space<vmem>>
      %dma_wait3A_454 = tpu.memref_squeeze %dma_wait3A_453 : memref<1x80x128xf32, #tpu.memory_space<vmem>> -> memref<80x128xf32, #tpu.memory_space<vmem>>
      %dma_wait3A_455 = arith.constant 0 : i32
      %dma_wait3A_456 = tpu.memref_slice %arg6[%dma_wait3A_449, %dma_wait3A_455] : memref<4x80xi32, #tpu.memory_space<vmem>> -> memref<1x80xi32, #tpu.memory_space<vmem>>
      %dma_wait3A_457 = tpu.memref_squeeze %dma_wait3A_456 : memref<1x80xi32, #tpu.memory_space<vmem>> -> memref<80xi32, #tpu.memory_space<vmem>>
      %dma_wait3A_458 = arith.constant 0 : i32
      %dma_wait3A_459 = arith.constant 0 : i32
      %dma_wait3A_460 = tpu.memref_slice %arg2[%dma_wait3A_458, %dma_wait3A_459] : memref<10000x128xf32, #tpu.memory_space<hbm>> -> memref<10000x128xf32, #tpu.memory_space<hbm>>
      tpu.wait_indirect_dma semaphore(%arg11 : memref<!tpu.dma_semaphore, #tpu.memory_space<semaphore_mem>>) src(%dma_wait3A_460 : memref<10000x128xf32, #tpu.memory_space<hbm>>) dst(%dma_wait3A_454 : memref<80x128xf32, #tpu.memory_space<vmem>>)
      %dma_wait3A_461 = arith.constant 0 : i32
      %dma_wait3A_462 = arith.constant 0 : i32
      %dma_wait3A_463 = arith.constant 1 : i32
      %dma_wait3A_464 = arith.constant 0 : i32
      %dma_wait3A_465 = tpu.memref_slice %arg7[%dma_wait3A_463, %dma_wait3A_464] : memref<4x80xi32, #tpu.memory_space<vmem>> -> memref<1x80xi32, #tpu.memory_space<vmem>>
      %dma_wait3A_466 = tpu.memref_squeeze %dma_wait3A_465 : memref<1x80xi32, #tpu.memory_space<vmem>> -> memref<80xi32, #tpu.memory_space<vmem>>
      %dma_wait3A_467 = arith.constant 0 : i32
      %dma_wait3A_468 = tpu.memref_slice %arg4[%dma_wait3A_461, %dma_wait3A_462, %dma_wait3A_467] : memref<32x125x80xi32, #tpu.memory_space<hbm>> -> memref<1x1x80xi32, #tpu.memory_space<hbm>>
      %dma_wait3A_469 = tpu.memref_squeeze %dma_wait3A_468 : memref<1x1x80xi32, #tpu.memory_space<hbm>> -> memref<80xi32, #tpu.memory_space<hbm>>
      %dma_wait3A_470 = arith.constant 0 : i32
      %dma_wait3A_471 = tpu.memref_slice %arg7[%dma_wait3A_463, %dma_wait3A_470] : memref<4x80xi32, #tpu.memory_space<vmem>> -> memref<1x80xi32, #tpu.memory_space<vmem>>
      %dma_wait3A_472 = tpu.memref_squeeze %dma_wait3A_471 : memref<1x80xi32, #tpu.memory_space<vmem>> -> memref<80xi32, #tpu.memory_space<vmem>>
      %dma_wait3A_473 = arith.constant 0 : i32
      %dma_wait3A_474 = tpu.memref_slice %arg4[%dma_wait3A_461, %dma_wait3A_462, %dma_wait3A_473] : memref<32x125x80xi32, #tpu.memory_space<hbm>> -> memref<1x1x80xi32, #tpu.memory_space<hbm>>
      %dma_wait3A_475 = tpu.memref_squeeze %dma_wait3A_474 : memref<1x1x80xi32, #tpu.memory_space<hbm>> -> memref<80xi32, #tpu.memory_space<hbm>>
      tpu.wait_dma2 semaphore(%arg23 : memref<!tpu.dma_semaphore, #tpu.memory_space<semaphore_mem>>) src(%dma_wait3A_475 : memref<80xi32, #tpu.memory_space<hbm>>) dst(%dma_wait3A_472 : memref<80xi32, #tpu.memory_space<vmem>>)
      %dma_start3A_476 = arith.constant 1 : i32
      %dma_start3A_477 = arith.constant 1 : i32
      %dma_start3A_478 = arith.constant 0 : i32
      %dma_start3A_479 = arith.constant 0 : i32
      %dma_start3A_480 = tpu.memref_slice %arg8[%dma_start3A_476, %dma_start3A_478, %dma_start3A_479] : memref<4x80x128xf32, #tpu.memory_space<vmem>> -> memref<1x80x128xf32, #tpu.memory_space<vmem>>
      %dma_start3A_481 = tpu.memref_squeeze %dma_start3A_480 : memref<1x80x128xf32, #tpu.memory_space<vmem>> -> memref<80x128xf32, #tpu.memory_space<vmem>>
      %dma_start3A_482 = arith.constant 0 : i32
      %dma_start3A_483 = tpu.memref_slice %arg7[%dma_start3A_477, %dma_start3A_482] : memref<4x80xi32, #tpu.memory_space<vmem>> -> memref<1x80xi32, #tpu.memory_space<vmem>>
      %dma_start3A_484 = tpu.memref_squeeze %dma_start3A_483 : memref<1x80xi32, #tpu.memory_space<vmem>> -> memref<80xi32, #tpu.memory_space<vmem>>
      %dma_start3A_485 = arith.constant 0 : i32
      %dma_start3A_486 = arith.constant 0 : i32
      %dma_start3A_487 = tpu.memref_slice %arg9[%dma_start3A_485, %dma_start3A_486] : memref<10240x128xf32, #tpu.memory_space<vmem_shared>> -> memref<10240x128xf32, #tpu.memory_space<vmem_shared>>
      tpu.enqueue_indirect_dma source(%dma_start3A_481 : memref<80x128xf32, #tpu.memory_space<vmem>>) target(%dma_start3A_487 : memref<10240x128xf32, #tpu.memory_space<vmem_shared>>) offsets(%dma_start3A_484 : memref<80xi32, #tpu.memory_space<vmem>>) semaphore(%arg15 : memref<!tpu.dma_semaphore, #tpu.memory_space<semaphore_mem>>) {add = true}
      %dma_wait3A_488 = arith.constant 2 : i32
      %dma_wait3A_489 = arith.constant 2 : i32
      %dma_wait3A_490 = arith.constant 0 : i32
      %dma_wait3A_491 = arith.constant 0 : i32
      %dma_wait3A_492 = tpu.memref_slice %arg8[%dma_wait3A_489, %dma_wait3A_490, %dma_wait3A_491] : memref<4x80x128xf32, #tpu.memory_space<vmem>> -> memref<1x80x128xf32, #tpu.memory_space<vmem>>
      %dma_wait3A_493 = tpu.memref_squeeze %dma_wait3A_492 : memref<1x80x128xf32, #tpu.memory_space<vmem>> -> memref<80x128xf32, #tpu.memory_space<vmem>>
      %dma_wait3A_494 = arith.constant 0 : i32
      %dma_wait3A_495 = tpu.memref_slice %arg6[%dma_wait3A_488, %dma_wait3A_494] : memref<4x80xi32, #tpu.memory_space<vmem>> -> memref<1x80xi32, #tpu.memory_space<vmem>>
      %dma_wait3A_496 = tpu.memref_squeeze %dma_wait3A_495 : memref<1x80xi32, #tpu.memory_space<vmem>> -> memref<80xi32, #tpu.memory_space<vmem>>
      %dma_wait3A_497 = arith.constant 0 : i32
      %dma_wait3A_498 = arith.constant 0 : i32
      %dma_wait3A_499 = tpu.memref_slice %arg2[%dma_wait3A_497, %dma_wait3A_498] : memref<10000x128xf32, #tpu.memory_space<hbm>> -> memref<10000x128xf32, #tpu.memory_space<hbm>>
      tpu.wait_indirect_dma semaphore(%arg12 : memref<!tpu.dma_semaphore, #tpu.memory_space<semaphore_mem>>) src(%dma_wait3A_499 : memref<10000x128xf32, #tpu.memory_space<hbm>>) dst(%dma_wait3A_493 : memref<80x128xf32, #tpu.memory_space<vmem>>)
      %dma_wait3A_500 = arith.constant 0 : i32
      %dma_wait3A_501 = arith.constant 0 : i32
      %dma_wait3A_502 = arith.constant 2 : i32
      %dma_wait3A_503 = arith.constant 0 : i32
      %dma_wait3A_504 = tpu.memref_slice %arg7[%dma_wait3A_502, %dma_wait3A_503] : memref<4x80xi32, #tpu.memory_space<vmem>> -> memref<1x80xi32, #tpu.memory_space<vmem>>
      %dma_wait3A_505 = tpu.memref_squeeze %dma_wait3A_504 : memref<1x80xi32, #tpu.memory_space<vmem>> -> memref<80xi32, #tpu.memory_space<vmem>>
      %dma_wait3A_506 = arith.constant 0 : i32
      %dma_wait3A_507 = tpu.memref_slice %arg4[%dma_wait3A_500, %dma_wait3A_501, %dma_wait3A_506] : memref<32x125x80xi32, #tpu.memory_space<hbm>> -> memref<1x1x80xi32, #tpu.memory_space<hbm>>
      %dma_wait3A_508 = tpu.memref_squeeze %dma_wait3A_507 : memref<1x1x80xi32, #tpu.memory_space<hbm>> -> memref<80xi32, #tpu.memory_space<hbm>>
      %dma_wait3A_509 = arith.constant 0 : i32
      %dma_wait3A_510 = tpu.memref_slice %arg7[%dma_wait3A_502, %dma_wait3A_509] : memref<4x80xi32, #tpu.memory_space<vmem>> -> memref<1x80xi32, #tpu.memory_space<vmem>>
      %dma_wait3A_511 = tpu.memref_squeeze %dma_wait3A_510 : memref<1x80xi32, #tpu.memory_space<vmem>> -> memref<80xi32, #tpu.memory_space<vmem>>
      %dma_wait3A_512 = arith.constant 0 : i32
      %dma_wait3A_513 = tpu.memref_slice %arg4[%dma_wait3A_500, %dma_wait3A_501, %dma_wait3A_512] : memref<32x125x80xi32, #tpu.memory_space<hbm>> -> memref<1x1x80xi32, #tpu.memory_space<hbm>>
      %dma_wait3A_514 = tpu.memref_squeeze %dma_wait3A_513 : memref<1x1x80xi32, #tpu.memory_space<hbm>> -> memref<80xi32, #tpu.memory_space<hbm>>
      tpu.wait_dma2 semaphore(%arg24 : memref<!tpu.dma_semaphore, #tpu.memory_space<semaphore_mem>>) src(%dma_wait3A_514 : memref<80xi32, #tpu.memory_space<hbm>>) dst(%dma_wait3A_511 : memref<80xi32, #tpu.memory_space<vmem>>)
      %dma_start3A_515 = arith.constant 2 : i32
      %dma_start3A_516 = arith.constant 2 : i32
      %dma_start3A_517 = arith.constant 0 : i32
      %dma_start3A_518 = arith.constant 0 : i32
      %dma_start3A_519 = tpu.memref_slice %arg8[%dma_start3A_515, %dma_start3A_517, %dma_start3A_518] : memref<4x80x128xf32, #tpu.memory_space<vmem>> -> memref<1x80x128xf32, #tpu.memory_space<vmem>>
      %dma_start3A_520 = tpu.memref_squeeze %dma_start3A_519 : memref<1x80x128xf32, #tpu.memory_space<vmem>> -> memref<80x128xf32, #tpu.memory_space<vmem>>
      %dma_start3A_521 = arith.constant 0 : i32
      %dma_start3A_522 = tpu.memref_slice %arg7[%dma_start3A_516, %dma_start3A_521] : memref<4x80xi32, #tpu.memory_space<vmem>> -> memref<1x80xi32, #tpu.memory_space<vmem>>
      %dma_start3A_523 = tpu.memref_squeeze %dma_start3A_522 : memref<1x80xi32, #tpu.memory_space<vmem>> -> memref<80xi32, #tpu.memory_space<vmem>>
      %dma_start3A_524 = arith.constant 0 : i32
      %dma_start3A_525 = arith.constant 0 : i32
      %dma_start3A_526 = tpu.memref_slice %arg9[%dma_start3A_524, %dma_start3A_525] : memref<10240x128xf32, #tpu.memory_space<vmem_shared>> -> memref<10240x128xf32, #tpu.memory_space<vmem_shared>>
      tpu.enqueue_indirect_dma source(%dma_start3A_520 : memref<80x128xf32, #tpu.memory_space<vmem>>) target(%dma_start3A_526 : memref<10240x128xf32, #tpu.memory_space<vmem_shared>>) offsets(%dma_start3A_523 : memref<80xi32, #tpu.memory_space<vmem>>) semaphore(%arg16 : memref<!tpu.dma_semaphore, #tpu.memory_space<semaphore_mem>>) {add = true}
      %dma_wait3A_527 = arith.constant 3 : i32
      %dma_wait3A_528 = arith.constant 3 : i32
      %dma_wait3A_529 = arith.constant 0 : i32
      %dma_wait3A_530 = arith.constant 0 : i32
      %dma_wait3A_531 = tpu.memref_slice %arg8[%dma_wait3A_528, %dma_wait3A_529, %dma_wait3A_530] : memref<4x80x128xf32, #tpu.memory_space<vmem>> -> memref<1x80x128xf32, #tpu.memory_space<vmem>>
      %dma_wait3A_532 = tpu.memref_squeeze %dma_wait3A_531 : memref<1x80x128xf32, #tpu.memory_space<vmem>> -> memref<80x128xf32, #tpu.memory_space<vmem>>
      %dma_wait3A_533 = arith.constant 0 : i32
      %dma_wait3A_534 = tpu.memref_slice %arg6[%dma_wait3A_527, %dma_wait3A_533] : memref<4x80xi32, #tpu.memory_space<vmem>> -> memref<1x80xi32, #tpu.memory_space<vmem>>
      %dma_wait3A_535 = tpu.memref_squeeze %dma_wait3A_534 : memref<1x80xi32, #tpu.memory_space<vmem>> -> memref<80xi32, #tpu.memory_space<vmem>>
      %dma_wait3A_536 = arith.constant 0 : i32
      %dma_wait3A_537 = arith.constant 0 : i32
      %dma_wait3A_538 = tpu.memref_slice %arg2[%dma_wait3A_536, %dma_wait3A_537] : memref<10000x128xf32, #tpu.memory_space<hbm>> -> memref<10000x128xf32, #tpu.memory_space<hbm>>
      tpu.wait_indirect_dma semaphore(%arg13 : memref<!tpu.dma_semaphore, #tpu.memory_space<semaphore_mem>>) src(%dma_wait3A_538 : memref<10000x128xf32, #tpu.memory_space<hbm>>) dst(%dma_wait3A_532 : memref<80x128xf32, #tpu.memory_space<vmem>>)
      %dma_wait3A_539 = arith.constant 0 : i32
      %dma_wait3A_540 = arith.constant 0 : i32
      %dma_wait3A_541 = arith.constant 3 : i32
      %dma_wait3A_542 = arith.constant 0 : i32
      %dma_wait3A_543 = tpu.memref_slice %arg7[%dma_wait3A_541, %dma_wait3A_542] : memref<4x80xi32, #tpu.memory_space<vmem>> -> memref<1x80xi32, #tpu.memory_space<vmem>>
      %dma_wait3A_544 = tpu.memref_squeeze %dma_wait3A_543 : memref<1x80xi32, #tpu.memory_space<vmem>> -> memref<80xi32, #tpu.memory_space<vmem>>
      %dma_wait3A_545 = arith.constant 0 : i32
      %dma_wait3A_546 = tpu.memref_slice %arg4[%dma_wait3A_539, %dma_wait3A_540, %dma_wait3A_545] : memref<32x125x80xi32, #tpu.memory_space<hbm>> -> memref<1x1x80xi32, #tpu.memory_space<hbm>>
      %dma_wait3A_547 = tpu.memref_squeeze %dma_wait3A_546 : memref<1x1x80xi32, #tpu.memory_space<hbm>> -> memref<80xi32, #tpu.memory_space<hbm>>
      %dma_wait3A_548 = arith.constant 0 : i32
      %dma_wait3A_549 = tpu.memref_slice %arg7[%dma_wait3A_541, %dma_wait3A_548] : memref<4x80xi32, #tpu.memory_space<vmem>> -> memref<1x80xi32, #tpu.memory_space<vmem>>
      %dma_wait3A_550 = tpu.memref_squeeze %dma_wait3A_549 : memref<1x80xi32, #tpu.memory_space<vmem>> -> memref<80xi32, #tpu.memory_space<vmem>>
      %dma_wait3A_551 = arith.constant 0 : i32
      %dma_wait3A_552 = tpu.memref_slice %arg4[%dma_wait3A_539, %dma_wait3A_540, %dma_wait3A_551] : memref<32x125x80xi32, #tpu.memory_space<hbm>> -> memref<1x1x80xi32, #tpu.memory_space<hbm>>
      %dma_wait3A_553 = tpu.memref_squeeze %dma_wait3A_552 : memref<1x1x80xi32, #tpu.memory_space<hbm>> -> memref<80xi32, #tpu.memory_space<hbm>>
      tpu.wait_dma2 semaphore(%arg25 : memref<!tpu.dma_semaphore, #tpu.memory_space<semaphore_mem>>) src(%dma_wait3A_553 : memref<80xi32, #tpu.memory_space<hbm>>) dst(%dma_wait3A_550 : memref<80xi32, #tpu.memory_space<vmem>>)
      %dma_start3A_554 = arith.constant 3 : i32
      %dma_start3A_555 = arith.constant 3 : i32
      %dma_start3A_556 = arith.constant 0 : i32
      %dma_start3A_557 = arith.constant 0 : i32
      %dma_start3A_558 = tpu.memref_slice %arg8[%dma_start3A_554, %dma_start3A_556, %dma_start3A_557] : memref<4x80x128xf32, #tpu.memory_space<vmem>> -> memref<1x80x128xf32, #tpu.memory_space<vmem>>
      %dma_start3A_559 = tpu.memref_squeeze %dma_start3A_558 : memref<1x80x128xf32, #tpu.memory_space<vmem>> -> memref<80x128xf32, #tpu.memory_space<vmem>>
      %dma_start3A_560 = arith.constant 0 : i32
      %dma_start3A_561 = tpu.memref_slice %arg7[%dma_start3A_555, %dma_start3A_560] : memref<4x80xi32, #tpu.memory_space<vmem>> -> memref<1x80xi32, #tpu.memory_space<vmem>>
      %dma_start3A_562 = tpu.memref_squeeze %dma_start3A_561 : memref<1x80xi32, #tpu.memory_space<vmem>> -> memref<80xi32, #tpu.memory_space<vmem>>
      %dma_start3A_563 = arith.constant 0 : i32
      %dma_start3A_564 = arith.constant 0 : i32
      %dma_start3A_565 = tpu.memref_slice %arg9[%dma_start3A_563, %dma_start3A_564] : memref<10240x128xf32, #tpu.memory_space<vmem_shared>> -> memref<10240x128xf32, #tpu.memory_space<vmem_shared>>
      tpu.enqueue_indirect_dma source(%dma_start3A_559 : memref<80x128xf32, #tpu.memory_space<vmem>>) target(%dma_start3A_565 : memref<10240x128xf32, #tpu.memory_space<vmem_shared>>) offsets(%dma_start3A_562 : memref<80xi32, #tpu.memory_space<vmem>>) semaphore(%arg17 : memref<!tpu.dma_semaphore, #tpu.memory_space<semaphore_mem>>) {add = true}
      %add3A_566 = arith.constant 0 : i32
      %add3A_567 = arith.addi %mul3A_409, %add3A_566 : i32
      %add3A_568 = arith.constant 4 : i32
      %add3A_569 = arith.addi %add3A_567, %add3A_568 : i32
      %rem3A = arith.constant 125 : i32
      %rem3A_570 = arith.remsi %add3A_569, %rem3A : i32
      %dma_wait3A_571 = arith.constant 0 : i32
      %dma_wait3A_572 = arith.constant 0 : i32
      %dma_wait3A_573 = arith.constant 0 : i32
      %dma_wait3A_574 = arith.constant 0 : i32
      %dma_wait3A_575 = tpu.memref_slice %arg8[%dma_wait3A_571, %dma_wait3A_573, %dma_wait3A_574] : memref<4x80x128xf32, #tpu.memory_space<vmem>> -> memref<1x80x128xf32, #tpu.memory_space<vmem>>
      %dma_wait3A_576 = tpu.memref_squeeze %dma_wait3A_575 : memref<1x80x128xf32, #tpu.memory_space<vmem>> -> memref<80x128xf32, #tpu.memory_space<vmem>>
      %dma_wait3A_577 = arith.constant 0 : i32
      %dma_wait3A_578 = tpu.memref_slice %arg7[%dma_wait3A_572, %dma_wait3A_577] : memref<4x80xi32, #tpu.memory_space<vmem>> -> memref<1x80xi32, #tpu.memory_space<vmem>>
      %dma_wait3A_579 = tpu.memref_squeeze %dma_wait3A_578 : memref<1x80xi32, #tpu.memory_space<vmem>> -> memref<80xi32, #tpu.memory_space<vmem>>
      %dma_wait3A_580 = arith.constant 0 : i32
      %dma_wait3A_581 = arith.constant 0 : i32
      %dma_wait3A_582 = tpu.memref_slice %arg9[%dma_wait3A_580, %dma_wait3A_581] : memref<10240x128xf32, #tpu.memory_space<vmem_shared>> -> memref<10240x128xf32, #tpu.memory_space<vmem_shared>>
      tpu.wait_indirect_dma semaphore(%arg14 : memref<!tpu.dma_semaphore, #tpu.memory_space<semaphore_mem>>) src(%dma_wait3A_576 : memref<80x128xf32, #tpu.memory_space<vmem>>) dst(%dma_wait3A_582 : memref<10240x128xf32, #tpu.memory_space<vmem_shared>>)
      %dma_start3A_583 = arith.constant 0 : i32
      %dma_start3A_584 = arith.constant 0 : i32
      %dma_start3A_585 = tpu.memref_slice %arg7[%dma_start3A_583, %dma_start3A_584] : memref<4x80xi32, #tpu.memory_space<vmem>> -> memref<1x80xi32, #tpu.memory_space<vmem>>
      %dma_start3A_586 = tpu.memref_squeeze %dma_start3A_585 : memref<1x80xi32, #tpu.memory_space<vmem>> -> memref<80xi32, #tpu.memory_space<vmem>>
      %dma_start3A_587 = arith.constant 0 : i32
      %dma_start3A_588 = tpu.memref_slice %arg4[%add3A, %rem3A_570, %dma_start3A_587] : memref<32x125x80xi32, #tpu.memory_space<hbm>> -> memref<1x1x80xi32, #tpu.memory_space<hbm>>
      %dma_start3A_589 = tpu.memref_squeeze %dma_start3A_588 : memref<1x1x80xi32, #tpu.memory_space<hbm>> -> memref<80xi32, #tpu.memory_space<hbm>>
      %dma_start3A_590 = arith.constant 0 : i32
      %dma_start3A_591 = tpu.memref_slice %arg7[%dma_start3A_583, %dma_start3A_590] : memref<4x80xi32, #tpu.memory_space<vmem>> -> memref<1x80xi32, #tpu.memory_space<vmem>>
      %dma_start3A_592 = tpu.memref_squeeze %dma_start3A_591 : memref<1x80xi32, #tpu.memory_space<vmem>> -> memref<80xi32, #tpu.memory_space<vmem>>
      %dma_start3A_593 = arith.constant 0 : i32
      %dma_start3A_594 = tpu.memref_slice %arg4[%add3A, %rem3A_570, %dma_start3A_593] : memref<32x125x80xi32, #tpu.memory_space<hbm>> -> memref<1x1x80xi32, #tpu.memory_space<hbm>>
      %dma_start3A_595 = tpu.memref_squeeze %dma_start3A_594 : memref<1x1x80xi32, #tpu.memory_space<hbm>> -> memref<80xi32, #tpu.memory_space<hbm>>
      tpu.enqueue_dma source(%dma_start3A_595 : memref<80xi32, #tpu.memory_space<hbm>>) target(%dma_start3A_592 : memref<80xi32, #tpu.memory_space<vmem>>) target_semaphore(%arg22 : memref<!tpu.dma_semaphore, #tpu.memory_space<semaphore_mem>>)
      %dma_start3A_596 = arith.constant 0 : i32
      %dma_start3A_597 = arith.constant 0 : i32
      %dma_start3A_598 = tpu.memref_slice %arg6[%dma_start3A_596, %dma_start3A_597] : memref<4x80xi32, #tpu.memory_space<vmem>> -> memref<1x80xi32, #tpu.memory_space<vmem>>
      %dma_start3A_599 = tpu.memref_squeeze %dma_start3A_598 : memref<1x80xi32, #tpu.memory_space<vmem>> -> memref<80xi32, #tpu.memory_space<vmem>>
      %dma_start3A_600 = arith.constant 0 : i32
      %dma_start3A_601 = tpu.memref_slice %arg3[%add3A, %rem3A_570, %dma_start3A_600] : memref<32x125x80xi32, #tpu.memory_space<hbm>> -> memref<1x1x80xi32, #tpu.memory_space<hbm>>
      %dma_start3A_602 = tpu.memref_squeeze %dma_start3A_601 : memref<1x1x80xi32, #tpu.memory_space<hbm>> -> memref<80xi32, #tpu.memory_space<hbm>>
      %dma_start3A_603 = arith.constant 0 : i32
      %dma_start3A_604 = tpu.memref_slice %arg6[%dma_start3A_596, %dma_start3A_603] : memref<4x80xi32, #tpu.memory_space<vmem>> -> memref<1x80xi32, #tpu.memory_space<vmem>>
      %dma_start3A_605 = tpu.memref_squeeze %dma_start3A_604 : memref<1x80xi32, #tpu.memory_space<vmem>> -> memref<80xi32, #tpu.memory_space<vmem>>
      %dma_start3A_606 = arith.constant 0 : i32
      %dma_start3A_607 = tpu.memref_slice %arg3[%add3A, %rem3A_570, %dma_start3A_606] : memref<32x125x80xi32, #tpu.memory_space<hbm>> -> memref<1x1x80xi32, #tpu.memory_space<hbm>>
      %dma_start3A_608 = tpu.memref_squeeze %dma_start3A_607 : memref<1x1x80xi32, #tpu.memory_space<hbm>> -> memref<80xi32, #tpu.memory_space<hbm>>
      tpu.enqueue_dma source(%dma_start3A_608 : memref<80xi32, #tpu.memory_space<hbm>>) target(%dma_start3A_605 : memref<80xi32, #tpu.memory_space<vmem>>) target_semaphore(%arg18 : memref<!tpu.dma_semaphore, #tpu.memory_space<semaphore_mem>>)
      %add3A_609 = arith.constant 1 : i32
      %add3A_610 = arith.addi %mul3A_409, %add3A_609 : i32
      %add3A_611 = arith.constant 4 : i32
      %add3A_612 = arith.addi %add3A_610, %add3A_611 : i32
      %rem3A_613 = arith.constant 125 : i32
      %rem3A_614 = arith.remsi %add3A_612, %rem3A_613 : i32
      %dma_wait3A_615 = arith.constant 1 : i32
      %dma_wait3A_616 = arith.constant 1 : i32
      %dma_wait3A_617 = arith.constant 0 : i32
      %dma_wait3A_618 = arith.constant 0 : i32
      %dma_wait3A_619 = tpu.memref_slice %arg8[%dma_wait3A_615, %dma_wait3A_617, %dma_wait3A_618] : memref<4x80x128xf32, #tpu.memory_space<vmem>> -> memref<1x80x128xf32, #tpu.memory_space<vmem>>
      %dma_wait3A_620 = tpu.memref_squeeze %dma_wait3A_619 : memref<1x80x128xf32, #tpu.memory_space<vmem>> -> memref<80x128xf32, #tpu.memory_space<vmem>>
      %dma_wait3A_621 = arith.constant 0 : i32
      %dma_wait3A_622 = tpu.memref_slice %arg7[%dma_wait3A_616, %dma_wait3A_621] : memref<4x80xi32, #tpu.memory_space<vmem>> -> memref<1x80xi32, #tpu.memory_space<vmem>>
      %dma_wait3A_623 = tpu.memref_squeeze %dma_wait3A_622 : memref<1x80xi32, #tpu.memory_space<vmem>> -> memref<80xi32, #tpu.memory_space<vmem>>
      %dma_wait3A_624 = arith.constant 0 : i32
      %dma_wait3A_625 = arith.constant 0 : i32
      %dma_wait3A_626 = tpu.memref_slice %arg9[%dma_wait3A_624, %dma_wait3A_625] : memref<10240x128xf32, #tpu.memory_space<vmem_shared>> -> memref<10240x128xf32, #tpu.memory_space<vmem_shared>>
      tpu.wait_indirect_dma semaphore(%arg15 : memref<!tpu.dma_semaphore, #tpu.memory_space<semaphore_mem>>) src(%dma_wait3A_620 : memref<80x128xf32, #tpu.memory_space<vmem>>) dst(%dma_wait3A_626 : memref<10240x128xf32, #tpu.memory_space<vmem_shared>>)
      %dma_start3A_627 = arith.constant 1 : i32
      %dma_start3A_628 = arith.constant 0 : i32
      %dma_start3A_629 = tpu.memref_slice %arg7[%dma_start3A_627, %dma_start3A_628] : memref<4x80xi32, #tpu.memory_space<vmem>> -> memref<1x80xi32, #tpu.memory_space<vmem>>
      %dma_start3A_630 = tpu.memref_squeeze %dma_start3A_629 : memref<1x80xi32, #tpu.memory_space<vmem>> -> memref<80xi32, #tpu.memory_space<vmem>>
      %dma_start3A_631 = arith.constant 0 : i32
      %dma_start3A_632 = tpu.memref_slice %arg4[%add3A, %rem3A_614, %dma_start3A_631] : memref<32x125x80xi32, #tpu.memory_space<hbm>> -> memref<1x1x80xi32, #tpu.memory_space<hbm>>
      %dma_start3A_633 = tpu.memref_squeeze %dma_start3A_632 : memref<1x1x80xi32, #tpu.memory_space<hbm>> -> memref<80xi32, #tpu.memory_space<hbm>>
      %dma_start3A_634 = arith.constant 0 : i32
      %dma_start3A_635 = tpu.memref_slice %arg7[%dma_start3A_627, %dma_start3A_634] : memref<4x80xi32, #tpu.memory_space<vmem>> -> memref<1x80xi32, #tpu.memory_space<vmem>>
      %dma_start3A_636 = tpu.memref_squeeze %dma_start3A_635 : memref<1x80xi32, #tpu.memory_space<vmem>> -> memref<80xi32, #tpu.memory_space<vmem>>
      %dma_start3A_637 = arith.constant 0 : i32
      %dma_start3A_638 = tpu.memref_slice %arg4[%add3A, %rem3A_614, %dma_start3A_637] : memref<32x125x80xi32, #tpu.memory_space<hbm>> -> memref<1x1x80xi32, #tpu.memory_space<hbm>>
      %dma_start3A_639 = tpu.memref_squeeze %dma_start3A_638 : memref<1x1x80xi32, #tpu.memory_space<hbm>> -> memref<80xi32, #tpu.memory_space<hbm>>
      tpu.enqueue_dma source(%dma_start3A_639 : memref<80xi32, #tpu.memory_space<hbm>>) target(%dma_start3A_636 : memref<80xi32, #tpu.memory_space<vmem>>) target_semaphore(%arg23 : memref<!tpu.dma_semaphore, #tpu.memory_space<semaphore_mem>>)
      %dma_start3A_640 = arith.constant 1 : i32
      %dma_start3A_641 = arith.constant 0 : i32
      %dma_start3A_642 = tpu.memref_slice %arg6[%dma_start3A_640, %dma_start3A_641] : memref<4x80xi32, #tpu.memory_space<vmem>> -> memref<1x80xi32, #tpu.memory_space<vmem>>
      %dma_start3A_643 = tpu.memref_squeeze %dma_start3A_642 : memref<1x80xi32, #tpu.memory_space<vmem>> -> memref<80xi32, #tpu.memory_space<vmem>>
      %dma_start3A_644 = arith.constant 0 : i32
      %dma_start3A_645 = tpu.memref_slice %arg3[%add3A, %rem3A_614, %dma_start3A_644] : memref<32x125x80xi32, #tpu.memory_space<hbm>> -> memref<1x1x80xi32, #tpu.memory_space<hbm>>
      %dma_start3A_646 = tpu.memref_squeeze %dma_start3A_645 : memref<1x1x80xi32, #tpu.memory_space<hbm>> -> memref<80xi32, #tpu.memory_space<hbm>>
      %dma_start3A_647 = arith.constant 0 : i32
      %dma_start3A_648 = tpu.memref_slice %arg6[%dma_start3A_640, %dma_start3A_647] : memref<4x80xi32, #tpu.memory_space<vmem>> -> memref<1x80xi32, #tpu.memory_space<vmem>>
      %dma_start3A_649 = tpu.memref_squeeze %dma_start3A_648 : memref<1x80xi32, #tpu.memory_space<vmem>> -> memref<80xi32, #tpu.memory_space<vmem>>
      %dma_start3A_650 = arith.constant 0 : i32
      %dma_start3A_651 = tpu.memref_slice %arg3[%add3A, %rem3A_614, %dma_start3A_650] : memref<32x125x80xi32, #tpu.memory_space<hbm>> -> memref<1x1x80xi32, #tpu.memory_space<hbm>>
      %dma_start3A_652 = tpu.memref_squeeze %dma_start3A_651 : memref<1x1x80xi32, #tpu.memory_space<hbm>> -> memref<80xi32, #tpu.memory_space<hbm>>
      tpu.enqueue_dma source(%dma_start3A_652 : memref<80xi32, #tpu.memory_space<hbm>>) target(%dma_start3A_649 : memref<80xi32, #tpu.memory_space<vmem>>) target_semaphore(%arg19 : memref<!tpu.dma_semaphore, #tpu.memory_space<semaphore_mem>>)
      %add3A_653 = arith.constant 2 : i32
      %add3A_654 = arith.addi %mul3A_409, %add3A_653 : i32
      %add3A_655 = arith.constant 4 : i32
      %add3A_656 = arith.addi %add3A_654, %add3A_655 : i32
      %rem3A_657 = arith.constant 125 : i32
      %rem3A_658 = arith.remsi %add3A_656, %rem3A_657 : i32
      %dma_wait3A_659 = arith.constant 2 : i32
      %dma_wait3A_660 = arith.constant 2 : i32
      %dma_wait3A_661 = arith.constant 0 : i32
      %dma_wait3A_662 = arith.constant 0 : i32
      %dma_wait3A_663 = tpu.memref_slice %arg8[%dma_wait3A_659, %dma_wait3A_661, %dma_wait3A_662] : memref<4x80x128xf32, #tpu.memory_space<vmem>> -> memref<1x80x128xf32, #tpu.memory_space<vmem>>
      %dma_wait3A_664 = tpu.memref_squeeze %dma_wait3A_663 : memref<1x80x128xf32, #tpu.memory_space<vmem>> -> memref<80x128xf32, #tpu.memory_space<vmem>>
      %dma_wait3A_665 = arith.constant 0 : i32
      %dma_wait3A_666 = tpu.memref_slice %arg7[%dma_wait3A_660, %dma_wait3A_665] : memref<4x80xi32, #tpu.memory_space<vmem>> -> memref<1x80xi32, #tpu.memory_space<vmem>>
      %dma_wait3A_667 = tpu.memref_squeeze %dma_wait3A_666 : memref<1x80xi32, #tpu.memory_space<vmem>> -> memref<80xi32, #tpu.memory_space<vmem>>
      %dma_wait3A_668 = arith.constant 0 : i32
      %dma_wait3A_669 = arith.constant 0 : i32
      %dma_wait3A_670 = tpu.memref_slice %arg9[%dma_wait3A_668, %dma_wait3A_669] : memref<10240x128xf32, #tpu.memory_space<vmem_shared>> -> memref<10240x128xf32, #tpu.memory_space<vmem_shared>>
      tpu.wait_indirect_dma semaphore(%arg16 : memref<!tpu.dma_semaphore, #tpu.memory_space<semaphore_mem>>) src(%dma_wait3A_664 : memref<80x128xf32, #tpu.memory_space<vmem>>) dst(%dma_wait3A_670 : memref<10240x128xf32, #tpu.memory_space<vmem_shared>>)
      %dma_start3A_671 = arith.constant 2 : i32
      %dma_start3A_672 = arith.constant 0 : i32
      %dma_start3A_673 = tpu.memref_slice %arg7[%dma_start3A_671, %dma_start3A_672] : memref<4x80xi32, #tpu.memory_space<vmem>> -> memref<1x80xi32, #tpu.memory_space<vmem>>
      %dma_start3A_674 = tpu.memref_squeeze %dma_start3A_673 : memref<1x80xi32, #tpu.memory_space<vmem>> -> memref<80xi32, #tpu.memory_space<vmem>>
      %dma_start3A_675 = arith.constant 0 : i32
      %dma_start3A_676 = tpu.memref_slice %arg4[%add3A, %rem3A_658, %dma_start3A_675] : memref<32x125x80xi32, #tpu.memory_space<hbm>> -> memref<1x1x80xi32, #tpu.memory_space<hbm>>
      %dma_start3A_677 = tpu.memref_squeeze %dma_start3A_676 : memref<1x1x80xi32, #tpu.memory_space<hbm>> -> memref<80xi32, #tpu.memory_space<hbm>>
      %dma_start3A_678 = arith.constant 0 : i32
      %dma_start3A_679 = tpu.memref_slice %arg7[%dma_start3A_671, %dma_start3A_678] : memref<4x80xi32, #tpu.memory_space<vmem>> -> memref<1x80xi32, #tpu.memory_space<vmem>>
      %dma_start3A_680 = tpu.memref_squeeze %dma_start3A_679 : memref<1x80xi32, #tpu.memory_space<vmem>> -> memref<80xi32, #tpu.memory_space<vmem>>
      %dma_start3A_681 = arith.constant 0 : i32
      %dma_start3A_682 = tpu.memref_slice %arg4[%add3A, %rem3A_658, %dma_start3A_681] : memref<32x125x80xi32, #tpu.memory_space<hbm>> -> memref<1x1x80xi32, #tpu.memory_space<hbm>>
      %dma_start3A_683 = tpu.memref_squeeze %dma_start3A_682 : memref<1x1x80xi32, #tpu.memory_space<hbm>> -> memref<80xi32, #tpu.memory_space<hbm>>
      tpu.enqueue_dma source(%dma_start3A_683 : memref<80xi32, #tpu.memory_space<hbm>>) target(%dma_start3A_680 : memref<80xi32, #tpu.memory_space<vmem>>) target_semaphore(%arg24 : memref<!tpu.dma_semaphore, #tpu.memory_space<semaphore_mem>>)
      %dma_start3A_684 = arith.constant 2 : i32
      %dma_start3A_685 = arith.constant 0 : i32
      %dma_start3A_686 = tpu.memref_slice %arg6[%dma_start3A_684, %dma_start3A_685] : memref<4x80xi32, #tpu.memory_space<vmem>> -> memref<1x80xi32, #tpu.memory_space<vmem>>
      %dma_start3A_687 = tpu.memref_squeeze %dma_start3A_686 : memref<1x80xi32, #tpu.memory_space<vmem>> -> memref<80xi32, #tpu.memory_space<vmem>>
      %dma_start3A_688 = arith.constant 0 : i32
      %dma_start3A_689 = tpu.memref_slice %arg3[%add3A, %rem3A_658, %dma_start3A_688] : memref<32x125x80xi32, #tpu.memory_space<hbm>> -> memref<1x1x80xi32, #tpu.memory_space<hbm>>
      %dma_start3A_690 = tpu.memref_squeeze %dma_start3A_689 : memref<1x1x80xi32, #tpu.memory_space<hbm>> -> memref<80xi32, #tpu.memory_space<hbm>>
      %dma_start3A_691 = arith.constant 0 : i32
      %dma_start3A_692 = tpu.memref_slice %arg6[%dma_start3A_684, %dma_start3A_691] : memref<4x80xi32, #tpu.memory_space<vmem>> -> memref<1x80xi32, #tpu.memory_space<vmem>>
      %dma_start3A_693 = tpu.memref_squeeze %dma_start3A_692 : memref<1x80xi32, #tpu.memory_space<vmem>> -> memref<80xi32, #tpu.memory_space<vmem>>
      %dma_start3A_694 = arith.constant 0 : i32
      %dma_start3A_695 = tpu.memref_slice %arg3[%add3A, %rem3A_658, %dma_start3A_694] : memref<32x125x80xi32, #tpu.memory_space<hbm>> -> memref<1x1x80xi32, #tpu.memory_space<hbm>>
      %dma_start3A_696 = tpu.memref_squeeze %dma_start3A_695 : memref<1x1x80xi32, #tpu.memory_space<hbm>> -> memref<80xi32, #tpu.memory_space<hbm>>
      tpu.enqueue_dma source(%dma_start3A_696 : memref<80xi32, #tpu.memory_space<hbm>>) target(%dma_start3A_693 : memref<80xi32, #tpu.memory_space<vmem>>) target_semaphore(%arg20 : memref<!tpu.dma_semaphore, #tpu.memory_space<semaphore_mem>>)
      %add3A_697 = arith.constant 3 : i32
      %add3A_698 = arith.addi %mul3A_409, %add3A_697 : i32
      %add3A_699 = arith.constant 4 : i32
      %add3A_700 = arith.addi %add3A_698, %add3A_699 : i32
      %rem3A_701 = arith.constant 125 : i32
      %rem3A_702 = arith.remsi %add3A_700, %rem3A_701 : i32
      %dma_wait3A_703 = arith.constant 3 : i32
      %dma_wait3A_704 = arith.constant 3 : i32
      %dma_wait3A_705 = arith.constant 0 : i32
      %dma_wait3A_706 = arith.constant 0 : i32
      %dma_wait3A_707 = tpu.memref_slice %arg8[%dma_wait3A_703, %dma_wait3A_705, %dma_wait3A_706] : memref<4x80x128xf32, #tpu.memory_space<vmem>> -> memref<1x80x128xf32, #tpu.memory_space<vmem>>
      %dma_wait3A_708 = tpu.memref_squeeze %dma_wait3A_707 : memref<1x80x128xf32, #tpu.memory_space<vmem>> -> memref<80x128xf32, #tpu.memory_space<vmem>>
      %dma_wait3A_709 = arith.constant 0 : i32
      %dma_wait3A_710 = tpu.memref_slice %arg7[%dma_wait3A_704, %dma_wait3A_709] : memref<4x80xi32, #tpu.memory_space<vmem>> -> memref<1x80xi32, #tpu.memory_space<vmem>>
      %dma_wait3A_711 = tpu.memref_squeeze %dma_wait3A_710 : memref<1x80xi32, #tpu.memory_space<vmem>> -> memref<80xi32, #tpu.memory_space<vmem>>
      %dma_wait3A_712 = arith.constant 0 : i32
      %dma_wait3A_713 = arith.constant 0 : i32
      %dma_wait3A_714 = tpu.memref_slice %arg9[%dma_wait3A_712, %dma_wait3A_713] : memref<10240x128xf32, #tpu.memory_space<vmem_shared>> -> memref<10240x128xf32, #tpu.memory_space<vmem_shared>>
      tpu.wait_indirect_dma semaphore(%arg17 : memref<!tpu.dma_semaphore, #tpu.memory_space<semaphore_mem>>) src(%dma_wait3A_708 : memref<80x128xf32, #tpu.memory_space<vmem>>) dst(%dma_wait3A_714 : memref<10240x128xf32, #tpu.memory_space<vmem_shared>>)
      %dma_start3A_715 = arith.constant 3 : i32
      %dma_start3A_716 = arith.constant 0 : i32
      %dma_start3A_717 = tpu.memref_slice %arg7[%dma_start3A_715, %dma_start3A_716] : memref<4x80xi32, #tpu.memory_space<vmem>> -> memref<1x80xi32, #tpu.memory_space<vmem>>
      %dma_start3A_718 = tpu.memref_squeeze %dma_start3A_717 : memref<1x80xi32, #tpu.memory_space<vmem>> -> memref<80xi32, #tpu.memory_space<vmem>>
      %dma_start3A_719 = arith.constant 0 : i32
      %dma_start3A_720 = tpu.memref_slice %arg4[%add3A, %rem3A_702, %dma_start3A_719] : memref<32x125x80xi32, #tpu.memory_space<hbm>> -> memref<1x1x80xi32, #tpu.memory_space<hbm>>
      %dma_start3A_721 = tpu.memref_squeeze %dma_start3A_720 : memref<1x1x80xi32, #tpu.memory_space<hbm>> -> memref<80xi32, #tpu.memory_space<hbm>>
      %dma_start3A_722 = arith.constant 0 : i32
      %dma_start3A_723 = tpu.memref_slice %arg7[%dma_start3A_715, %dma_start3A_722] : memref<4x80xi32, #tpu.memory_space<vmem>> -> memref<1x80xi32, #tpu.memory_space<vmem>>
      %dma_start3A_724 = tpu.memref_squeeze %dma_start3A_723 : memref<1x80xi32, #tpu.memory_space<vmem>> -> memref<80xi32, #tpu.memory_space<vmem>>
      %dma_start3A_725 = arith.constant 0 : i32
      %dma_start3A_726 = tpu.memref_slice %arg4[%add3A, %rem3A_702, %dma_start3A_725] : memref<32x125x80xi32, #tpu.memory_space<hbm>> -> memref<1x1x80xi32, #tpu.memory_space<hbm>>
      %dma_start3A_727 = tpu.memref_squeeze %dma_start3A_726 : memref<1x1x80xi32, #tpu.memory_space<hbm>> -> memref<80xi32, #tpu.memory_space<hbm>>
      tpu.enqueue_dma source(%dma_start3A_727 : memref<80xi32, #tpu.memory_space<hbm>>) target(%dma_start3A_724 : memref<80xi32, #tpu.memory_space<vmem>>) target_semaphore(%arg25 : memref<!tpu.dma_semaphore, #tpu.memory_space<semaphore_mem>>)
      %dma_start3A_728 = arith.constant 3 : i32
      %dma_start3A_729 = arith.constant 0 : i32
      %dma_start3A_730 = tpu.memref_slice %arg6[%dma_start3A_728, %dma_start3A_729] : memref<4x80xi32, #tpu.memory_space<vmem>> -> memref<1x80xi32, #tpu.memory_space<vmem>>
      %dma_start3A_731 = tpu.memref_squeeze %dma_start3A_730 : memref<1x80xi32, #tpu.memory_space<vmem>> -> memref<80xi32, #tpu.memory_space<vmem>>
      %dma_start3A_732 = arith.constant 0 : i32
      %dma_start3A_733 = tpu.memref_slice %arg3[%add3A, %rem3A_702, %dma_start3A_732] : memref<32x125x80xi32, #tpu.memory_space<hbm>> -> memref<1x1x80xi32, #tpu.memory_space<hbm>>
      %dma_start3A_734 = tpu.memref_squeeze %dma_start3A_733 : memref<1x1x80xi32, #tpu.memory_space<hbm>> -> memref<80xi32, #tpu.memory_space<hbm>>
      %dma_start3A_735 = arith.constant 0 : i32
      %dma_start3A_736 = tpu.memref_slice %arg6[%dma_start3A_728, %dma_start3A_735] : memref<4x80xi32, #tpu.memory_space<vmem>> -> memref<1x80xi32, #tpu.memory_space<vmem>>
      %dma_start3A_737 = tpu.memref_squeeze %dma_start3A_736 : memref<1x80xi32, #tpu.memory_space<vmem>> -> memref<80xi32, #tpu.memory_space<vmem>>
      %dma_start3A_738 = arith.constant 0 : i32
      %dma_start3A_739 = tpu.memref_slice %arg3[%add3A, %rem3A_702, %dma_start3A_738] : memref<32x125x80xi32, #tpu.memory_space<hbm>> -> memref<1x1x80xi32, #tpu.memory_space<hbm>>
      %dma_start3A_740 = tpu.memref_squeeze %dma_start3A_739 : memref<1x1x80xi32, #tpu.memory_space<hbm>> -> memref<80xi32, #tpu.memory_space<hbm>>
      tpu.enqueue_dma source(%dma_start3A_740 : memref<80xi32, #tpu.memory_space<hbm>>) target(%dma_start3A_737 : memref<80xi32, #tpu.memory_space<vmem>>) target_semaphore(%arg21 : memref<!tpu.dma_semaphore, #tpu.memory_space<semaphore_mem>>)
      %dma_wait3A_741 = arith.constant 0 : i32
      %dma_wait3A_742 = arith.constant 0 : i32
      %dma_wait3A_743 = arith.constant 0 : i32
      %dma_wait3A_744 = arith.constant 0 : i32
      %dma_wait3A_745 = tpu.memref_slice %arg6[%dma_wait3A_743, %dma_wait3A_744] : memref<4x80xi32, #tpu.memory_space<vmem>> -> memref<1x80xi32, #tpu.memory_space<vmem>>
      %dma_wait3A_746 = tpu.memref_squeeze %dma_wait3A_745 : memref<1x80xi32, #tpu.memory_space<vmem>> -> memref<80xi32, #tpu.memory_space<vmem>>
      %dma_wait3A_747 = arith.constant 0 : i32
      %dma_wait3A_748 = tpu.memref_slice %arg3[%dma_wait3A_741, %dma_wait3A_742, %dma_wait3A_747] : memref<32x125x80xi32, #tpu.memory_space<hbm>> -> memref<1x1x80xi32, #tpu.memory_space<hbm>>
      %dma_wait3A_749 = tpu.memref_squeeze %dma_wait3A_748 : memref<1x1x80xi32, #tpu.memory_space<hbm>> -> memref<80xi32, #tpu.memory_space<hbm>>
      %dma_wait3A_750 = arith.constant 0 : i32
      %dma_wait3A_751 = tpu.memref_slice %arg6[%dma_wait3A_743, %dma_wait3A_750] : memref<4x80xi32, #tpu.memory_space<vmem>> -> memref<1x80xi32, #tpu.memory_space<vmem>>
      %dma_wait3A_752 = tpu.memref_squeeze %dma_wait3A_751 : memref<1x80xi32, #tpu.memory_space<vmem>> -> memref<80xi32, #tpu.memory_space<vmem>>
      %dma_wait3A_753 = arith.constant 0 : i32
      %dma_wait3A_754 = tpu.memref_slice %arg3[%dma_wait3A_741, %dma_wait3A_742, %dma_wait3A_753] : memref<32x125x80xi32, #tpu.memory_space<hbm>> -> memref<1x1x80xi32, #tpu.memory_space<hbm>>
      %dma_wait3A_755 = tpu.memref_squeeze %dma_wait3A_754 : memref<1x1x80xi32, #tpu.memory_space<hbm>> -> memref<80xi32, #tpu.memory_space<hbm>>
      tpu.wait_dma2 semaphore(%arg18 : memref<!tpu.dma_semaphore, #tpu.memory_space<semaphore_mem>>) src(%dma_wait3A_755 : memref<80xi32, #tpu.memory_space<hbm>>) dst(%dma_wait3A_752 : memref<80xi32, #tpu.memory_space<vmem>>)
      %dma_start3A_756 = arith.constant 0 : i32
      %dma_start3A_757 = arith.constant 0 : i32
      %dma_start3A_758 = arith.constant 0 : i32
      %dma_start3A_759 = arith.constant 0 : i32
      %dma_start3A_760 = tpu.memref_slice %arg8[%dma_start3A_757, %dma_start3A_758, %dma_start3A_759] : memref<4x80x128xf32, #tpu.memory_space<vmem>> -> memref<1x80x128xf32, #tpu.memory_space<vmem>>
      %dma_start3A_761 = tpu.memref_squeeze %dma_start3A_760 : memref<1x80x128xf32, #tpu.memory_space<vmem>> -> memref<80x128xf32, #tpu.memory_space<vmem>>
      %dma_start3A_762 = arith.constant 0 : i32
      %dma_start3A_763 = tpu.memref_slice %arg6[%dma_start3A_756, %dma_start3A_762] : memref<4x80xi32, #tpu.memory_space<vmem>> -> memref<1x80xi32, #tpu.memory_space<vmem>>
      %dma_start3A_764 = tpu.memref_squeeze %dma_start3A_763 : memref<1x80xi32, #tpu.memory_space<vmem>> -> memref<80xi32, #tpu.memory_space<vmem>>
      %dma_start3A_765 = arith.constant 0 : i32
      %dma_start3A_766 = arith.constant 0 : i32
      %dma_start3A_767 = tpu.memref_slice %arg2[%dma_start3A_765, %dma_start3A_766] : memref<10000x128xf32, #tpu.memory_space<hbm>> -> memref<10000x128xf32, #tpu.memory_space<hbm>>
      tpu.enqueue_indirect_dma source(%dma_start3A_767 : memref<10000x128xf32, #tpu.memory_space<hbm>>) target(%dma_start3A_761 : memref<80x128xf32, #tpu.memory_space<vmem>>) offsets(%dma_start3A_764 : memref<80xi32, #tpu.memory_space<vmem>>) semaphore(%arg10 : memref<!tpu.dma_semaphore, #tpu.memory_space<semaphore_mem>>)
      %dma_wait3A_768 = arith.constant 0 : i32
      %dma_wait3A_769 = arith.constant 0 : i32
      %dma_wait3A_770 = arith.constant 1 : i32
      %dma_wait3A_771 = arith.constant 0 : i32
      %dma_wait3A_772 = tpu.memref_slice %arg6[%dma_wait3A_770, %dma_wait3A_771] : memref<4x80xi32, #tpu.memory_space<vmem>> -> memref<1x80xi32, #tpu.memory_space<vmem>>
      %dma_wait3A_773 = tpu.memref_squeeze %dma_wait3A_772 : memref<1x80xi32, #tpu.memory_space<vmem>> -> memref<80xi32, #tpu.memory_space<vmem>>
      %dma_wait3A_774 = arith.constant 0 : i32
      %dma_wait3A_775 = tpu.memref_slice %arg3[%dma_wait3A_768, %dma_wait3A_769, %dma_wait3A_774] : memref<32x125x80xi32, #tpu.memory_space<hbm>> -> memref<1x1x80xi32, #tpu.memory_space<hbm>>
      %dma_wait3A_776 = tpu.memref_squeeze %dma_wait3A_775 : memref<1x1x80xi32, #tpu.memory_space<hbm>> -> memref<80xi32, #tpu.memory_space<hbm>>
      %dma_wait3A_777 = arith.constant 0 : i32
      %dma_wait3A_778 = tpu.memref_slice %arg6[%dma_wait3A_770, %dma_wait3A_777] : memref<4x80xi32, #tpu.memory_space<vmem>> -> memref<1x80xi32, #tpu.memory_space<vmem>>
      %dma_wait3A_779 = tpu.memref_squeeze %dma_wait3A_778 : memref<1x80xi32, #tpu.memory_space<vmem>> -> memref<80xi32, #tpu.memory_space<vmem>>
      %dma_wait3A_780 = arith.constant 0 : i32
      %dma_wait3A_781 = tpu.memref_slice %arg3[%dma_wait3A_768, %dma_wait3A_769, %dma_wait3A_780] : memref<32x125x80xi32, #tpu.memory_space<hbm>> -> memref<1x1x80xi32, #tpu.memory_space<hbm>>
      %dma_wait3A_782 = tpu.memref_squeeze %dma_wait3A_781 : memref<1x1x80xi32, #tpu.memory_space<hbm>> -> memref<80xi32, #tpu.memory_space<hbm>>
      tpu.wait_dma2 semaphore(%arg19 : memref<!tpu.dma_semaphore, #tpu.memory_space<semaphore_mem>>) src(%dma_wait3A_782 : memref<80xi32, #tpu.memory_space<hbm>>) dst(%dma_wait3A_779 : memref<80xi32, #tpu.memory_space<vmem>>)
      %dma_start3A_783 = arith.constant 1 : i32
      %dma_start3A_784 = arith.constant 1 : i32
      %dma_start3A_785 = arith.constant 0 : i32
      %dma_start3A_786 = arith.constant 0 : i32
      %dma_start3A_787 = tpu.memref_slice %arg8[%dma_start3A_784, %dma_start3A_785, %dma_start3A_786] : memref<4x80x128xf32, #tpu.memory_space<vmem>> -> memref<1x80x128xf32, #tpu.memory_space<vmem>>
      %dma_start3A_788 = tpu.memref_squeeze %dma_start3A_787 : memref<1x80x128xf32, #tpu.memory_space<vmem>> -> memref<80x128xf32, #tpu.memory_space<vmem>>
      %dma_start3A_789 = arith.constant 0 : i32
      %dma_start3A_790 = tpu.memref_slice %arg6[%dma_start3A_783, %dma_start3A_789] : memref<4x80xi32, #tpu.memory_space<vmem>> -> memref<1x80xi32, #tpu.memory_space<vmem>>
      %dma_start3A_791 = tpu.memref_squeeze %dma_start3A_790 : memref<1x80xi32, #tpu.memory_space<vmem>> -> memref<80xi32, #tpu.memory_space<vmem>>
      %dma_start3A_792 = arith.constant 0 : i32
      %dma_start3A_793 = arith.constant 0 : i32
      %dma_start3A_794 = tpu.memref_slice %arg2[%dma_start3A_792, %dma_start3A_793] : memref<10000x128xf32, #tpu.memory_space<hbm>> -> memref<10000x128xf32, #tpu.memory_space<hbm>>
      tpu.enqueue_indirect_dma source(%dma_start3A_794 : memref<10000x128xf32, #tpu.memory_space<hbm>>) target(%dma_start3A_788 : memref<80x128xf32, #tpu.memory_space<vmem>>) offsets(%dma_start3A_791 : memref<80xi32, #tpu.memory_space<vmem>>) semaphore(%arg11 : memref<!tpu.dma_semaphore, #tpu.memory_space<semaphore_mem>>)
      %dma_wait3A_795 = arith.constant 0 : i32
      %dma_wait3A_796 = arith.constant 0 : i32
      %dma_wait3A_797 = arith.constant 2 : i32
      %dma_wait3A_798 = arith.constant 0 : i32
      %dma_wait3A_799 = tpu.memref_slice %arg6[%dma_wait3A_797, %dma_wait3A_798] : memref<4x80xi32, #tpu.memory_space<vmem>> -> memref<1x80xi32, #tpu.memory_space<vmem>>
      %dma_wait3A_800 = tpu.memref_squeeze %dma_wait3A_799 : memref<1x80xi32, #tpu.memory_space<vmem>> -> memref<80xi32, #tpu.memory_space<vmem>>
      %dma_wait3A_801 = arith.constant 0 : i32
      %dma_wait3A_802 = tpu.memref_slice %arg3[%dma_wait3A_795, %dma_wait3A_796, %dma_wait3A_801] : memref<32x125x80xi32, #tpu.memory_space<hbm>> -> memref<1x1x80xi32, #tpu.memory_space<hbm>>
      %dma_wait3A_803 = tpu.memref_squeeze %dma_wait3A_802 : memref<1x1x80xi32, #tpu.memory_space<hbm>> -> memref<80xi32, #tpu.memory_space<hbm>>
      %dma_wait3A_804 = arith.constant 0 : i32
      %dma_wait3A_805 = tpu.memref_slice %arg6[%dma_wait3A_797, %dma_wait3A_804] : memref<4x80xi32, #tpu.memory_space<vmem>> -> memref<1x80xi32, #tpu.memory_space<vmem>>
      %dma_wait3A_806 = tpu.memref_squeeze %dma_wait3A_805 : memref<1x80xi32, #tpu.memory_space<vmem>> -> memref<80xi32, #tpu.memory_space<vmem>>
      %dma_wait3A_807 = arith.constant 0 : i32
      %dma_wait3A_808 = tpu.memref_slice %arg3[%dma_wait3A_795, %dma_wait3A_796, %dma_wait3A_807] : memref<32x125x80xi32, #tpu.memory_space<hbm>> -> memref<1x1x80xi32, #tpu.memory_space<hbm>>
      %dma_wait3A_809 = tpu.memref_squeeze %dma_wait3A_808 : memref<1x1x80xi32, #tpu.memory_space<hbm>> -> memref<80xi32, #tpu.memory_space<hbm>>
      tpu.wait_dma2 semaphore(%arg20 : memref<!tpu.dma_semaphore, #tpu.memory_space<semaphore_mem>>) src(%dma_wait3A_809 : memref<80xi32, #tpu.memory_space<hbm>>) dst(%dma_wait3A_806 : memref<80xi32, #tpu.memory_space<vmem>>)
      %dma_start3A_810 = arith.constant 2 : i32
      %dma_start3A_811 = arith.constant 2 : i32
      %dma_start3A_812 = arith.constant 0 : i32
      %dma_start3A_813 = arith.constant 0 : i32
      %dma_start3A_814 = tpu.memref_slice %arg8[%dma_start3A_811, %dma_start3A_812, %dma_start3A_813] : memref<4x80x128xf32, #tpu.memory_space<vmem>> -> memref<1x80x128xf32, #tpu.memory_space<vmem>>
      %dma_start3A_815 = tpu.memref_squeeze %dma_start3A_814 : memref<1x80x128xf32, #tpu.memory_space<vmem>> -> memref<80x128xf32, #tpu.memory_space<vmem>>
      %dma_start3A_816 = arith.constant 0 : i32
      %dma_start3A_817 = tpu.memref_slice %arg6[%dma_start3A_810, %dma_start3A_816] : memref<4x80xi32, #tpu.memory_space<vmem>> -> memref<1x80xi32, #tpu.memory_space<vmem>>
      %dma_start3A_818 = tpu.memref_squeeze %dma_start3A_817 : memref<1x80xi32, #tpu.memory_space<vmem>> -> memref<80xi32, #tpu.memory_space<vmem>>
      %dma_start3A_819 = arith.constant 0 : i32
      %dma_start3A_820 = arith.constant 0 : i32
      %dma_start3A_821 = tpu.memref_slice %arg2[%dma_start3A_819, %dma_start3A_820] : memref<10000x128xf32, #tpu.memory_space<hbm>> -> memref<10000x128xf32, #tpu.memory_space<hbm>>
      tpu.enqueue_indirect_dma source(%dma_start3A_821 : memref<10000x128xf32, #tpu.memory_space<hbm>>) target(%dma_start3A_815 : memref<80x128xf32, #tpu.memory_space<vmem>>) offsets(%dma_start3A_818 : memref<80xi32, #tpu.memory_space<vmem>>) semaphore(%arg12 : memref<!tpu.dma_semaphore, #tpu.memory_space<semaphore_mem>>)
      %dma_wait3A_822 = arith.constant 0 : i32
      %dma_wait3A_823 = arith.constant 0 : i32
      %dma_wait3A_824 = arith.constant 3 : i32
      %dma_wait3A_825 = arith.constant 0 : i32
      %dma_wait3A_826 = tpu.memref_slice %arg6[%dma_wait3A_824, %dma_wait3A_825] : memref<4x80xi32, #tpu.memory_space<vmem>> -> memref<1x80xi32, #tpu.memory_space<vmem>>
      %dma_wait3A_827 = tpu.memref_squeeze %dma_wait3A_826 : memref<1x80xi32, #tpu.memory_space<vmem>> -> memref<80xi32, #tpu.memory_space<vmem>>
      %dma_wait3A_828 = arith.constant 0 : i32
      %dma_wait3A_829 = tpu.memref_slice %arg3[%dma_wait3A_822, %dma_wait3A_823, %dma_wait3A_828] : memref<32x125x80xi32, #tpu.memory_space<hbm>> -> memref<1x1x80xi32, #tpu.memory_space<hbm>>
      %dma_wait3A_830 = tpu.memref_squeeze %dma_wait3A_829 : memref<1x1x80xi32, #tpu.memory_space<hbm>> -> memref<80xi32, #tpu.memory_space<hbm>>
      %dma_wait3A_831 = arith.constant 0 : i32
      %dma_wait3A_832 = tpu.memref_slice %arg6[%dma_wait3A_824, %dma_wait3A_831] : memref<4x80xi32, #tpu.memory_space<vmem>> -> memref<1x80xi32, #tpu.memory_space<vmem>>
      %dma_wait3A_833 = tpu.memref_squeeze %dma_wait3A_832 : memref<1x80xi32, #tpu.memory_space<vmem>> -> memref<80xi32, #tpu.memory_space<vmem>>
      %dma_wait3A_834 = arith.constant 0 : i32
      %dma_wait3A_835 = tpu.memref_slice %arg3[%dma_wait3A_822, %dma_wait3A_823, %dma_wait3A_834] : memref<32x125x80xi32, #tpu.memory_space<hbm>> -> memref<1x1x80xi32, #tpu.memory_space<hbm>>
      %dma_wait3A_836 = tpu.memref_squeeze %dma_wait3A_835 : memref<1x1x80xi32, #tpu.memory_space<hbm>> -> memref<80xi32, #tpu.memory_space<hbm>>
      tpu.wait_dma2 semaphore(%arg21 : memref<!tpu.dma_semaphore, #tpu.memory_space<semaphore_mem>>) src(%dma_wait3A_836 : memref<80xi32, #tpu.memory_space<hbm>>) dst(%dma_wait3A_833 : memref<80xi32, #tpu.memory_space<vmem>>)
      %dma_start3A_837 = arith.constant 3 : i32
      %dma_start3A_838 = arith.constant 3 : i32
      %dma_start3A_839 = arith.constant 0 : i32
      %dma_start3A_840 = arith.constant 0 : i32
      %dma_start3A_841 = tpu.memref_slice %arg8[%dma_start3A_838, %dma_start3A_839, %dma_start3A_840] : memref<4x80x128xf32, #tpu.memory_space<vmem>> -> memref<1x80x128xf32, #tpu.memory_space<vmem>>
      %dma_start3A_842 = tpu.memref_squeeze %dma_start3A_841 : memref<1x80x128xf32, #tpu.memory_space<vmem>> -> memref<80x128xf32, #tpu.memory_space<vmem>>
      %dma_start3A_843 = arith.constant 0 : i32
      %dma_start3A_844 = tpu.memref_slice %arg6[%dma_start3A_837, %dma_start3A_843] : memref<4x80xi32, #tpu.memory_space<vmem>> -> memref<1x80xi32, #tpu.memory_space<vmem>>
      %dma_start3A_845 = tpu.memref_squeeze %dma_start3A_844 : memref<1x80xi32, #tpu.memory_space<vmem>> -> memref<80xi32, #tpu.memory_space<vmem>>
      %dma_start3A_846 = arith.constant 0 : i32
      %dma_start3A_847 = arith.constant 0 : i32
      %dma_start3A_848 = tpu.memref_slice %arg2[%dma_start3A_846, %dma_start3A_847] : memref<10000x128xf32, #tpu.memory_space<hbm>> -> memref<10000x128xf32, #tpu.memory_space<hbm>>
      tpu.enqueue_indirect_dma source(%dma_start3A_848 : memref<10000x128xf32, #tpu.memory_space<hbm>>) target(%dma_start3A_842 : memref<80x128xf32, #tpu.memory_space<vmem>>) offsets(%dma_start3A_845 : memref<80xi32, #tpu.memory_space<vmem>>) semaphore(%arg13 : memref<!tpu.dma_semaphore, #tpu.memory_space<semaphore_mem>>)
    }
    %scan3A_269 = arith.constant 31 : i32
    %dma_wait3A_270 = arith.constant 0 : i32
    %dma_wait3A_271 = arith.constant 0 : i32
    %dma_wait3A_272 = arith.constant 0 : i32
    %dma_wait3A_273 = arith.constant 0 : i32
    %dma_wait3A_274 = tpu.memref_slice %arg8[%dma_wait3A_271, %dma_wait3A_272, %dma_wait3A_273] : memref<4x80x128xf32, #tpu.memory_space<vmem>> -> memref<1x80x128xf32, #tpu.memory_space<vmem>>
    %dma_wait3A_275 = tpu.memref_squeeze %dma_wait3A_274 : memref<1x80x128xf32, #tpu.memory_space<vmem>> -> memref<80x128xf32, #tpu.memory_space<vmem>>
    %dma_wait3A_276 = arith.constant 0 : i32
    %dma_wait3A_277 = tpu.memref_slice %arg6[%dma_wait3A_270, %dma_wait3A_276] : memref<4x80xi32, #tpu.memory_space<vmem>> -> memref<1x80xi32, #tpu.memory_space<vmem>>
    %dma_wait3A_278 = tpu.memref_squeeze %dma_wait3A_277 : memref<1x80xi32, #tpu.memory_space<vmem>> -> memref<80xi32, #tpu.memory_space<vmem>>
    %dma_wait3A_279 = arith.constant 0 : i32
    %dma_wait3A_280 = arith.constant 0 : i32
    %dma_wait3A_281 = tpu.memref_slice %arg2[%dma_wait3A_279, %dma_wait3A_280] : memref<10000x128xf32, #tpu.memory_space<hbm>> -> memref<10000x128xf32, #tpu.memory_space<hbm>>
    tpu.wait_indirect_dma semaphore(%arg10 : memref<!tpu.dma_semaphore, #tpu.memory_space<semaphore_mem>>) src(%dma_wait3A_281 : memref<10000x128xf32, #tpu.memory_space<hbm>>) dst(%dma_wait3A_275 : memref<80x128xf32, #tpu.memory_space<vmem>>)
    %dma_wait3A_282 = arith.constant 0 : i32
    %dma_wait3A_283 = arith.constant 0 : i32
    %dma_wait3A_284 = arith.constant 0 : i32
    %dma_wait3A_285 = arith.constant 0 : i32
    %dma_wait3A_286 = tpu.memref_slice %arg7[%dma_wait3A_284, %dma_wait3A_285] : memref<4x80xi32, #tpu.memory_space<vmem>> -> memref<1x80xi32, #tpu.memory_space<vmem>>
    %dma_wait3A_287 = tpu.memref_squeeze %dma_wait3A_286 : memref<1x80xi32, #tpu.memory_space<vmem>> -> memref<80xi32, #tpu.memory_space<vmem>>
    %dma_wait3A_288 = arith.constant 0 : i32
    %dma_wait3A_289 = tpu.memref_slice %arg4[%dma_wait3A_282, %dma_wait3A_283, %dma_wait3A_288] : memref<32x125x80xi32, #tpu.memory_space<hbm>> -> memref<1x1x80xi32, #tpu.memory_space<hbm>>
    %dma_wait3A_290 = tpu.memref_squeeze %dma_wait3A_289 : memref<1x1x80xi32, #tpu.memory_space<hbm>> -> memref<80xi32, #tpu.memory_space<hbm>>
    %dma_wait3A_291 = arith.constant 0 : i32
    %dma_wait3A_292 = tpu.memref_slice %arg7[%dma_wait3A_284, %dma_wait3A_291] : memref<4x80xi32, #tpu.memory_space<vmem>> -> memref<1x80xi32, #tpu.memory_space<vmem>>
    %dma_wait3A_293 = tpu.memref_squeeze %dma_wait3A_292 : memref<1x80xi32, #tpu.memory_space<vmem>> -> memref<80xi32, #tpu.memory_space<vmem>>
    %dma_wait3A_294 = arith.constant 0 : i32
    %dma_wait3A_295 = tpu.memref_slice %arg4[%dma_wait3A_282, %dma_wait3A_283, %dma_wait3A_294] : memref<32x125x80xi32, #tpu.memory_space<hbm>> -> memref<1x1x80xi32, #tpu.memory_space<hbm>>
    %dma_wait3A_296 = tpu.memref_squeeze %dma_wait3A_295 : memref<1x1x80xi32, #tpu.memory_space<hbm>> -> memref<80xi32, #tpu.memory_space<hbm>>
    tpu.wait_dma2 semaphore(%arg22 : memref<!tpu.dma_semaphore, #tpu.memory_space<semaphore_mem>>) src(%dma_wait3A_296 : memref<80xi32, #tpu.memory_space<hbm>>) dst(%dma_wait3A_293 : memref<80xi32, #tpu.memory_space<vmem>>)
    %dma_start3A_297 = arith.constant 0 : i32
    %dma_start3A_298 = arith.constant 0 : i32
    %dma_start3A_299 = arith.constant 0 : i32
    %dma_start3A_300 = arith.constant 0 : i32
    %dma_start3A_301 = tpu.memref_slice %arg8[%dma_start3A_297, %dma_start3A_299, %dma_start3A_300] : memref<4x80x128xf32, #tpu.memory_space<vmem>> -> memref<1x80x128xf32, #tpu.memory_space<vmem>>
    %dma_start3A_302 = tpu.memref_squeeze %dma_start3A_301 : memref<1x80x128xf32, #tpu.memory_space<vmem>> -> memref<80x128xf32, #tpu.memory_space<vmem>>
    %dma_start3A_303 = arith.constant 0 : i32
    %dma_start3A_304 = tpu.memref_slice %arg7[%dma_start3A_298, %dma_start3A_303] : memref<4x80xi32, #tpu.memory_space<vmem>> -> memref<1x80xi32, #tpu.memory_space<vmem>>
    %dma_start3A_305 = tpu.memref_squeeze %dma_start3A_304 : memref<1x80xi32, #tpu.memory_space<vmem>> -> memref<80xi32, #tpu.memory_space<vmem>>
    %dma_start3A_306 = arith.constant 0 : i32
    %dma_start3A_307 = arith.constant 0 : i32
    %dma_start3A_308 = tpu.memref_slice %arg9[%dma_start3A_306, %dma_start3A_307] : memref<10240x128xf32, #tpu.memory_space<vmem_shared>> -> memref<10240x128xf32, #tpu.memory_space<vmem_shared>>
    tpu.enqueue_indirect_dma source(%dma_start3A_302 : memref<80x128xf32, #tpu.memory_space<vmem>>) target(%dma_start3A_308 : memref<10240x128xf32, #tpu.memory_space<vmem_shared>>) offsets(%dma_start3A_305 : memref<80xi32, #tpu.memory_space<vmem>>) semaphore(%arg14 : memref<!tpu.dma_semaphore, #tpu.memory_space<semaphore_mem>>) {add = true}
    %dma_wait3A_309 = arith.constant 0 : i32
    %dma_wait3A_310 = arith.constant 0 : i32
    %dma_wait3A_311 = arith.constant 0 : i32
    %dma_wait3A_312 = arith.constant 0 : i32
    %dma_wait3A_313 = tpu.memref_slice %arg8[%dma_wait3A_309, %dma_wait3A_311, %dma_wait3A_312] : memref<4x80x128xf32, #tpu.memory_space<vmem>> -> memref<1x80x128xf32, #tpu.memory_space<vmem>>
    %dma_wait3A_314 = tpu.memref_squeeze %dma_wait3A_313 : memref<1x80x128xf32, #tpu.memory_space<vmem>> -> memref<80x128xf32, #tpu.memory_space<vmem>>
    %dma_wait3A_315 = arith.constant 0 : i32
    %dma_wait3A_316 = tpu.memref_slice %arg7[%dma_wait3A_310, %dma_wait3A_315] : memref<4x80xi32, #tpu.memory_space<vmem>> -> memref<1x80xi32, #tpu.memory_space<vmem>>
    %dma_wait3A_317 = tpu.memref_squeeze %dma_wait3A_316 : memref<1x80xi32, #tpu.memory_space<vmem>> -> memref<80xi32, #tpu.memory_space<vmem>>
    %dma_wait3A_318 = arith.constant 0 : i32
    %dma_wait3A_319 = arith.constant 0 : i32
    %dma_wait3A_320 = tpu.memref_slice %arg9[%dma_wait3A_318, %dma_wait3A_319] : memref<10240x128xf32, #tpu.memory_space<vmem_shared>> -> memref<10240x128xf32, #tpu.memory_space<vmem_shared>>
    tpu.wait_indirect_dma semaphore(%arg14 : memref<!tpu.dma_semaphore, #tpu.memory_space<semaphore_mem>>) src(%dma_wait3A_314 : memref<80x128xf32, #tpu.memory_space<vmem>>) dst(%dma_wait3A_320 : memref<10240x128xf32, #tpu.memory_space<vmem_shared>>)
    %dma_wait3A_321 = arith.constant 1 : i32
    %dma_wait3A_322 = arith.constant 1 : i32
    %dma_wait3A_323 = arith.constant 0 : i32
    %dma_wait3A_324 = arith.constant 0 : i32
    %dma_wait3A_325 = tpu.memref_slice %arg8[%dma_wait3A_322, %dma_wait3A_323, %dma_wait3A_324] : memref<4x80x128xf32, #tpu.memory_space<vmem>> -> memref<1x80x128xf32, #tpu.memory_space<vmem>>
    %dma_wait3A_326 = tpu.memref_squeeze %dma_wait3A_325 : memref<1x80x128xf32, #tpu.memory_space<vmem>> -> memref<80x128xf32, #tpu.memory_space<vmem>>
    %dma_wait3A_327 = arith.constant 0 : i32
    %dma_wait3A_328 = tpu.memref_slice %arg6[%dma_wait3A_321, %dma_wait3A_327] : memref<4x80xi32, #tpu.memory_space<vmem>> -> memref<1x80xi32, #tpu.memory_space<vmem>>
    %dma_wait3A_329 = tpu.memref_squeeze %dma_wait3A_328 : memref<1x80xi32, #tpu.memory_space<vmem>> -> memref<80xi32, #tpu.memory_space<vmem>>
    %dma_wait3A_330 = arith.constant 0 : i32
    %dma_wait3A_331 = arith.constant 0 : i32
    %dma_wait3A_332 = tpu.memref_slice %arg2[%dma_wait3A_330, %dma_wait3A_331] : memref<10000x128xf32, #tpu.memory_space<hbm>> -> memref<10000x128xf32, #tpu.memory_space<hbm>>
    tpu.wait_indirect_dma semaphore(%arg11 : memref<!tpu.dma_semaphore, #tpu.memory_space<semaphore_mem>>) src(%dma_wait3A_332 : memref<10000x128xf32, #tpu.memory_space<hbm>>) dst(%dma_wait3A_326 : memref<80x128xf32, #tpu.memory_space<vmem>>)
    %dma_wait3A_333 = arith.constant 0 : i32
    %dma_wait3A_334 = arith.constant 0 : i32
    %dma_wait3A_335 = arith.constant 1 : i32
    %dma_wait3A_336 = arith.constant 0 : i32
    %dma_wait3A_337 = tpu.memref_slice %arg7[%dma_wait3A_335, %dma_wait3A_336] : memref<4x80xi32, #tpu.memory_space<vmem>> -> memref<1x80xi32, #tpu.memory_space<vmem>>
    %dma_wait3A_338 = tpu.memref_squeeze %dma_wait3A_337 : memref<1x80xi32, #tpu.memory_space<vmem>> -> memref<80xi32, #tpu.memory_space<vmem>>
    %dma_wait3A_339 = arith.constant 0 : i32
    %dma_wait3A_340 = tpu.memref_slice %arg4[%dma_wait3A_333, %dma_wait3A_334, %dma_wait3A_339] : memref<32x125x80xi32, #tpu.memory_space<hbm>> -> memref<1x1x80xi32, #tpu.memory_space<hbm>>
    %dma_wait3A_341 = tpu.memref_squeeze %dma_wait3A_340 : memref<1x1x80xi32, #tpu.memory_space<hbm>> -> memref<80xi32, #tpu.memory_space<hbm>>
    %dma_wait3A_342 = arith.constant 0 : i32
    %dma_wait3A_343 = tpu.memref_slice %arg7[%dma_wait3A_335, %dma_wait3A_342] : memref<4x80xi32, #tpu.memory_space<vmem>> -> memref<1x80xi32, #tpu.memory_space<vmem>>
    %dma_wait3A_344 = tpu.memref_squeeze %dma_wait3A_343 : memref<1x80xi32, #tpu.memory_space<vmem>> -> memref<80xi32, #tpu.memory_space<vmem>>
    %dma_wait3A_345 = arith.constant 0 : i32
    %dma_wait3A_346 = tpu.memref_slice %arg4[%dma_wait3A_333, %dma_wait3A_334, %dma_wait3A_345] : memref<32x125x80xi32, #tpu.memory_space<hbm>> -> memref<1x1x80xi32, #tpu.memory_space<hbm>>
    %dma_wait3A_347 = tpu.memref_squeeze %dma_wait3A_346 : memref<1x1x80xi32, #tpu.memory_space<hbm>> -> memref<80xi32, #tpu.memory_space<hbm>>
    tpu.wait_dma2 semaphore(%arg23 : memref<!tpu.dma_semaphore, #tpu.memory_space<semaphore_mem>>) src(%dma_wait3A_347 : memref<80xi32, #tpu.memory_space<hbm>>) dst(%dma_wait3A_344 : memref<80xi32, #tpu.memory_space<vmem>>)
    %dma_wait3A_348 = arith.constant 2 : i32
    %dma_wait3A_349 = arith.constant 2 : i32
    %dma_wait3A_350 = arith.constant 0 : i32
    %dma_wait3A_351 = arith.constant 0 : i32
    %dma_wait3A_352 = tpu.memref_slice %arg8[%dma_wait3A_349, %dma_wait3A_350, %dma_wait3A_351] : memref<4x80x128xf32, #tpu.memory_space<vmem>> -> memref<1x80x128xf32, #tpu.memory_space<vmem>>
    %dma_wait3A_353 = tpu.memref_squeeze %dma_wait3A_352 : memref<1x80x128xf32, #tpu.memory_space<vmem>> -> memref<80x128xf32, #tpu.memory_space<vmem>>
    %dma_wait3A_354 = arith.constant 0 : i32
    %dma_wait3A_355 = tpu.memref_slice %arg6[%dma_wait3A_348, %dma_wait3A_354] : memref<4x80xi32, #tpu.memory_space<vmem>> -> memref<1x80xi32, #tpu.memory_space<vmem>>
    %dma_wait3A_356 = tpu.memref_squeeze %dma_wait3A_355 : memref<1x80xi32, #tpu.memory_space<vmem>> -> memref<80xi32, #tpu.memory_space<vmem>>
    %dma_wait3A_357 = arith.constant 0 : i32
    %dma_wait3A_358 = arith.constant 0 : i32
    %dma_wait3A_359 = tpu.memref_slice %arg2[%dma_wait3A_357, %dma_wait3A_358] : memref<10000x128xf32, #tpu.memory_space<hbm>> -> memref<10000x128xf32, #tpu.memory_space<hbm>>
    tpu.wait_indirect_dma semaphore(%arg12 : memref<!tpu.dma_semaphore, #tpu.memory_space<semaphore_mem>>) src(%dma_wait3A_359 : memref<10000x128xf32, #tpu.memory_space<hbm>>) dst(%dma_wait3A_353 : memref<80x128xf32, #tpu.memory_space<vmem>>)
    %dma_wait3A_360 = arith.constant 0 : i32
    %dma_wait3A_361 = arith.constant 0 : i32
    %dma_wait3A_362 = arith.constant 2 : i32
    %dma_wait3A_363 = arith.constant 0 : i32
    %dma_wait3A_364 = tpu.memref_slice %arg7[%dma_wait3A_362, %dma_wait3A_363] : memref<4x80xi32, #tpu.memory_space<vmem>> -> memref<1x80xi32, #tpu.memory_space<vmem>>
    %dma_wait3A_365 = tpu.memref_squeeze %dma_wait3A_364 : memref<1x80xi32, #tpu.memory_space<vmem>> -> memref<80xi32, #tpu.memory_space<vmem>>
    %dma_wait3A_366 = arith.constant 0 : i32
    %dma_wait3A_367 = tpu.memref_slice %arg4[%dma_wait3A_360, %dma_wait3A_361, %dma_wait3A_366] : memref<32x125x80xi32, #tpu.memory_space<hbm>> -> memref<1x1x80xi32, #tpu.memory_space<hbm>>
    %dma_wait3A_368 = tpu.memref_squeeze %dma_wait3A_367 : memref<1x1x80xi32, #tpu.memory_space<hbm>> -> memref<80xi32, #tpu.memory_space<hbm>>
    %dma_wait3A_369 = arith.constant 0 : i32
    %dma_wait3A_370 = tpu.memref_slice %arg7[%dma_wait3A_362, %dma_wait3A_369] : memref<4x80xi32, #tpu.memory_space<vmem>> -> memref<1x80xi32, #tpu.memory_space<vmem>>
    %dma_wait3A_371 = tpu.memref_squeeze %dma_wait3A_370 : memref<1x80xi32, #tpu.memory_space<vmem>> -> memref<80xi32, #tpu.memory_space<vmem>>
    %dma_wait3A_372 = arith.constant 0 : i32
    %dma_wait3A_373 = tpu.memref_slice %arg4[%dma_wait3A_360, %dma_wait3A_361, %dma_wait3A_372] : memref<32x125x80xi32, #tpu.memory_space<hbm>> -> memref<1x1x80xi32, #tpu.memory_space<hbm>>
    %dma_wait3A_374 = tpu.memref_squeeze %dma_wait3A_373 : memref<1x1x80xi32, #tpu.memory_space<hbm>> -> memref<80xi32, #tpu.memory_space<hbm>>
    tpu.wait_dma2 semaphore(%arg24 : memref<!tpu.dma_semaphore, #tpu.memory_space<semaphore_mem>>) src(%dma_wait3A_374 : memref<80xi32, #tpu.memory_space<hbm>>) dst(%dma_wait3A_371 : memref<80xi32, #tpu.memory_space<vmem>>)
    %dma_wait3A_375 = arith.constant 3 : i32
    %dma_wait3A_376 = arith.constant 3 : i32
    %dma_wait3A_377 = arith.constant 0 : i32
    %dma_wait3A_378 = arith.constant 0 : i32
    %dma_wait3A_379 = tpu.memref_slice %arg8[%dma_wait3A_376, %dma_wait3A_377, %dma_wait3A_378] : memref<4x80x128xf32, #tpu.memory_space<vmem>> -> memref<1x80x128xf32, #tpu.memory_space<vmem>>
    %dma_wait3A_380 = tpu.memref_squeeze %dma_wait3A_379 : memref<1x80x128xf32, #tpu.memory_space<vmem>> -> memref<80x128xf32, #tpu.memory_space<vmem>>
    %dma_wait3A_381 = arith.constant 0 : i32
    %dma_wait3A_382 = tpu.memref_slice %arg6[%dma_wait3A_375, %dma_wait3A_381] : memref<4x80xi32, #tpu.memory_space<vmem>> -> memref<1x80xi32, #tpu.memory_space<vmem>>
    %dma_wait3A_383 = tpu.memref_squeeze %dma_wait3A_382 : memref<1x80xi32, #tpu.memory_space<vmem>> -> memref<80xi32, #tpu.memory_space<vmem>>
    %dma_wait3A_384 = arith.constant 0 : i32
    %dma_wait3A_385 = arith.constant 0 : i32
    %dma_wait3A_386 = tpu.memref_slice %arg2[%dma_wait3A_384, %dma_wait3A_385] : memref<10000x128xf32, #tpu.memory_space<hbm>> -> memref<10000x128xf32, #tpu.memory_space<hbm>>
    tpu.wait_indirect_dma semaphore(%arg13 : memref<!tpu.dma_semaphore, #tpu.memory_space<semaphore_mem>>) src(%dma_wait3A_386 : memref<10000x128xf32, #tpu.memory_space<hbm>>) dst(%dma_wait3A_380 : memref<80x128xf32, #tpu.memory_space<vmem>>)
    %dma_wait3A_387 = arith.constant 0 : i32
    %dma_wait3A_388 = arith.constant 0 : i32
    %dma_wait3A_389 = arith.constant 3 : i32
    %dma_wait3A_390 = arith.constant 0 : i32
    %dma_wait3A_391 = tpu.memref_slice %arg7[%dma_wait3A_389, %dma_wait3A_390] : memref<4x80xi32, #tpu.memory_space<vmem>> -> memref<1x80xi32, #tpu.memory_space<vmem>>
    %dma_wait3A_392 = tpu.memref_squeeze %dma_wait3A_391 : memref<1x80xi32, #tpu.memory_space<vmem>> -> memref<80xi32, #tpu.memory_space<vmem>>
    %dma_wait3A_393 = arith.constant 0 : i32
    %dma_wait3A_394 = tpu.memref_slice %arg4[%dma_wait3A_387, %dma_wait3A_388, %dma_wait3A_393] : memref<32x125x80xi32, #tpu.memory_space<hbm>> -> memref<1x1x80xi32, #tpu.memory_space<hbm>>
    %dma_wait3A_395 = tpu.memref_squeeze %dma_wait3A_394 : memref<1x1x80xi32, #tpu.memory_space<hbm>> -> memref<80xi32, #tpu.memory_space<hbm>>
    %dma_wait3A_396 = arith.constant 0 : i32
    %dma_wait3A_397 = tpu.memref_slice %arg7[%dma_wait3A_389, %dma_wait3A_396] : memref<4x80xi32, #tpu.memory_space<vmem>> -> memref<1x80xi32, #tpu.memory_space<vmem>>
    %dma_wait3A_398 = tpu.memref_squeeze %dma_wait3A_397 : memref<1x80xi32, #tpu.memory_space<vmem>> -> memref<80xi32, #tpu.memory_space<vmem>>
    %dma_wait3A_399 = arith.constant 0 : i32
    %dma_wait3A_400 = tpu.memref_slice %arg4[%dma_wait3A_387, %dma_wait3A_388, %dma_wait3A_399] : memref<32x125x80xi32, #tpu.memory_space<hbm>> -> memref<1x1x80xi32, #tpu.memory_space<hbm>>
    %dma_wait3A_401 = tpu.memref_squeeze %dma_wait3A_400 : memref<1x1x80xi32, #tpu.memory_space<hbm>> -> memref<80xi32, #tpu.memory_space<hbm>>
    tpu.wait_dma2 semaphore(%arg25 : memref<!tpu.dma_semaphore, #tpu.memory_space<semaphore_mem>>) src(%dma_wait3A_401 : memref<80xi32, #tpu.memory_space<hbm>>) dst(%dma_wait3A_398 : memref<80xi32, #tpu.memory_space<vmem>>)
    %barrier3A_402 = arith.constant 0 : index
    tpu.barrier barrier_id(%barrier3A_402)
    %mul3A_403 = arith.constant 640 : i32
    %mul3A_404 = arith.muli %arg1, %mul3A_403 : i32
    %mul3A_405 = arith.constant 640 : i32
    %mul3A_406 = arith.muli %arg1, %mul3A_405 : i32
    "tpu.region"() ({
      %run_scoped3A_407 = tpu.sem_alloc : memref<!tpu.dma_semaphore, #tpu.memory_space<semaphore_mem>>
      %dma_start3A_408 = arith.constant 0 : i32
      %dma_start3A_409 = tpu.memref_slice %arg5[%arg0, %mul3A_406, %dma_start3A_408] : memref<2x10240x128xf32, #tpu.memory_space<hbm>> -> memref<1x640x128xf32, #tpu.memory_space<hbm>>
      %dma_start3A_410 = tpu.memref_squeeze %dma_start3A_409 : memref<1x640x128xf32, #tpu.memory_space<hbm>> -> memref<640x128xf32, #tpu.memory_space<hbm>>
      %dma_start3A_411 = arith.constant 0 : i32
      %dma_start3A_412 = tpu.memref_slice %arg9[%mul3A_404, %dma_start3A_411] : memref<10240x128xf32, #tpu.memory_space<vmem_shared>> -> memref<640x128xf32, #tpu.memory_space<vmem_shared>>
      tpu.enqueue_dma source(%dma_start3A_412 : memref<640x128xf32, #tpu.memory_space<vmem_shared>>) target(%dma_start3A_410 : memref<640x128xf32, #tpu.memory_space<hbm>>) target_semaphore(%run_scoped3A_407 : memref<!tpu.dma_semaphore, #tpu.memory_space<semaphore_mem>>)
      %dma_wait3A_413 = arith.constant 0 : i32
      %dma_wait3A_414 = tpu.memref_slice %arg5[%arg0, %mul3A_406, %dma_wait3A_413] : memref<2x10240x128xf32, #tpu.memory_space<hbm>> -> memref<1x640x128xf32, #tpu.memory_space<hbm>>
      %dma_wait3A_415 = tpu.memref_squeeze %dma_wait3A_414 : memref<1x640x128xf32, #tpu.memory_space<hbm>> -> memref<640x128xf32, #tpu.memory_space<hbm>>
      %dma_wait3A_416 = arith.constant 0 : i32
      %dma_wait3A_417 = tpu.memref_slice %arg9[%mul3A_404, %dma_wait3A_416] : memref<10240x128xf32, #tpu.memory_space<vmem_shared>> -> memref<640x128xf32, #tpu.memory_space<vmem_shared>>
      tpu.wait_dma2 semaphore(%run_scoped3A_407 : memref<!tpu.dma_semaphore, #tpu.memory_space<semaphore_mem>>) src(%dma_wait3A_417 : memref<640x128xf32, #tpu.memory_space<vmem_shared>>) dst(%dma_wait3A_415 : memref<640x128xf32, #tpu.memory_space<hbm>>)
      tpu.yield
    }) : () -> ()
    return
  }
}

module attributes {stable_mosaic.version = 14 : i64} {
  func.func @_lin_in_body(%arg0: i32, %arg1: memref<2000x128xf32, #tpu.memory_space<vmem>>, %arg2: memref<2000x2xf32, #tpu.memory_space<vmem>>, %arg3: memref<128x128xf32, #tpu.memory_space<vmem>>, %arg4: memref<2000x128xf32, #tpu.memory_space<vmem>>) attributes {dimension_semantics = [#tpu.dimension_semantics<arbitrary>], iteration_bounds = array<i64: 5>, scalar_prefetch = 0 : i64, scratch_operands = 0 : i64, tpu.core_type = #tpu.core_type<tc>, window_params = [{transform_indices = @transform_0, window_bounds = array<i64: 2000, 128>}, {transform_indices = @transform_1, window_bounds = array<i64: 2000, 2>}, {pipeline_mode = #tpu.pipeline_mode<synchronous>, transform_indices = @transform_2, window_bounds = array<i64: 128, 128>}, {transform_indices = @transform_3, window_bounds = array<i64: 2000, 128>}]} {
    %get3A = arith.constant 0 : index
    %get3A_0 = arith.constant 0 : index
    %get3A_1 = vector.load %arg2[%get3A, %get3A_0] : memref<2000x2xf32, #tpu.memory_space<vmem>>, vector<2000x1xf32>
    %get3A_2 = arith.constant 0 : index
    %get3A_3 = arith.constant 1 : index
    %get3A_4 = vector.load %arg2[%get3A_2, %get3A_3] : memref<2000x2xf32, #tpu.memory_space<vmem>>, vector<2000x1xf32>
    %add3A = arith.addf %get3A_1, %get3A_4 : vector<2000x1xf32>
    %add3A_5 = arith.constant 1.000000e+00 : f32
    %add3A_6 = vector.broadcast %add3A_5 : f32 to vector<2000x1xf32>
    %add3A_7 = arith.addf %add3A, %add3A_6 : vector<2000x1xf32>
    %rsqrt3A = math.rsqrt %add3A_7 : vector<2000x1xf32>
    %get3A_8 = arith.constant 0 : index
    %get3A_9 = arith.constant 0 : index
    %get3A_10 = vector.load %arg1[%get3A_8, %get3A_9] : memref<2000x128xf32, #tpu.memory_space<vmem>>, vector<2000x128xf32>
    %get3A_11 = arith.constant 0 : index
    %get3A_12 = arith.constant 0 : index
    %get3A_13 = vector.load %arg3[%get3A_11, %get3A_12] : memref<128x128xf32, #tpu.memory_space<vmem>>, vector<128x128xf32>
    %dot_general3A = arith.constant dense<0.000000e+00> : vector<2000x128xf32>
    %dot_general3A_14 = tpu.matmul %get3A_10, %get3A_13, %dot_general3A {dimension_numbers = #tpu.dot_dimension_numbers<[1], [0], [0], [1], [0, 0, 1, 1], [], []>, transpose_lhs_hint = false} : vector<2000x128xf32>, vector<128x128xf32>, vector<2000x128xf32> -> vector<2000x128xf32>
    %mul3A = vector.broadcast %rsqrt3A : vector<2000x1xf32> to vector<2000x128xf32>
    %mul3A_15 = arith.mulf %mul3A, %dot_general3A_14 : vector<2000x128xf32>
    %swap3A = arith.constant 0 : index
    %swap3A_16 = arith.constant 0 : index
    %swap3A_17 = vector.load %arg4[%swap3A, %swap3A_16] : memref<2000x128xf32, #tpu.memory_space<vmem>>, vector<2000x128xf32>
    tpu.vector_store %arg4[%swap3A, %swap3A_16], %mul3A_15 {strides = array<i32>} : memref<2000x128xf32, #tpu.memory_space<vmem>>, vector<2000x128xf32>,
    return
  }
  func.func @transform_0(%arg0: i32) -> (i32, i32) {
    %c0_i32 = arith.constant 0 : i32
    %c0_i32_0 = arith.constant 0 : i32
    return %arg0, %c0_i32 : i32, i32
  }
  func.func @transform_1(%arg0: i32) -> (i32, i32) {
    %c0_i32 = arith.constant 0 : i32
    %c0_i32_0 = arith.constant 0 : i32
    return %arg0, %c0_i32 : i32, i32
  }
  func.func @transform_2(%arg0: i32) -> (i32, i32) {
    %c0_i32 = arith.constant 0 : i32
    %c0_i32_0 = arith.constant 0 : i32
    %c0_i32_1 = arith.constant 0 : i32
    return %c0_i32, %c0_i32_0 : i32, i32
  }
  func.func @transform_3(%arg0: i32) -> (i32, i32) {
    %c0_i32 = arith.constant 0 : i32
    %c0_i32_0 = arith.constant 0 : i32
    return %arg0, %c0_i32 : i32, i32
  }
}

module attributes {stable_mosaic.version = 14 : i64} {
  func.func @_mid_body(%arg0: i32, %arg1: memref<2x2000x128xf32, #tpu.memory_space<vmem>>, %arg2: memref<2000x128xf32, #tpu.memory_space<vmem>>, %arg3: memref<2000x2xf32, #tpu.memory_space<vmem>>, %arg4: memref<1x128xf32, #tpu.memory_space<vmem>>, %arg5: memref<128x128xf32, #tpu.memory_space<vmem>>, %arg6: memref<2000x128xf32, #tpu.memory_space<vmem>>) attributes {dimension_semantics = [#tpu.dimension_semantics<arbitrary>], iteration_bounds = array<i64: 5>, scalar_prefetch = 0 : i64, scratch_operands = 0 : i64, tpu.core_type = #tpu.core_type<tc>, window_params = [{transform_indices = @transform_0, window_bounds = array<i64: 2, 2000, 128>}, {transform_indices = @transform_1, window_bounds = array<i64: 2000, 128>}, {transform_indices = @transform_2, window_bounds = array<i64: 2000, 2>}, {pipeline_mode = #tpu.pipeline_mode<synchronous>, transform_indices = @transform_3, window_bounds = array<i64: 1, 128>}, {pipeline_mode = #tpu.pipeline_mode<synchronous>, transform_indices = @transform_4, window_bounds = array<i64: 128, 128>}, {transform_indices = @transform_5, window_bounds = array<i64: 2000, 128>}]} {
    %get3A = arith.constant 0 : index
    %get3A_0 = arith.constant 0 : index
    %get3A_1 = vector.load %arg3[%get3A, %get3A_0] : memref<2000x2xf32, #tpu.memory_space<vmem>>, vector<2000x1xf32>
    %get3A_2 = arith.constant 0 : index
    %get3A_3 = arith.constant 1 : index
    %get3A_4 = vector.load %arg3[%get3A_2, %get3A_3] : memref<2000x2xf32, #tpu.memory_space<vmem>>, vector<2000x1xf32>
    %add3A = arith.addf %get3A_1, %get3A_4 : vector<2000x1xf32>
    %add3A_5 = arith.constant 1.000000e+00 : f32
    %add3A_6 = vector.broadcast %add3A_5 : f32 to vector<2000x1xf32>
    %add3A_7 = arith.addf %add3A, %add3A_6 : vector<2000x1xf32>
    %rsqrt3A = math.rsqrt %add3A_7 : vector<2000x1xf32>
    %get3A_8 = arith.constant 0 : index
    %get3A_9 = arith.constant 0 : index
    %get3A_10 = arith.constant 0 : index
    %get3A_11 = vector.load %arg1[%get3A_8, %get3A_9, %get3A_10] : memref<2x2000x128xf32, #tpu.memory_space<vmem>>, vector<1x2000x128xf32>
    %get3A_12 = vector.shape_cast %get3A_11 : vector<1x2000x128xf32> to vector<2000x128xf32>
    %get3A_13 = arith.constant 1 : index
    %get3A_14 = arith.constant 0 : index
    %get3A_15 = arith.constant 0 : index
    %get3A_16 = vector.load %arg1[%get3A_13, %get3A_14, %get3A_15] : memref<2x2000x128xf32, #tpu.memory_space<vmem>>, vector<1x2000x128xf32>
    %get3A_17 = vector.shape_cast %get3A_16 : vector<1x2000x128xf32> to vector<2000x128xf32>
    %add3A_18 = arith.addf %get3A_12, %get3A_17 : vector<2000x128xf32>
    %get3A_19 = arith.constant 0 : index
    %get3A_20 = arith.constant 0 : index
    %get3A_21 = vector.load %arg2[%get3A_19, %get3A_20] : memref<2000x128xf32, #tpu.memory_space<vmem>>, vector<2000x128xf32>
    %add3A_22 = arith.addf %add3A_18, %get3A_21 : vector<2000x128xf32>
    %mul3A = vector.broadcast %rsqrt3A : vector<2000x1xf32> to vector<2000x128xf32>
    %mul3A_23 = arith.mulf %mul3A, %add3A_22 : vector<2000x128xf32>
    %get3A_24 = arith.constant 0 : index
    %get3A_25 = arith.constant 0 : index
    %get3A_26 = vector.load %arg4[%get3A_24, %get3A_25] : memref<1x128xf32, #tpu.memory_space<vmem>>, vector<1x128xf32>
    %add3A_27 = vector.broadcast %get3A_26 : vector<1x128xf32> to vector<2000x128xf32>
    %add3A_28 = arith.addf %mul3A_23, %add3A_27 : vector<2000x128xf32>
    %max3A = arith.constant 0.000000e+00 : f32
    %max3A_29 = vector.broadcast %max3A : f32 to vector<2000x128xf32>
    %max3A_30 = arith.maximumf %add3A_28, %max3A_29 : vector<2000x128xf32>
    %get3A_31 = arith.constant 0 : index
    %get3A_32 = arith.constant 0 : index
    %get3A_33 = vector.load %arg5[%get3A_31, %get3A_32] : memref<128x128xf32, #tpu.memory_space<vmem>>, vector<128x128xf32>
    %dot_general3A = arith.constant dense<0.000000e+00> : vector<2000x128xf32>
    %dot_general3A_34 = tpu.matmul %max3A_30, %get3A_33, %dot_general3A {dimension_numbers = #tpu.dot_dimension_numbers<[1], [0], [0], [1], [0, 0, 1, 1], [], []>, transpose_lhs_hint = false} : vector<2000x128xf32>, vector<128x128xf32>, vector<2000x128xf32> -> vector<2000x128xf32>
    %mul3A_35 = vector.broadcast %rsqrt3A : vector<2000x1xf32> to vector<2000x128xf32>
    %mul3A_36 = arith.mulf %mul3A_35, %dot_general3A_34 : vector<2000x128xf32>
    %swap3A = arith.constant 0 : index
    %swap3A_37 = arith.constant 0 : index
    %swap3A_38 = vector.load %arg6[%swap3A, %swap3A_37] : memref<2000x128xf32, #tpu.memory_space<vmem>>, vector<2000x128xf32>
    tpu.vector_store %arg6[%swap3A, %swap3A_37], %mul3A_36 {strides = array<i32>} : memref<2000x128xf32, #tpu.memory_space<vmem>>, vector<2000x128xf32>,
    return
  }
  func.func @transform_0(%arg0: i32) -> (i32, i32, i32) {
    %c0_i32 = arith.constant 0 : i32
    %c0_i32_0 = arith.constant 0 : i32
    %c0_i32_1 = arith.constant 0 : i32
    return %c0_i32, %arg0, %c0_i32_0 : i32, i32, i32
  }
  func.func @transform_1(%arg0: i32) -> (i32, i32) {
    %c0_i32 = arith.constant 0 : i32
    %c0_i32_0 = arith.constant 0 : i32
    return %arg0, %c0_i32 : i32, i32
  }
  func.func @transform_2(%arg0: i32) -> (i32, i32) {
    %c0_i32 = arith.constant 0 : i32
    %c0_i32_0 = arith.constant 0 : i32
    return %arg0, %c0_i32 : i32, i32
  }
  func.func @transform_3(%arg0: i32) -> (i32, i32) {
    %c0_i32 = arith.constant 0 : i32
    %c0_i32_0 = arith.constant 0 : i32
    %c0_i32_1 = arith.constant 0 : i32
    return %c0_i32, %c0_i32_0 : i32, i32
  }
  func.func @transform_4(%arg0: i32) -> (i32, i32) {
    %c0_i32 = arith.constant 0 : i32
    %c0_i32_0 = arith.constant 0 : i32
    %c0_i32_1 = arith.constant 0 : i32
    return %c0_i32, %c0_i32_0 : i32, i32
  }
  func.func @transform_5(%arg0: i32) -> (i32, i32) {
    %c0_i32 = arith.constant 0 : i32
    %c0_i32_0 = arith.constant 0 : i32
    return %arg0, %c0_i32 : i32, i32
  }
}

module attributes {stable_mosaic.version = 14 : i64} {
  func.func @_fin_body(%arg0: i32, %arg1: memref<2x2000x128xf32, #tpu.memory_space<vmem>>, %arg2: memref<2000x128xf32, #tpu.memory_space<vmem>>, %arg3: memref<2000x2xf32, #tpu.memory_space<vmem>>, %arg4: memref<1x128xf32, #tpu.memory_space<vmem>>, %arg5: memref<2000x128xf32, #tpu.memory_space<vmem>>) attributes {dimension_semantics = [#tpu.dimension_semantics<arbitrary>], iteration_bounds = array<i64: 5>, scalar_prefetch = 0 : i64, scratch_operands = 0 : i64, tpu.core_type = #tpu.core_type<tc>, window_params = [{transform_indices = @transform_0, window_bounds = array<i64: 2, 2000, 128>}, {transform_indices = @transform_1, window_bounds = array<i64: 2000, 128>}, {transform_indices = @transform_2, window_bounds = array<i64: 2000, 2>}, {pipeline_mode = #tpu.pipeline_mode<synchronous>, transform_indices = @transform_3, window_bounds = array<i64: 1, 128>}, {transform_indices = @transform_4, window_bounds = array<i64: 2000, 128>}]} {
    %get3A = arith.constant 0 : index
    %get3A_0 = arith.constant 0 : index
    %get3A_1 = vector.load %arg3[%get3A, %get3A_0] : memref<2000x2xf32, #tpu.memory_space<vmem>>, vector<2000x1xf32>
    %get3A_2 = arith.constant 0 : index
    %get3A_3 = arith.constant 1 : index
    %get3A_4 = vector.load %arg3[%get3A_2, %get3A_3] : memref<2000x2xf32, #tpu.memory_space<vmem>>, vector<2000x1xf32>
    %add3A = arith.addf %get3A_1, %get3A_4 : vector<2000x1xf32>
    %add3A_5 = arith.constant 1.000000e+00 : f32
    %add3A_6 = vector.broadcast %add3A_5 : f32 to vector<2000x1xf32>
    %add3A_7 = arith.addf %add3A, %add3A_6 : vector<2000x1xf32>
    %rsqrt3A = math.rsqrt %add3A_7 : vector<2000x1xf32>
    %get3A_8 = arith.constant 0 : index
    %get3A_9 = arith.constant 0 : index
    %get3A_10 = arith.constant 0 : index
    %get3A_11 = vector.load %arg1[%get3A_8, %get3A_9, %get3A_10] : memref<2x2000x128xf32, #tpu.memory_space<vmem>>, vector<1x2000x128xf32>
    %get3A_12 = vector.shape_cast %get3A_11 : vector<1x2000x128xf32> to vector<2000x128xf32>
    %get3A_13 = arith.constant 1 : index
    %get3A_14 = arith.constant 0 : index
    %get3A_15 = arith.constant 0 : index
    %get3A_16 = vector.load %arg1[%get3A_13, %get3A_14, %get3A_15] : memref<2x2000x128xf32, #tpu.memory_space<vmem>>, vector<1x2000x128xf32>
    %get3A_17 = vector.shape_cast %get3A_16 : vector<1x2000x128xf32> to vector<2000x128xf32>
    %add3A_18 = arith.addf %get3A_12, %get3A_17 : vector<2000x128xf32>
    %get3A_19 = arith.constant 0 : index
    %get3A_20 = arith.constant 0 : index
    %get3A_21 = vector.load %arg2[%get3A_19, %get3A_20] : memref<2000x128xf32, #tpu.memory_space<vmem>>, vector<2000x128xf32>
    %add3A_22 = arith.addf %add3A_18, %get3A_21 : vector<2000x128xf32>
    %mul3A = vector.broadcast %rsqrt3A : vector<2000x1xf32> to vector<2000x128xf32>
    %mul3A_23 = arith.mulf %mul3A, %add3A_22 : vector<2000x128xf32>
    %get3A_24 = arith.constant 0 : index
    %get3A_25 = arith.constant 0 : index
    %get3A_26 = vector.load %arg4[%get3A_24, %get3A_25] : memref<1x128xf32, #tpu.memory_space<vmem>>, vector<1x128xf32>
    %add3A_27 = vector.broadcast %get3A_26 : vector<1x128xf32> to vector<2000x128xf32>
    %add3A_28 = arith.addf %mul3A_23, %add3A_27 : vector<2000x128xf32>
    %swap3A = arith.constant 0 : index
    %swap3A_29 = arith.constant 0 : index
    %swap3A_30 = vector.load %arg5[%swap3A, %swap3A_29] : memref<2000x128xf32, #tpu.memory_space<vmem>>, vector<2000x128xf32>
    tpu.vector_store %arg5[%swap3A, %swap3A_29], %add3A_28 {strides = array<i32>} : memref<2000x128xf32, #tpu.memory_space<vmem>>, vector<2000x128xf32>,
    return
  }
  func.func @transform_0(%arg0: i32) -> (i32, i32, i32) {
    %c0_i32 = arith.constant 0 : i32
    %c0_i32_0 = arith.constant 0 : i32
    %c0_i32_1 = arith.constant 0 : i32
    return %c0_i32, %arg0, %c0_i32_0 : i32, i32, i32
  }
  func.func @transform_1(%arg0: i32) -> (i32, i32) {
    %c0_i32 = arith.constant 0 : i32
    %c0_i32_0 = arith.constant 0 : i32
    return %arg0, %c0_i32 : i32, i32
  }
  func.func @transform_2(%arg0: i32) -> (i32, i32) {
    %c0_i32 = arith.constant 0 : i32
    %c0_i32_0 = arith.constant 0 : i32
    return %arg0, %c0_i32 : i32, i32
  }
  func.func @transform_3(%arg0: i32) -> (i32, i32) {
    %c0_i32 = arith.constant 0 : i32
    %c0_i32_0 = arith.constant 0 : i32
    %c0_i32_1 = arith.constant 0 : i32
    return %c0_i32, %c0_i32_0 : i32, i32
  }
  func.func @transform_4(%arg0: i32) -> (i32, i32) {
    %c0_i32 = arith.constant 0 : i32
    %c0_i32_0 = arith.constant 0 : i32
    return %arg0, %c0_i32 : i32, i32
  }
}

</mosaic_0001>

<sc_bundles>
// kernel: kernel.11.cloned.1.call-start
scs
__scs_entry_jumppad:
0x0: {  	(pc) =	sbr.rel $0x88, $3  }
0x1: {  	(tag) =	ssettag $0x0;
	lr =	simm.s32 $0x1  }
0x2: {  	[smem:$0x3F9B] =	sst lr;
	_ =	strace $0xD0000000  }
0x3: {  	_ = 	snop  }
0x4: {  	_ = 	snop  }
0x5: {  	_ = 	snop  }
0x6: {  	_ = 	snop  }
0x7: {  	_ = 	snop  }
__scs_overlays_trampoline_lowered:
0x8: {  	[smem:$0x3FAA] =	sst s0  }
0x9: {  	[smem:$0x3FAB] =	sst s1  }
0xa: {  	[smem:$0x3FAC] =	sst s2  }
0xb: {  	[smem:$0x3FAD] =	sst s3  }
0xc: {  	[smem:$0x3FAE] =	sst s4  }
0xd: {  	[smem:$0x3FAF] =	sst s5  }
0xe: {  	[smem:$0x3FB0] =	sst s6  }
0xf: {  	[smem:$0x3FB1] =	sst s7  }
0x10: {  	[smem:$0x3FB2] =	sst s8  }
0x11: {  	[smem:$0x3FB3] =	sst s9;
	s0 =	simm.s32 @!p0 $0x0  }
0x12: {  	s1 =	sld [smem:$0x3F99];
	s0 =	simm.s32 @p0 $0x1  }
0x13: {  	[smem:$0x3FB4] =	sst s0;
	s0 =	simm.s32 @!p1 $0x0  }
0x14: {  	s2 =	sld [smem:$0x3F98];
	s0 =	simm.s32 @p1 $0x1  }
0x15: {  	[smem:$0x3FB5] =	sst s0;
	s0 =	simm.s32 @!p2 $0x0  }
0x16: {  	s3 =	sld [smem:$0x3FDB];
	s0 =	simm.s32 @p2 $0x1  }
0x17: {  	s4 =	simm.s32 $0x1BF5;
	[smem:$0x3FB7] =	sst s0  }
0x18: {  	s0 =	sld [smem:$0x3F9A];
	_ =	swait.ge [sflag:s4], $0x0  }
0x19: {  	s7 =	sld [smem:$0x3F9B]  }
0x1a: {  	s8 =	sadd.s32 $0xFFFFE003, lr  }
0x1b: {  	s9 =	sadd.s32 $0xFFFFFEF7, lr;
	s5 =	simm.s32 $0xFFFFFFFF;
	p2 =	slt.u32 s8, $0xFFFFF086  }
0x1c: {  	p1 =	slt.u32 s9, $0xF7A;
	s5 =	simm.s32 @!p2 $0x0  }
0x1d: {  	s5 =	simm.s32 @p1 $0x1;
	p0 =	seq.s32 s7, s2  }
0x1e: {  	s7 =	smul.u32 @!p0 $0xF7A, s2;
	p2 =	seq.s32 @!p0 s5, $0x0  }
0x1f: {  	s9 =	smul.u32 $0xF7A, s1;
	s8 =	simm.s32 @!p0 $0x1BF5;
	p2 =	por !p2, p0  }
0x20: {  	[sflag:s8] =	ssyncset.s32 @!p0 $0xFFFFF086;
	s6 =	sadd.s32 @!p0 s3, s7;
	s7 =	simm.s32 @!p0 $0x108  }
0x21: {  	s3 =	sadd.s32 s3, s9;
	s6 =	sadd.s32 @!p0 $0x88, s6;
	s7 =	simm.s32 @p2 $0x1082  }
0x22: {  	[simem:s7], [sflag:s8] =	dma.local @!p0 [hbm:s6], $0xF7A  }
0x23: {  	s9 =	sor.u32 $0xD0000000, s2;
	s6 =	simm.s32 $0x108;
	_ =	swait.ge @!p0 [sflag:s8], $0x0  }
0x24: {  	s3 =	sadd.s32 $0x88, s3;
	s6 =	simm.s32 @!p1 $0x1082;
	[sflag:s4] =	ssyncset.s32 $0xFFFFF086  }
0x25: {  	[simem:s6], [sflag:s4] =	dma.local [hbm:s3], $0xF7A  }
0x26: {  	[smem:$0x3F9B] =	sst s1;
	(tag) =	ssettag s2;
	_ =	strace s9  }
0x27: {  	s1 =	sld [smem:$0x3FAB]  }
0x28: {  	s2 =	sld [smem:$0x3FAC]  }
0x29: {  	s4 =	sld [smem:$0x3FAE]  }
0x2a: {  	p0 =	seq.s32 s5, $0x0;
	s5 =	sld [smem:$0x3FAF]  }
0x2b: {  	s6 =	sld [smem:$0x3FB0]  }
0x2c: {  	s7 =	sld [smem:$0x3FB1]  }
0x2d: {  	s3 =	simm.s32 $0x108;
	s8 =	sld [smem:$0x3FB2]  }
0x2e: {  	s3 =	simm.s32 @!p0 $0x1082;
	s9 =	sld [smem:$0x3FB3]  }
0x2f: {  	lr =	sadd.s32 s0, s3;
	s0 =	sld [smem:$0x3FAA]  }
0x30: {  	s3 =	sld [smem:$0x3FAD]  }
0x31: {  	[smem:$0x3FB6] =	sst s10  }
0x32: {  	s10 =	sld [smem:$0x3FB4];
	_ =	sdelay $0x3  }
0x33: {  	p0 =	seq.s32 s10, $0x1;
	s10 =	sld [smem:$0x3FB6];
	_ =	sdelay $0x3  }
0x34: {  	[smem:$0x3FB6] =	sst s10  }
0x35: {  	s10 =	sld [smem:$0x3FB5];
	_ =	sdelay $0x3  }
0x36: {  	p1 =	seq.s32 s10, $0x1;
	s10 =	sld [smem:$0x3FB6];
	_ =	sdelay $0x3  }
0x37: {  	[smem:$0x3FB6] =	sst s10  }
0x38: {  	s10 =	sld [smem:$0x3FB7]  }
0x39: {  	_ = 	snop;
	(pc) =	sbr.ind lr, $3  }
0x3a: {  	_ = 	snop  }
0x3b: {  	_ = 	snop  }
0x3c: {  	p2 =	seq.s32 s10, $0x1;
	s10 =	sld [smem:$0x3FB6]  }
0x3d: {  	_ =	shalt  }
0x3e: {  	_ =	shalt  }
0x3f: {  	_ =	shalt  }
0x40: {  	_ =	shalt  }
0x41: {  	_ =	shalt  }
0x42: {  	_ =	shalt  }
0x43: {  	_ =	shalt  }
0x44: {  	_ =	shalt  }
0x45: {  	_ =	shalt  }
0x46: {  	_ =	shalt  }
0x47: {  	_ =	shalt  }
0x48: {  	_ =	shalt  }
0x49: {  	_ =	shalt  }
0x4a: {  	_ =	shalt  }
0x4b: {  	_ =	shalt  }
0x4c: {  	_ =	shalt  }
0x4d: {  	_ =	shalt  }
0x4e: {  	_ =	shalt  }
0x4f: {  	_ =	shalt  }
0x50: {  	_ =	shalt  }
0x51: {  	_ =	shalt  }
0x52: {  	_ =	shalt  }
0x53: {  	_ =	shalt  }
0x54: {  	_ =	shalt  }
0x55: {  	_ =	shalt  }
0x56: {  	_ =	shalt  }
0x57: {  	_ =	shalt  }
0x58: {  	_ =	shalt  }
0x59: {  	_ =	shalt  }
0x5a: {  	_ =	shalt  }
0x5b: {  	_ =	shalt  }
0x5c: {  	_ =	shalt  }
0x5d: {  	_ =	shalt  }
0x5e: {  	_ =	shalt  }
0x5f: {  	_ =	shalt  }
0x60: {  	_ =	shalt  }
0x61: {  	_ =	shalt  }
0x62: {  	_ =	shalt  }
0x63: {  	_ =	shalt  }
0x64: {  	_ =	shalt  }
0x65: {  	_ =	shalt  }
0x66: {  	_ =	shalt  }
0x67: {  	_ =	shalt  }
0x68: {  	_ =	shalt  }
0x69: {  	_ =	shalt  }
0x6a: {  	_ =	shalt  }
0x6b: {  	_ =	shalt  }
0x6c: {  	_ =	shalt  }
0x6d: {  	_ =	shalt  }
0x6e: {  	_ =	shalt  }
0x6f: {  	_ =	shalt  }
0x70: {  	_ =	shalt  }
0x71: {  	_ =	shalt  }
0x72: {  	_ =	shalt  }
0x73: {  	_ =	shalt  }
0x74: {  	_ =	shalt  }
0x75: {  	_ =	shalt  }
0x76: {  	_ =	shalt  }
0x77: {  	_ =	shalt  }
0x78: {  	_ =	shalt  }
0x79: {  	_ =	shalt  }
0x7a: {  	_ =	shalt  }
0x7b: {  	_ =	shalt  }
0x7c: {  	_ =	shalt  }
0x7d: {  	_ =	shalt  }
0x7e: {  	_ =	shalt  }
0x7f: {  	_ =	shalt  }
0x80: {  	_ =	shalt  }
0x81: {  	_ =	shalt  }
0x82: {  	_ =	shalt  }
0x83: {  	_ =	shalt  }
0x84: {  	_ =	shalt  }
0x85: {  	_ =	shalt  }
0x86: {  	_ =	shalt  }
0x87: {  	_ =	shalt  }
.Lfunc_end0:
.L_simem_size_0:
called_computation.1_lowered:
.L_overlay_start_0:
0x88: {  	s2 =	sld [smem:$0x3FD9]  }
0x89: {  	s3 =	sld [smem:$0x3FFE];
	_ =	sdelay $0x1  }
0x8a: {  	s1 =	srdreg.scid  }
0x8b: {  	s0 =	sand.u32 $0x1, s1  }
0x8c: {  	s17 =	sshll.u32 s0, $0xA;
	s2 =	sadd.s32 s3, s2  }
0x8d: {  	s2 =	sadd.s32 s2, s17  }
0x8e: {  	[smem:$0x3FC2] =	sst s2  }
0x8f: {  	_ = 	snop  }
0x90: {  	s2 =	sld [smem:$0x3FD0];
	(tm) =	ssettm $0x1  }
0x91: {  	s18 =	sld [smem:$0x3FFB];
	_ =	sdelay $0x3  }
0x92: {  	_ =	strace s18  }
0x93: {  	s3 =	sld [smem:$0x3FFC];
	_ =	sdelay $0x3  }
0x94: {  	_ =	strace s3  }
0x95: {  	s3 =	sld [smem:$0x3FFD];
	_ =	sdelay $0x3  }
0x96: {  	_ =	strace s3  }
0x97: {  	_ =	strace $0x8FFFFFFF  }
0x98: {  	s19 =	sld [smem:$0x3FDB];
	_ =	sdelay $0x1  }
0x99: {  	s4 =	simm.s32 $_scs_section_size  }
0x9a: {  	s5 =	simm.s32 $_size__tile_overlayer_lowered;
	s6 =	simm.s32 $_tile_overlayer_lowered  }
0x9b: {  	s22 =	simm.s32 $0x1BFF;
	s21 =	sshll.u32 s6, $0x1;
	s3 =	sadd.s32 s4, s19  }
0x9c: {  	s7 =	simm.s32 $0x0;
	s20 =	sshll.u32 s5, $0x1;
	s5 =	sadd.s32 s21, s3  }
0x9d: {  	[timem:s7], [sflag:s22] =	dma.local [hbm:s5], s20  }
0x9e: {  	_ =	swait.ge [sflag:s22], s20  }
0x9f: {  	s4 =	ssub.s32 $0x0, s20;
	[sflag:s22] =	ssyncset.done $0x0  }
0xa0: {  	[sflag:s22] =	ssyncadd.s32 s4;
	_ =	sdelay $0x1  }
0xa1: {  	s23 =	simm.s32 $0x1B8B  }
0xa2: {  	_ =	swait.ge [sflag:s23], $0x1  }
0xa3: {  	[sflag:s23] =	ssyncset.done $0x0  }
0xa4: {  	s25 =	simm.s32 $0x1B8E;
	s24 =	sld [smem:$0x3FFE];
	[sflag:s23] =	ssyncadd.s32 $0xFFFFFFFF  }
0xa5: {  	s26 =	simm.s32 $execute0_lowered;
	[smem:$0x3FD2] =	sst s25  }
0xa6: {  	s5 =	sshll.u32 s26, $0x1;
	_ =	strace $0x80000049;
	[dreg:$0x1] =	wrdreg $0xFFFFFFFF  }
0xa7: {  	s28 =	simm.s32 $_size_execute0_lowered;
	s3 =	sadd.s32 s3, s5;
	[dreg:$0x0] =	wrdreg $0x0  }
0xa8: {  	s5 =	sshll.u32 s28, $0x1;
	[dreg:$0x2] =	wrdreg s3  }
0xa9: {  	[dreg:$0x3] =	wrdreg s5  }
0xaa: {  	[dreg:$0x4] =	wrdreg $0xC0  }
0xab: {  	_ =	task [dreg:s7], $0x5FFFF  }
0xac: {  	[dreg:$0x1] =	wrdreg $0xFFFFFFFF  }
0xad: {  	[dreg:$0x0] =	wrdreg $0x60  }
0xae: {  	[dreg:$0x2] =	wrdreg s2  }
0xaf: {  	[dreg:$0x3] =	wrdreg s24  }
0xb0: {  	[dreg:$0x4] =	wrdreg $0xA4000  }
0xb1: {  	[dreg:$0x5] =	wrdreg $0x9  }
0xb2: {  	_ =	task.clear_ibuf [dreg:s7], $0x6FFFF;
	_ =	strace $0x90000049  }
0xb3: {  	s29 =	simm.s32 $0x9;
	_ =	strace $0x8000004B  }
0xb4: {  	_ =	swait.ge [sflag:s29], $0x1  }
0xb5: {  	[sflag:s29] =	ssyncadd.s32 $0xFFFFFFFF  }
0xb6: {  	_ =	strace $0x9000004B  }
0xb7: {  	_ =	sfence  }
0xb8: {  	s30 =	sld [smem:$0x0];
	_ =	sdelay $0x2  }
0xb9: {  	s31 =	sshll.u32 s1, $0xD;
	s1 =	sshrl.u32 s1, $0x2  }
0xba: {  	s3 =	sand.u32 $0x4000, s31;
	s1 =	sadd.s32 s1, s30  }
0xbb: {  	s0 =	sor.u32 s3, s0;
	s1 =	sshll.u32 s1, $0x11  }
0xbc: {  	s0 =	sor.u32 s1, s0  }
0xbd: {  	s0 =	sadd.s32 $0x8F2B, s0  }
0xbe: {  	[sflag:s0] =	ssyncadd.remote.s32 $0x1  }
0xbf: {  	_ =	sfence.sel $0xFFFF  }
0xc0: {  	[dreg:$0x0] =	wrdreg $0xFFFFFFFF;
	(pc) =	sbr.abs _section_cstart, $3  }
0xc1: {  	[dreg:$0x1] =	wrdreg $0xFFFFFFFF  }
0xc2: {  	_ =	task.clear_ibuf [dreg:s7], $0x2FFFF;
	_ =	strace $0x9FFFFFFF  }
0xc3: {  	(tm) =	ssettm $0x7FFFFFFF  }
tec
execute0_lowered:
.L_overlay_start_1:
0x0: {  	(tag) =	ssettag $0x1  }
0x1: {  	s0 =	rddreg [dreg:$0x1]  }
0x2: {  	s1 =	rddreg [dreg:$0x2]  }
0x3: {  	s3 =	srdreg.scid;
	s4 =	simm.s32 $0x0;
	s10 =	stileid.u32  }
0x4: {  	s28 =	simm.s32 $0xD;
	s29 =	simm.s32 $0x2;
	s30 =	simm.s32 $0xE  }
0x5: {  	s31 =	simm.s32 $0x10;
	s3 =	sand.u32 $0x1, s3;
	s7 =	smul.u32 $0x14000, s10  }
0x6: {  	[smem:$0x7FF] =	sst s4;
	s5 =	sadd.s32 $0x11E00, s0;
	s8 =	smul.u32 $0x50000, s10  }
0x7: {  	s24 =	sshll.u32 s10, $0xF;
	s6 =	smul.u32 $0x140000, s3;
	_ =	strace $0x8000004A  }
0x8: {  	s9 =	ssub.s32 $0x2, s3;
	s3 =	sshll.u32 s3, $0xE;
	s8 =	sshrl.u32 s8, $0x2  }
0x9: {  	[dreg:$0x4] =	wrdreg s5;
	s23 =	sshrl.u32 s9, $0x1;
	s11 =	sadd.s32 s8, s1  }
0xa: {  	s7 =	sadd.s32 s7, s6;
	s25 =	sadd.s32 $0x2800, s11;
	[dreg:$0x5] =	wrdreg s11  }
0xb: {  	s6 =	sadd.s32 $0x1E00, s0;
	s26 =	sadd.s32 $0x5000, s11;
	[dreg:$0x6] =	wrdreg s25  }
0xc: {  	s7 =	sshrl.u32 s7, $0x3;
	s1 =	sadd.s32 $0x7800, s11;
	[dreg:$0x7] =	wrdreg s26  }
0xd: {  	s10 =	sadd.s32 $0xA000, s11;
	s12 =	sadd.s32 $0xC800, s11;
	[dreg:$0x8] =	wrdreg s1  }
0xe: {  	s0 =	sadd.s32 s7, s0;
	s7 =	ssub.s32 s9, s23;
	[dreg:$0x9] =	wrdreg s10  }
0xf: {  	s9 =	sor.u32 s3, s24;
	[dreg:$0xa] =	wrdreg s12;
	s25 =	sadd.s32 $0xF000, s11  }
0x10: {  	s26 =	sadd.s32 $0x11800, s11;
	s10 =	simm.s32 $0x280;
	s1 =	simm.s32 $0xF  }
0x11: {  	s2 =	sshrl.u32 s9, $0x3;
	s19 =	sor.u32 $0x200, s9;
	[dreg:$0x17] =	wrdreg s25  }
0x12: {  	s0 =	sadd.s32 $0x21E00, s0;
	s22 =	smax.u32 s7, $0x1;
	[dreg:$0x18] =	wrdreg s26  }
0x13: {  	s7 =	simm.s32 $0x11;
	s26 =	simm.s32 $0xC;
	s25 =	simm.s32 $0x7C00  }
0x14: {  	s13 =	sadd.s32 s6, s2;
	s14 =	sadd.s32 s5, s2;
	[dreg:$0x13] =	wrdreg s0  }
0x15: {  	s15 =	sor.u32 $0x10, s2;
	s16 =	sor.u32 $0x20, s2;
	[dreg:$0x14] =	wrdreg s22  }
0x16: {  	s3 =	sor.u32 $0x30, s2;
	s21 =	sshrl.u32 s19, $0x3;
	[dreg:$0xb] =	wrdreg s13  }
0x17: {  	s19 =	simm.s32 $0x200;
	[dreg:$0xc] =	wrdreg s14;
	s12 =	sadd.s32 s6, s15  }
0x18: {  	s22 =	simm.s32 $0xB;
	s8 =	sadd.s32 s5, s15;
	[dreg:$0xd] =	wrdreg s12  }
0x19: {  	s0 =	simm.s32 $0x3;
	s17 =	sadd.s32 s6, s16;
	[dreg:$0xe] =	wrdreg s8  }
0x1a: {  	s2 =	simm.s32 $0x4;
	s18 =	sadd.s32 s5, s16;
	[dreg:$0xf] =	wrdreg s17  }
0x1b: {  	s20 =	sadd.s32 s6, s3;
	s3 =	sadd.s32 s5, s3;
	[dreg:$0x10] =	wrdreg s18  }
0x1c: {  	s23 =	sadd.s32 s21, s5;
	s24 =	sadd.s32 s21, s6;
	[dreg:$0x11] =	wrdreg s20  }
0x1d: {  	s15 =	simm.s32 $0x400;
	s14 =	simm.s32 $0x100;
	[dreg:$0x12] =	wrdreg s3  }
0x1e: {  	s16 =	simm.s32 $0x180;
	s13 =	simm.s32 $0x50;
	[dreg:$0x15] =	wrdreg s23  }
0x1f: {  	s21 =	simm.s32 $0x2C00;
	[dreg:$0x16] =	wrdreg s24;
	s17 =	simm.s32 $0x80  }
0x20: {  	s12 =	simm.s32 $0x300;
	s18 =	simm.s32 $0x9;
	s20 =	simm.s32 $0xA  }
0x21: {  	v0 =	vimm.f32 $0.0e+00;
	s23 =	simm.s32 $0x5400;
	s24 =	simm.s32 $0x1;
	s8 =	simm.s32 $0x0  }
.LBB2_1:
0x22: {  	[dreg:$0x19] =	wrdreg s8;
	s3 =	simm.s32 $0x0;
	s8 =	simm.s32 $0x200  }
.LBB2_2:
0x23: {  	p0 =	sne.s32 s8, $0x9E00;
	[tilespmem:s3+$0x470] =	vst v0  }
0x24: {  	[tilespmem:s3+$0x400] =	vst v0  }
0x25: {  	[tilespmem:s3+$0x410] =	vst v0  }
.Ltmp0:
0x26: {  	[tilespmem:s3+$0x420] =	vst v0;
	(pc) =	sbr.rel @p0 .LBB2_2-.Ltmp0, $4  }
0x27: {  	[tilespmem:s3+$0x430] =	vst v0  }
0x28: {  	[tilespmem:s3+$0x440] =	vst v0  }
0x29: {  	[tilespmem:s3+$0x450] =	vst v0  }
0x2a: {  	[tilespmem:s3+$0x460] =	vst v0;
	s3 =	sshra.s32 s8, $0x2;
	s8 =	sadd.s32 $0x200, s8  }
0x2b: {  	[tilespmem:s3+$0x470] =	vst v0  }
0x2c: {  	[tilespmem:s3+$0x400] =	vst v0  }
0x2d: {  	[tilespmem:s3+$0x410] =	vst v0  }
0x2e: {  	[tilespmem:s3+$0x420] =	vst v0  }
0x2f: {  	[tilespmem:s3+$0x430] =	vst v0  }
0x30: {  	[tilespmem:s3+$0x440] =	vst v0  }
0x31: {  	[tilespmem:s3+$0x450] =	vst v0  }
0x32: {  	[tilespmem:s3+$0x460] =	vst v0  }
0x33: {  	[spmem:s11] =	stream.linear.scatter [tilespmem:s15], [sflag:$0x11], $0x2800, $0x38;
	[tilespmem:$0x1E400] =	vst v63  }
0x34: {  	_ =	swait.ge [sflag:s7], $0x2800  }
0x35: {  	[sflag:s7] =	ssyncset.done $0x0  }
0x36: {  	s11 =	rddreg [dreg:$0x6];
	[sflag:s7] =	ssyncadd.s32 $0xFFFFD800  }
0x37: {  	[spmem:s11] =	stream.linear.scatter [tilespmem:s15], [sflag:$0x11], $0x2800, $0x38;
	[tilespmem:$0x1E400] =	vst v63  }
0x38: {  	_ =	swait.ge [sflag:s7], $0x2800  }
0x39: {  	[sflag:s7] =	ssyncset.done $0x0  }
0x3a: {  	s5 =	rddreg [dreg:$0x7];
	[sflag:s7] =	ssyncadd.s32 $0xFFFFD800  }
0x3b: {  	[spmem:s5] =	stream.linear.scatter [tilespmem:s15], [sflag:$0x11], $0x2800, $0x38;
	[tilespmem:$0x1E400] =	vst v63  }
0x3c: {  	_ =	swait.ge [sflag:s7], $0x2800  }
0x3d: {  	[sflag:s7] =	ssyncset.done $0x0  }
0x3e: {  	s8 =	rddreg [dreg:$0x8];
	[sflag:s7] =	ssyncadd.s32 $0xFFFFD800  }
0x3f: {  	[spmem:s8] =	stream.linear.scatter [tilespmem:s15], [sflag:$0x11], $0x2800, $0x38;
	[tilespmem:$0x1E400] =	vst v63  }
0x40: {  	_ =	swait.ge [sflag:s7], $0x2800  }
0x41: {  	[sflag:s7] =	ssyncset.done $0x0  }
0x42: {  	s11 =	rddreg [dreg:$0x9];
	[sflag:s7] =	ssyncadd.s32 $0xFFFFD800  }
0x43: {  	[spmem:s11] =	stream.linear.scatter [tilespmem:s15], [sflag:$0x11], $0x2800, $0x38;
	[tilespmem:$0x1E400] =	vst v63  }
0x44: {  	_ =	swait.ge [sflag:s7], $0x2800  }
0x45: {  	[sflag:s7] =	ssyncset.done $0x0  }
0x46: {  	s5 =	rddreg [dreg:$0xa];
	[sflag:s7] =	ssyncadd.s32 $0xFFFFD800  }
0x47: {  	[spmem:s5] =	stream.linear.scatter [tilespmem:s15], [sflag:$0x11], $0x2800, $0x38;
	[tilespmem:$0x1E400] =	vst v63  }
0x48: {  	_ =	swait.ge [sflag:s7], $0x2800  }
0x49: {  	[sflag:s7] =	ssyncset.done $0x0  }
0x4a: {  	s8 =	rddreg [dreg:$0x17];
	[sflag:s7] =	ssyncadd.s32 $0xFFFFD800  }
0x4b: {  	[spmem:s8] =	stream.linear.scatter [tilespmem:s15], [sflag:$0x11], $0x2800, $0x38;
	[tilespmem:$0x1E400] =	vst v63  }
0x4c: {  	_ =	swait.ge [sflag:s7], $0x2800  }
0x4d: {  	[sflag:s7] =	ssyncset.done $0x0  }
0x4e: {  	s11 =	rddreg [dreg:$0x18];
	[sflag:s7] =	ssyncadd.s32 $0xFFFFD800  }
0x4f: {  	[spmem:s11] =	stream.linear.scatter [tilespmem:s15], [sflag:$0x11], $0x2800, $0x38;
	[tilespmem:$0x1E400] =	vst v63  }
0x50: {  	_ =	swait.ge [sflag:s7], $0x2800  }
0x51: {  	[sflag:s7] =	ssyncset.done $0x0  }
0x52: {  	[sflag:s7] =	ssyncadd.s32 $0xFFFFD800  }
0x53: {  	[bflag:$0x0] =	sbarrier.arrive $0xFFFF  }
0x54: {  	s5 =	rddreg [dreg:$0xb]  }
0x55: {  	[tilespmem:s19], [sflag:$0xD] =	stream.linear.gather [hbm4b:s5+s4], $0x80, $0x38;
	[tilespmem:$0x1E400] =	vst v63  }
0x56: {  	s7 =	rddreg [dreg:$0xc]  }
0x57: {  	[tilespmem:s4], [sflag:$0x9] =	stream.linear.gather [hbm4b:s7+s4], $0x80, $0x38;
	[tilespmem:$0x1E400] =	vst v63  }
0x58: {  	s8 =	rddreg [dreg:$0xd]  }
0x59: {  	[tilespmem:s10], [sflag:$0xE] =	stream.linear.gather [hbm4b:s8+s4], $0x80, $0x38;
	[tilespmem:$0x1E400] =	vst v63  }
0x5a: {  	s11 =	rddreg [dreg:$0xe]  }
0x5b: {  	[tilespmem:s17], [sflag:$0xA] =	stream.linear.gather [hbm4b:s11+s4], $0x80, $0x38;
	[tilespmem:$0x1E400] =	vst v63  }
0x5c: {  	s5 =	rddreg [dreg:$0xf]  }
0x5d: {  	[tilespmem:s12], [sflag:$0xF] =	stream.linear.gather [hbm4b:s5+s4], $0x80, $0x38;
	[tilespmem:$0x1E400] =	vst v63  }
0x5e: {  	s7 =	rddreg [dreg:$0x10]  }
0x5f: {  	[tilespmem:s14], [sflag:$0xB] =	stream.linear.gather [hbm4b:s7+s4], $0x80, $0x38;
	[tilespmem:$0x1E400] =	vst v63  }
0x60: {  	s3 =	simm.s32 $0x380;
	s8 =	rddreg [dreg:$0x11]  }
0x61: {  	[tilespmem:s3], [sflag:$0x10] =	stream.linear.gather [hbm4b:s8+s4], $0x80, $0x38;
	[tilespmem:$0x1E400] =	vst v63  }
0x62: {  	s11 =	rddreg [dreg:$0x12]  }
0x63: {  	[tilespmem:s16], [sflag:$0xC] =	stream.linear.gather [hbm4b:s11+s4], $0x80, $0x38;
	[tilespmem:$0x1E400] =	vst v63  }
0x64: {  	_ =	swait.ge [sflag:s18], $0x80  }
0x65: {  	[sflag:s18] =	ssyncset.done $0x0  }
0x66: {  	[sflag:s18] =	ssyncadd.s32 $0xFFFFFF80  }
0x67: {  	s18 =	rddreg [dreg:$0x0]  }
0x68: {  	[tilespmem:s15], [sflag:$0x1] =	stream.indirect.gather [hbm4b:s18+s13], $0x80, s4, s13, $0xb8;
	[tilespmem:$0x1E400] =	vst v63  }
0x69: {  	_ =	swait.ge [sflag:s20], $0x80  }
0x6a: {  	[sflag:s20] =	ssyncset.done $0x0  }
0x6b: {  	[sflag:s20] =	ssyncadd.s32 $0xFFFFFF80  }
0x6c: {  	[tilespmem:s21], [sflag:$0x2] =	stream.indirect.gather [hbm4b:s18+s13], $0x80, s17, s13, $0xb8;
	[tilespmem:$0x1E400] =	vst v63  }
0x6d: {  	_ =	swait.ge [sflag:s22], $0x80  }
0x6e: {  	[sflag:s22] =	ssyncset.done $0x0  }
0x6f: {  	[sflag:s22] =	ssyncadd.s32 $0xFFFFFF80  }
0x70: {  	[tilespmem:s23], [sflag:$0x3] =	stream.indirect.gather [hbm4b:s18+s13], $0x80, s14, s13, $0xb8;
	[tilespmem:$0x1E400] =	vst v63  }
0x71: {  	_ =	swait.ge [sflag:s26], $0x80  }
0x72: {  	[sflag:s26] =	ssyncset.done $0x0  }
0x73: {  	[sflag:s26] =	ssyncadd.s32 $0xFFFFFF80  }
0x74: {  	[tilespmem:s25], [sflag:$0x4] =	stream.indirect.gather [hbm4b:s18+s13], $0x80, s16, s13, $0xb8;
	[tilespmem:$0x1E400] =	vst v63  }
0x75: {  	_ =	swait.ge [sflag:s24], $0x2800  }
0x76: {  	[sflag:s24] =	ssyncset.done $0x0  }
0x77: {  	[sflag:s24] =	ssyncadd.s32 $0xFFFFD800  }
0x78: {  	_ =	swait.ge [sflag:s28], $0x80  }
0x79: {  	[sflag:s28] =	ssyncset.done $0x0  }
0x7a: {  	[sflag:s28] =	ssyncadd.s32 $0xFFFFFF80  }
0x7b: {  	s22 =	smov.u32 s18;
	s18 =	rddreg [dreg:$0x2]  }
0x7c: {  	[spmem:s18] =	stream.indirect.scatter.add.f32 [tilespmem:s15], [sflag:$0x5], $0x80, s19, s13, $0xb8;
	[tilespmem:$0x1E400] =	vst v63  }
0x7d: {  	_ =	swait.ge [sflag:s29], $0x2800  }
0x7e: {  	[sflag:s29] =	ssyncset.done $0x0  }
0x7f: {  	[sflag:s29] =	ssyncadd.s32 $0xFFFFD800  }
0x80: {  	_ =	swait.ge [sflag:s30], $0x80  }
0x81: {  	[sflag:s30] =	ssyncset.done $0x0  }
0x82: {  	[sflag:s30] =	ssyncadd.s32 $0xFFFFFF80  }
0x83: {  	[spmem:s18] =	stream.indirect.scatter.add.f32 [tilespmem:s21], [sflag:$0x6], $0x80, s10, s13, $0xb8;
	[tilespmem:$0x1E400] =	vst v63  }
0x84: {  	_ =	swait.ge [sflag:s0], $0x2800  }
0x85: {  	[sflag:s0] =	ssyncset.done $0x0  }
0x86: {  	[sflag:s0] =	ssyncadd.s32 $0xFFFFD800  }
0x87: {  	_ =	swait.ge [sflag:s1], $0x80  }
0x88: {  	[sflag:s1] =	ssyncset.done $0x0  }
0x89: {  	[sflag:s1] =	ssyncadd.s32 $0xFFFFFF80  }
0x8a: {  	[spmem:s18] =	stream.indirect.scatter.add.f32 [tilespmem:s23], [sflag:$0x7], $0x80, s12, s13, $0xb8;
	[tilespmem:$0x1E400] =	vst v63  }
0x8b: {  	_ =	swait.ge [sflag:s2], $0x2800  }
0x8c: {  	[sflag:s2] =	ssyncset.done $0x0  }
0x8d: {  	[sflag:s2] =	ssyncadd.s32 $0xFFFFD800  }
0x8e: {  	_ =	swait.ge [sflag:s31], $0x80  }
0x8f: {  	[sflag:s31] =	ssyncset.done $0x0  }
0x90: {  	s26 =	simm.s32 $0x380;
	s29 =	simm.s32 $0x5;
	[sflag:s31] =	ssyncadd.s32 $0xFFFFFF80  }
0x91: {  	[spmem:s18] =	stream.indirect.scatter.add.f32 [tilespmem:s25], [sflag:$0x8], $0x80, s26, s13, $0xb8;
	[tilespmem:$0x1E400] =	vst v63  }
0x92: {  	_ =	swait.ge [sflag:s29], $0x2800  }
0x93: {  	p0 =	por $0x0, $0x0;
	[sflag:s29] =	ssyncset.done $0x0  }
0x94: {  	s8 =	simm.s32 $0x280;
	s11 =	rddreg [dreg:$0x16];
	[sflag:s29] =	ssyncadd.s32 $0xFFFFD800  }
0x95: {  	[tilespmem:s19], [sflag:$0xD] =	stream.linear.gather [hbm4b:s11+s4], $0x80, $0x38;
	[tilespmem:$0x1E400] =	vst v63  }
0x96: {  	s8 =	simm.s32 @p0 $0x0;
	s16 =	simm.s32 $0x6;
	s7 =	rddreg [dreg:$0x15]  }
0x97: {  	[tilespmem:s4], [sflag:$0x9] =	stream.linear.gather [hbm4b:s7+s4], $0x80, $0x38;
	[tilespmem:$0x1E400] =	vst v63  }
0x98: {  	s8 =	sor.u32 s9, s8;
	_ =	swait.ge [sflag:s16], $0x2800  }
0x99: {  	s8 =	sshrl.u32 s8, $0x3;
	[sflag:s16] =	ssyncset.done $0x0  }
0x9a: {  	s5 =	simm.s32 $0x280;
	s14 =	sadd.s32 s6, s8;
	[sflag:s16] =	ssyncadd.s32 $0xFFFFD800  }
0x9b: {  	[tilespmem:s5], [sflag:$0xE] =	stream.linear.gather [hbm4b:s14+s4], $0x80, $0x38;
	[tilespmem:$0x1E400] =	vst v63  }
0x9c: {  	s10 =	simm.s32 $0x300;
	s5 =	rddreg [dreg:$0x4]  }
0x9d: {  	s10 =	simm.s32 @p0 $0x80;
	s14 =	simm.s32 $0x7;
	s8 =	sadd.s32 s5, s8  }
0x9e: {  	[tilespmem:s17], [sflag:$0xA] =	stream.linear.gather [hbm4b:s8+s4], $0x80, $0x38;
	[tilespmem:$0x1E400] =	vst v63  }
0x9f: {  	s25 =	sor.u32 s9, s10;
	_ =	swait.ge [sflag:s14], $0x2800  }
0xa0: {  	s3 =	simm.s32 @p0 $0x100;
	s8 =	sshrl.u32 s25, $0x3;
	[sflag:s14] =	ssyncset.done $0x0  }
0xa1: {  	s31 =	simm.s32 $0x300;
	s29 =	sadd.s32 s6, s8;
	[sflag:s14] =	ssyncadd.s32 $0xFFFFD800  }
0xa2: {  	[tilespmem:s31], [sflag:$0xF] =	stream.linear.gather [hbm4b:s29+s4], $0x80, $0x38;
	[tilespmem:$0x1E400] =	vst v63  }
0xa3: {  	s0 =	simm.s32 $0x100;
	s12 =	simm.s32 $0x8;
	s8 =	sadd.s32 s5, s8  }
0xa4: {  	[tilespmem:s0], [sflag:$0xB] =	stream.linear.gather [hbm4b:s8+s4], $0x80, $0x38;
	[tilespmem:$0x1E400] =	vst v63  }
0xa5: {  	s3 =	sor.u32 s9, s3;
	_ =	swait.ge [sflag:s12], $0x2800  }
0xa6: {  	s3 =	sshrl.u32 s3, $0x3;
	[sflag:s12] =	ssyncset.done $0x0  }
0xa7: {  	s31 =	sadd.s32 s6, s3;
	[sflag:s12] =	ssyncadd.s32 $0xFFFFD800  }
0xa8: {  	[tilespmem:s26], [sflag:$0x10] =	stream.linear.gather [hbm4b:s31+s4], $0x80, $0x38;
	[tilespmem:$0x1E400] =	vst v63  }
0xa9: {  	s20 =	simm.s32 $0x9;
	s2 =	simm.s32 $0x180;
	s3 =	sadd.s32 s5, s3  }
0xaa: {  	[tilespmem:s2], [sflag:$0xC] =	stream.linear.gather [hbm4b:s3+s4], $0x80, $0x38;
	[tilespmem:$0x1E400] =	vst v63  }
0xab: {  	_ =	swait.ge [sflag:s20], $0x80  }
0xac: {  	[sflag:s20] =	ssyncset.done $0x0  }
0xad: {  	s24 =	simm.s32 $0x1;
	s21 =	simm.s32 $0xA;
	[sflag:s20] =	ssyncadd.s32 $0xFFFFFF80  }
0xae: {  	[tilespmem:s15], [sflag:$0x1] =	stream.indirect.gather [hbm4b:s22+s13], $0x80, s4, s13, $0xb8;
	[tilespmem:$0x1E400] =	vst v63  }
0xaf: {  	s28 =	simm.s32 $0xC;
	s30 =	simm.s32 $0xD;
	_ =	swait.ge [sflag:s21], $0x80  }
0xb0: {  	s1 =	simm.s32 $0x2C00;
	s23 =	simm.s32 $0xB;
	[sflag:s21] =	ssyncset.done $0x0  }
0xb1: {  	s10 =	smov.u32 s7;
	s7 =	smov.u32 s22;
	[sflag:s21] =	ssyncadd.s32 $0xFFFFFF80  }
0xb2: {  	[tilespmem:s1], [sflag:$0x2] =	stream.indirect.gather [hbm4b:s22+s13], $0x80, s17, s13, $0xb8;
	[tilespmem:$0x1E400] =	vst v63  }
0xb3: {  	s8 =	sadd.s32 $0x40, s11;
	s3 =	simm.s32 $0x580;
	_ =	swait.ge [sflag:s23], $0x80  }
.LBB2_4:
0xb4: {  	[sflag:s23] =	ssyncset.done $0x0  }
0xb5: {  	s11 =	simm.s32 $0x5400;
	s0 =	simm.s32 $0x100;
	[sflag:s23] =	ssyncadd.s32 $0xFFFFFF80  }
0xb6: {  	[tilespmem:s11], [sflag:$0x3] =	stream.indirect.gather [hbm4b:s7+s13], $0x80, s0, s13, $0xb8;
	[tilespmem:$0x1E400] =	vst v63  }
0xb7: {  	_ =	swait.ge [sflag:s28], $0x80  }
0xb8: {  	[sflag:s28] =	ssyncset.done $0x0  }
0xb9: {  	s2 =	simm.s32 $0x7C00;
	s26 =	simm.s32 $0x180;
	[sflag:s28] =	ssyncadd.s32 $0xFFFFFF80  }
0xba: {  	[tilespmem:s2], [sflag:$0x4] =	stream.indirect.gather [hbm4b:s7+s13], $0x80, s26, s13, $0xb8;
	[tilespmem:$0x1E400] =	vst v63  }
0xbb: {  	_ =	swait.ge [sflag:s24], $0x2800  }
0xbc: {  	[sflag:s24] =	ssyncset.done $0x0  }
0xbd: {  	[sflag:s24] =	ssyncadd.s32 $0xFFFFD800  }
0xbe: {  	_ =	swait.ge [sflag:s30], $0x80  }
0xbf: {  	[sflag:s30] =	ssyncset.done $0x0  }
0xc0: {  	s1 =	simm.s32 $0x2;
	[sflag:s30] =	ssyncadd.s32 $0xFFFFFF80  }
0xc1: {  	[spmem:s18] =	stream.indirect.scatter.add.f32 [tilespmem:s15], [sflag:$0x5], $0x80, s19, s13, $0xb8;
	[tilespmem:$0x1E400] =	vst v63  }
0xc2: {  	_ =	swait.ge [sflag:s1], $0x2800  }
0xc3: {  	[sflag:s1] =	ssyncset.done $0x0  }
0xc4: {  	s5 =	simm.s32 $0xE;
	[sflag:s1] =	ssyncadd.s32 $0xFFFFD800  }
0xc5: {  	_ =	swait.ge [sflag:s5], $0x80  }
0xc6: {  	s29 =	simm.s32 $0x2C00;
	[sflag:s5] =	ssyncset.done $0x0  }
0xc7: {  	s7 =	simm.s32 $0x3;
	[sflag:s5] =	ssyncadd.s32 $0xFFFFFF80;
	s5 =	simm.s32 $0x280  }
0xc8: {  	[spmem:s18] =	stream.indirect.scatter.add.f32 [tilespmem:s29], [sflag:$0x6], $0x80, s5, s13, $0xb8;
	[tilespmem:$0x1E400] =	vst v63  }
0xc9: {  	_ =	swait.ge [sflag:s7], $0x2800  }
0xca: {  	[sflag:s7] =	ssyncset.done $0x0  }
0xcb: {  	s15 =	simm.s32 $0xF;
	[sflag:s7] =	ssyncadd.s32 $0xFFFFD800  }
0xcc: {  	_ =	swait.ge [sflag:s15], $0x80  }
0xcd: {  	[sflag:s15] =	ssyncset.done $0x0  }
0xce: {  	s31 =	simm.s32 $0x300;
	s22 =	simm.s32 $0x4;
	[sflag:s15] =	ssyncadd.s32 $0xFFFFFF80  }
0xcf: {  	[spmem:s18] =	stream.indirect.scatter.add.f32 [tilespmem:s11], [sflag:$0x7], $0x80, s31, s13, $0xb8;
	[tilespmem:$0x1E400] =	vst v63  }
0xd0: {  	_ =	swait.ge [sflag:s22], $0x2800  }
0xd1: {  	[sflag:s22] =	ssyncset.done $0x0  }
0xd2: {  	s25 =	simm.s32 $0x10;
	[sflag:s22] =	ssyncadd.s32 $0xFFFFD800  }
0xd3: {  	_ =	swait.ge [sflag:s25], $0x80  }
0xd4: {  	[sflag:s25] =	ssyncset.done $0x0  }
0xd5: {  	s7 =	simm.s32 $0x5;
	s22 =	simm.s32 $0x380;
	[sflag:s25] =	ssyncadd.s32 $0xFFFFFF80  }
0xd6: {  	[spmem:s18] =	stream.indirect.scatter.add.f32 [tilespmem:s2], [sflag:$0x8], $0x80, s22, s13, $0xb8;
	[tilespmem:$0x1E400] =	vst v63  }
0xd7: {  	s17 =	smov.u32 s3;
	_ =	swait.ge [sflag:s7], $0x2800  }
0xd8: {  	p1 =	seq.s32 s17, $0x3F80;
	s15 =	sadd.s32 $0xFFFFFF80, s17;
	[sflag:s7] =	ssyncset.done $0x0  }
0xd9: {  	s11 =	smov.u32 s17;
	s17 =	sadd.s32 $0xFFFFFF00, s17;
	[sflag:s7] =	ssyncadd.s32 $0xFFFFD800  }
0xda: {  	[tilespmem:s19], [sflag:$0xD] =	stream.linear.gather [hbm4b:s8+s4], $0x80, $0x38;
	[tilespmem:$0x1E400] =	vst v63  }
0xdb: {  	s10 =	sadd.s32 $0x40, s10;
	s17 =	simm.s32 @p1 $0x0  }
0xdc: {  	[tilespmem:s4], [sflag:$0x9] =	stream.linear.gather [hbm4b:s10+s4], $0x80, $0x38;
	[tilespmem:$0x1E400] =	vst v63  }
0xdd: {  	s17 =	sor.u32 s9, s17;
	_ =	swait.ge [sflag:s16], $0x2800  }
0xde: {  	s17 =	sshrl.u32 s17, $0x3;
	s19 =	rddreg [dreg:$0x4];
	[sflag:s16] =	ssyncset.done $0x0  }
0xdf: {  	s19 =	sadd.s32 s19, s17;
	[sflag:s16] =	ssyncadd.s32 $0xFFFFD800;
	s17 =	sadd.s32 s6, s17  }
0xe0: {  	[tilespmem:s5], [sflag:$0xE] =	stream.linear.gather [hbm4b:s17+s4], $0x80, $0x38;
	[tilespmem:$0x1E400] =	vst v63  }
0xe1: {  	s15 =	simm.s32 @p1 $0x80;
	s17 =	simm.s32 $0x80  }
0xe2: {  	[tilespmem:s17], [sflag:$0xA] =	stream.linear.gather [hbm4b:s19+s4], $0x80, $0x38;
	[tilespmem:$0x1E400] =	vst v63  }
0xe3: {  	s15 =	sor.u32 s9, s15;
	s2 =	rddreg [dreg:$0x4];
	_ =	swait.ge [sflag:s14], $0x2800  }
0xe4: {  	s15 =	sshrl.u32 s15, $0x3;
	[sflag:s14] =	ssyncset.done $0x0  }
0xe5: {  	s7 =	sadd.s32 s6, s15;
	[sflag:s14] =	ssyncadd.s32 $0xFFFFD800  }
0xe6: {  	[tilespmem:s31], [sflag:$0xF] =	stream.linear.gather [hbm4b:s7+s4], $0x80, $0x38;
	[tilespmem:$0x1E400] =	vst v63  }
0xe7: {  	s11 =	simm.s32 @p1 $0x100;
	s15 =	sadd.s32 s2, s15  }
0xe8: {  	[tilespmem:s0], [sflag:$0xB] =	stream.linear.gather [hbm4b:s15+s4], $0x80, $0x38;
	[tilespmem:$0x1E400] =	vst v63  }
0xe9: {  	s11 =	sor.u32 s9, s11;
	_ =	swait.ge [sflag:s12], $0x2800  }
0xea: {  	s11 =	sshrl.u32 s11, $0x3;
	[sflag:s12] =	ssyncset.done $0x0  }
0xeb: {  	s5 =	sadd.s32 s2, s11;
	s11 =	sadd.s32 s6, s11;
	[sflag:s12] =	ssyncadd.s32 $0xFFFFD800  }
0xec: {  	[tilespmem:s22], [sflag:$0x10] =	stream.linear.gather [hbm4b:s11+s4], $0x80, $0x38;
	[tilespmem:$0x1E400] =	vst v63  }
0xed: {  	_ = 	snop  }
0xee: {  	[tilespmem:s26], [sflag:$0xC] =	stream.linear.gather [hbm4b:s5+s4], $0x80, $0x38;
	[tilespmem:$0x1E400] =	vst v63  }
0xef: {  	s7 =	rddreg [dreg:$0x0];
	_ =	swait.ge [sflag:s20], $0x80  }
0xf0: {  	[sflag:s20] =	ssyncset.done $0x0  }
0xf1: {  	p0 =	sne.s32 s3, $0x3F80;
	s15 =	simm.s32 $0x400;
	[sflag:s20] =	ssyncadd.s32 $0xFFFFFF80  }
0xf2: {  	[tilespmem:s15], [sflag:$0x1] =	stream.indirect.gather [hbm4b:s7+s13], $0x80, s4, s13, $0xb8;
	[tilespmem:$0x1E400] =	vst v63  }
.Ltmp1:
0xf3: {  	s3 =	sadd.s32 $0x200, s3;
	_ =	swait.ge [sflag:s21], $0x80;
	(pc) =	sbr.rel @p0 .LBB2_4-.Ltmp1, $4  }
0xf4: {  	s1 =	simm.s32 $0x5400;
	s25 =	simm.s32 $0x7C00;
	[sflag:s21] =	ssyncset.done $0x0  }
0xf5: {  	s8 =	sadd.s32 $0x40, s8;
	s2 =	simm.s32 $0x180;
	[sflag:s21] =	ssyncadd.s32 $0xFFFFFF80  }
0xf6: {  	[tilespmem:s29], [sflag:$0x2] =	stream.indirect.gather [hbm4b:s7+s13], $0x80, s17, s13, $0xb8;
	[tilespmem:$0x1E400] =	vst v63  }
0xf7: {  	s19 =	simm.s32 $0x200;
	s31 =	simm.s32 $0x100;
	_ =	swait.ge [sflag:s23], $0x80  }
0xf8: {  	[sflag:s23] =	ssyncset.done $0x0  }
0xf9: {  	[sflag:s23] =	ssyncadd.s32 $0xFFFFFF80  }
0xfa: {  	[tilespmem:s1], [sflag:$0x3] =	stream.indirect.gather [hbm4b:s7+s13], $0x80, s31, s13, $0xb8;
	[tilespmem:$0x1E400] =	vst v63  }
0xfb: {  	_ =	swait.ge [sflag:s28], $0x80  }
0xfc: {  	[sflag:s28] =	ssyncset.done $0x0  }
0xfd: {  	[sflag:s28] =	ssyncadd.s32 $0xFFFFFF80  }
0xfe: {  	[tilespmem:s25], [sflag:$0x4] =	stream.indirect.gather [hbm4b:s7+s13], $0x80, s2, s13, $0xb8;
	[tilespmem:$0x1E400] =	vst v63  }
0xff: {  	_ =	swait.ge [sflag:s24], $0x2800  }
0x100: {  	[sflag:s24] =	ssyncset.done $0x0  }
0x101: {  	[sflag:s24] =	ssyncadd.s32 $0xFFFFD800  }
0x102: {  	_ =	swait.ge [sflag:s30], $0x80  }
0x103: {  	[sflag:s30] =	ssyncset.done $0x0  }
0x104: {  	s16 =	simm.s32 $0x5;
	[sflag:s30] =	ssyncadd.s32 $0xFFFFFF80  }
0x105: {  	[spmem:s18] =	stream.indirect.scatter.add.f32 [tilespmem:s15], [sflag:$0x5], $0x80, s19, s13, $0xb8;
	[tilespmem:$0x1E400] =	vst v63  }
0x106: {  	_ =	swait.ge [sflag:s16], $0x2800  }
0x107: {  	[sflag:s16] =	ssyncset.done $0x0  }
0x108: {  	s0 =	simm.s32 $0x2;
	[sflag:s16] =	ssyncadd.s32 $0xFFFFD800  }
0x109: {  	_ =	swait.ge [sflag:s0], $0x2800  }
0x10a: {  	[sflag:s0] =	ssyncset.done $0x0  }
0x10b: {  	s18 =	simm.s32 $0xE;
	[sflag:s0] =	ssyncadd.s32 $0xFFFFD800  }
0x10c: {  	_ =	swait.ge [sflag:s18], $0x80  }
0x10d: {  	[sflag:s18] =	ssyncset.done $0x0  }
0x10e: {  	s20 =	simm.s32 $0x3;
	[sflag:s18] =	ssyncadd.s32 $0xFFFFFF80  }
0x10f: {  	_ =	swait.ge [sflag:s20], $0x2800  }
0x110: {  	[sflag:s20] =	ssyncset.done $0x0  }
0x111: {  	s21 =	simm.s32 $0xF;
	[sflag:s20] =	ssyncadd.s32 $0xFFFFD800  }
0x112: {  	_ =	swait.ge [sflag:s21], $0x80  }
0x113: {  	[sflag:s21] =	ssyncset.done $0x0  }
0x114: {  	s22 =	simm.s32 $0x4;
	[sflag:s21] =	ssyncadd.s32 $0xFFFFFF80  }
0x115: {  	_ =	swait.ge [sflag:s22], $0x2800  }
0x116: {  	[sflag:s22] =	ssyncset.done $0x0  }
0x117: {  	s23 =	simm.s32 $0x10;
	[sflag:s22] =	ssyncadd.s32 $0xFFFFD800  }
0x118: {  	_ =	swait.ge [sflag:s23], $0x80  }
0x119: {  	[sflag:s23] =	ssyncset.done $0x0  }
0x11a: {  	s3 =	stileid.u32;
	[sflag:s23] =	ssyncadd.s32 $0xFFFFFF80  }
0x11b: {  	s3 =	sshll.u32 s3, $0x6;
	[bflag:$0x0] =	sbarrier.arrive $0xFFFF  }
0x11c: {  	s3 =	sor.u32 $0x1C11, s3;
	s11 =	rddreg [dreg:$0x5]  }
0x11d: {  	s7 =	simm.s32 $0x11;
	s8 =	rddreg [dreg:$0x13];
	s24 =	sshrl.u32 s11, $0x3  }
0x11e: {  	[hbm:s8], [sflag:s3] =	dma.local [spmem:s24], $0x2800  }
0x11f: {  	s10 =	simm.s32 $0x280;
	s12 =	simm.s32 $0x300;
	_ =	swait.ge [sflag:s7], $0x2800  }
0x120: {  	s14 =	simm.s32 $0x100;
	s29 =	simm.s32 $0x2;
	s25 =	rddreg [dreg:$0x19]  }
0x121: {  	s1 =	simm.s32 $0xF;
	s26 =	rddreg [dreg:$0x14];
	s8 =	sadd.s32 $0x1, s25  }
0x122: {  	s31 =	simm.s32 $0x10;
	s28 =	simm.s32 $0xD;
	p0 =	sne.s32 s8, s26  }
.Ltmp2:
0x123: {  	s2 =	simm.s32 $0x4;
	s30 =	simm.s32 $0xE;
	(pc) =	sbr.rel @p0 .LBB2_1-.Ltmp2, $4  }
0x124: {  	s16 =	simm.s32 $0x180;
	s0 =	simm.s32 $0x3;
	s18 =	simm.s32 $0x9  }
0x125: {  	s20 =	simm.s32 $0xA;
	s21 =	simm.s32 $0x2C00;
	s22 =	simm.s32 $0xB  }
0x126: {  	s23 =	simm.s32 $0x5400;
	s24 =	simm.s32 $0x1;
	[sflag:s7] =	ssyncset.done $0x0  }
0x127: {  	[sflag:s7] =	ssyncadd.s32 $0xFFFFD800;
	s25 =	simm.s32 $0x7C00;
	s26 =	simm.s32 $0xC  }
0x128: {  	_ =	sfence.sel $0x180000  }
0x129: {  	[bflag:$0x0] =	sbarrier.arrive $0xFFFF  }
0x12a: {  	_ =	strace $0x9000004A  }
0x12b: {  	s0 =	stileid.u32;
	[bflag:$0x2] =	sbarrier.arrive $0xFFFF  }
0x12c: {  	p0 =	sne.s32 s0, $0x0;
	s0 =	rddreg [dreg:$0x3]  }
0x12d: {  	s0 =	sadd.s32 @!p0 $0x100000, s0  }
0x12e: {  	[sflag:s0] =	ssyncadd.tile.s32 @!p0 $0x1;
	_ =	shalt  }
.Lfunc_end2:
_tile_overlayer_lowered:
.L_overlay_start_2:
0x12f: {  	(tag) =	ssettag $0x2  }
0x130: {  	s0 =	rddreg [dreg:$0x0];
	s2 =	stileid.u32  }
0x131: {  	s1 =	rddreg [dreg:$0x1];
	p0 =	sne.s32 s2, $0x0  }
0x132: {  	s3 =	rddreg [dreg:$0x2];
	[bflag:$0x3] =	sbarrier.arrive $0xFFFF;
	s2 =	simm.s32 @!p0 $0x1C11  }
0x133: {  	[timem:s3], [sflag:s2] =	dma.local @!p0 [hbm:s0], s1  }
0x134: {  	s0 =	simm.s32 @!p0 $0x11  }
0x135: {  	_ =	swait.ge @!p0 [sflag:s0], s1  }
0x136: {  	s1 =	ssub.s32 @!p0 $0x0, s1;
	[sflag:s0] =	ssyncset.done @!p0 $0x0  }
0x137: {  	[sflag:s0] =	ssyncadd.s32 @!p0 s1  }
0x138: {  	[bflag:$0x3] =	sbarrier.arrive $0xFFFF  }
0x139: {  	_ =	shalt  }

// kernel: kernel.14.cloned.1.call-start
scs
__scs_entry_jumppad:
0x0: {  	(pc) =	sbr.rel $0x88, $3  }
0x1: {  	(tag) =	ssettag $0x0;
	lr =	simm.s32 $0x1  }
0x2: {  	[smem:$0x3F9B] =	sst lr;
	_ =	strace $0xD0000000  }
0x3: {  	_ = 	snop  }
0x4: {  	_ = 	snop  }
0x5: {  	_ = 	snop  }
0x6: {  	_ = 	snop  }
0x7: {  	_ = 	snop  }
__scs_overlays_trampoline_lowered:
0x8: {  	[smem:$0x3FAA] =	sst s0  }
0x9: {  	[smem:$0x3FAB] =	sst s1  }
0xa: {  	[smem:$0x3FAC] =	sst s2  }
0xb: {  	[smem:$0x3FAD] =	sst s3  }
0xc: {  	[smem:$0x3FAE] =	sst s4  }
0xd: {  	[smem:$0x3FAF] =	sst s5  }
0xe: {  	[smem:$0x3FB0] =	sst s6  }
0xf: {  	[smem:$0x3FB1] =	sst s7  }
0x10: {  	[smem:$0x3FB2] =	sst s8  }
0x11: {  	[smem:$0x3FB3] =	sst s9;
	s0 =	simm.s32 @!p0 $0x0  }
0x12: {  	s1 =	sld [smem:$0x3F99];
	s0 =	simm.s32 @p0 $0x1  }
0x13: {  	[smem:$0x3FB4] =	sst s0;
	s0 =	simm.s32 @!p1 $0x0  }
0x14: {  	s2 =	sld [smem:$0x3F98];
	s0 =	simm.s32 @p1 $0x1  }
0x15: {  	[smem:$0x3FB5] =	sst s0;
	s0 =	simm.s32 @!p2 $0x0  }
0x16: {  	s3 =	sld [smem:$0x3FDB];
	s0 =	simm.s32 @p2 $0x1  }
0x17: {  	s4 =	simm.s32 $0x1BF5;
	[smem:$0x3FB7] =	sst s0  }
0x18: {  	s0 =	sld [smem:$0x3F9A];
	_ =	swait.ge [sflag:s4], $0x0  }
0x19: {  	s7 =	sld [smem:$0x3F9B]  }
0x1a: {  	s8 =	sadd.s32 $0xFFFFE003, lr  }
0x1b: {  	s9 =	sadd.s32 $0xFFFFFEF7, lr;
	s5 =	simm.s32 $0xFFFFFFFF;
	p2 =	slt.u32 s8, $0xFFFFF086  }
0x1c: {  	p1 =	slt.u32 s9, $0xF7A;
	s5 =	simm.s32 @!p2 $0x0  }
0x1d: {  	s5 =	simm.s32 @p1 $0x1;
	p0 =	seq.s32 s7, s2  }
0x1e: {  	s7 =	smul.u32 @!p0 $0xF7A, s2;
	p2 =	seq.s32 @!p0 s5, $0x0  }
0x1f: {  	s9 =	smul.u32 $0xF7A, s1;
	s8 =	simm.s32 @!p0 $0x1BF5;
	p2 =	por !p2, p0  }
0x20: {  	[sflag:s8] =	ssyncset.s32 @!p0 $0xFFFFF086;
	s6 =	sadd.s32 @!p0 s3, s7;
	s7 =	simm.s32 @!p0 $0x108  }
0x21: {  	s3 =	sadd.s32 s3, s9;
	s6 =	sadd.s32 @!p0 $0x88, s6;
	s7 =	simm.s32 @p2 $0x1082  }
0x22: {  	[simem:s7], [sflag:s8] =	dma.local @!p0 [hbm:s6], $0xF7A  }
0x23: {  	s9 =	sor.u32 $0xD0000000, s2;
	s6 =	simm.s32 $0x108;
	_ =	swait.ge @!p0 [sflag:s8], $0x0  }
0x24: {  	s3 =	sadd.s32 $0x88, s3;
	s6 =	simm.s32 @!p1 $0x1082;
	[sflag:s4] =	ssyncset.s32 $0xFFFFF086  }
0x25: {  	[simem:s6], [sflag:s4] =	dma.local [hbm:s3], $0xF7A  }
0x26: {  	[smem:$0x3F9B] =	sst s1;
	(tag) =	ssettag s2;
	_ =	strace s9  }
0x27: {  	s1 =	sld [smem:$0x3FAB]  }
0x28: {  	s2 =	sld [smem:$0x3FAC]  }
0x29: {  	s4 =	sld [smem:$0x3FAE]  }
0x2a: {  	p0 =	seq.s32 s5, $0x0;
	s5 =	sld [smem:$0x3FAF]  }
0x2b: {  	s6 =	sld [smem:$0x3FB0]  }
0x2c: {  	s7 =	sld [smem:$0x3FB1]  }
0x2d: {  	s3 =	simm.s32 $0x108;
	s8 =	sld [smem:$0x3FB2]  }
0x2e: {  	s3 =	simm.s32 @!p0 $0x1082;
	s9 =	sld [smem:$0x3FB3]  }
0x2f: {  	lr =	sadd.s32 s0, s3;
	s0 =	sld [smem:$0x3FAA]  }
0x30: {  	s3 =	sld [smem:$0x3FAD]  }
0x31: {  	[smem:$0x3FB6] =	sst s10  }
0x32: {  	s10 =	sld [smem:$0x3FB4];
	_ =	sdelay $0x3  }
0x33: {  	p0 =	seq.s32 s10, $0x1;
	s10 =	sld [smem:$0x3FB6];
	_ =	sdelay $0x3  }
0x34: {  	[smem:$0x3FB6] =	sst s10  }
0x35: {  	s10 =	sld [smem:$0x3FB5];
	_ =	sdelay $0x3  }
0x36: {  	p1 =	seq.s32 s10, $0x1;
	s10 =	sld [smem:$0x3FB6];
	_ =	sdelay $0x3  }
0x37: {  	[smem:$0x3FB6] =	sst s10  }
0x38: {  	s10 =	sld [smem:$0x3FB7]  }
0x39: {  	_ = 	snop;
	(pc) =	sbr.ind lr, $3  }
0x3a: {  	_ = 	snop  }
0x3b: {  	_ = 	snop  }
0x3c: {  	p2 =	seq.s32 s10, $0x1;
	s10 =	sld [smem:$0x3FB6]  }
0x3d: {  	_ =	shalt  }
0x3e: {  	_ =	shalt  }
0x3f: {  	_ =	shalt  }
0x40: {  	_ =	shalt  }
0x41: {  	_ =	shalt  }
0x42: {  	_ =	shalt  }
0x43: {  	_ =	shalt  }
0x44: {  	_ =	shalt  }
0x45: {  	_ =	shalt  }
0x46: {  	_ =	shalt  }
0x47: {  	_ =	shalt  }
0x48: {  	_ =	shalt  }
0x49: {  	_ =	shalt  }
0x4a: {  	_ =	shalt  }
0x4b: {  	_ =	shalt  }
0x4c: {  	_ =	shalt  }
0x4d: {  	_ =	shalt  }
0x4e: {  	_ =	shalt  }
0x4f: {  	_ =	shalt  }
0x50: {  	_ =	shalt  }
0x51: {  	_ =	shalt  }
0x52: {  	_ =	shalt  }
0x53: {  	_ =	shalt  }
0x54: {  	_ =	shalt  }
0x55: {  	_ =	shalt  }
0x56: {  	_ =	shalt  }
0x57: {  	_ =	shalt  }
0x58: {  	_ =	shalt  }
0x59: {  	_ =	shalt  }
0x5a: {  	_ =	shalt  }
0x5b: {  	_ =	shalt  }
0x5c: {  	_ =	shalt  }
0x5d: {  	_ =	shalt  }
0x5e: {  	_ =	shalt  }
0x5f: {  	_ =	shalt  }
0x60: {  	_ =	shalt  }
0x61: {  	_ =	shalt  }
0x62: {  	_ =	shalt  }
0x63: {  	_ =	shalt  }
0x64: {  	_ =	shalt  }
0x65: {  	_ =	shalt  }
0x66: {  	_ =	shalt  }
0x67: {  	_ =	shalt  }
0x68: {  	_ =	shalt  }
0x69: {  	_ =	shalt  }
0x6a: {  	_ =	shalt  }
0x6b: {  	_ =	shalt  }
0x6c: {  	_ =	shalt  }
0x6d: {  	_ =	shalt  }
0x6e: {  	_ =	shalt  }
0x6f: {  	_ =	shalt  }
0x70: {  	_ =	shalt  }
0x71: {  	_ =	shalt  }
0x72: {  	_ =	shalt  }
0x73: {  	_ =	shalt  }
0x74: {  	_ =	shalt  }
0x75: {  	_ =	shalt  }
0x76: {  	_ =	shalt  }
0x77: {  	_ =	shalt  }
0x78: {  	_ =	shalt  }
0x79: {  	_ =	shalt  }
0x7a: {  	_ =	shalt  }
0x7b: {  	_ =	shalt  }
0x7c: {  	_ =	shalt  }
0x7d: {  	_ =	shalt  }
0x7e: {  	_ =	shalt  }
0x7f: {  	_ =	shalt  }
0x80: {  	_ =	shalt  }
0x81: {  	_ =	shalt  }
0x82: {  	_ =	shalt  }
0x83: {  	_ =	shalt  }
0x84: {  	_ =	shalt  }
0x85: {  	_ =	shalt  }
0x86: {  	_ =	shalt  }
0x87: {  	_ =	shalt  }
.Lfunc_end0:
.L_simem_size_0:
called_computation.2_lowered:
.L_overlay_start_0:
0x88: {  	s2 =	sld [smem:$0x3FD9]  }
0x89: {  	s3 =	sld [smem:$0x3FFE];
	_ =	sdelay $0x1  }
0x8a: {  	s1 =	srdreg.scid  }
0x8b: {  	s0 =	sand.u32 $0x1, s1  }
0x8c: {  	s17 =	sshll.u32 s0, $0xA;
	s2 =	sadd.s32 s3, s2  }
0x8d: {  	s2 =	sadd.s32 s2, s17  }
0x8e: {  	[smem:$0x3FC2] =	sst s2  }
0x8f: {  	_ = 	snop  }
0x90: {  	s2 =	sld [smem:$0x3FD0];
	(tm) =	ssettm $0x1  }
0x91: {  	s18 =	sld [smem:$0x3FFB];
	_ =	sdelay $0x3  }
0x92: {  	_ =	strace s18  }
0x93: {  	s3 =	sld [smem:$0x3FFC];
	_ =	sdelay $0x3  }
0x94: {  	_ =	strace s3  }
0x95: {  	s3 =	sld [smem:$0x3FFD];
	_ =	sdelay $0x3  }
0x96: {  	_ =	strace s3  }
0x97: {  	_ =	strace $0x8FFFFFFF  }
0x98: {  	s19 =	sld [smem:$0x3FDB];
	_ =	sdelay $0x1  }
0x99: {  	s4 =	simm.s32 $_scs_section_size  }
0x9a: {  	s5 =	simm.s32 $_size__tile_overlayer_lowered;
	s6 =	simm.s32 $_tile_overlayer_lowered  }
0x9b: {  	s22 =	simm.s32 $0x1BFF;
	s21 =	sshll.u32 s6, $0x1;
	s3 =	sadd.s32 s4, s19  }
0x9c: {  	s7 =	simm.s32 $0x0;
	s20 =	sshll.u32 s5, $0x1;
	s5 =	sadd.s32 s21, s3  }
0x9d: {  	[timem:s7], [sflag:s22] =	dma.local [hbm:s5], s20  }
0x9e: {  	_ =	swait.ge [sflag:s22], s20  }
0x9f: {  	s4 =	ssub.s32 $0x0, s20;
	[sflag:s22] =	ssyncset.done $0x0  }
0xa0: {  	[sflag:s22] =	ssyncadd.s32 s4;
	_ =	sdelay $0x1  }
0xa1: {  	s23 =	simm.s32 $0x1B8B  }
0xa2: {  	_ =	swait.ge [sflag:s23], $0x1  }
0xa3: {  	[sflag:s23] =	ssyncset.done $0x0  }
0xa4: {  	s25 =	simm.s32 $0x1B8E;
	s24 =	sld [smem:$0x3FFE];
	[sflag:s23] =	ssyncadd.s32 $0xFFFFFFFF  }
0xa5: {  	s26 =	simm.s32 $execute0_lowered;
	[smem:$0x3FD2] =	sst s25  }
0xa6: {  	s5 =	sshll.u32 s26, $0x1;
	_ =	strace $0x8000004C;
	[dreg:$0x1] =	wrdreg $0xFFFFFFFF  }
0xa7: {  	s28 =	simm.s32 $_size_execute0_lowered;
	s3 =	sadd.s32 s3, s5;
	[dreg:$0x0] =	wrdreg $0x0  }
0xa8: {  	s5 =	sshll.u32 s28, $0x1;
	[dreg:$0x2] =	wrdreg s3  }
0xa9: {  	[dreg:$0x3] =	wrdreg s5  }
0xaa: {  	[dreg:$0x4] =	wrdreg $0xC0  }
0xab: {  	_ =	task [dreg:s7], $0x5FFFF  }
0xac: {  	[dreg:$0x1] =	wrdreg $0xFFFFFFFF  }
0xad: {  	[dreg:$0x0] =	wrdreg $0x60  }
0xae: {  	[dreg:$0x2] =	wrdreg s2  }
0xaf: {  	[dreg:$0x3] =	wrdreg s24  }
0xb0: {  	[dreg:$0x4] =	wrdreg $0xA4000  }
0xb1: {  	[dreg:$0x5] =	wrdreg $0x9  }
0xb2: {  	_ =	task.clear_ibuf [dreg:s7], $0x6FFFF;
	_ =	strace $0x9000004C  }
0xb3: {  	s29 =	simm.s32 $0x9;
	_ =	strace $0x8000004E  }
0xb4: {  	_ =	swait.ge [sflag:s29], $0x1  }
0xb5: {  	[sflag:s29] =	ssyncadd.s32 $0xFFFFFFFF  }
0xb6: {  	_ =	strace $0x9000004E  }
0xb7: {  	_ =	sfence  }
0xb8: {  	s30 =	sld [smem:$0x0];
	_ =	sdelay $0x2  }
0xb9: {  	s31 =	sshll.u32 s1, $0xD;
	s1 =	sshrl.u32 s1, $0x2  }
0xba: {  	s3 =	sand.u32 $0x4000, s31;
	s1 =	sadd.s32 s1, s30  }
0xbb: {  	s0 =	sor.u32 s3, s0;
	s1 =	sshll.u32 s1, $0x11  }
0xbc: {  	s0 =	sor.u32 s1, s0  }
0xbd: {  	s0 =	sadd.s32 $0x8F2B, s0  }
0xbe: {  	[sflag:s0] =	ssyncadd.remote.s32 $0x1  }
0xbf: {  	_ =	sfence.sel $0xFFFF  }
0xc0: {  	[dreg:$0x0] =	wrdreg $0xFFFFFFFF;
	(pc) =	sbr.abs _section_cstart, $3  }
0xc1: {  	[dreg:$0x1] =	wrdreg $0xFFFFFFFF  }
0xc2: {  	_ =	task.clear_ibuf [dreg:s7], $0x2FFFF;
	_ =	strace $0x9FFFFFFF  }
0xc3: {  	(tm) =	ssettm $0x7FFFFFFF  }
tec
execute0_lowered:
.L_overlay_start_1:
0x0: {  	(tag) =	ssettag $0x1  }
0x1: {  	s0 =	rddreg [dreg:$0x1]  }
0x2: {  	s1 =	rddreg [dreg:$0x2]  }
0x3: {  	s3 =	srdreg.scid;
	s4 =	simm.s32 $0x0;
	s10 =	stileid.u32  }
0x4: {  	s28 =	simm.s32 $0xD;
	s29 =	simm.s32 $0x2;
	s30 =	simm.s32 $0xE  }
0x5: {  	s31 =	simm.s32 $0x10;
	s3 =	sand.u32 $0x1, s3;
	s7 =	smul.u32 $0x14000, s10  }
0x6: {  	[smem:$0x7FF] =	sst s4;
	s5 =	sadd.s32 $0x11E00, s0;
	s8 =	smul.u32 $0x50000, s10  }
0x7: {  	s24 =	sshll.u32 s10, $0xF;
	s6 =	smul.u32 $0x140000, s3;
	_ =	strace $0x8000004D  }
0x8: {  	s9 =	ssub.s32 $0x2, s3;
	s3 =	sshll.u32 s3, $0xE;
	s8 =	sshrl.u32 s8, $0x2  }
0x9: {  	[dreg:$0x4] =	wrdreg s5;
	s23 =	sshrl.u32 s9, $0x1;
	s11 =	sadd.s32 s8, s1  }
0xa: {  	s7 =	sadd.s32 s7, s6;
	s25 =	sadd.s32 $0x2800, s11;
	[dreg:$0x5] =	wrdreg s11  }
0xb: {  	s6 =	sadd.s32 $0x1E00, s0;
	s26 =	sadd.s32 $0x5000, s11;
	[dreg:$0x6] =	wrdreg s25  }
0xc: {  	s7 =	sshrl.u32 s7, $0x3;
	s1 =	sadd.s32 $0x7800, s11;
	[dreg:$0x7] =	wrdreg s26  }
0xd: {  	s10 =	sadd.s32 $0xA000, s11;
	s12 =	sadd.s32 $0xC800, s11;
	[dreg:$0x8] =	wrdreg s1  }
0xe: {  	s0 =	sadd.s32 s7, s0;
	s7 =	ssub.s32 s9, s23;
	[dreg:$0x9] =	wrdreg s10  }
0xf: {  	s9 =	sor.u32 s3, s24;
	[dreg:$0xa] =	wrdreg s12;
	s25 =	sadd.s32 $0xF000, s11  }
0x10: {  	s26 =	sadd.s32 $0x11800, s11;
	s10 =	simm.s32 $0x280;
	s1 =	simm.s32 $0xF  }
0x11: {  	s2 =	sshrl.u32 s9, $0x3;
	s19 =	sor.u32 $0x200, s9;
	[dreg:$0x17] =	wrdreg s25  }
0x12: {  	s0 =	sadd.s32 $0x21E00, s0;
	s22 =	smax.u32 s7, $0x1;
	[dreg:$0x18] =	wrdreg s26  }
0x13: {  	s7 =	simm.s32 $0x11;
	s26 =	simm.s32 $0xC;
	s25 =	simm.s32 $0x7C00  }
0x14: {  	s13 =	sadd.s32 s6, s2;
	s14 =	sadd.s32 s5, s2;
	[dreg:$0x13] =	wrdreg s0  }
0x15: {  	s15 =	sor.u32 $0x10, s2;
	s16 =	sor.u32 $0x20, s2;
	[dreg:$0x14] =	wrdreg s22  }
0x16: {  	s3 =	sor.u32 $0x30, s2;
	s21 =	sshrl.u32 s19, $0x3;
	[dreg:$0xb] =	wrdreg s13  }
0x17: {  	s19 =	simm.s32 $0x200;
	[dreg:$0xc] =	wrdreg s14;
	s12 =	sadd.s32 s6, s15  }
0x18: {  	s22 =	simm.s32 $0xB;
	s8 =	sadd.s32 s5, s15;
	[dreg:$0xd] =	wrdreg s12  }
0x19: {  	s0 =	simm.s32 $0x3;
	s17 =	sadd.s32 s6, s16;
	[dreg:$0xe] =	wrdreg s8  }
0x1a: {  	s2 =	simm.s32 $0x4;
	s18 =	sadd.s32 s5, s16;
	[dreg:$0xf] =	wrdreg s17  }
0x1b: {  	s20 =	sadd.s32 s6, s3;
	s3 =	sadd.s32 s5, s3;
	[dreg:$0x10] =	wrdreg s18  }
0x1c: {  	s23 =	sadd.s32 s21, s5;
	s24 =	sadd.s32 s21, s6;
	[dreg:$0x11] =	wrdreg s20  }
0x1d: {  	s15 =	simm.s32 $0x400;
	s14 =	simm.s32 $0x100;
	[dreg:$0x12] =	wrdreg s3  }
0x1e: {  	s16 =	simm.s32 $0x180;
	s13 =	simm.s32 $0x50;
	[dreg:$0x15] =	wrdreg s23  }
0x1f: {  	s21 =	simm.s32 $0x2C00;
	[dreg:$0x16] =	wrdreg s24;
	s17 =	simm.s32 $0x80  }
0x20: {  	s12 =	simm.s32 $0x300;
	s18 =	simm.s32 $0x9;
	s20 =	simm.s32 $0xA  }
0x21: {  	v0 =	vimm.f32 $0.0e+00;
	s23 =	simm.s32 $0x5400;
	s24 =	simm.s32 $0x1;
	s8 =	simm.s32 $0x0  }
.LBB2_1:
0x22: {  	[dreg:$0x19] =	wrdreg s8;
	s3 =	simm.s32 $0x0;
	s8 =	simm.s32 $0x200  }
.LBB2_2:
0x23: {  	p0 =	sne.s32 s8, $0x9E00;
	[tilespmem:s3+$0x470] =	vst v0  }
0x24: {  	[tilespmem:s3+$0x400] =	vst v0  }
0x25: {  	[tilespmem:s3+$0x410] =	vst v0  }
.Ltmp0:
0x26: {  	[tilespmem:s3+$0x420] =	vst v0;
	(pc) =	sbr.rel @p0 .LBB2_2-.Ltmp0, $4  }
0x27: {  	[tilespmem:s3+$0x430] =	vst v0  }
0x28: {  	[tilespmem:s3+$0x440] =	vst v0  }
0x29: {  	[tilespmem:s3+$0x450] =	vst v0  }
0x2a: {  	[tilespmem:s3+$0x460] =	vst v0;
	s3 =	sshra.s32 s8, $0x2;
	s8 =	sadd.s32 $0x200, s8  }
0x2b: {  	[tilespmem:s3+$0x470] =	vst v0  }
0x2c: {  	[tilespmem:s3+$0x400] =	vst v0  }
0x2d: {  	[tilespmem:s3+$0x410] =	vst v0  }
0x2e: {  	[tilespmem:s3+$0x420] =	vst v0  }
0x2f: {  	[tilespmem:s3+$0x430] =	vst v0  }
0x30: {  	[tilespmem:s3+$0x440] =	vst v0  }
0x31: {  	[tilespmem:s3+$0x450] =	vst v0  }
0x32: {  	[tilespmem:s3+$0x460] =	vst v0  }
0x33: {  	[spmem:s11] =	stream.linear.scatter [tilespmem:s15], [sflag:$0x11], $0x2800, $0x38;
	[tilespmem:$0x1E400] =	vst v63  }
0x34: {  	_ =	swait.ge [sflag:s7], $0x2800  }
0x35: {  	[sflag:s7] =	ssyncset.done $0x0  }
0x36: {  	s11 =	rddreg [dreg:$0x6];
	[sflag:s7] =	ssyncadd.s32 $0xFFFFD800  }
0x37: {  	[spmem:s11] =	stream.linear.scatter [tilespmem:s15], [sflag:$0x11], $0x2800, $0x38;
	[tilespmem:$0x1E400] =	vst v63  }
0x38: {  	_ =	swait.ge [sflag:s7], $0x2800  }
0x39: {  	[sflag:s7] =	ssyncset.done $0x0  }
0x3a: {  	s5 =	rddreg [dreg:$0x7];
	[sflag:s7] =	ssyncadd.s32 $0xFFFFD800  }
0x3b: {  	[spmem:s5] =	stream.linear.scatter [tilespmem:s15], [sflag:$0x11], $0x2800, $0x38;
	[tilespmem:$0x1E400] =	vst v63  }
0x3c: {  	_ =	swait.ge [sflag:s7], $0x2800  }
0x3d: {  	[sflag:s7] =	ssyncset.done $0x0  }
0x3e: {  	s8 =	rddreg [dreg:$0x8];
	[sflag:s7] =	ssyncadd.s32 $0xFFFFD800  }
0x3f: {  	[spmem:s8] =	stream.linear.scatter [tilespmem:s15], [sflag:$0x11], $0x2800, $0x38;
	[tilespmem:$0x1E400] =	vst v63  }
0x40: {  	_ =	swait.ge [sflag:s7], $0x2800  }
0x41: {  	[sflag:s7] =	ssyncset.done $0x0  }
0x42: {  	s11 =	rddreg [dreg:$0x9];
	[sflag:s7] =	ssyncadd.s32 $0xFFFFD800  }
0x43: {  	[spmem:s11] =	stream.linear.scatter [tilespmem:s15], [sflag:$0x11], $0x2800, $0x38;
	[tilespmem:$0x1E400] =	vst v63  }
0x44: {  	_ =	swait.ge [sflag:s7], $0x2800  }
0x45: {  	[sflag:s7] =	ssyncset.done $0x0  }
0x46: {  	s5 =	rddreg [dreg:$0xa];
	[sflag:s7] =	ssyncadd.s32 $0xFFFFD800  }
0x47: {  	[spmem:s5] =	stream.linear.scatter [tilespmem:s15], [sflag:$0x11], $0x2800, $0x38;
	[tilespmem:$0x1E400] =	vst v63  }
0x48: {  	_ =	swait.ge [sflag:s7], $0x2800  }
0x49: {  	[sflag:s7] =	ssyncset.done $0x0  }
0x4a: {  	s8 =	rddreg [dreg:$0x17];
	[sflag:s7] =	ssyncadd.s32 $0xFFFFD800  }
0x4b: {  	[spmem:s8] =	stream.linear.scatter [tilespmem:s15], [sflag:$0x11], $0x2800, $0x38;
	[tilespmem:$0x1E400] =	vst v63  }
0x4c: {  	_ =	swait.ge [sflag:s7], $0x2800  }
0x4d: {  	[sflag:s7] =	ssyncset.done $0x0  }
0x4e: {  	s11 =	rddreg [dreg:$0x18];
	[sflag:s7] =	ssyncadd.s32 $0xFFFFD800  }
0x4f: {  	[spmem:s11] =	stream.linear.scatter [tilespmem:s15], [sflag:$0x11], $0x2800, $0x38;
	[tilespmem:$0x1E400] =	vst v63  }
0x50: {  	_ =	swait.ge [sflag:s7], $0x2800  }
0x51: {  	[sflag:s7] =	ssyncset.done $0x0  }
0x52: {  	[sflag:s7] =	ssyncadd.s32 $0xFFFFD800  }
0x53: {  	[bflag:$0x0] =	sbarrier.arrive $0xFFFF  }
0x54: {  	s5 =	rddreg [dreg:$0xb]  }
0x55: {  	[tilespmem:s19], [sflag:$0xD] =	stream.linear.gather [hbm4b:s5+s4], $0x80, $0x38;
	[tilespmem:$0x1E400] =	vst v63  }
0x56: {  	s7 =	rddreg [dreg:$0xc]  }
0x57: {  	[tilespmem:s4], [sflag:$0x9] =	stream.linear.gather [hbm4b:s7+s4], $0x80, $0x38;
	[tilespmem:$0x1E400] =	vst v63  }
0x58: {  	s8 =	rddreg [dreg:$0xd]  }
0x59: {  	[tilespmem:s10], [sflag:$0xE] =	stream.linear.gather [hbm4b:s8+s4], $0x80, $0x38;
	[tilespmem:$0x1E400] =	vst v63  }
0x5a: {  	s11 =	rddreg [dreg:$0xe]  }
0x5b: {  	[tilespmem:s17], [sflag:$0xA] =	stream.linear.gather [hbm4b:s11+s4], $0x80, $0x38;
	[tilespmem:$0x1E400] =	vst v63  }
0x5c: {  	s5 =	rddreg [dreg:$0xf]  }
0x5d: {  	[tilespmem:s12], [sflag:$0xF] =	stream.linear.gather [hbm4b:s5+s4], $0x80, $0x38;
	[tilespmem:$0x1E400] =	vst v63  }
0x5e: {  	s7 =	rddreg [dreg:$0x10]  }
0x5f: {  	[tilespmem:s14], [sflag:$0xB] =	stream.linear.gather [hbm4b:s7+s4], $0x80, $0x38;
	[tilespmem:$0x1E400] =	vst v63  }
0x60: {  	s3 =	simm.s32 $0x380;
	s8 =	rddreg [dreg:$0x11]  }
0x61: {  	[tilespmem:s3], [sflag:$0x10] =	stream.linear.gather [hbm4b:s8+s4], $0x80, $0x38;
	[tilespmem:$0x1E400] =	vst v63  }
0x62: {  	s11 =	rddreg [dreg:$0x12]  }
0x63: {  	[tilespmem:s16], [sflag:$0xC] =	stream.linear.gather [hbm4b:s11+s4], $0x80, $0x38;
	[tilespmem:$0x1E400] =	vst v63  }
0x64: {  	_ =	swait.ge [sflag:s18], $0x80  }
0x65: {  	[sflag:s18] =	ssyncset.done $0x0  }
0x66: {  	[sflag:s18] =	ssyncadd.s32 $0xFFFFFF80  }
0x67: {  	s18 =	rddreg [dreg:$0x0]  }
0x68: {  	[tilespmem:s15], [sflag:$0x1] =	stream.indirect.gather [hbm4b:s18+s13], $0x80, s4, s13, $0xb8;
	[tilespmem:$0x1E400] =	vst v63  }
0x69: {  	_ =	swait.ge [sflag:s20], $0x80  }
0x6a: {  	[sflag:s20] =	ssyncset.done $0x0  }
0x6b: {  	[sflag:s20] =	ssyncadd.s32 $0xFFFFFF80  }
0x6c: {  	[tilespmem:s21], [sflag:$0x2] =	stream.indirect.gather [hbm4b:s18+s13], $0x80, s17, s13, $0xb8;
	[tilespmem:$0x1E400] =	vst v63  }
0x6d: {  	_ =	swait.ge [sflag:s22], $0x80  }
0x6e: {  	[sflag:s22] =	ssyncset.done $0x0  }
0x6f: {  	[sflag:s22] =	ssyncadd.s32 $0xFFFFFF80  }
0x70: {  	[tilespmem:s23], [sflag:$0x3] =	stream.indirect.gather [hbm4b:s18+s13], $0x80, s14, s13, $0xb8;
	[tilespmem:$0x1E400] =	vst v63  }
0x71: {  	_ =	swait.ge [sflag:s26], $0x80  }
0x72: {  	[sflag:s26] =	ssyncset.done $0x0  }
0x73: {  	[sflag:s26] =	ssyncadd.s32 $0xFFFFFF80  }
0x74: {  	[tilespmem:s25], [sflag:$0x4] =	stream.indirect.gather [hbm4b:s18+s13], $0x80, s16, s13, $0xb8;
	[tilespmem:$0x1E400] =	vst v63  }
0x75: {  	_ =	swait.ge [sflag:s24], $0x2800  }
0x76: {  	[sflag:s24] =	ssyncset.done $0x0  }
0x77: {  	[sflag:s24] =	ssyncadd.s32 $0xFFFFD800  }
0x78: {  	_ =	swait.ge [sflag:s28], $0x80  }
0x79: {  	[sflag:s28] =	ssyncset.done $0x0  }
0x7a: {  	[sflag:s28] =	ssyncadd.s32 $0xFFFFFF80  }
0x7b: {  	s22 =	smov.u32 s18;
	s18 =	rddreg [dreg:$0x2]  }
0x7c: {  	[spmem:s18] =	stream.indirect.scatter.add.f32 [tilespmem:s15], [sflag:$0x5], $0x80, s19, s13, $0xb8;
	[tilespmem:$0x1E400] =	vst v63  }
0x7d: {  	_ =	swait.ge [sflag:s29], $0x2800  }
0x7e: {  	[sflag:s29] =	ssyncset.done $0x0  }
0x7f: {  	[sflag:s29] =	ssyncadd.s32 $0xFFFFD800  }
0x80: {  	_ =	swait.ge [sflag:s30], $0x80  }
0x81: {  	[sflag:s30] =	ssyncset.done $0x0  }
0x82: {  	[sflag:s30] =	ssyncadd.s32 $0xFFFFFF80  }
0x83: {  	[spmem:s18] =	stream.indirect.scatter.add.f32 [tilespmem:s21], [sflag:$0x6], $0x80, s10, s13, $0xb8;
	[tilespmem:$0x1E400] =	vst v63  }
0x84: {  	_ =	swait.ge [sflag:s0], $0x2800  }
0x85: {  	[sflag:s0] =	ssyncset.done $0x0  }
0x86: {  	[sflag:s0] =	ssyncadd.s32 $0xFFFFD800  }
0x87: {  	_ =	swait.ge [sflag:s1], $0x80  }
0x88: {  	[sflag:s1] =	ssyncset.done $0x0  }
0x89: {  	[sflag:s1] =	ssyncadd.s32 $0xFFFFFF80  }
0x8a: {  	[spmem:s18] =	stream.indirect.scatter.add.f32 [tilespmem:s23], [sflag:$0x7], $0x80, s12, s13, $0xb8;
	[tilespmem:$0x1E400] =	vst v63  }
0x8b: {  	_ =	swait.ge [sflag:s2], $0x2800  }
0x8c: {  	[sflag:s2] =	ssyncset.done $0x0  }
0x8d: {  	[sflag:s2] =	ssyncadd.s32 $0xFFFFD800  }
0x8e: {  	_ =	swait.ge [sflag:s31], $0x80  }
0x8f: {  	[sflag:s31] =	ssyncset.done $0x0  }
0x90: {  	s26 =	simm.s32 $0x380;
	s29 =	simm.s32 $0x5;
	[sflag:s31] =	ssyncadd.s32 $0xFFFFFF80  }
0x91: {  	[spmem:s18] =	stream.indirect.scatter.add.f32 [tilespmem:s25], [sflag:$0x8], $0x80, s26, s13, $0xb8;
	[tilespmem:$0x1E400] =	vst v63  }
0x92: {  	_ =	swait.ge [sflag:s29], $0x2800  }
0x93: {  	p0 =	por $0x0, $0x0;
	[sflag:s29] =	ssyncset.done $0x0  }
0x94: {  	s8 =	simm.s32 $0x280;
	s11 =	rddreg [dreg:$0x16];
	[sflag:s29] =	ssyncadd.s32 $0xFFFFD800  }
0x95: {  	[tilespmem:s19], [sflag:$0xD] =	stream.linear.gather [hbm4b:s11+s4], $0x80, $0x38;
	[tilespmem:$0x1E400] =	vst v63  }
0x96: {  	s8 =	simm.s32 @p0 $0x0;
	s16 =	simm.s32 $0x6;
	s7 =	rddreg [dreg:$0x15]  }
0x97: {  	[tilespmem:s4], [sflag:$0x9] =	stream.linear.gather [hbm4b:s7+s4], $0x80, $0x38;
	[tilespmem:$0x1E400] =	vst v63  }
0x98: {  	s8 =	sor.u32 s9, s8;
	_ =	swait.ge [sflag:s16], $0x2800  }
0x99: {  	s8 =	sshrl.u32 s8, $0x3;
	[sflag:s16] =	ssyncset.done $0x0  }
0x9a: {  	s5 =	simm.s32 $0x280;
	s14 =	sadd.s32 s6, s8;
	[sflag:s16] =	ssyncadd.s32 $0xFFFFD800  }
0x9b: {  	[tilespmem:s5], [sflag:$0xE] =	stream.linear.gather [hbm4b:s14+s4], $0x80, $0x38;
	[tilespmem:$0x1E400] =	vst v63  }
0x9c: {  	s10 =	simm.s32 $0x300;
	s5 =	rddreg [dreg:$0x4]  }
0x9d: {  	s10 =	simm.s32 @p0 $0x80;
	s14 =	simm.s32 $0x7;
	s8 =	sadd.s32 s5, s8  }
0x9e: {  	[tilespmem:s17], [sflag:$0xA] =	stream.linear.gather [hbm4b:s8+s4], $0x80, $0x38;
	[tilespmem:$0x1E400] =	vst v63  }
0x9f: {  	s25 =	sor.u32 s9, s10;
	_ =	swait.ge [sflag:s14], $0x2800  }
0xa0: {  	s3 =	simm.s32 @p0 $0x100;
	s8 =	sshrl.u32 s25, $0x3;
	[sflag:s14] =	ssyncset.done $0x0  }
0xa1: {  	s31 =	simm.s32 $0x300;
	s29 =	sadd.s32 s6, s8;
	[sflag:s14] =	ssyncadd.s32 $0xFFFFD800  }
0xa2: {  	[tilespmem:s31], [sflag:$0xF] =	stream.linear.gather [hbm4b:s29+s4], $0x80, $0x38;
	[tilespmem:$0x1E400] =	vst v63  }
0xa3: {  	s0 =	simm.s32 $0x100;
	s12 =	simm.s32 $0x8;
	s8 =	sadd.s32 s5, s8  }
0xa4: {  	[tilespmem:s0], [sflag:$0xB] =	stream.linear.gather [hbm4b:s8+s4], $0x80, $0x38;
	[tilespmem:$0x1E400] =	vst v63  }
0xa5: {  	s3 =	sor.u32 s9, s3;
	_ =	swait.ge [sflag:s12], $0x2800  }
0xa6: {  	s3 =	sshrl.u32 s3, $0x3;
	[sflag:s12] =	ssyncset.done $0x0  }
0xa7: {  	s31 =	sadd.s32 s6, s3;
	[sflag:s12] =	ssyncadd.s32 $0xFFFFD800  }
0xa8: {  	[tilespmem:s26], [sflag:$0x10] =	stream.linear.gather [hbm4b:s31+s4], $0x80, $0x38;
	[tilespmem:$0x1E400] =	vst v63  }
0xa9: {  	s20 =	simm.s32 $0x9;
	s2 =	simm.s32 $0x180;
	s3 =	sadd.s32 s5, s3  }
0xaa: {  	[tilespmem:s2], [sflag:$0xC] =	stream.linear.gather [hbm4b:s3+s4], $0x80, $0x38;
	[tilespmem:$0x1E400] =	vst v63  }
0xab: {  	_ =	swait.ge [sflag:s20], $0x80  }
0xac: {  	[sflag:s20] =	ssyncset.done $0x0  }
0xad: {  	s24 =	simm.s32 $0x1;
	s21 =	simm.s32 $0xA;
	[sflag:s20] =	ssyncadd.s32 $0xFFFFFF80  }
0xae: {  	[tilespmem:s15], [sflag:$0x1] =	stream.indirect.gather [hbm4b:s22+s13], $0x80, s4, s13, $0xb8;
	[tilespmem:$0x1E400] =	vst v63  }
0xaf: {  	s28 =	simm.s32 $0xC;
	s30 =	simm.s32 $0xD;
	_ =	swait.ge [sflag:s21], $0x80  }
0xb0: {  	s1 =	simm.s32 $0x2C00;
	s23 =	simm.s32 $0xB;
	[sflag:s21] =	ssyncset.done $0x0  }
0xb1: {  	s10 =	smov.u32 s7;
	s7 =	smov.u32 s22;
	[sflag:s21] =	ssyncadd.s32 $0xFFFFFF80  }
0xb2: {  	[tilespmem:s1], [sflag:$0x2] =	stream.indirect.gather [hbm4b:s22+s13], $0x80, s17, s13, $0xb8;
	[tilespmem:$0x1E400] =	vst v63  }
0xb3: {  	s8 =	sadd.s32 $0x40, s11;
	s3 =	simm.s32 $0x580;
	_ =	swait.ge [sflag:s23], $0x80  }
.LBB2_4:
0xb4: {  	[sflag:s23] =	ssyncset.done $0x0  }
0xb5: {  	s11 =	simm.s32 $0x5400;
	s0 =	simm.s32 $0x100;
	[sflag:s23] =	ssyncadd.s32 $0xFFFFFF80  }
0xb6: {  	[tilespmem:s11], [sflag:$0x3] =	stream.indirect.gather [hbm4b:s7+s13], $0x80, s0, s13, $0xb8;
	[tilespmem:$0x1E400] =	vst v63  }
0xb7: {  	_ =	swait.ge [sflag:s28], $0x80  }
0xb8: {  	[sflag:s28] =	ssyncset.done $0x0  }
0xb9: {  	s2 =	simm.s32 $0x7C00;
	s26 =	simm.s32 $0x180;
	[sflag:s28] =	ssyncadd.s32 $0xFFFFFF80  }
0xba: {  	[tilespmem:s2], [sflag:$0x4] =	stream.indirect.gather [hbm4b:s7+s13], $0x80, s26, s13, $0xb8;
	[tilespmem:$0x1E400] =	vst v63  }
0xbb: {  	_ =	swait.ge [sflag:s24], $0x2800  }
0xbc: {  	[sflag:s24] =	ssyncset.done $0x0  }
0xbd: {  	[sflag:s24] =	ssyncadd.s32 $0xFFFFD800  }
0xbe: {  	_ =	swait.ge [sflag:s30], $0x80  }
0xbf: {  	[sflag:s30] =	ssyncset.done $0x0  }
0xc0: {  	s1 =	simm.s32 $0x2;
	[sflag:s30] =	ssyncadd.s32 $0xFFFFFF80  }
0xc1: {  	[spmem:s18] =	stream.indirect.scatter.add.f32 [tilespmem:s15], [sflag:$0x5], $0x80, s19, s13, $0xb8;
	[tilespmem:$0x1E400] =	vst v63  }
0xc2: {  	_ =	swait.ge [sflag:s1], $0x2800  }
0xc3: {  	[sflag:s1] =	ssyncset.done $0x0  }
0xc4: {  	s5 =	simm.s32 $0xE;
	[sflag:s1] =	ssyncadd.s32 $0xFFFFD800  }
0xc5: {  	_ =	swait.ge [sflag:s5], $0x80  }
0xc6: {  	s29 =	simm.s32 $0x2C00;
	[sflag:s5] =	ssyncset.done $0x0  }
0xc7: {  	s7 =	simm.s32 $0x3;
	[sflag:s5] =	ssyncadd.s32 $0xFFFFFF80;
	s5 =	simm.s32 $0x280  }
0xc8: {  	[spmem:s18] =	stream.indirect.scatter.add.f32 [tilespmem:s29], [sflag:$0x6], $0x80, s5, s13, $0xb8;
	[tilespmem:$0x1E400] =	vst v63  }
0xc9: {  	_ =	swait.ge [sflag:s7], $0x2800  }
0xca: {  	[sflag:s7] =	ssyncset.done $0x0  }
0xcb: {  	s15 =	simm.s32 $0xF;
	[sflag:s7] =	ssyncadd.s32 $0xFFFFD800  }
0xcc: {  	_ =	swait.ge [sflag:s15], $0x80  }
0xcd: {  	[sflag:s15] =	ssyncset.done $0x0  }
0xce: {  	s31 =	simm.s32 $0x300;
	s22 =	simm.s32 $0x4;
	[sflag:s15] =	ssyncadd.s32 $0xFFFFFF80  }
0xcf: {  	[spmem:s18] =	stream.indirect.scatter.add.f32 [tilespmem:s11], [sflag:$0x7], $0x80, s31, s13, $0xb8;
	[tilespmem:$0x1E400] =	vst v63  }
0xd0: {  	_ =	swait.ge [sflag:s22], $0x2800  }
0xd1: {  	[sflag:s22] =	ssyncset.done $0x0  }
0xd2: {  	s25 =	simm.s32 $0x10;
	[sflag:s22] =	ssyncadd.s32 $0xFFFFD800  }
0xd3: {  	_ =	swait.ge [sflag:s25], $0x80  }
0xd4: {  	[sflag:s25] =	ssyncset.done $0x0  }
0xd5: {  	s7 =	simm.s32 $0x5;
	s22 =	simm.s32 $0x380;
	[sflag:s25] =	ssyncadd.s32 $0xFFFFFF80  }
0xd6: {  	[spmem:s18] =	stream.indirect.scatter.add.f32 [tilespmem:s2], [sflag:$0x8], $0x80, s22, s13, $0xb8;
	[tilespmem:$0x1E400] =	vst v63  }
0xd7: {  	s17 =	smov.u32 s3;
	_ =	swait.ge [sflag:s7], $0x2800  }
0xd8: {  	p1 =	seq.s32 s17, $0x3F80;
	s15 =	sadd.s32 $0xFFFFFF80, s17;
	[sflag:s7] =	ssyncset.done $0x0  }
0xd9: {  	s11 =	smov.u32 s17;
	s17 =	sadd.s32 $0xFFFFFF00, s17;
	[sflag:s7] =	ssyncadd.s32 $0xFFFFD800  }
0xda: {  	[tilespmem:s19], [sflag:$0xD] =	stream.linear.gather [hbm4b:s8+s4], $0x80, $0x38;
	[tilespmem:$0x1E400] =	vst v63  }
0xdb: {  	s10 =	sadd.s32 $0x40, s10;
	s17 =	simm.s32 @p1 $0x0  }
0xdc: {  	[tilespmem:s4], [sflag:$0x9] =	stream.linear.gather [hbm4b:s10+s4], $0x80, $0x38;
	[tilespmem:$0x1E400] =	vst v63  }
0xdd: {  	s17 =	sor.u32 s9, s17;
	_ =	swait.ge [sflag:s16], $0x2800  }
0xde: {  	s17 =	sshrl.u32 s17, $0x3;
	s19 =	rddreg [dreg:$0x4];
	[sflag:s16] =	ssyncset.done $0x0  }
0xdf: {  	s19 =	sadd.s32 s19, s17;
	[sflag:s16] =	ssyncadd.s32 $0xFFFFD800;
	s17 =	sadd.s32 s6, s17  }
0xe0: {  	[tilespmem:s5], [sflag:$0xE] =	stream.linear.gather [hbm4b:s17+s4], $0x80, $0x38;
	[tilespmem:$0x1E400] =	vst v63  }
0xe1: {  	s15 =	simm.s32 @p1 $0x80;
	s17 =	simm.s32 $0x80  }
0xe2: {  	[tilespmem:s17], [sflag:$0xA] =	stream.linear.gather [hbm4b:s19+s4], $0x80, $0x38;
	[tilespmem:$0x1E400] =	vst v63  }
0xe3: {  	s15 =	sor.u32 s9, s15;
	s2 =	rddreg [dreg:$0x4];
	_ =	swait.ge [sflag:s14], $0x2800  }
0xe4: {  	s15 =	sshrl.u32 s15, $0x3;
	[sflag:s14] =	ssyncset.done $0x0  }
0xe5: {  	s7 =	sadd.s32 s6, s15;
	[sflag:s14] =	ssyncadd.s32 $0xFFFFD800  }
0xe6: {  	[tilespmem:s31], [sflag:$0xF] =	stream.linear.gather [hbm4b:s7+s4], $0x80, $0x38;
	[tilespmem:$0x1E400] =	vst v63  }
0xe7: {  	s11 =	simm.s32 @p1 $0x100;
	s15 =	sadd.s32 s2, s15  }
0xe8: {  	[tilespmem:s0], [sflag:$0xB] =	stream.linear.gather [hbm4b:s15+s4], $0x80, $0x38;
	[tilespmem:$0x1E400] =	vst v63  }
0xe9: {  	s11 =	sor.u32 s9, s11;
	_ =	swait.ge [sflag:s12], $0x2800  }
0xea: {  	s11 =	sshrl.u32 s11, $0x3;
	[sflag:s12] =	ssyncset.done $0x0  }
0xeb: {  	s5 =	sadd.s32 s2, s11;
	s11 =	sadd.s32 s6, s11;
	[sflag:s12] =	ssyncadd.s32 $0xFFFFD800  }
0xec: {  	[tilespmem:s22], [sflag:$0x10] =	stream.linear.gather [hbm4b:s11+s4], $0x80, $0x38;
	[tilespmem:$0x1E400] =	vst v63  }
0xed: {  	_ = 	snop  }
0xee: {  	[tilespmem:s26], [sflag:$0xC] =	stream.linear.gather [hbm4b:s5+s4], $0x80, $0x38;
	[tilespmem:$0x1E400] =	vst v63  }
0xef: {  	s7 =	rddreg [dreg:$0x0];
	_ =	swait.ge [sflag:s20], $0x80  }
0xf0: {  	[sflag:s20] =	ssyncset.done $0x0  }
0xf1: {  	p0 =	sne.s32 s3, $0x3F80;
	s15 =	simm.s32 $0x400;
	[sflag:s20] =	ssyncadd.s32 $0xFFFFFF80  }
0xf2: {  	[tilespmem:s15], [sflag:$0x1] =	stream.indirect.gather [hbm4b:s7+s13], $0x80, s4, s13, $0xb8;
	[tilespmem:$0x1E400] =	vst v63  }
.Ltmp1:
0xf3: {  	s3 =	sadd.s32 $0x200, s3;
	_ =	swait.ge [sflag:s21], $0x80;
	(pc) =	sbr.rel @p0 .LBB2_4-.Ltmp1, $4  }
0xf4: {  	s1 =	simm.s32 $0x5400;
	s25 =	simm.s32 $0x7C00;
	[sflag:s21] =	ssyncset.done $0x0  }
0xf5: {  	s8 =	sadd.s32 $0x40, s8;
	s2 =	simm.s32 $0x180;
	[sflag:s21] =	ssyncadd.s32 $0xFFFFFF80  }
0xf6: {  	[tilespmem:s29], [sflag:$0x2] =	stream.indirect.gather [hbm4b:s7+s13], $0x80, s17, s13, $0xb8;
	[tilespmem:$0x1E400] =	vst v63  }
0xf7: {  	s19 =	simm.s32 $0x200;
	s31 =	simm.s32 $0x100;
	_ =	swait.ge [sflag:s23], $0x80  }
0xf8: {  	[sflag:s23] =	ssyncset.done $0x0  }
0xf9: {  	[sflag:s23] =	ssyncadd.s32 $0xFFFFFF80  }
0xfa: {  	[tilespmem:s1], [sflag:$0x3] =	stream.indirect.gather [hbm4b:s7+s13], $0x80, s31, s13, $0xb8;
	[tilespmem:$0x1E400] =	vst v63  }
0xfb: {  	_ =	swait.ge [sflag:s28], $0x80  }
0xfc: {  	[sflag:s28] =	ssyncset.done $0x0  }
0xfd: {  	[sflag:s28] =	ssyncadd.s32 $0xFFFFFF80  }
0xfe: {  	[tilespmem:s25], [sflag:$0x4] =	stream.indirect.gather [hbm4b:s7+s13], $0x80, s2, s13, $0xb8;
	[tilespmem:$0x1E400] =	vst v63  }
0xff: {  	_ =	swait.ge [sflag:s24], $0x2800  }
0x100: {  	[sflag:s24] =	ssyncset.done $0x0  }
0x101: {  	[sflag:s24] =	ssyncadd.s32 $0xFFFFD800  }
0x102: {  	_ =	swait.ge [sflag:s30], $0x80  }
0x103: {  	[sflag:s30] =	ssyncset.done $0x0  }
0x104: {  	s16 =	simm.s32 $0x5;
	[sflag:s30] =	ssyncadd.s32 $0xFFFFFF80  }
0x105: {  	[spmem:s18] =	stream.indirect.scatter.add.f32 [tilespmem:s15], [sflag:$0x5], $0x80, s19, s13, $0xb8;
	[tilespmem:$0x1E400] =	vst v63  }
0x106: {  	_ =	swait.ge [sflag:s16], $0x2800  }
0x107: {  	[sflag:s16] =	ssyncset.done $0x0  }
0x108: {  	s0 =	simm.s32 $0x2;
	[sflag:s16] =	ssyncadd.s32 $0xFFFFD800  }
0x109: {  	_ =	swait.ge [sflag:s0], $0x2800  }
0x10a: {  	[sflag:s0] =	ssyncset.done $0x0  }
0x10b: {  	s18 =	simm.s32 $0xE;
	[sflag:s0] =	ssyncadd.s32 $0xFFFFD800  }
0x10c: {  	_ =	swait.ge [sflag:s18], $0x80  }
0x10d: {  	[sflag:s18] =	ssyncset.done $0x0  }
0x10e: {  	s20 =	simm.s32 $0x3;
	[sflag:s18] =	ssyncadd.s32 $0xFFFFFF80  }
0x10f: {  	_ =	swait.ge [sflag:s20], $0x2800  }
0x110: {  	[sflag:s20] =	ssyncset.done $0x0  }
0x111: {  	s21 =	simm.s32 $0xF;
	[sflag:s20] =	ssyncadd.s32 $0xFFFFD800  }
0x112: {  	_ =	swait.ge [sflag:s21], $0x80  }
0x113: {  	[sflag:s21] =	ssyncset.done $0x0  }
0x114: {  	s22 =	simm.s32 $0x4;
	[sflag:s21] =	ssyncadd.s32 $0xFFFFFF80  }
0x115: {  	_ =	swait.ge [sflag:s22], $0x2800  }
0x116: {  	[sflag:s22] =	ssyncset.done $0x0  }
0x117: {  	s23 =	simm.s32 $0x10;
	[sflag:s22] =	ssyncadd.s32 $0xFFFFD800  }
0x118: {  	_ =	swait.ge [sflag:s23], $0x80  }
0x119: {  	[sflag:s23] =	ssyncset.done $0x0  }
0x11a: {  	s3 =	stileid.u32;
	[sflag:s23] =	ssyncadd.s32 $0xFFFFFF80  }
0x11b: {  	s3 =	sshll.u32 s3, $0x6;
	[bflag:$0x0] =	sbarrier.arrive $0xFFFF  }
0x11c: {  	s3 =	sor.u32 $0x1C11, s3;
	s11 =	rddreg [dreg:$0x5]  }
0x11d: {  	s7 =	simm.s32 $0x11;
	s8 =	rddreg [dreg:$0x13];
	s24 =	sshrl.u32 s11, $0x3  }
0x11e: {  	[hbm:s8], [sflag:s3] =	dma.local [spmem:s24], $0x2800  }
0x11f: {  	s10 =	simm.s32 $0x280;
	s12 =	simm.s32 $0x300;
	_ =	swait.ge [sflag:s7], $0x2800  }
0x120: {  	s14 =	simm.s32 $0x100;
	s29 =	simm.s32 $0x2;
	s25 =	rddreg [dreg:$0x19]  }
0x121: {  	s1 =	simm.s32 $0xF;
	s26 =	rddreg [dreg:$0x14];
	s8 =	sadd.s32 $0x1, s25  }
0x122: {  	s31 =	simm.s32 $0x10;
	s28 =	simm.s32 $0xD;
	p0 =	sne.s32 s8, s26  }
.Ltmp2:
0x123: {  	s2 =	simm.s32 $0x4;
	s30 =	simm.s32 $0xE;
	(pc) =	sbr.rel @p0 .LBB2_1-.Ltmp2, $4  }
0x124: {  	s16 =	simm.s32 $0x180;
	s0 =	simm.s32 $0x3;
	s18 =	simm.s32 $0x9  }
0x125: {  	s20 =	simm.s32 $0xA;
	s21 =	simm.s32 $0x2C00;
	s22 =	simm.s32 $0xB  }
0x126: {  	s23 =	simm.s32 $0x5400;
	s24 =	simm.s32 $0x1;
	[sflag:s7] =	ssyncset.done $0x0  }
0x127: {  	[sflag:s7] =	ssyncadd.s32 $0xFFFFD800;
	s25 =	simm.s32 $0x7C00;
	s26 =	simm.s32 $0xC  }
0x128: {  	_ =	sfence.sel $0x180000  }
0x129: {  	[bflag:$0x0] =	sbarrier.arrive $0xFFFF  }
0x12a: {  	_ =	strace $0x9000004D  }
0x12b: {  	s0 =	stileid.u32;
	[bflag:$0x2] =	sbarrier.arrive $0xFFFF  }
0x12c: {  	p0 =	sne.s32 s0, $0x0;
	s0 =	rddreg [dreg:$0x3]  }
0x12d: {  	s0 =	sadd.s32 @!p0 $0x100000, s0  }
0x12e: {  	[sflag:s0] =	ssyncadd.tile.s32 @!p0 $0x1;
	_ =	shalt  }
.Lfunc_end2:
_tile_overlayer_lowered:
.L_overlay_start_2:
0x12f: {  	(tag) =	ssettag $0x2  }
0x130: {  	s0 =	rddreg [dreg:$0x0];
	s2 =	stileid.u32  }
0x131: {  	s1 =	rddreg [dreg:$0x1];
	p0 =	sne.s32 s2, $0x0  }
0x132: {  	s3 =	rddreg [dreg:$0x2];
	[bflag:$0x3] =	sbarrier.arrive $0xFFFF;
	s2 =	simm.s32 @!p0 $0x1C11  }
0x133: {  	[timem:s3], [sflag:s2] =	dma.local @!p0 [hbm:s0], s1  }
0x134: {  	s0 =	simm.s32 @!p0 $0x11  }
0x135: {  	_ =	swait.ge @!p0 [sflag:s0], s1  }
0x136: {  	s1 =	ssub.s32 @!p0 $0x0, s1;
	[sflag:s0] =	ssyncset.done @!p0 $0x0  }
0x137: {  	[sflag:s0] =	ssyncadd.s32 @!p0 s1  }
0x138: {  	[bflag:$0x3] =	sbarrier.arrive $0xFFFF  }
0x139: {  	_ =	shalt  }

// kernel: kernel.8.cloned.1.call-start
scs
__scs_entry_jumppad:
0x0: {  	(pc) =	sbr.rel $0x88, $3  }
0x1: {  	(tag) =	ssettag $0x0;
	lr =	simm.s32 $0x1  }
0x2: {  	[smem:$0x3F9B] =	sst lr;
	_ =	strace $0xD0000000  }
0x3: {  	_ = 	snop  }
0x4: {  	_ = 	snop  }
0x5: {  	_ = 	snop  }
0x6: {  	_ = 	snop  }
0x7: {  	_ = 	snop  }
__scs_overlays_trampoline_lowered:
0x8: {  	[smem:$0x3FAA] =	sst s0  }
0x9: {  	[smem:$0x3FAB] =	sst s1  }
0xa: {  	[smem:$0x3FAC] =	sst s2  }
0xb: {  	[smem:$0x3FAD] =	sst s3  }
0xc: {  	[smem:$0x3FAE] =	sst s4  }
0xd: {  	[smem:$0x3FAF] =	sst s5  }
0xe: {  	[smem:$0x3FB0] =	sst s6  }
0xf: {  	[smem:$0x3FB1] =	sst s7  }
0x10: {  	[smem:$0x3FB2] =	sst s8  }
0x11: {  	[smem:$0x3FB3] =	sst s9;
	s0 =	simm.s32 @!p0 $0x0  }
0x12: {  	s1 =	sld [smem:$0x3F99];
	s0 =	simm.s32 @p0 $0x1  }
0x13: {  	[smem:$0x3FB4] =	sst s0;
	s0 =	simm.s32 @!p1 $0x0  }
0x14: {  	s2 =	sld [smem:$0x3F98];
	s0 =	simm.s32 @p1 $0x1  }
0x15: {  	[smem:$0x3FB5] =	sst s0;
	s0 =	simm.s32 @!p2 $0x0  }
0x16: {  	s3 =	sld [smem:$0x3FDB];
	s0 =	simm.s32 @p2 $0x1  }
0x17: {  	s4 =	simm.s32 $0x1BF5;
	[smem:$0x3FB7] =	sst s0  }
0x18: {  	s0 =	sld [smem:$0x3F9A];
	_ =	swait.ge [sflag:s4], $0x0  }
0x19: {  	s7 =	sld [smem:$0x3F9B]  }
0x1a: {  	s8 =	sadd.s32 $0xFFFFE003, lr  }
0x1b: {  	s9 =	sadd.s32 $0xFFFFFEF7, lr;
	s5 =	simm.s32 $0xFFFFFFFF;
	p2 =	slt.u32 s8, $0xFFFFF086  }
0x1c: {  	p1 =	slt.u32 s9, $0xF7A;
	s5 =	simm.s32 @!p2 $0x0  }
0x1d: {  	s5 =	simm.s32 @p1 $0x1;
	p0 =	seq.s32 s7, s2  }
0x1e: {  	s7 =	smul.u32 @!p0 $0xF7A, s2;
	p2 =	seq.s32 @!p0 s5, $0x0  }
0x1f: {  	s9 =	smul.u32 $0xF7A, s1;
	s8 =	simm.s32 @!p0 $0x1BF5;
	p2 =	por !p2, p0  }
0x20: {  	[sflag:s8] =	ssyncset.s32 @!p0 $0xFFFFF086;
	s6 =	sadd.s32 @!p0 s3, s7;
	s7 =	simm.s32 @!p0 $0x108  }
0x21: {  	s3 =	sadd.s32 s3, s9;
	s6 =	sadd.s32 @!p0 $0x88, s6;
	s7 =	simm.s32 @p2 $0x1082  }
0x22: {  	[simem:s7], [sflag:s8] =	dma.local @!p0 [hbm:s6], $0xF7A  }
0x23: {  	s9 =	sor.u32 $0xD0000000, s2;
	s6 =	simm.s32 $0x108;
	_ =	swait.ge @!p0 [sflag:s8], $0x0  }
0x24: {  	s3 =	sadd.s32 $0x88, s3;
	s6 =	simm.s32 @!p1 $0x1082;
	[sflag:s4] =	ssyncset.s32 $0xFFFFF086  }
0x25: {  	[simem:s6], [sflag:s4] =	dma.local [hbm:s3], $0xF7A  }
0x26: {  	[smem:$0x3F9B] =	sst s1;
	(tag) =	ssettag s2;
	_ =	strace s9  }
0x27: {  	s1 =	sld [smem:$0x3FAB]  }
0x28: {  	s2 =	sld [smem:$0x3FAC]  }
0x29: {  	s4 =	sld [smem:$0x3FAE]  }
0x2a: {  	p0 =	seq.s32 s5, $0x0;
	s5 =	sld [smem:$0x3FAF]  }
0x2b: {  	s6 =	sld [smem:$0x3FB0]  }
0x2c: {  	s7 =	sld [smem:$0x3FB1]  }
0x2d: {  	s3 =	simm.s32 $0x108;
	s8 =	sld [smem:$0x3FB2]  }
0x2e: {  	s3 =	simm.s32 @!p0 $0x1082;
	s9 =	sld [smem:$0x3FB3]  }
0x2f: {  	lr =	sadd.s32 s0, s3;
	s0 =	sld [smem:$0x3FAA]  }
0x30: {  	s3 =	sld [smem:$0x3FAD]  }
0x31: {  	[smem:$0x3FB6] =	sst s10  }
0x32: {  	s10 =	sld [smem:$0x3FB4];
	_ =	sdelay $0x3  }
0x33: {  	p0 =	seq.s32 s10, $0x1;
	s10 =	sld [smem:$0x3FB6];
	_ =	sdelay $0x3  }
0x34: {  	[smem:$0x3FB6] =	sst s10  }
0x35: {  	s10 =	sld [smem:$0x3FB5];
	_ =	sdelay $0x3  }
0x36: {  	p1 =	seq.s32 s10, $0x1;
	s10 =	sld [smem:$0x3FB6];
	_ =	sdelay $0x3  }
0x37: {  	[smem:$0x3FB6] =	sst s10  }
0x38: {  	s10 =	sld [smem:$0x3FB7]  }
0x39: {  	_ = 	snop;
	(pc) =	sbr.ind lr, $3  }
0x3a: {  	_ = 	snop  }
0x3b: {  	_ = 	snop  }
0x3c: {  	p2 =	seq.s32 s10, $0x1;
	s10 =	sld [smem:$0x3FB6]  }
0x3d: {  	_ =	shalt  }
0x3e: {  	_ =	shalt  }
0x3f: {  	_ =	shalt  }
0x40: {  	_ =	shalt  }
0x41: {  	_ =	shalt  }
0x42: {  	_ =	shalt  }
0x43: {  	_ =	shalt  }
0x44: {  	_ =	shalt  }
0x45: {  	_ =	shalt  }
0x46: {  	_ =	shalt  }
0x47: {  	_ =	shalt  }
0x48: {  	_ =	shalt  }
0x49: {  	_ =	shalt  }
0x4a: {  	_ =	shalt  }
0x4b: {  	_ =	shalt  }
0x4c: {  	_ =	shalt  }
0x4d: {  	_ =	shalt  }
0x4e: {  	_ =	shalt  }
0x4f: {  	_ =	shalt  }
0x50: {  	_ =	shalt  }
0x51: {  	_ =	shalt  }
0x52: {  	_ =	shalt  }
0x53: {  	_ =	shalt  }
0x54: {  	_ =	shalt  }
0x55: {  	_ =	shalt  }
0x56: {  	_ =	shalt  }
0x57: {  	_ =	shalt  }
0x58: {  	_ =	shalt  }
0x59: {  	_ =	shalt  }
0x5a: {  	_ =	shalt  }
0x5b: {  	_ =	shalt  }
0x5c: {  	_ =	shalt  }
0x5d: {  	_ =	shalt  }
0x5e: {  	_ =	shalt  }
0x5f: {  	_ =	shalt  }
0x60: {  	_ =	shalt  }
0x61: {  	_ =	shalt  }
0x62: {  	_ =	shalt  }
0x63: {  	_ =	shalt  }
0x64: {  	_ =	shalt  }
0x65: {  	_ =	shalt  }
0x66: {  	_ =	shalt  }
0x67: {  	_ =	shalt  }
0x68: {  	_ =	shalt  }
0x69: {  	_ =	shalt  }
0x6a: {  	_ =	shalt  }
0x6b: {  	_ =	shalt  }
0x6c: {  	_ =	shalt  }
0x6d: {  	_ =	shalt  }
0x6e: {  	_ =	shalt  }
0x6f: {  	_ =	shalt  }
0x70: {  	_ =	shalt  }
0x71: {  	_ =	shalt  }
0x72: {  	_ =	shalt  }
0x73: {  	_ =	shalt  }
0x74: {  	_ =	shalt  }
0x75: {  	_ =	shalt  }
0x76: {  	_ =	shalt  }
0x77: {  	_ =	shalt  }
0x78: {  	_ =	shalt  }
0x79: {  	_ =	shalt  }
0x7a: {  	_ =	shalt  }
0x7b: {  	_ =	shalt  }
0x7c: {  	_ =	shalt  }
0x7d: {  	_ =	shalt  }
0x7e: {  	_ =	shalt  }
0x7f: {  	_ =	shalt  }
0x80: {  	_ =	shalt  }
0x81: {  	_ =	shalt  }
0x82: {  	_ =	shalt  }
0x83: {  	_ =	shalt  }
0x84: {  	_ =	shalt  }
0x85: {  	_ =	shalt  }
0x86: {  	_ =	shalt  }
0x87: {  	_ =	shalt  }
.Lfunc_end0:
.L_simem_size_0:
called_computation_lowered:
.L_overlay_start_0:
0x88: {  	s2 =	sld [smem:$0x3FD9]  }
0x89: {  	s3 =	sld [smem:$0x3FFE];
	_ =	sdelay $0x1  }
0x8a: {  	s1 =	srdreg.scid  }
0x8b: {  	s0 =	sand.u32 $0x1, s1  }
0x8c: {  	s17 =	sshll.u32 s0, $0xA;
	s2 =	sadd.s32 s3, s2  }
0x8d: {  	s2 =	sadd.s32 s2, s17  }
0x8e: {  	[smem:$0x3FC2] =	sst s2  }
0x8f: {  	_ = 	snop  }
0x90: {  	s2 =	sld [smem:$0x3FD0];
	(tm) =	ssettm $0x1  }
0x91: {  	s18 =	sld [smem:$0x3FFB];
	_ =	sdelay $0x3  }
0x92: {  	_ =	strace s18  }
0x93: {  	s3 =	sld [smem:$0x3FFC];
	_ =	sdelay $0x3  }
0x94: {  	_ =	strace s3  }
0x95: {  	s3 =	sld [smem:$0x3FFD];
	_ =	sdelay $0x3  }
0x96: {  	_ =	strace s3  }
0x97: {  	_ =	strace $0x8FFFFFFF  }
0x98: {  	s19 =	sld [smem:$0x3FDB];
	_ =	sdelay $0x1  }
0x99: {  	s4 =	simm.s32 $_scs_section_size  }
0x9a: {  	s5 =	simm.s32 $_size__tile_overlayer_lowered;
	s6 =	simm.s32 $_tile_overlayer_lowered  }
0x9b: {  	s22 =	simm.s32 $0x1BFF;
	s21 =	sshll.u32 s6, $0x1;
	s3 =	sadd.s32 s4, s19  }
0x9c: {  	s7 =	simm.s32 $0x0;
	s20 =	sshll.u32 s5, $0x1;
	s5 =	sadd.s32 s21, s3  }
0x9d: {  	[timem:s7], [sflag:s22] =	dma.local [hbm:s5], s20  }
0x9e: {  	_ =	swait.ge [sflag:s22], s20  }
0x9f: {  	s4 =	ssub.s32 $0x0, s20;
	[sflag:s22] =	ssyncset.done $0x0  }
0xa0: {  	[sflag:s22] =	ssyncadd.s32 s4;
	_ =	sdelay $0x1  }
0xa1: {  	s23 =	simm.s32 $0x1B8B  }
0xa2: {  	_ =	swait.ge [sflag:s23], $0x1  }
0xa3: {  	[sflag:s23] =	ssyncset.done $0x0  }
0xa4: {  	s25 =	simm.s32 $0x1B8E;
	s24 =	sld [smem:$0x3FFE];
	[sflag:s23] =	ssyncadd.s32 $0xFFFFFFFF  }
0xa5: {  	s26 =	simm.s32 $execute0_lowered;
	[smem:$0x3FD2] =	sst s25  }
0xa6: {  	s5 =	sshll.u32 s26, $0x1;
	_ =	strace $0x80000046;
	[dreg:$0x1] =	wrdreg $0xFFFFFFFF  }
0xa7: {  	s28 =	simm.s32 $_size_execute0_lowered;
	s3 =	sadd.s32 s3, s5;
	[dreg:$0x0] =	wrdreg $0x0  }
0xa8: {  	s5 =	sshll.u32 s28, $0x1;
	[dreg:$0x2] =	wrdreg s3  }
0xa9: {  	[dreg:$0x3] =	wrdreg s5  }
0xaa: {  	[dreg:$0x4] =	wrdreg $0xC0  }
0xab: {  	_ =	task [dreg:s7], $0x5FFFF  }
0xac: {  	[dreg:$0x1] =	wrdreg $0xFFFFFFFF  }
0xad: {  	[dreg:$0x0] =	wrdreg $0x60  }
0xae: {  	[dreg:$0x2] =	wrdreg s24  }
0xaf: {  	[dreg:$0x3] =	wrdreg s2  }
0xb0: {  	[dreg:$0x4] =	wrdreg $0x43000  }
0xb1: {  	[dreg:$0x5] =	wrdreg $0x9  }
0xb2: {  	_ =	task.clear_ibuf [dreg:s7], $0x6FFFF;
	_ =	strace $0x90000046  }
0xb3: {  	s29 =	simm.s32 $0x9;
	_ =	strace $0x80000048  }
0xb4: {  	_ =	swait.ge [sflag:s29], $0x1  }
0xb5: {  	[sflag:s29] =	ssyncadd.s32 $0xFFFFFFFF  }
0xb6: {  	_ =	strace $0x90000048  }
0xb7: {  	_ =	sfence  }
0xb8: {  	s30 =	sld [smem:$0x0];
	_ =	sdelay $0x2  }
0xb9: {  	s31 =	sshll.u32 s1, $0xD;
	s1 =	sshrl.u32 s1, $0x2  }
0xba: {  	s3 =	sand.u32 $0x4000, s31;
	s1 =	sadd.s32 s1, s30  }
0xbb: {  	s0 =	sor.u32 s3, s0;
	s1 =	sshll.u32 s1, $0x11  }
0xbc: {  	s0 =	sor.u32 s1, s0  }
0xbd: {  	s0 =	sadd.s32 $0x8F2B, s0  }
0xbe: {  	[sflag:s0] =	ssyncadd.remote.s32 $0x1  }
0xbf: {  	_ =	sfence.sel $0xFFFF  }
0xc0: {  	[dreg:$0x0] =	wrdreg $0xFFFFFFFF;
	(pc) =	sbr.abs _section_cstart, $3  }
0xc1: {  	[dreg:$0x1] =	wrdreg $0xFFFFFFFF  }
0xc2: {  	_ =	task.clear_ibuf [dreg:s7], $0x2FFFF;
	_ =	strace $0x9FFFFFFF  }
0xc3: {  	(tm) =	ssettm $0x7FFFFFFF  }
tec
execute0_lowered:
.L_overlay_start_1:
0x0: {  	(tag) =	ssettag $0x1  }
0x1: {  	s4 =	rddreg [dreg:$0x0]  }
0x2: {  	s6 =	rddreg [dreg:$0x1]  }
0x3: {  	s1 =	rddreg [dreg:$0x2]  }
0x4: {  	s0 =	rddreg [dreg:$0x3]  }
0x5: {  	s2 =	simm.s32 $0x0;
	s3 =	srdreg.scid;
	s11 =	simm.s32 $0x4000  }
0x6: {  	s14 =	simm.s32 $0x20;
	s15 =	simm.s32 $0x10;
	s16 =	simm.s32 $0x0  }
0x7: {  	[smem:$0x7FF] =	sst s2;
	s5 =	sand.u32 $0x1, s3;
	s3 =	stileid.u32  }
0x8: {  	_ =	strace $0x80000047;
	s7 =	sshll.u32 s5, $0xB;
	s9 =	smul.u32 $0xA00, s3  }
0x9: {  	s8 =	ssub.s32 $0x2, s5;
	s10 =	smul.u32 $0x500, s3;
	s30 =	sshll.u32 s3, $0xC  }
0xa: {  	s5 =	sshll.u32 s5, $0x7;
	s12 =	sshll.u32 s3, $0x6;
	s29 =	sshrl.u32 s8, $0x1  }
0xb: {  	s4 =	sadd.s32 s7, s4;
	s12 =	sor.u32 $0x1C01, s12;
	s7 =	ssub.s32 s8, s29  }
0xc: {  	s9 =	sshrl.u32 s9, $0x2;
	s8 =	sadd.s32 s30, s4;
	s10 =	sor.u32 s5, s10  }
0xd: {  	s4 =	sadd.s32 s9, s1;
	s5 =	sadd.s32 $0x1E00, s8;
	s31 =	sshrl.u32 s10, $0x3  }
0xe: {  	s7 =	smax.u32 s7, $0x1;
	s8 =	simm.s32 $0x4080;
	s9 =	simm.s32 $0x1  }
0xf: {  	v0 =	vimm.f32 $1.000000000e+00;
	v1 =	vimm.f32 $0.0e+00;
	s10 =	simm.s32 $0x50;
	s6 =	sadd.s32 s6, s31;
	s13 =	sshrl.u32 s4, $0x3  }
.LBB2_1:
0x10: {  	[tilespmem:$0x4000] =	vst v0  }
0x11: {  	[tilespmem:$0x4010] =	vst v0  }
0x12: {  	[tilespmem:$0x4020] =	vst v0  }
0x13: {  	[tilespmem:$0x4030] =	vst v0  }
0x14: {  	[tilespmem:$0x4040] =	vst v0  }
0x15: {  	[tilespmem:$0x4080] =	vst v1  }
0x16: {  	[tilespmem:$0x4090] =	vst v1  }
0x17: {  	[tilespmem:$0x40A0] =	vst v1  }
0x18: {  	[tilespmem:$0x40B0] =	vst v1  }
0x19: {  	[tilespmem:$0x40C0] =	vst v1  }
0x1a: {  	[tilespmem:$0x40D0] =	vst v1  }
0x1b: {  	[tilespmem:$0x40E0] =	vst v1  }
0x1c: {  	[tilespmem:$0x40F0] =	vst v1  }
0x1d: {  	[tilespmem:$0x4100] =	vst v1  }
0x1e: {  	[tilespmem:$0x4110] =	vst v1  }
0x1f: {  	[tilespmem:$0x4120] =	vst v1  }
0x20: {  	[tilespmem:$0x4130] =	vst v1  }
0x21: {  	[tilespmem:$0x4140] =	vst v1  }
0x22: {  	[tilespmem:$0x4150] =	vst v1  }
0x23: {  	[tilespmem:$0x4160] =	vst v1  }
0x24: {  	[tilespmem:$0x4170] =	vst v1  }
0x25: {  	[tilespmem:$0x4180] =	vst v1  }
0x26: {  	[tilespmem:$0x4190] =	vst v1  }
0x27: {  	[tilespmem:$0x41A0] =	vst v1  }
0x28: {  	[tilespmem:$0x41B0] =	vst v1  }
0x29: {  	[tilespmem:$0x41C0] =	vst v1  }
0x2a: {  	[tilespmem:$0x41D0] =	vst v1  }
0x2b: {  	[tilespmem:$0x41E0] =	vst v1  }
0x2c: {  	[tilespmem:$0x41F0] =	vst v1  }
0x2d: {  	[tilespmem:$0x4200] =	vst v1  }
0x2e: {  	[tilespmem:$0x4210] =	vst v1  }
0x2f: {  	[tilespmem:$0x4220] =	vst v1  }
0x30: {  	[tilespmem:$0x4230] =	vst v1  }
0x31: {  	[tilespmem:$0x4240] =	vst v1  }
0x32: {  	[tilespmem:$0x4250] =	vst v1  }
0x33: {  	[tilespmem:$0x4260] =	vst v1  }
0x34: {  	[tilespmem:$0x4270] =	vst v1  }
0x35: {  	[tilespmem:$0x4280] =	vst v1  }
0x36: {  	[tilespmem:$0x4290] =	vst v1  }
0x37: {  	[tilespmem:$0x42A0] =	vst v1  }
0x38: {  	[tilespmem:$0x42B0] =	vst v1  }
0x39: {  	[tilespmem:$0x42C0] =	vst v1  }
0x3a: {  	[tilespmem:$0x42D0] =	vst v1  }
0x3b: {  	[tilespmem:$0x42E0] =	vst v1  }
0x3c: {  	[tilespmem:$0x42F0] =	vst v1  }
0x3d: {  	[spmem:s4] =	stream.linear.scatter [tilespmem:s8], [sflag:$0x1], $0x280, $0x38;
	[tilespmem:$0x4580] =	vst v63  }
0x3e: {  	_ =	swait.ge [sflag:s9], $0x280  }
0x3f: {  	[sflag:s9] =	ssyncset.done $0x0  }
0x40: {  	[sflag:s9] =	ssyncadd.s32 $0xFFFFFD80  }
0x41: {  	[tilespmem:s2], [sflag:$0x1] =	stream.linear.gather [hbm4b:s5+s2], $0x3E80, $0x38;
	[tilespmem:$0x4580] =	vst v63  }
0x42: {  	_ =	swait.ge [sflag:s9], $0x3E80  }
0x43: {  	[sflag:s9] =	ssyncset.done $0x0  }
0x44: {  	[sflag:s9] =	ssyncadd.s32 $0xFFFFC180  }
0x45: {  	s17 =	simm.s32 $0x0;
	[bflag:$0x0] =	sbarrier.arrive $0xFFFF  }
0x46: {  	[spmem:s1] =	stream.indirect.scatter.add.f32 [tilespmem:s11], [sflag:$0x1], $0x1, s17, s10, $0xb8;
	[tilespmem:$0x4580] =	vst v63  }
0x47: {  	_ =	swait.ge [sflag:s9], $0x50  }
0x48: {  	s17 =	simm.s32 $0x200;
	[sflag:s9] =	ssyncset.done $0x0  }
.LBB2_2:
0x49: {  	s18 =	sshra.s32 s17, $0x2;
	[sflag:s9] =	ssyncadd.s32 $0xFFFFFFB0;
	p0 =	sne.s32 s17, $0xF800  }
0x4a: {  	[spmem:s1] =	stream.indirect.scatter.add.f32 [tilespmem:s11], [sflag:$0x1], $0x1, s18, s10, $0xb8;
	[tilespmem:$0x4580] =	vst v63  }
.Ltmp0:
0x4b: {  	_ = 	snop;
	(pc) =	sbr.rel @p0 .LBB2_2-.Ltmp0, $4  }
0x4c: {  	_ = 	snop  }
0x4d: {  	s17 =	sadd.s32 $0x200, s17  }
0x4e: {  	_ =	swait.ge [sflag:s9], $0x50  }
0x4f: {  	[sflag:s9] =	ssyncset.done $0x0  }
0x50: {  	s16 =	sadd.s32 $0x1, s16  }
0x51: {  	[sflag:s9] =	ssyncadd.s32 $0xFFFFFFB0;
	p0 =	sne.s32 s16, s7  }
.Ltmp1:
0x52: {  	[bflag:$0x0] =	sbarrier.arrive $0xFFFF;
	(pc) =	sbr.rel @p0 .LBB2_1-.Ltmp1, $4  }
0x53: {  	[hbm:s6@s14], [sflag:s12] =	dma.strided [spmem:s13@s15], $0x50, s9, $0x10   }
0x54: {  	_ =	swait.ge [sflag:s9], $0x50  }
0x55: {  	[sflag:s9] =	ssyncset.done $0x0  }
0x56: {  	[sflag:s9] =	ssyncadd.s32 $0xFFFFFFB0  }
0x57: {  	_ =	sfence.sel $0x180000  }
0x58: {  	[bflag:$0x0] =	sbarrier.arrive $0xFFFF  }
0x59: {  	p0 =	sne.s32 s3, $0x0;
	_ =	strace $0x90000047  }
0x5a: {  	s0 =	sadd.s32 @!p0 $0x100000, s0;
	[bflag:$0x2] =	sbarrier.arrive $0xFFFF  }
0x5b: {  	[sflag:s0] =	ssyncadd.tile.s32 @!p0 $0x1;
	_ =	shalt  }
.Lfunc_end2:
_tile_overlayer_lowered:
.L_overlay_start_2:
0x5c: {  	(tag) =	ssettag $0x2  }
0x5d: {  	s0 =	rddreg [dreg:$0x0];
	s2 =	stileid.u32  }
0x5e: {  	s1 =	rddreg [dreg:$0x1];
	p0 =	sne.s32 s2, $0x0  }
0x5f: {  	s3 =	rddreg [dreg:$0x2];
	[bflag:$0x3] =	sbarrier.arrive $0xFFFF;
	s2 =	simm.s32 @!p0 $0x1C01  }
0x60: {  	[timem:s3], [sflag:s2] =	dma.local @!p0 [hbm:s0], s1  }
0x61: {  	s0 =	simm.s32 @!p0 $0x1  }
0x62: {  	_ =	swait.ge @!p0 [sflag:s0], s1  }
0x63: {  	s1 =	ssub.s32 @!p0 $0x0, s1;
	[sflag:s0] =	ssyncset.done @!p0 $0x0  }
0x64: {  	[sflag:s0] =	ssyncadd.s32 @!p0 s1  }
0x65: {  	[bflag:$0x3] =	sbarrier.arrive $0xFFFF  }
0x66: {  	_ =	shalt  }

</sc_bundles>
